<compile_context>
chip_gen: v7x
topology: tpu7x:2x2x1
jax: 0.10.2.dev20260603
libtpu: 0.0.44.dev20260713+nightly
codegen_flags: <defaults>
</compile_context>

<pallas_src>
import jax
import jax.numpy as jnp
from jax import lax
from jax.experimental import pallas as pl
from jax.experimental.pallas import tpu as pltpu
from jax.experimental.pallas import tpu_sc as plsc

N = 10000
E = 320000
NP = 10016
NC, NS = 2, 16
NW = NC * NS
EW = 10240
EPAD = NW * EW
BATCH = 128
NB = EW // BATCH

_F32 = jnp.float32
_I32 = jnp.int32


def _iota16():
  return lax.iota(_I32, 16)


def _mesh():
  return plsc.VectorSubcoreMesh(core_axis_name="c", subcore_axis_name="s")


def _wid():
  return lax.axis_index("s") * NC + lax.axis_index("c")


def _init_acc(acc, zeros_hbm):
  @pl.when(lax.axis_index("s") == 0)
  def _():
    pltpu.sync_copy(zeros_hbm, acc)

  plsc.subcore_barrier()


def _flush_acc(acc, out0, out1):
  plsc.subcore_barrier()
  sid = lax.axis_index("s")
  cid = lax.axis_index("c")

  @pl.when(jnp.logical_and(sid == 0, cid == 0))
  def _():
    pltpu.sync_copy(acc, out0)

  @pl.when(jnp.logical_and(sid == 0, cid == 1))
  def _():
    pltpu.sync_copy(acc, out1)


def _denom_kernel():
  def body(src3, dst3, atts, attd, zeros, ex_out, d0_out, d1_out,
           srcv, dstv, srows, drows, exw, ex1d, acc, gsem):
    _init_acc(acc, zeros)
    wid = _wid()
    pltpu.sync_copy(zeros.at[pl.ds(0, BATCH)], exw)

    def chunk(g, carry):
      pltpu.sync_copy(src3.at[wid, pl.ds(g, 1)], srcv)
      pltpu.sync_copy(dst3.at[wid, pl.ds(g, 1)], dstv)
      ds = pltpu.async_copy(atts.at[srcv.at[0]], srows, gsem)
      dd = pltpu.async_copy(attd.at[dstv.at[0]], drows, gsem)
      ds.wait()
      dd.wait()
      ebase = (wid * EW + g * BATCH) * 8

      def edge(i, carry2):
        s = srows[i, pl.ds(0, 16)]
        d = drows[i, pl.ds(0, 16)]
        e = s + d
        e = jnp.where(e >= 0.0, e, e * 0.2)
        ex = jnp.exp(e)
        exw[i, pl.ds(0, 16)] = ex
        ex1d[pl.ds(8 * i, 16)] = ex
        return carry2

      lax.fori_loop(0, BATCH, edge, 0)
      pltpu.sync_copy(exw, acc.at[dstv.at[0]], add=True)
      pltpu.sync_copy(ex1d.at[pl.ds(0, 1024)], ex_out.at[pl.ds(ebase, 1024)])
      return carry

    lax.fori_loop(0, NB, chunk, 0)
    _flush_acc(acc, d0_out, d1_out)

  return pl.kernel(
      body,
      out_type=[jax.ShapeDtypeStruct((EPAD * 8,), _F32),
                jax.ShapeDtypeStruct((NP, 128), _F32),
                jax.ShapeDtypeStruct((NP, 128), _F32)],
      mesh=_mesh(),
      scratch_types=[
          pltpu.VMEM((1, BATCH), _I32),
          pltpu.VMEM((1, BATCH), _I32),
          pltpu.VMEM((BATCH, 128), _F32),
          pltpu.VMEM((BATCH, 128), _F32),
          pltpu.VMEM((BATCH, 128), _F32),
          pltpu.VMEM((1040,), _F32),
          pltpu.VMEM_SHARED((NP, 128), _F32),
          pltpu.SemaphoreType.DMA,
      ],
  )


def _alpha_kernel():
  def body(dst3, attd, expin, al_out, dstv, drows, ex1d, al1d, gsem):
    wid = _wid()

    def chunk(g, carry):
      pltpu.sync_copy(dst3.at[wid, pl.ds(g, 1)], dstv)
      dd = pltpu.async_copy(attd.at[dstv.at[0]], drows, gsem)
      ebase = (wid * EW + g * BATCH) * 8
      pltpu.sync_copy(expin.at[pl.ds(ebase, 1024)], ex1d.at[pl.ds(0, 1024)])
      dd.wait()

      def edge(i, carry2):
        dinv = drows[i, pl.ds(8, 16)]
        ep = ex1d[pl.ds(8 * i, 16)]
        al1d[pl.ds(8 * i, 16)] = ep * dinv
        return carry2

      lax.fori_loop(0, BATCH, edge, 0)
      pltpu.sync_copy(al1d.at[pl.ds(0, 1024)], al_out.at[pl.ds(ebase, 1024)])
      return carry

    lax.fori_loop(0, NB, chunk, 0)

  return pl.kernel(
      body,
      out_type=[jax.ShapeDtypeStruct((EPAD * 8,), _F32)],
      mesh=_mesh(),
      scratch_types=[
          pltpu.VMEM((1, BATCH), _I32),
          pltpu.VMEM((BATCH, 128), _F32),
          pltpu.VMEM((1040,), _F32),
          pltpu.VMEM((1040,), _F32),
          pltpu.SemaphoreType.DMA,
      ],
  )


def _agg_kernel(kblocks, off, per_head):
  plan = []
  for k in range(kblocks):
    h0 = (off + 16 * k) // per_head
    h1 = (off + 16 * k + 15) // per_head
    cut = per_head * (h0 + 1) - off - 16 * k
    plan.append((h0, h1, cut))

  def body(src3, dst3, htab, expin, zeros, o0_out, o1_out,
           srcv, dstv, hrows, ex1d, acc, gsem):
    _init_acc(acc, zeros)
    wid = _wid()
    iota = _iota16()

    def chunk(gg, carry):
      descs = []
      for b in range(2):
        g = 2 * gg + b
        pltpu.sync_copy(src3.at[wid, pl.ds(g, 1)], srcv.at[pl.ds(b, 1)])
        pltpu.sync_copy(dst3.at[wid, pl.ds(g, 1)], dstv.at[pl.ds(b, 1)])
        descs.append(
            pltpu.async_copy(htab.at[srcv.at[b]], hrows.at[b], gsem))
        ebase = (wid * EW + g * BATCH) * 8
        pltpu.sync_copy(expin.at[pl.ds(ebase, 1024)],
                        ex1d.at[pl.ds(1040 * b, 1024)])
      for b in range(2):
        descs[b].wait()

        def edge(i, carry2, b=b):
          exv = ex1d[pl.ds(1040 * b + 8 * i, 16)]
          for k, (h0, h1, cut) in enumerate(plan):
            v = hrows[b, i, pl.ds(16 * k, 16)]
            if h0 == h1:
              af = jnp.full((16,), exv[h0], _F32)
            else:
              af = jnp.where(iota < cut, jnp.full((16,), exv[h0], _F32),
                             jnp.full((16,), exv[h1], _F32))
            hrows[b, i, pl.ds(16 * k, 16)] = v * af
          return carry2

        lax.fori_loop(0, BATCH, edge, 0)
        pltpu.sync_copy(hrows.at[b], acc.at[dstv.at[b]], add=True)
      return carry

    lax.fori_loop(0, NB // 2, chunk, 0)
    _flush_acc(acc, o0_out, o1_out)

  return pl.kernel(
      body,
      out_type=[jax.ShapeDtypeStruct((NP, 128), _F32),
                jax.ShapeDtypeStruct((NP, 128), _F32)],
      mesh=_mesh(),
      scratch_types=[
          pltpu.VMEM((2, BATCH), _I32),
          pltpu.VMEM((2, BATCH), _I32),
          pltpu.VMEM((2, BATCH, 128), _F32),
          pltpu.VMEM((2080,), _F32),
          pltpu.VMEM_SHARED((NP, 128), _F32),
          pltpu.SemaphoreType.DMA,
      ],
  )


_BLK = 400
_GRID = N // _BLK


def _mm1_body(x_ref, w_ref, asf, adf, ssrc, sdst, h_ref, att_ref):
  h = jnp.dot(x_ref[...], w_ref[...], preferred_element_type=_F32)
  h_ref[...] = h
  att_ref[...] = jnp.concatenate(
      [jnp.dot(h * asf[...], ssrc[...], preferred_element_type=_F32),
       jnp.dot(h * adf[...], sdst[...], preferred_element_type=_F32)],
      axis=1)


def _mm1(x, w1, asf, adf, ssrc, sdst):
  return pl.pallas_call(
      _mm1_body,
      grid=(_GRID,),
      in_specs=[
          pl.BlockSpec((_BLK, 128), lambda i: (i, 0)),
          pl.BlockSpec((128, 64), lambda i: (0, 0)),
          pl.BlockSpec((1, 64), lambda i: (0, 0)),
          pl.BlockSpec((1, 64), lambda i: (0, 0)),
          pl.BlockSpec((64, 8), lambda i: (0, 0)),
          pl.BlockSpec((64, 8), lambda i: (0, 0)),
      ],
      out_specs=[
          pl.BlockSpec((_BLK, 64), lambda i: (i, 0)),
          pl.BlockSpec((_BLK, 16), lambda i: (i, 0)),
      ],
      out_shape=[
          jax.ShapeDtypeStruct((N, 64), _F32),
          jax.ShapeDtypeStruct((N, 16), _F32),
      ],
  )(x, w1, asf, adf, ssrc, sdst)


def _prep2_body(o0, o1, d0, d1, b1, e8, w2, asf, adf, ssrc, sdst,
                h2_ref, att_ref):
  den = d0[...] + d1[...]
  dinv = 1.0 / (den[:, :8] + 1e-16)
  out1 = ((o0[...] + o1[...])[:, :64]
          * jnp.dot(dinv, e8[...], preferred_element_type=_F32)
          + b1[...])
  hp = jnp.where(out1 > 0.0, out1, jnp.exp(out1) - 1.0)
  h2 = jnp.dot(hp, w2[...], preferred_element_type=_F32)
  h2_ref[...] = h2
  asrc = jnp.dot(h2 * asf[...], ssrc[...], preferred_element_type=_F32)
  adst = jnp.dot(h2 * adf[...], sdst[...], preferred_element_type=_F32)
  att_ref[...] = jnp.concatenate([asrc, adst, dinv], axis=1)


def _prep2(o0, o1, d0, d1, b1, e8, w2, asf, adf, ssrc, sdst):
  return pl.pallas_call(
      _prep2_body,
      grid=(_GRID,),
      in_specs=[
          pl.BlockSpec((_BLK, 128), lambda i: (i, 0)),
          pl.BlockSpec((_BLK, 128), lambda i: (i, 0)),
          pl.BlockSpec((_BLK, 128), lambda i: (i, 0)),
          pl.BlockSpec((_BLK, 128), lambda i: (i, 0)),
          pl.BlockSpec((1, 64), lambda i: (0, 0)),
          pl.BlockSpec((8, 64), lambda i: (0, 0)),
          pl.BlockSpec((64, 320), lambda i: (0, 0)),
          pl.BlockSpec((1, 320), lambda i: (0, 0)),
          pl.BlockSpec((1, 320), lambda i: (0, 0)),
          pl.BlockSpec((320, 8), lambda i: (0, 0)),
          pl.BlockSpec((320, 8), lambda i: (0, 0)),
      ],
      out_specs=[
          pl.BlockSpec((_BLK, 320), lambda i: (i, 0)),
          pl.BlockSpec((_BLK, 24), lambda i: (i, 0)),
      ],
      out_shape=[
          jax.ShapeDtypeStruct((N, 320), _F32),
          jax.ShapeDtypeStruct((N, 24), _F32),
      ],
  )(o0, o1, d0, d1, b1, e8, w2, asf, adf, ssrc, sdst)


def _final_body(s00, s01, s10, s11, s20, s21, d0, d1, b2, e40, out_ref):
  dinv = 1.0 / ((d0[...] + d1[...])[:, :8] + 1e-16)
  z = jnp.concatenate(
      [s00[...] + s01[...], s10[...] + s11[...],
       (s20[...] + s21[...])[:, :64]], axis=1)
  z = z * jnp.dot(dinv, e40[...], preferred_element_type=_F32) + b2[...]
  m = jnp.max(z, axis=1, keepdims=True)
  lse = m + jnp.log(jnp.sum(jnp.exp(z - m), axis=1, keepdims=True))
  out_ref[...] = z - lse


def _final(s00, s01, s10, s11, s20, s21, d0, d1, b2, e40):
  blk = lambda: pl.BlockSpec((_BLK, 128), lambda i: (i, 0))
  return pl.pallas_call(
      _final_body,
      grid=(_GRID,),
      in_specs=[blk(), blk(), blk(), blk(), blk(), blk(), blk(), blk(),
                pl.BlockSpec((1, 320), lambda i: (0, 0)),
                pl.BlockSpec((8, 320), lambda i: (0, 0))],
      out_specs=pl.BlockSpec((_BLK, 320), lambda i: (i, 0)),
      out_shape=jax.ShapeDtypeStruct((N, 320), _F32),
  )(s00, s01, s10, s11, s20, s21, d0, d1, b2, e40)


def _headsum(d_in, per_head):
  j = jnp.arange(d_in)[:, None]
  h = jnp.arange(8)[None, :]
  return (j // per_head == h).astype(_F32)


def _expand(per_head, d_out):
  h = jnp.arange(8)[:, None]
  j = jnp.arange(d_out)[None, :]
  return (j // per_head == h).astype(_F32)


def kernel(x, edge_index, W1, att_src1, att_dst1, b1,
           W2, att_src2, att_dst2, b2):
  src = edge_index[0].astype(_I32)
  dst = edge_index[1].astype(_I32)
  npad = EPAD - E
  src3 = jnp.concatenate([src, jnp.zeros((npad,), _I32)]).reshape(
      NW, NB, BATCH)
  dst3 = jnp.concatenate([dst, jnp.full((npad,), N, _I32)]).reshape(
      NW, NB, BATCH)
  zeros128 = jnp.zeros((NP, 128), _F32)

  h1, att1 = _mm1(x, W1, att_src1.reshape(1, 64), att_dst1.reshape(1, 64),
                  _headsum(64, 8), _headsum(64, 8))
  atts1 = jnp.pad(att1[:, :8], ((0, NP - N), (0, 120)))
  attd1 = jnp.pad(att1[:, 8:], ((0, NP - N), (0, 120)))
  h1t = jnp.pad(h1, ((0, 0), (0, 64)))

  ex1, d10, d11 = _denom_kernel()(src3, dst3, atts1, attd1, zeros128)
  o10, o11 = _agg_kernel(4, 0, 8)(src3, dst3, h1t, ex1, zeros128)

  h2, att2 = _prep2(o10[:N], o11[:N], d10[:N], d11[:N], b1.reshape(1, 64),
                    _expand(8, 64), W2, att_src2.reshape(1, 320),
                    att_dst2.reshape(1, 320), _headsum(320, 40),
                    _headsum(320, 40))
  atts2 = jnp.pad(att2[:, :8], ((0, NP - N), (0, 120)))
  attd2 = jnp.pad(att2[:, 8:24], ((0, NP - N), (0, 112)))
  t20 = h2[:, :128]
  t21 = h2[:, 128:256]
  t22 = jnp.pad(h2[:, 256:], ((0, 0), (0, 64)))

  ex2, d20, d21 = _denom_kernel()(src3, dst3, atts2, attd2, zeros128)
  a1pk, = _alpha_kernel()(dst3, attd2, ex1)
  s00, s01 = _agg_kernel(8, 0, 40)(src3, dst3, t20, ex2, zeros128)
  s10, s11 = _agg_kernel(8, 128, 40)(src3, dst3, t21, ex2, zeros128)
  s20, s21 = _agg_kernel(4, 256, 40)(src3, dst3, t22, ex2, zeros128)

  log_probs = _final(s00[:N], s01[:N], s10[:N], s11[:N], s20[:N], s21[:N],
                     d20[:N], d21[:N], b2.reshape(1, 320), _expand(40, 320))
  alpha1 = a1pk.reshape(EPAD, 8)[:E]
  return log_probs, alpha1

# --- scband reference (transcript-rebuilt; emitter-appended) ---
"""Pipeline reference for scband-two-layer-basic-gat-429496730275 (READ-ONLY COPY).

The authoritative reference and input builder live on the scoring server;
editing this copy changes nothing except your own understanding.
"""

import jax, jax.numpy as jnp
import numpy as np

N_NODES = 10000
N_EDGES = 320000
D_IN = 128
H1, D1 = 8, 8          # conv1: 8 heads, 8 dims per head
H2, NUM_CLASSES = 8, 40  # conv2: 8 heads, 40 classes, concat=True


def _gat_conv(x, edge_index, W, att_src, att_dst, bias, heads, out_dim):
    """PyG-style GATConv (eval mode, dropout inactive). Returns (out, alpha)."""
    N = x.shape[0]
    src = edge_index[0]
    dst = edge_index[1]
    h = (x @ W).reshape(N, heads, out_dim)              # [N, H, D]
    a_src = (h * att_src[None]).sum(-1)                 # [N, H]
    a_dst = (h * att_dst[None]).sum(-1)                 # [N, H]
    e = a_src[src] + a_dst[dst]                         # [E, H] gather
    e = jax.nn.leaky_relu(e, negative_slope=0.2)
    # numerically-stable segment softmax over incoming edges of each dst node
    m = jax.ops.segment_max(e, dst, num_segments=N)     # [N, H]
    m = jnp.where(jnp.isfinite(m), m, 0.0)
    ex = jnp.exp(e - m[dst])
    denom = jax.ops.segment_sum(ex, dst, num_segments=N)
    alpha = ex / (denom[dst] + 1e-16)                   # [E, H]
    msg = h[src] * alpha[..., None]                     # [E, H, D] gather
    out = jax.ops.segment_sum(msg, dst, num_segments=N) # [N, H, D] scatter-add
    out = out.reshape(N, heads * out_dim)               # concat=True
    out = out + bias
    return out, alpha


def setup_inputs(seed: int = 0) -> dict:
    key = jax.random.key(seed)
    ks = jax.random.split(key, 12)
    x = jax.random.normal(ks[0], (N_NODES, D_IN), dtype=jnp.float32)
    edge_index = jax.random.randint(ks[1], (2, N_EDGES), 0, N_NODES, dtype=jnp.int32)
    s1 = 1.0 / np.sqrt(D_IN)
    W1 = jax.random.normal(ks[2], (D_IN, H1 * D1), dtype=jnp.float32) * s1
    att_src1 = jax.random.normal(ks[3], (H1, D1), dtype=jnp.float32) * 0.1
    att_dst1 = jax.random.normal(ks[4], (H1, D1), dtype=jnp.float32) * 0.1
    b1 = jnp.zeros((H1 * D1,), dtype=jnp.float32)
    s2 = 1.0 / np.sqrt(H1 * D1)
    W2 = jax.random.normal(ks[5], (H1 * D1, H2 * NUM_CLASSES), dtype=jnp.float32) * s2
    att_src2 = jax.random.normal(ks[6], (H2, NUM_CLASSES), dtype=jnp.float32) * 0.1
    att_dst2 = jax.random.normal(ks[7], (H2, NUM_CLASSES), dtype=jnp.float32) * 0.1
    b2 = jnp.zeros((H2 * NUM_CLASSES,), dtype=jnp.float32)
    return {"x": x, "edge_index": edge_index,
            "W1": W1, "att_src1": att_src1, "att_dst1": att_dst1, "b1": b1,
            "W2": W2, "att_src2": att_src2, "att_dst2": att_dst2, "b2": b2}


def reference(x, edge_index, W1, att_src1, att_dst1, b1, W2, att_src2, att_dst2, b2):
    # eval mode: F.dropout(p=0.6) is identity
    h1, alpha1 = _gat_conv(x, edge_index, W1, att_src1, att_dst1, b1, H1, D1)
    h1 = jax.nn.elu(h1)
    h2, _ = _gat_conv(h1, edge_index, W2, att_src2, att_dst2, b2, H2, NUM_CLASSES)
    log_probs = jax.nn.log_softmax(h2, axis=1)
    return (log_probs, alpha1)

if __name__ == "__main__":
    import jax
    _d = setup_inputs()
    print(jax.jit(kernel)(*tuple(_d.values())))

</pallas_src>

<mosaic_0001>
#map = affine_map<(d0, d1) -> (0, 0, 0)>
#map1 = affine_map<(d0, d1) -> (0, 0)>
#map2 = affine_map<(d0, d1) -> (0)>
module attributes {stable_mosaic.version = 14 : i64} {
  func.func @body(%arg0: i32, %arg1: i32, %arg2: memref<32x80x128xi32, #tpu.memory_space<hbm>>, %arg3: memref<32x80x128xi32, #tpu.memory_space<hbm>>, %arg4: memref<10016x128xf32, #tpu.memory_space<hbm>>, %arg5: memref<10016x128xf32, #tpu.memory_space<hbm>>, %arg6: memref<10016x128xf32, #tpu.memory_space<hbm>>, %arg7: memref<2621440xf32, #tpu.memory_space<hbm>>, %arg8: memref<10016x128xf32, #tpu.memory_space<hbm>>, %arg9: memref<10016x128xf32, #tpu.memory_space<hbm>>, %arg10: memref<1x128xi32, #tpu.memory_space<vmem>>, %arg11: memref<1x128xi32, #tpu.memory_space<vmem>>, %arg12: memref<128x128xf32, #tpu.memory_space<vmem>>, %arg13: memref<128x128xf32, #tpu.memory_space<vmem>>, %arg14: memref<128x128xf32, #tpu.memory_space<vmem>>, %arg15: memref<1040xf32, #tpu.memory_space<vmem>>, %arg16: memref<10016x128xf32, #tpu.memory_space<vmem_shared>>, %arg17: memref<!tpu.dma_semaphore, #tpu.memory_space<semaphore_mem>>) attributes {dimension_semantics = [#tpu.dimension_semantics<core_parallel>, #tpu.dimension_semantics<subcore_parallel>], iteration_bounds = array<i64: 2, 16>, scalar_prefetch = 0 : i64, scratch_operands = 8 : i64, tpu.core_type = #tpu.core_type<sc_vector_subcore>, window_params = [{transform_indices = #map}, {transform_indices = #map}, {transform_indices = #map1}, {transform_indices = #map1}, {transform_indices = #map1}, {transform_indices = #map2}, {transform_indices = #map1}, {transform_indices = #map1}]} {
    %eq3A = arith.constant 0 : i32
    %eq3A_0 = arith.cmpi eq, %arg1, %eq3A : i32
    %convert_element_type3A = arith.extui %eq3A_0 : i1 to i32
    %cond3A = arith.constant 0 : i32
    %cond3A_1 = arith.cmpi ne, %convert_element_type3A, %cond3A : i32
    scf.if %cond3A_1 {
      "tpu.region"() ({
        %run_scoped3A = tpu.sem_alloc : memref<!tpu.dma_semaphore, #tpu.memory_space<semaphore_mem>>
        tpu.enqueue_dma source(%arg6 : memref<10016x128xf32, #tpu.memory_space<hbm>>) target(%arg16 : memref<10016x128xf32, #tpu.memory_space<vmem_shared>>) target_semaphore(%run_scoped3A : memref<!tpu.dma_semaphore, #tpu.memory_space<semaphore_mem>>)
        tpu.wait_dma2 semaphore(%run_scoped3A : memref<!tpu.dma_semaphore, #tpu.memory_space<semaphore_mem>>) src(%arg6 : memref<10016x128xf32, #tpu.memory_space<hbm>>) dst(%arg16 : memref<10016x128xf32, #tpu.memory_space<vmem_shared>>)
        tpu.yield
      }) : () -> ()
    } else {
    }
    %barrier3A = arith.constant 0 : index
    tpu.barrier barrier_id(%barrier3A)
    %mul3A = arith.constant 2 : i32
    %mul3A_2 = arith.muli %arg1, %mul3A : i32
    %add3A = arith.addi %mul3A_2, %arg0 : i32
    "tpu.region"() ({
      %run_scoped3A = tpu.sem_alloc : memref<!tpu.dma_semaphore, #tpu.memory_space<semaphore_mem>>
      %dma_start3A = arith.constant 0 : i32
      %dma_start3A_24 = arith.constant 0 : i32
      %dma_start3A_25 = tpu.memref_slice %arg6[%dma_start3A, %dma_start3A_24] : memref<10016x128xf32, #tpu.memory_space<hbm>> -> memref<128x128xf32, #tpu.memory_space<hbm>>
      %dma_start3A_26 = arith.constant 0 : i32
      %dma_start3A_27 = arith.constant 0 : i32
      %dma_start3A_28 = tpu.memref_slice %arg6[%dma_start3A_26, %dma_start3A_27] : memref<10016x128xf32, #tpu.memory_space<hbm>> -> memref<128x128xf32, #tpu.memory_space<hbm>>
      tpu.enqueue_dma source(%dma_start3A_28 : memref<128x128xf32, #tpu.memory_space<hbm>>) target(%arg14 : memref<128x128xf32, #tpu.memory_space<vmem>>) target_semaphore(%run_scoped3A : memref<!tpu.dma_semaphore, #tpu.memory_space<semaphore_mem>>)
      %dma_wait3A = arith.constant 0 : i32
      %dma_wait3A_29 = arith.constant 0 : i32
      %dma_wait3A_30 = tpu.memref_slice %arg6[%dma_wait3A, %dma_wait3A_29] : memref<10016x128xf32, #tpu.memory_space<hbm>> -> memref<128x128xf32, #tpu.memory_space<hbm>>
      %dma_wait3A_31 = arith.constant 0 : i32
      %dma_wait3A_32 = arith.constant 0 : i32
      %dma_wait3A_33 = tpu.memref_slice %arg6[%dma_wait3A_31, %dma_wait3A_32] : memref<10016x128xf32, #tpu.memory_space<hbm>> -> memref<128x128xf32, #tpu.memory_space<hbm>>
      tpu.wait_dma2 semaphore(%run_scoped3A : memref<!tpu.dma_semaphore, #tpu.memory_space<semaphore_mem>>) src(%dma_wait3A_33 : memref<128x128xf32, #tpu.memory_space<hbm>>) dst(%arg14 : memref<128x128xf32, #tpu.memory_space<vmem>>)
      tpu.yield
    }) : () -> ()
    %scan3A = arith.constant 0 : i32
    %scan3A_3 = arith.constant 0 : i32
    %scan3A_4 = arith.constant 80 : i32
    %scan3A_5 = arith.addi %scan3A_3, %scan3A_4 : i32
    %scan3A_6 = arith.constant 1 : i32
    scf.for %scan3A_24 = %scan3A_3 to %scan3A_5 step %scan3A_6  : i32 {
      "tpu.region"() ({
        %run_scoped3A_64 = tpu.sem_alloc : memref<!tpu.dma_semaphore, #tpu.memory_space<semaphore_mem>>
        %dma_start3A_65 = arith.constant 0 : i32
        %dma_start3A_66 = tpu.memref_slice %arg2[%add3A, %scan3A_24, %dma_start3A_65] : memref<32x80x128xi32, #tpu.memory_space<hbm>> -> memref<1x1x128xi32, #tpu.memory_space<hbm>>
        %dma_start3A_67 = tpu.memref_squeeze %dma_start3A_66 : memref<1x1x128xi32, #tpu.memory_space<hbm>> -> memref<1x128xi32, #tpu.memory_space<hbm>>
        %dma_start3A_68 = arith.constant 0 : i32
        %dma_start3A_69 = tpu.memref_slice %arg2[%add3A, %scan3A_24, %dma_start3A_68] : memref<32x80x128xi32, #tpu.memory_space<hbm>> -> memref<1x1x128xi32, #tpu.memory_space<hbm>>
        %dma_start3A_70 = tpu.memref_squeeze %dma_start3A_69 : memref<1x1x128xi32, #tpu.memory_space<hbm>> -> memref<1x128xi32, #tpu.memory_space<hbm>>
        tpu.enqueue_dma source(%dma_start3A_70 : memref<1x128xi32, #tpu.memory_space<hbm>>) target(%arg10 : memref<1x128xi32, #tpu.memory_space<vmem>>) target_semaphore(%run_scoped3A_64 : memref<!tpu.dma_semaphore, #tpu.memory_space<semaphore_mem>>)
        %dma_wait3A_71 = arith.constant 0 : i32
        %dma_wait3A_72 = tpu.memref_slice %arg2[%add3A, %scan3A_24, %dma_wait3A_71] : memref<32x80x128xi32, #tpu.memory_space<hbm>> -> memref<1x1x128xi32, #tpu.memory_space<hbm>>
        %dma_wait3A_73 = tpu.memref_squeeze %dma_wait3A_72 : memref<1x1x128xi32, #tpu.memory_space<hbm>> -> memref<1x128xi32, #tpu.memory_space<hbm>>
        %dma_wait3A_74 = arith.constant 0 : i32
        %dma_wait3A_75 = tpu.memref_slice %arg2[%add3A, %scan3A_24, %dma_wait3A_74] : memref<32x80x128xi32, #tpu.memory_space<hbm>> -> memref<1x1x128xi32, #tpu.memory_space<hbm>>
        %dma_wait3A_76 = tpu.memref_squeeze %dma_wait3A_75 : memref<1x1x128xi32, #tpu.memory_space<hbm>> -> memref<1x128xi32, #tpu.memory_space<hbm>>
        tpu.wait_dma2 semaphore(%run_scoped3A_64 : memref<!tpu.dma_semaphore, #tpu.memory_space<semaphore_mem>>) src(%dma_wait3A_76 : memref<1x128xi32, #tpu.memory_space<hbm>>) dst(%arg10 : memref<1x128xi32, #tpu.memory_space<vmem>>)
        tpu.yield
      }) : () -> ()
      "tpu.region"() ({
        %run_scoped3A_64 = tpu.sem_alloc : memref<!tpu.dma_semaphore, #tpu.memory_space<semaphore_mem>>
        %dma_start3A_65 = arith.constant 0 : i32
        %dma_start3A_66 = tpu.memref_slice %arg3[%add3A, %scan3A_24, %dma_start3A_65] : memref<32x80x128xi32, #tpu.memory_space<hbm>> -> memref<1x1x128xi32, #tpu.memory_space<hbm>>
        %dma_start3A_67 = tpu.memref_squeeze %dma_start3A_66 : memref<1x1x128xi32, #tpu.memory_space<hbm>> -> memref<1x128xi32, #tpu.memory_space<hbm>>
        %dma_start3A_68 = arith.constant 0 : i32
        %dma_start3A_69 = tpu.memref_slice %arg3[%add3A, %scan3A_24, %dma_start3A_68] : memref<32x80x128xi32, #tpu.memory_space<hbm>> -> memref<1x1x128xi32, #tpu.memory_space<hbm>>
        %dma_start3A_70 = tpu.memref_squeeze %dma_start3A_69 : memref<1x1x128xi32, #tpu.memory_space<hbm>> -> memref<1x128xi32, #tpu.memory_space<hbm>>
        tpu.enqueue_dma source(%dma_start3A_70 : memref<1x128xi32, #tpu.memory_space<hbm>>) target(%arg11 : memref<1x128xi32, #tpu.memory_space<vmem>>) target_semaphore(%run_scoped3A_64 : memref<!tpu.dma_semaphore, #tpu.memory_space<semaphore_mem>>)
        %dma_wait3A_71 = arith.constant 0 : i32
        %dma_wait3A_72 = tpu.memref_slice %arg3[%add3A, %scan3A_24, %dma_wait3A_71] : memref<32x80x128xi32, #tpu.memory_space<hbm>> -> memref<1x1x128xi32, #tpu.memory_space<hbm>>
        %dma_wait3A_73 = tpu.memref_squeeze %dma_wait3A_72 : memref<1x1x128xi32, #tpu.memory_space<hbm>> -> memref<1x128xi32, #tpu.memory_space<hbm>>
        %dma_wait3A_74 = arith.constant 0 : i32
        %dma_wait3A_75 = tpu.memref_slice %arg3[%add3A, %scan3A_24, %dma_wait3A_74] : memref<32x80x128xi32, #tpu.memory_space<hbm>> -> memref<1x1x128xi32, #tpu.memory_space<hbm>>
        %dma_wait3A_76 = tpu.memref_squeeze %dma_wait3A_75 : memref<1x1x128xi32, #tpu.memory_space<hbm>> -> memref<1x128xi32, #tpu.memory_space<hbm>>
        tpu.wait_dma2 semaphore(%run_scoped3A_64 : memref<!tpu.dma_semaphore, #tpu.memory_space<semaphore_mem>>) src(%dma_wait3A_76 : memref<1x128xi32, #tpu.memory_space<hbm>>) dst(%arg11 : memref<1x128xi32, #tpu.memory_space<vmem>>)
        tpu.yield
      }) : () -> ()
      %dma_start3A = arith.constant 0 : i32
      %dma_start3A_25 = arith.constant 0 : i32
      %dma_start3A_26 = tpu.memref_slice %arg10[%dma_start3A, %dma_start3A_25] : memref<1x128xi32, #tpu.memory_space<vmem>> -> memref<1x128xi32, #tpu.memory_space<vmem>>
      %dma_start3A_27 = tpu.memref_squeeze %dma_start3A_26 : memref<1x128xi32, #tpu.memory_space<vmem>> -> memref<128xi32, #tpu.memory_space<vmem>>
      %dma_start3A_28 = arith.constant 0 : i32
      %dma_start3A_29 = arith.constant 0 : i32
      %dma_start3A_30 = tpu.memref_slice %arg4[%dma_start3A_28, %dma_start3A_29] : memref<10016x128xf32, #tpu.memory_space<hbm>> -> memref<10016x128xf32, #tpu.memory_space<hbm>>
      tpu.enqueue_indirect_dma source(%dma_start3A_30 : memref<10016x128xf32, #tpu.memory_space<hbm>>) target(%arg12 : memref<128x128xf32, #tpu.memory_space<vmem>>) offsets(%dma_start3A_27 : memref<128xi32, #tpu.memory_space<vmem>>) semaphore(%arg17 : memref<!tpu.dma_semaphore, #tpu.memory_space<semaphore_mem>>)
      %dma_start3A_31 = arith.constant 0 : i32
      %dma_start3A_32 = arith.constant 0 : i32
      %dma_start3A_33 = tpu.memref_slice %arg11[%dma_start3A_31, %dma_start3A_32] : memref<1x128xi32, #tpu.memory_space<vmem>> -> memref<1x128xi32, #tpu.memory_space<vmem>>
      %dma_start3A_34 = tpu.memref_squeeze %dma_start3A_33 : memref<1x128xi32, #tpu.memory_space<vmem>> -> memref<128xi32, #tpu.memory_space<vmem>>
      %dma_start3A_35 = arith.constant 0 : i32
      %dma_start3A_36 = arith.constant 0 : i32
      %dma_start3A_37 = tpu.memref_slice %arg5[%dma_start3A_35, %dma_start3A_36] : memref<10016x128xf32, #tpu.memory_space<hbm>> -> memref<10016x128xf32, #tpu.memory_space<hbm>>
      tpu.enqueue_indirect_dma source(%dma_start3A_37 : memref<10016x128xf32, #tpu.memory_space<hbm>>) target(%arg13 : memref<128x128xf32, #tpu.memory_space<vmem>>) offsets(%dma_start3A_34 : memref<128xi32, #tpu.memory_space<vmem>>) semaphore(%arg17 : memref<!tpu.dma_semaphore, #tpu.memory_space<semaphore_mem>>)
      %dma_wait3A = arith.constant 0 : i32
      %dma_wait3A_38 = arith.constant 0 : i32
      %dma_wait3A_39 = tpu.memref_slice %arg10[%dma_wait3A, %dma_wait3A_38] : memref<1x128xi32, #tpu.memory_space<vmem>> -> memref<1x128xi32, #tpu.memory_space<vmem>>
      %dma_wait3A_40 = tpu.memref_squeeze %dma_wait3A_39 : memref<1x128xi32, #tpu.memory_space<vmem>> -> memref<128xi32, #tpu.memory_space<vmem>>
      %dma_wait3A_41 = arith.constant 0 : i32
      %dma_wait3A_42 = arith.constant 0 : i32
      %dma_wait3A_43 = tpu.memref_slice %arg4[%dma_wait3A_41, %dma_wait3A_42] : memref<10016x128xf32, #tpu.memory_space<hbm>> -> memref<10016x128xf32, #tpu.memory_space<hbm>>
      tpu.wait_indirect_dma semaphore(%arg17 : memref<!tpu.dma_semaphore, #tpu.memory_space<semaphore_mem>>) src(%dma_wait3A_43 : memref<10016x128xf32, #tpu.memory_space<hbm>>) dst(%arg12 : memref<128x128xf32, #tpu.memory_space<vmem>>)
      %dma_wait3A_44 = arith.constant 0 : i32
      %dma_wait3A_45 = arith.constant 0 : i32
      %dma_wait3A_46 = tpu.memref_slice %arg11[%dma_wait3A_44, %dma_wait3A_45] : memref<1x128xi32, #tpu.memory_space<vmem>> -> memref<1x128xi32, #tpu.memory_space<vmem>>
      %dma_wait3A_47 = tpu.memref_squeeze %dma_wait3A_46 : memref<1x128xi32, #tpu.memory_space<vmem>> -> memref<128xi32, #tpu.memory_space<vmem>>
      %dma_wait3A_48 = arith.constant 0 : i32
      %dma_wait3A_49 = arith.constant 0 : i32
      %dma_wait3A_50 = tpu.memref_slice %arg5[%dma_wait3A_48, %dma_wait3A_49] : memref<10016x128xf32, #tpu.memory_space<hbm>> -> memref<10016x128xf32, #tpu.memory_space<hbm>>
      tpu.wait_indirect_dma semaphore(%arg17 : memref<!tpu.dma_semaphore, #tpu.memory_space<semaphore_mem>>) src(%dma_wait3A_50 : memref<10016x128xf32, #tpu.memory_space<hbm>>) dst(%arg13 : memref<128x128xf32, #tpu.memory_space<vmem>>)
      %mul3A_51 = arith.constant 10240 : i32
      %mul3A_52 = arith.muli %add3A, %mul3A_51 : i32
      %mul3A_53 = arith.constant 128 : i32
      %mul3A_54 = arith.muli %scan3A_24, %mul3A_53 : i32
      %add3A_55 = arith.addi %mul3A_52, %mul3A_54 : i32
      %mul3A_56 = arith.constant 8 : i32
      %mul3A_57 = arith.muli %add3A_55, %mul3A_56 : i32
      %scan3A_58 = arith.constant 0 : i32
      %scan3A_59 = arith.constant 0 : i32
      %scan3A_60 = arith.constant 128 : i32
      %scan3A_61 = arith.addi %scan3A_59, %scan3A_60 : i32
      %scan3A_62 = arith.constant 1 : i32
      scf.for %scan3A_64 = %scan3A_59 to %scan3A_61 step %scan3A_62  : i32 {
        %get3A = arith.index_cast %scan3A_64 : i32 to index
        %get3A_65 = arith.constant 0 : index
        %get3A_66 = tpu.vector_load %arg12[%get3A, %get3A_65] {strides = array<i32>} : memref<128x128xf32, #tpu.memory_space<vmem>>, vector<1x16xf32>,
        %get3A_67 = vector.shape_cast %get3A_66 : vector<1x16xf32> to vector<16xf32>
        %get3A_68 = arith.index_cast %scan3A_64 : i32 to index
        %get3A_69 = arith.constant 0 : index
        %get3A_70 = tpu.vector_load %arg13[%get3A_68, %get3A_69] {strides = array<i32>} : memref<128x128xf32, #tpu.memory_space<vmem>>, vector<1x16xf32>,
        %get3A_71 = vector.shape_cast %get3A_70 : vector<1x16xf32> to vector<16xf32>
        %add3A_72 = arith.addf %get3A_67, %get3A_71 : vector<16xf32>
        %ge3A = arith.constant 0.000000e+00 : f32
        %ge3A_73 = vector.broadcast %ge3A : f32 to vector<16xf32>
        %ge3A_74 = arith.cmpf oge, %add3A_72, %ge3A_73 : vector<16xf32>
        %mul3A_75 = arith.constant 2.000000e-01 : f32
        %mul3A_76 = vector.broadcast %mul3A_75 : f32 to vector<16xf32>
        %mul3A_77 = arith.mulf %add3A_72, %mul3A_76 : vector<16xf32>
        %select_n3A = arith.select %ge3A_74, %add3A_72, %mul3A_77 : vector<16xi1>, vector<16xf32>
        %exp3A = math.exp %select_n3A : vector<16xf32>
        %swap3A = arith.index_cast %scan3A_64 : i32 to index
        %swap3A_78 = arith.constant 0 : index
        %swap3A_79 = tpu.vector_load %arg14[%swap3A, %swap3A_78] {strides = array<i32>} : memref<128x128xf32, #tpu.memory_space<vmem>>, vector<1x16xf32>,
        %swap3A_80 = vector.shape_cast %swap3A_79 : vector<1x16xf32> to vector<16xf32>
        %swap3A_81 = vector.shape_cast %exp3A : vector<16xf32> to vector<1x16xf32>
        tpu.vector_store %arg14[%swap3A, %swap3A_78], %swap3A_81 {strides = array<i32>} : memref<128x128xf32, #tpu.memory_space<vmem>>, vector<1x16xf32>,
        %mul3A_82 = arith.constant 8 : i32
        %mul3A_83 = arith.muli %mul3A_82, %scan3A_64 : i32
        %swap3A_84 = arith.index_cast %mul3A_83 : i32 to index
        %swap3A_85 = tpu.vector_load %arg15[%swap3A_84] {strides = array<i32>} : memref<1040xf32, #tpu.memory_space<vmem>>, vector<16xf32>,
        %swap3A_86 = vector.shape_cast %swap3A_85 : vector<16xf32> to vector<16xf32>
        %swap3A_87 = vector.shape_cast %exp3A : vector<16xf32> to vector<16xf32>
        tpu.vector_store %arg15[%swap3A_84], %swap3A_87 {strides = array<i32>} : memref<1040xf32, #tpu.memory_space<vmem>>, vector<16xf32>,
      }
      %scan3A_63 = arith.constant 128 : i32
      %run_scoped3A = arith.constant 0 : i32
      "tpu.region"() ({
        %run_scoped3A_64 = tpu.sem_alloc : memref<!tpu.dma_semaphore, #tpu.memory_space<semaphore_mem>>
        %dma_start3A_65 = arith.constant 0 : i32
        %dma_start3A_66 = tpu.memref_slice %arg11[%run_scoped3A, %dma_start3A_65] : memref<1x128xi32, #tpu.memory_space<vmem>> -> memref<1x128xi32, #tpu.memory_space<vmem>>
        %dma_start3A_67 = tpu.memref_squeeze %dma_start3A_66 : memref<1x128xi32, #tpu.memory_space<vmem>> -> memref<128xi32, #tpu.memory_space<vmem>>
        %dma_start3A_68 = arith.constant 0 : i32
        %dma_start3A_69 = arith.constant 0 : i32
        %dma_start3A_70 = tpu.memref_slice %arg16[%dma_start3A_68, %dma_start3A_69] : memref<10016x128xf32, #tpu.memory_space<vmem_shared>> -> memref<10016x128xf32, #tpu.memory_space<vmem_shared>>
        tpu.enqueue_indirect_dma source(%arg14 : memref<128x128xf32, #tpu.memory_space<vmem>>) target(%dma_start3A_70 : memref<10016x128xf32, #tpu.memory_space<vmem_shared>>) offsets(%dma_start3A_67 : memref<128xi32, #tpu.memory_space<vmem>>) semaphore(%run_scoped3A_64 : memref<!tpu.dma_semaphore, #tpu.memory_space<semaphore_mem>>) {add = true}
        %dma_wait3A_71 = arith.constant 0 : i32
        %dma_wait3A_72 = tpu.memref_slice %arg11[%run_scoped3A, %dma_wait3A_71] : memref<1x128xi32, #tpu.memory_space<vmem>> -> memref<1x128xi32, #tpu.memory_space<vmem>>
        %dma_wait3A_73 = tpu.memref_squeeze %dma_wait3A_72 : memref<1x128xi32, #tpu.memory_space<vmem>> -> memref<128xi32, #tpu.memory_space<vmem>>
        %dma_wait3A_74 = arith.constant 0 : i32
        %dma_wait3A_75 = arith.constant 0 : i32
        %dma_wait3A_76 = tpu.memref_slice %arg16[%dma_wait3A_74, %dma_wait3A_75] : memref<10016x128xf32, #tpu.memory_space<vmem_shared>> -> memref<10016x128xf32, #tpu.memory_space<vmem_shared>>
        tpu.wait_indirect_dma semaphore(%run_scoped3A_64 : memref<!tpu.dma_semaphore, #tpu.memory_space<semaphore_mem>>) src(%arg14 : memref<128x128xf32, #tpu.memory_space<vmem>>) dst(%dma_wait3A_76 : memref<10016x128xf32, #tpu.memory_space<vmem_shared>>)
        tpu.yield
      }) : () -> ()
      "tpu.region"() ({
        %run_scoped3A_64 = tpu.sem_alloc : memref<!tpu.dma_semaphore, #tpu.memory_space<semaphore_mem>>
        %dma_start3A_65 = arith.constant 0 : i32
        %dma_start3A_66 = tpu.memref_slice %arg15[%dma_start3A_65] : memref<1040xf32, #tpu.memory_space<vmem>> -> memref<1024xf32, #tpu.memory_space<vmem>>
        %dma_start3A_67 = tpu.memref_slice %arg7[%mul3A_57] : memref<2621440xf32, #tpu.memory_space<hbm>> -> memref<1024xf32, #tpu.memory_space<hbm>>
        %dma_start3A_68 = tpu.memref_slice %arg7[%mul3A_57] : memref<2621440xf32, #tpu.memory_space<hbm>> -> memref<1024xf32, #tpu.memory_space<hbm>>
        %dma_start3A_69 = arith.constant 0 : i32
        %dma_start3A_70 = tpu.memref_slice %arg15[%dma_start3A_69] : memref<1040xf32, #tpu.memory_space<vmem>> -> memref<1024xf32, #tpu.memory_space<vmem>>
        tpu.enqueue_dma source(%dma_start3A_70 : memref<1024xf32, #tpu.memory_space<vmem>>) target(%dma_start3A_68 : memref<1024xf32, #tpu.memory_space<hbm>>) target_semaphore(%run_scoped3A_64 : memref<!tpu.dma_semaphore, #tpu.memory_space<semaphore_mem>>)
        %dma_wait3A_71 = arith.constant 0 : i32
        %dma_wait3A_72 = tpu.memref_slice %arg15[%dma_wait3A_71] : memref<1040xf32, #tpu.memory_space<vmem>> -> memref<1024xf32, #tpu.memory_space<vmem>>
        %dma_wait3A_73 = tpu.memref_slice %arg7[%mul3A_57] : memref<2621440xf32, #tpu.memory_space<hbm>> -> memref<1024xf32, #tpu.memory_space<hbm>>
        %dma_wait3A_74 = tpu.memref_slice %arg7[%mul3A_57] : memref<2621440xf32, #tpu.memory_space<hbm>> -> memref<1024xf32, #tpu.memory_space<hbm>>
        %dma_wait3A_75 = arith.constant 0 : i32
        %dma_wait3A_76 = tpu.memref_slice %arg15[%dma_wait3A_75] : memref<1040xf32, #tpu.memory_space<vmem>> -> memref<1024xf32, #tpu.memory_space<vmem>>
        tpu.wait_dma2 semaphore(%run_scoped3A_64 : memref<!tpu.dma_semaphore, #tpu.memory_space<semaphore_mem>>) src(%dma_wait3A_76 : memref<1024xf32, #tpu.memory_space<vmem>>) dst(%dma_wait3A_74 : memref<1024xf32, #tpu.memory_space<hbm>>)
        tpu.yield
      }) : () -> ()
    }
    %scan3A_7 = arith.constant 80 : i32
    %barrier3A_8 = arith.constant 0 : index
    tpu.barrier barrier_id(%barrier3A_8)
    %eq3A_9 = arith.constant 0 : i32
    %eq3A_10 = arith.cmpi eq, %arg1, %eq3A_9 : i32
    %eq3A_11 = arith.constant 0 : i32
    %eq3A_12 = arith.cmpi eq, %arg0, %eq3A_11 : i32
    %and3A = arith.andi %eq3A_10, %eq3A_12 : i1
    %convert_element_type3A_13 = arith.extui %and3A : i1 to i32
    %cond3A_14 = arith.constant 0 : i32
    %cond3A_15 = arith.cmpi ne, %convert_element_type3A_13, %cond3A_14 : i32
    scf.if %cond3A_15 {
      "tpu.region"() ({
        %run_scoped3A = tpu.sem_alloc : memref<!tpu.dma_semaphore, #tpu.memory_space<semaphore_mem>>
        tpu.enqueue_dma source(%arg16 : memref<10016x128xf32, #tpu.memory_space<vmem_shared>>) target(%arg8 : memref<10016x128xf32, #tpu.memory_space<hbm>>) target_semaphore(%run_scoped3A : memref<!tpu.dma_semaphore, #tpu.memory_space<semaphore_mem>>)
        tpu.wait_dma2 semaphore(%run_scoped3A : memref<!tpu.dma_semaphore, #tpu.memory_space<semaphore_mem>>) src(%arg16 : memref<10016x128xf32, #tpu.memory_space<vmem_shared>>) dst(%arg8 : memref<10016x128xf32, #tpu.memory_space<hbm>>)
        tpu.yield
      }) : () -> ()
    } else {
    }
    %eq3A_16 = arith.constant 0 : i32
    %eq3A_17 = arith.cmpi eq, %arg1, %eq3A_16 : i32
    %eq3A_18 = arith.constant 1 : i32
    %eq3A_19 = arith.cmpi eq, %arg0, %eq3A_18 : i32
    %and3A_20 = arith.andi %eq3A_17, %eq3A_19 : i1
    %convert_element_type3A_21 = arith.extui %and3A_20 : i1 to i32
    %cond3A_22 = arith.constant 0 : i32
    %cond3A_23 = arith.cmpi ne, %convert_element_type3A_21, %cond3A_22 : i32
    scf.if %cond3A_23 {
      "tpu.region"() ({
        %run_scoped3A = tpu.sem_alloc : memref<!tpu.dma_semaphore, #tpu.memory_space<semaphore_mem>>
        tpu.enqueue_dma source(%arg16 : memref<10016x128xf32, #tpu.memory_space<vmem_shared>>) target(%arg9 : memref<10016x128xf32, #tpu.memory_space<hbm>>) target_semaphore(%run_scoped3A : memref<!tpu.dma_semaphore, #tpu.memory_space<semaphore_mem>>)
        tpu.wait_dma2 semaphore(%run_scoped3A : memref<!tpu.dma_semaphore, #tpu.memory_space<semaphore_mem>>) src(%arg16 : memref<10016x128xf32, #tpu.memory_space<vmem_shared>>) dst(%arg9 : memref<10016x128xf32, #tpu.memory_space<hbm>>)
        tpu.yield
      }) : () -> ()
    } else {
    }
    return
  }
}

#map = affine_map<(d0, d1) -> (0, 0, 0)>
#map1 = affine_map<(d0, d1) -> (0, 0)>
#map2 = affine_map<(d0, d1) -> (0)>
module attributes {stable_mosaic.version = 14 : i64} {
  func.func @body(%arg0: i32, %arg1: i32, %arg2: memref<32x80x128xi32, #tpu.memory_space<hbm>>, %arg3: memref<10016x128xf32, #tpu.memory_space<hbm>>, %arg4: memref<2621440xf32, #tpu.memory_space<hbm>>, %arg5: memref<2621440xf32, #tpu.memory_space<hbm>>, %arg6: memref<1x128xi32, #tpu.memory_space<vmem>>, %arg7: memref<128x128xf32, #tpu.memory_space<vmem>>, %arg8: memref<1040xf32, #tpu.memory_space<vmem>>, %arg9: memref<1040xf32, #tpu.memory_space<vmem>>, %arg10: memref<!tpu.dma_semaphore, #tpu.memory_space<semaphore_mem>>) attributes {dimension_semantics = [#tpu.dimension_semantics<core_parallel>, #tpu.dimension_semantics<subcore_parallel>], iteration_bounds = array<i64: 2, 16>, scalar_prefetch = 0 : i64, scratch_operands = 5 : i64, tpu.core_type = #tpu.core_type<sc_vector_subcore>, window_params = [{transform_indices = #map}, {transform_indices = #map1}, {transform_indices = #map2}, {transform_indices = #map2}]} {
    %mul3A = arith.constant 2 : i32
    %mul3A_0 = arith.muli %arg1, %mul3A : i32
    %add3A = arith.addi %mul3A_0, %arg0 : i32
    %scan3A = arith.constant 0 : i32
    %scan3A_1 = arith.constant 0 : i32
    %scan3A_2 = arith.constant 80 : i32
    %scan3A_3 = arith.addi %scan3A_1, %scan3A_2 : i32
    %scan3A_4 = arith.constant 1 : i32
    scf.for %scan3A_6 = %scan3A_1 to %scan3A_3 step %scan3A_4  : i32 {
      "tpu.region"() ({
        %run_scoped3A = tpu.sem_alloc : memref<!tpu.dma_semaphore, #tpu.memory_space<semaphore_mem>>
        %dma_start3A_32 = arith.constant 0 : i32
        %dma_start3A_33 = tpu.memref_slice %arg2[%add3A, %scan3A_6, %dma_start3A_32] : memref<32x80x128xi32, #tpu.memory_space<hbm>> -> memref<1x1x128xi32, #tpu.memory_space<hbm>>
        %dma_start3A_34 = tpu.memref_squeeze %dma_start3A_33 : memref<1x1x128xi32, #tpu.memory_space<hbm>> -> memref<1x128xi32, #tpu.memory_space<hbm>>
        %dma_start3A_35 = arith.constant 0 : i32
        %dma_start3A_36 = tpu.memref_slice %arg2[%add3A, %scan3A_6, %dma_start3A_35] : memref<32x80x128xi32, #tpu.memory_space<hbm>> -> memref<1x1x128xi32, #tpu.memory_space<hbm>>
        %dma_start3A_37 = tpu.memref_squeeze %dma_start3A_36 : memref<1x1x128xi32, #tpu.memory_space<hbm>> -> memref<1x128xi32, #tpu.memory_space<hbm>>
        tpu.enqueue_dma source(%dma_start3A_37 : memref<1x128xi32, #tpu.memory_space<hbm>>) target(%arg6 : memref<1x128xi32, #tpu.memory_space<vmem>>) target_semaphore(%run_scoped3A : memref<!tpu.dma_semaphore, #tpu.memory_space<semaphore_mem>>)
        %dma_wait3A_38 = arith.constant 0 : i32
        %dma_wait3A_39 = tpu.memref_slice %arg2[%add3A, %scan3A_6, %dma_wait3A_38] : memref<32x80x128xi32, #tpu.memory_space<hbm>> -> memref<1x1x128xi32, #tpu.memory_space<hbm>>
        %dma_wait3A_40 = tpu.memref_squeeze %dma_wait3A_39 : memref<1x1x128xi32, #tpu.memory_space<hbm>> -> memref<1x128xi32, #tpu.memory_space<hbm>>
        %dma_wait3A_41 = arith.constant 0 : i32
        %dma_wait3A_42 = tpu.memref_slice %arg2[%add3A, %scan3A_6, %dma_wait3A_41] : memref<32x80x128xi32, #tpu.memory_space<hbm>> -> memref<1x1x128xi32, #tpu.memory_space<hbm>>
        %dma_wait3A_43 = tpu.memref_squeeze %dma_wait3A_42 : memref<1x1x128xi32, #tpu.memory_space<hbm>> -> memref<1x128xi32, #tpu.memory_space<hbm>>
        tpu.wait_dma2 semaphore(%run_scoped3A : memref<!tpu.dma_semaphore, #tpu.memory_space<semaphore_mem>>) src(%dma_wait3A_43 : memref<1x128xi32, #tpu.memory_space<hbm>>) dst(%arg6 : memref<1x128xi32, #tpu.memory_space<vmem>>)
        tpu.yield
      }) : () -> ()
      %dma_start3A = arith.constant 0 : i32
      %dma_start3A_7 = arith.constant 0 : i32
      %dma_start3A_8 = tpu.memref_slice %arg6[%dma_start3A, %dma_start3A_7] : memref<1x128xi32, #tpu.memory_space<vmem>> -> memref<1x128xi32, #tpu.memory_space<vmem>>
      %dma_start3A_9 = tpu.memref_squeeze %dma_start3A_8 : memref<1x128xi32, #tpu.memory_space<vmem>> -> memref<128xi32, #tpu.memory_space<vmem>>
      %dma_start3A_10 = arith.constant 0 : i32
      %dma_start3A_11 = arith.constant 0 : i32
      %dma_start3A_12 = tpu.memref_slice %arg3[%dma_start3A_10, %dma_start3A_11] : memref<10016x128xf32, #tpu.memory_space<hbm>> -> memref<10016x128xf32, #tpu.memory_space<hbm>>
      tpu.enqueue_indirect_dma source(%dma_start3A_12 : memref<10016x128xf32, #tpu.memory_space<hbm>>) target(%arg7 : memref<128x128xf32, #tpu.memory_space<vmem>>) offsets(%dma_start3A_9 : memref<128xi32, #tpu.memory_space<vmem>>) semaphore(%arg10 : memref<!tpu.dma_semaphore, #tpu.memory_space<semaphore_mem>>)
      %mul3A_13 = arith.constant 10240 : i32
      %mul3A_14 = arith.muli %add3A, %mul3A_13 : i32
      %mul3A_15 = arith.constant 128 : i32
      %mul3A_16 = arith.muli %scan3A_6, %mul3A_15 : i32
      %add3A_17 = arith.addi %mul3A_14, %mul3A_16 : i32
      %mul3A_18 = arith.constant 8 : i32
      %mul3A_19 = arith.muli %add3A_17, %mul3A_18 : i32
      "tpu.region"() ({
        %run_scoped3A = tpu.sem_alloc : memref<!tpu.dma_semaphore, #tpu.memory_space<semaphore_mem>>
        %dma_start3A_32 = arith.constant 0 : i32
        %dma_start3A_33 = tpu.memref_slice %arg8[%dma_start3A_32] : memref<1040xf32, #tpu.memory_space<vmem>> -> memref<1024xf32, #tpu.memory_space<vmem>>
        %dma_start3A_34 = tpu.memref_slice %arg4[%mul3A_19] : memref<2621440xf32, #tpu.memory_space<hbm>> -> memref<1024xf32, #tpu.memory_space<hbm>>
        %dma_start3A_35 = arith.constant 0 : i32
        %dma_start3A_36 = tpu.memref_slice %arg8[%dma_start3A_35] : memref<1040xf32, #tpu.memory_space<vmem>> -> memref<1024xf32, #tpu.memory_space<vmem>>
        %dma_start3A_37 = tpu.memref_slice %arg4[%mul3A_19] : memref<2621440xf32, #tpu.memory_space<hbm>> -> memref<1024xf32, #tpu.memory_space<hbm>>
        tpu.enqueue_dma source(%dma_start3A_37 : memref<1024xf32, #tpu.memory_space<hbm>>) target(%dma_start3A_36 : memref<1024xf32, #tpu.memory_space<vmem>>) target_semaphore(%run_scoped3A : memref<!tpu.dma_semaphore, #tpu.memory_space<semaphore_mem>>)
        %dma_wait3A_38 = arith.constant 0 : i32
        %dma_wait3A_39 = tpu.memref_slice %arg8[%dma_wait3A_38] : memref<1040xf32, #tpu.memory_space<vmem>> -> memref<1024xf32, #tpu.memory_space<vmem>>
        %dma_wait3A_40 = tpu.memref_slice %arg4[%mul3A_19] : memref<2621440xf32, #tpu.memory_space<hbm>> -> memref<1024xf32, #tpu.memory_space<hbm>>
        %dma_wait3A_41 = arith.constant 0 : i32
        %dma_wait3A_42 = tpu.memref_slice %arg8[%dma_wait3A_41] : memref<1040xf32, #tpu.memory_space<vmem>> -> memref<1024xf32, #tpu.memory_space<vmem>>
        %dma_wait3A_43 = tpu.memref_slice %arg4[%mul3A_19] : memref<2621440xf32, #tpu.memory_space<hbm>> -> memref<1024xf32, #tpu.memory_space<hbm>>
        tpu.wait_dma2 semaphore(%run_scoped3A : memref<!tpu.dma_semaphore, #tpu.memory_space<semaphore_mem>>) src(%dma_wait3A_43 : memref<1024xf32, #tpu.memory_space<hbm>>) dst(%dma_wait3A_42 : memref<1024xf32, #tpu.memory_space<vmem>>)
        tpu.yield
      }) : () -> ()
      %dma_wait3A = arith.constant 0 : i32
      %dma_wait3A_20 = arith.constant 0 : i32
      %dma_wait3A_21 = tpu.memref_slice %arg6[%dma_wait3A, %dma_wait3A_20] : memref<1x128xi32, #tpu.memory_space<vmem>> -> memref<1x128xi32, #tpu.memory_space<vmem>>
      %dma_wait3A_22 = tpu.memref_squeeze %dma_wait3A_21 : memref<1x128xi32, #tpu.memory_space<vmem>> -> memref<128xi32, #tpu.memory_space<vmem>>
      %dma_wait3A_23 = arith.constant 0 : i32
      %dma_wait3A_24 = arith.constant 0 : i32
      %dma_wait3A_25 = tpu.memref_slice %arg3[%dma_wait3A_23, %dma_wait3A_24] : memref<10016x128xf32, #tpu.memory_space<hbm>> -> memref<10016x128xf32, #tpu.memory_space<hbm>>
      tpu.wait_indirect_dma semaphore(%arg10 : memref<!tpu.dma_semaphore, #tpu.memory_space<semaphore_mem>>) src(%dma_wait3A_25 : memref<10016x128xf32, #tpu.memory_space<hbm>>) dst(%arg7 : memref<128x128xf32, #tpu.memory_space<vmem>>)
      %scan3A_26 = arith.constant 0 : i32
      %scan3A_27 = arith.constant 0 : i32
      %scan3A_28 = arith.constant 128 : i32
      %scan3A_29 = arith.addi %scan3A_27, %scan3A_28 : i32
      %scan3A_30 = arith.constant 1 : i32
      scf.for %scan3A_32 = %scan3A_27 to %scan3A_29 step %scan3A_30  : i32 {
        %get3A = arith.index_cast %scan3A_32 : i32 to index
        %get3A_33 = arith.constant 8 : index
        %get3A_34 = tpu.vector_load %arg7[%get3A, %get3A_33] {strides = array<i32>} : memref<128x128xf32, #tpu.memory_space<vmem>>, vector<1x16xf32>,
        %get3A_35 = vector.shape_cast %get3A_34 : vector<1x16xf32> to vector<16xf32>
        %mul3A_36 = arith.constant 8 : i32
        %mul3A_37 = arith.muli %mul3A_36, %scan3A_32 : i32
        %get3A_38 = arith.index_cast %mul3A_37 : i32 to index
        %get3A_39 = tpu.vector_load %arg8[%get3A_38] {strides = array<i32>} : memref<1040xf32, #tpu.memory_space<vmem>>, vector<16xf32>,
        %get3A_40 = vector.shape_cast %get3A_39 : vector<16xf32> to vector<16xf32>
        %mul3A_41 = arith.mulf %get3A_40, %get3A_35 : vector<16xf32>
        %mul3A_42 = arith.constant 8 : i32
        %mul3A_43 = arith.muli %mul3A_42, %scan3A_32 : i32
        %swap3A = arith.index_cast %mul3A_43 : i32 to index
        %swap3A_44 = tpu.vector_load %arg9[%swap3A] {strides = array<i32>} : memref<1040xf32, #tpu.memory_space<vmem>>, vector<16xf32>,
        %swap3A_45 = vector.shape_cast %swap3A_44 : vector<16xf32> to vector<16xf32>
        %swap3A_46 = vector.shape_cast %mul3A_41 : vector<16xf32> to vector<16xf32>
        tpu.vector_store %arg9[%swap3A], %swap3A_46 {strides = array<i32>} : memref<1040xf32, #tpu.memory_space<vmem>>, vector<16xf32>,
      }
      %scan3A_31 = arith.constant 128 : i32
      "tpu.region"() ({
        %run_scoped3A = tpu.sem_alloc : memref<!tpu.dma_semaphore, #tpu.memory_space<semaphore_mem>>
        %dma_start3A_32 = arith.constant 0 : i32
        %dma_start3A_33 = tpu.memref_slice %arg9[%dma_start3A_32] : memref<1040xf32, #tpu.memory_space<vmem>> -> memref<1024xf32, #tpu.memory_space<vmem>>
        %dma_start3A_34 = tpu.memref_slice %arg5[%mul3A_19] : memref<2621440xf32, #tpu.memory_space<hbm>> -> memref<1024xf32, #tpu.memory_space<hbm>>
        %dma_start3A_35 = tpu.memref_slice %arg5[%mul3A_19] : memref<2621440xf32, #tpu.memory_space<hbm>> -> memref<1024xf32, #tpu.memory_space<hbm>>
        %dma_start3A_36 = arith.constant 0 : i32
        %dma_start3A_37 = tpu.memref_slice %arg9[%dma_start3A_36] : memref<1040xf32, #tpu.memory_space<vmem>> -> memref<1024xf32, #tpu.memory_space<vmem>>
        tpu.enqueue_dma source(%dma_start3A_37 : memref<1024xf32, #tpu.memory_space<vmem>>) target(%dma_start3A_35 : memref<1024xf32, #tpu.memory_space<hbm>>) target_semaphore(%run_scoped3A : memref<!tpu.dma_semaphore, #tpu.memory_space<semaphore_mem>>)
        %dma_wait3A_38 = arith.constant 0 : i32
        %dma_wait3A_39 = tpu.memref_slice %arg9[%dma_wait3A_38] : memref<1040xf32, #tpu.memory_space<vmem>> -> memref<1024xf32, #tpu.memory_space<vmem>>
        %dma_wait3A_40 = tpu.memref_slice %arg5[%mul3A_19] : memref<2621440xf32, #tpu.memory_space<hbm>> -> memref<1024xf32, #tpu.memory_space<hbm>>
        %dma_wait3A_41 = tpu.memref_slice %arg5[%mul3A_19] : memref<2621440xf32, #tpu.memory_space<hbm>> -> memref<1024xf32, #tpu.memory_space<hbm>>
        %dma_wait3A_42 = arith.constant 0 : i32
        %dma_wait3A_43 = tpu.memref_slice %arg9[%dma_wait3A_42] : memref<1040xf32, #tpu.memory_space<vmem>> -> memref<1024xf32, #tpu.memory_space<vmem>>
        tpu.wait_dma2 semaphore(%run_scoped3A : memref<!tpu.dma_semaphore, #tpu.memory_space<semaphore_mem>>) src(%dma_wait3A_43 : memref<1024xf32, #tpu.memory_space<vmem>>) dst(%dma_wait3A_41 : memref<1024xf32, #tpu.memory_space<hbm>>)
        tpu.yield
      }) : () -> ()
    }
    %scan3A_5 = arith.constant 80 : i32
    return
  }
}

#map = affine_map<(d0, d1) -> (0, 0, 0)>
#map1 = affine_map<(d0, d1) -> (0, 0)>
#map2 = affine_map<(d0, d1) -> (0)>
module attributes {stable_mosaic.version = 14 : i64} {
  func.func @body(%arg0: i32, %arg1: i32, %arg2: memref<32x80x128xi32, #tpu.memory_space<hbm>>, %arg3: memref<32x80x128xi32, #tpu.memory_space<hbm>>, %arg4: memref<10000x128xf32, #tpu.memory_space<hbm>>, %arg5: memref<2621440xf32, #tpu.memory_space<hbm>>, %arg6: memref<10016x128xf32, #tpu.memory_space<hbm>>, %arg7: memref<10016x128xf32, #tpu.memory_space<hbm>>, %arg8: memref<10016x128xf32, #tpu.memory_space<hbm>>, %arg9: memref<2x128xi32, #tpu.memory_space<vmem>>, %arg10: memref<2x128xi32, #tpu.memory_space<vmem>>, %arg11: memref<2x128x128xf32, #tpu.memory_space<vmem>>, %arg12: memref<2080xf32, #tpu.memory_space<vmem>>, %arg13: memref<10016x128xf32, #tpu.memory_space<vmem_shared>>, %arg14: memref<!tpu.dma_semaphore, #tpu.memory_space<semaphore_mem>>) attributes {dimension_semantics = [#tpu.dimension_semantics<core_parallel>, #tpu.dimension_semantics<subcore_parallel>], iteration_bounds = array<i64: 2, 16>, scalar_prefetch = 0 : i64, scratch_operands = 6 : i64, tpu.core_type = #tpu.core_type<sc_vector_subcore>, window_params = [{transform_indices = #map}, {transform_indices = #map}, {transform_indices = #map1}, {transform_indices = #map2}, {transform_indices = #map1}, {transform_indices = #map1}, {transform_indices = #map1}]} {
    %eq3A = arith.constant 0 : i32
    %eq3A_0 = arith.cmpi eq, %arg1, %eq3A : i32
    %convert_element_type3A = arith.extui %eq3A_0 : i1 to i32
    %cond3A = arith.constant 0 : i32
    %cond3A_1 = arith.cmpi ne, %convert_element_type3A, %cond3A : i32
    scf.if %cond3A_1 {
      "tpu.region"() ({
        %run_scoped3A = tpu.sem_alloc : memref<!tpu.dma_semaphore, #tpu.memory_space<semaphore_mem>>
        tpu.enqueue_dma source(%arg6 : memref<10016x128xf32, #tpu.memory_space<hbm>>) target(%arg13 : memref<10016x128xf32, #tpu.memory_space<vmem_shared>>) target_semaphore(%run_scoped3A : memref<!tpu.dma_semaphore, #tpu.memory_space<semaphore_mem>>)
        tpu.wait_dma2 semaphore(%run_scoped3A : memref<!tpu.dma_semaphore, #tpu.memory_space<semaphore_mem>>) src(%arg6 : memref<10016x128xf32, #tpu.memory_space<hbm>>) dst(%arg13 : memref<10016x128xf32, #tpu.memory_space<vmem_shared>>)
        tpu.yield
      }) : () -> ()
    } else {
    }
    %barrier3A = arith.constant 0 : index
    tpu.barrier barrier_id(%barrier3A)
    %mul3A = arith.constant 2 : i32
    %mul3A_2 = arith.muli %arg1, %mul3A : i32
    %add3A = arith.addi %mul3A_2, %arg0 : i32
    %iota3A = tpu.iota {dimensions = array<i32: 0>} : vector<16xi32>
    %scan3A = arith.constant 0 : i32
    %scan3A_3 = arith.constant 0 : i32
    %scan3A_4 = arith.constant 40 : i32
    %scan3A_5 = arith.addi %scan3A_3, %scan3A_4 : i32
    %scan3A_6 = arith.constant 1 : i32
    scf.for %scan3A_24 = %scan3A_3 to %scan3A_5 step %scan3A_6  : i32 {
      %mul3A_25 = arith.constant 2 : i32
      %mul3A_26 = arith.muli %mul3A_25, %scan3A_24 : i32
      %add3A_27 = arith.constant 0 : i32
      %add3A_28 = arith.addi %mul3A_26, %add3A_27 : i32
      "tpu.region"() ({
        %run_scoped3A_108 = tpu.sem_alloc : memref<!tpu.dma_semaphore, #tpu.memory_space<semaphore_mem>>
        %dma_start3A_109 = arith.constant 0 : i32
        %dma_start3A_110 = arith.constant 0 : i32
        %dma_start3A_111 = tpu.memref_slice %arg9[%dma_start3A_109, %dma_start3A_110] : memref<2x128xi32, #tpu.memory_space<vmem>> -> memref<1x128xi32, #tpu.memory_space<vmem>>
        %dma_start3A_112 = arith.constant 0 : i32
        %dma_start3A_113 = tpu.memref_slice %arg2[%add3A, %add3A_28, %dma_start3A_112] : memref<32x80x128xi32, #tpu.memory_space<hbm>> -> memref<1x1x128xi32, #tpu.memory_space<hbm>>
        %dma_start3A_114 = tpu.memref_squeeze %dma_start3A_113 : memref<1x1x128xi32, #tpu.memory_space<hbm>> -> memref<1x128xi32, #tpu.memory_space<hbm>>
        %dma_start3A_115 = arith.constant 0 : i32
        %dma_start3A_116 = arith.constant 0 : i32
        %dma_start3A_117 = tpu.memref_slice %arg9[%dma_start3A_115, %dma_start3A_116] : memref<2x128xi32, #tpu.memory_space<vmem>> -> memref<1x128xi32, #tpu.memory_space<vmem>>
        %dma_start3A_118 = arith.constant 0 : i32
        %dma_start3A_119 = tpu.memref_slice %arg2[%add3A, %add3A_28, %dma_start3A_118] : memref<32x80x128xi32, #tpu.memory_space<hbm>> -> memref<1x1x128xi32, #tpu.memory_space<hbm>>
        %dma_start3A_120 = tpu.memref_squeeze %dma_start3A_119 : memref<1x1x128xi32, #tpu.memory_space<hbm>> -> memref<1x128xi32, #tpu.memory_space<hbm>>
        tpu.enqueue_dma source(%dma_start3A_120 : memref<1x128xi32, #tpu.memory_space<hbm>>) target(%dma_start3A_117 : memref<1x128xi32, #tpu.memory_space<vmem>>) target_semaphore(%run_scoped3A_108 : memref<!tpu.dma_semaphore, #tpu.memory_space<semaphore_mem>>)
        %dma_wait3A_121 = arith.constant 0 : i32
        %dma_wait3A_122 = arith.constant 0 : i32
        %dma_wait3A_123 = tpu.memref_slice %arg9[%dma_wait3A_121, %dma_wait3A_122] : memref<2x128xi32, #tpu.memory_space<vmem>> -> memref<1x128xi32, #tpu.memory_space<vmem>>
        %dma_wait3A_124 = arith.constant 0 : i32
        %dma_wait3A_125 = tpu.memref_slice %arg2[%add3A, %add3A_28, %dma_wait3A_124] : memref<32x80x128xi32, #tpu.memory_space<hbm>> -> memref<1x1x128xi32, #tpu.memory_space<hbm>>
        %dma_wait3A_126 = tpu.memref_squeeze %dma_wait3A_125 : memref<1x1x128xi32, #tpu.memory_space<hbm>> -> memref<1x128xi32, #tpu.memory_space<hbm>>
        %dma_wait3A_127 = arith.constant 0 : i32
        %dma_wait3A_128 = arith.constant 0 : i32
        %dma_wait3A_129 = tpu.memref_slice %arg9[%dma_wait3A_127, %dma_wait3A_128] : memref<2x128xi32, #tpu.memory_space<vmem>> -> memref<1x128xi32, #tpu.memory_space<vmem>>
        %dma_wait3A_130 = arith.constant 0 : i32
        %dma_wait3A_131 = tpu.memref_slice %arg2[%add3A, %add3A_28, %dma_wait3A_130] : memref<32x80x128xi32, #tpu.memory_space<hbm>> -> memref<1x1x128xi32, #tpu.memory_space<hbm>>
        %dma_wait3A_132 = tpu.memref_squeeze %dma_wait3A_131 : memref<1x1x128xi32, #tpu.memory_space<hbm>> -> memref<1x128xi32, #tpu.memory_space<hbm>>
        tpu.wait_dma2 semaphore(%run_scoped3A_108 : memref<!tpu.dma_semaphore, #tpu.memory_space<semaphore_mem>>) src(%dma_wait3A_132 : memref<1x128xi32, #tpu.memory_space<hbm>>) dst(%dma_wait3A_129 : memref<1x128xi32, #tpu.memory_space<vmem>>)
        tpu.yield
      }) : () -> ()
      "tpu.region"() ({
        %run_scoped3A_108 = tpu.sem_alloc : memref<!tpu.dma_semaphore, #tpu.memory_space<semaphore_mem>>
        %dma_start3A_109 = arith.constant 0 : i32
        %dma_start3A_110 = arith.constant 0 : i32
        %dma_start3A_111 = tpu.memref_slice %arg10[%dma_start3A_109, %dma_start3A_110] : memref<2x128xi32, #tpu.memory_space<vmem>> -> memref<1x128xi32, #tpu.memory_space<vmem>>
        %dma_start3A_112 = arith.constant 0 : i32
        %dma_start3A_113 = tpu.memref_slice %arg3[%add3A, %add3A_28, %dma_start3A_112] : memref<32x80x128xi32, #tpu.memory_space<hbm>> -> memref<1x1x128xi32, #tpu.memory_space<hbm>>
        %dma_start3A_114 = tpu.memref_squeeze %dma_start3A_113 : memref<1x1x128xi32, #tpu.memory_space<hbm>> -> memref<1x128xi32, #tpu.memory_space<hbm>>
        %dma_start3A_115 = arith.constant 0 : i32
        %dma_start3A_116 = arith.constant 0 : i32
        %dma_start3A_117 = tpu.memref_slice %arg10[%dma_start3A_115, %dma_start3A_116] : memref<2x128xi32, #tpu.memory_space<vmem>> -> memref<1x128xi32, #tpu.memory_space<vmem>>
        %dma_start3A_118 = arith.constant 0 : i32
        %dma_start3A_119 = tpu.memref_slice %arg3[%add3A, %add3A_28, %dma_start3A_118] : memref<32x80x128xi32, #tpu.memory_space<hbm>> -> memref<1x1x128xi32, #tpu.memory_space<hbm>>
        %dma_start3A_120 = tpu.memref_squeeze %dma_start3A_119 : memref<1x1x128xi32, #tpu.memory_space<hbm>> -> memref<1x128xi32, #tpu.memory_space<hbm>>
        tpu.enqueue_dma source(%dma_start3A_120 : memref<1x128xi32, #tpu.memory_space<hbm>>) target(%dma_start3A_117 : memref<1x128xi32, #tpu.memory_space<vmem>>) target_semaphore(%run_scoped3A_108 : memref<!tpu.dma_semaphore, #tpu.memory_space<semaphore_mem>>)
        %dma_wait3A_121 = arith.constant 0 : i32
        %dma_wait3A_122 = arith.constant 0 : i32
        %dma_wait3A_123 = tpu.memref_slice %arg10[%dma_wait3A_121, %dma_wait3A_122] : memref<2x128xi32, #tpu.memory_space<vmem>> -> memref<1x128xi32, #tpu.memory_space<vmem>>
        %dma_wait3A_124 = arith.constant 0 : i32
        %dma_wait3A_125 = tpu.memref_slice %arg3[%add3A, %add3A_28, %dma_wait3A_124] : memref<32x80x128xi32, #tpu.memory_space<hbm>> -> memref<1x1x128xi32, #tpu.memory_space<hbm>>
        %dma_wait3A_126 = tpu.memref_squeeze %dma_wait3A_125 : memref<1x1x128xi32, #tpu.memory_space<hbm>> -> memref<1x128xi32, #tpu.memory_space<hbm>>
        %dma_wait3A_127 = arith.constant 0 : i32
        %dma_wait3A_128 = arith.constant 0 : i32
        %dma_wait3A_129 = tpu.memref_slice %arg10[%dma_wait3A_127, %dma_wait3A_128] : memref<2x128xi32, #tpu.memory_space<vmem>> -> memref<1x128xi32, #tpu.memory_space<vmem>>
        %dma_wait3A_130 = arith.constant 0 : i32
        %dma_wait3A_131 = tpu.memref_slice %arg3[%add3A, %add3A_28, %dma_wait3A_130] : memref<32x80x128xi32, #tpu.memory_space<hbm>> -> memref<1x1x128xi32, #tpu.memory_space<hbm>>
        %dma_wait3A_132 = tpu.memref_squeeze %dma_wait3A_131 : memref<1x1x128xi32, #tpu.memory_space<hbm>> -> memref<1x128xi32, #tpu.memory_space<hbm>>
        tpu.wait_dma2 semaphore(%run_scoped3A_108 : memref<!tpu.dma_semaphore, #tpu.memory_space<semaphore_mem>>) src(%dma_wait3A_132 : memref<1x128xi32, #tpu.memory_space<hbm>>) dst(%dma_wait3A_129 : memref<1x128xi32, #tpu.memory_space<vmem>>)
        tpu.yield
      }) : () -> ()
      %dma_start3A = arith.constant 0 : i32
      %dma_start3A_29 = arith.constant 0 : i32
      %dma_start3A_30 = arith.constant 0 : i32
      %dma_start3A_31 = arith.constant 0 : i32
      %dma_start3A_32 = tpu.memref_slice %arg11[%dma_start3A_29, %dma_start3A_30, %dma_start3A_31] : memref<2x128x128xf32, #tpu.memory_space<vmem>> -> memref<1x128x128xf32, #tpu.memory_space<vmem>>
      %dma_start3A_33 = tpu.memref_squeeze %dma_start3A_32 : memref<1x128x128xf32, #tpu.memory_space<vmem>> -> memref<128x128xf32, #tpu.memory_space<vmem>>
      %dma_start3A_34 = arith.constant 0 : i32
      %dma_start3A_35 = tpu.memref_slice %arg9[%dma_start3A, %dma_start3A_34] : memref<2x128xi32, #tpu.memory_space<vmem>> -> memref<1x128xi32, #tpu.memory_space<vmem>>
      %dma_start3A_36 = tpu.memref_squeeze %dma_start3A_35 : memref<1x128xi32, #tpu.memory_space<vmem>> -> memref<128xi32, #tpu.memory_space<vmem>>
      %dma_start3A_37 = arith.constant 0 : i32
      %dma_start3A_38 = arith.constant 0 : i32
      %dma_start3A_39 = tpu.memref_slice %arg4[%dma_start3A_37, %dma_start3A_38] : memref<10000x128xf32, #tpu.memory_space<hbm>> -> memref<10000x128xf32, #tpu.memory_space<hbm>>
      tpu.enqueue_indirect_dma source(%dma_start3A_39 : memref<10000x128xf32, #tpu.memory_space<hbm>>) target(%dma_start3A_33 : memref<128x128xf32, #tpu.memory_space<vmem>>) offsets(%dma_start3A_36 : memref<128xi32, #tpu.memory_space<vmem>>) semaphore(%arg14 : memref<!tpu.dma_semaphore, #tpu.memory_space<semaphore_mem>>)
      %mul3A_40 = arith.constant 10240 : i32
      %mul3A_41 = arith.muli %add3A, %mul3A_40 : i32
      %mul3A_42 = arith.constant 128 : i32
      %mul3A_43 = arith.muli %add3A_28, %mul3A_42 : i32
      %add3A_44 = arith.addi %mul3A_41, %mul3A_43 : i32
      %mul3A_45 = arith.constant 8 : i32
      %mul3A_46 = arith.muli %add3A_44, %mul3A_45 : i32
      "tpu.region"() ({
        %run_scoped3A_108 = tpu.sem_alloc : memref<!tpu.dma_semaphore, #tpu.memory_space<semaphore_mem>>
        %dma_start3A_109 = arith.constant 0 : i32
        %dma_start3A_110 = tpu.memref_slice %arg12[%dma_start3A_109] : memref<2080xf32, #tpu.memory_space<vmem>> -> memref<1024xf32, #tpu.memory_space<vmem>>
        %dma_start3A_111 = tpu.memref_slice %arg5[%mul3A_46] : memref<2621440xf32, #tpu.memory_space<hbm>> -> memref<1024xf32, #tpu.memory_space<hbm>>
        %dma_start3A_112 = arith.constant 0 : i32
        %dma_start3A_113 = tpu.memref_slice %arg12[%dma_start3A_112] : memref<2080xf32, #tpu.memory_space<vmem>> -> memref<1024xf32, #tpu.memory_space<vmem>>
        %dma_start3A_114 = tpu.memref_slice %arg5[%mul3A_46] : memref<2621440xf32, #tpu.memory_space<hbm>> -> memref<1024xf32, #tpu.memory_space<hbm>>
        tpu.enqueue_dma source(%dma_start3A_114 : memref<1024xf32, #tpu.memory_space<hbm>>) target(%dma_start3A_113 : memref<1024xf32, #tpu.memory_space<vmem>>) target_semaphore(%run_scoped3A_108 : memref<!tpu.dma_semaphore, #tpu.memory_space<semaphore_mem>>)
        %dma_wait3A_115 = arith.constant 0 : i32
        %dma_wait3A_116 = tpu.memref_slice %arg12[%dma_wait3A_115] : memref<2080xf32, #tpu.memory_space<vmem>> -> memref<1024xf32, #tpu.memory_space<vmem>>
        %dma_wait3A_117 = tpu.memref_slice %arg5[%mul3A_46] : memref<2621440xf32, #tpu.memory_space<hbm>> -> memref<1024xf32, #tpu.memory_space<hbm>>
        %dma_wait3A_118 = arith.constant 0 : i32
        %dma_wait3A_119 = tpu.memref_slice %arg12[%dma_wait3A_118] : memref<2080xf32, #tpu.memory_space<vmem>> -> memref<1024xf32, #tpu.memory_space<vmem>>
        %dma_wait3A_120 = tpu.memref_slice %arg5[%mul3A_46] : memref<2621440xf32, #tpu.memory_space<hbm>> -> memref<1024xf32, #tpu.memory_space<hbm>>
        tpu.wait_dma2 semaphore(%run_scoped3A_108 : memref<!tpu.dma_semaphore, #tpu.memory_space<semaphore_mem>>) src(%dma_wait3A_120 : memref<1024xf32, #tpu.memory_space<hbm>>) dst(%dma_wait3A_119 : memref<1024xf32, #tpu.memory_space<vmem>>)
        tpu.yield
      }) : () -> ()
      %mul3A_47 = arith.constant 2 : i32
      %mul3A_48 = arith.muli %mul3A_47, %scan3A_24 : i32
      %add3A_49 = arith.constant 1 : i32
      %add3A_50 = arith.addi %mul3A_48, %add3A_49 : i32
      "tpu.region"() ({
        %run_scoped3A_108 = tpu.sem_alloc : memref<!tpu.dma_semaphore, #tpu.memory_space<semaphore_mem>>
        %dma_start3A_109 = arith.constant 1 : i32
        %dma_start3A_110 = arith.constant 0 : i32
        %dma_start3A_111 = tpu.memref_slice %arg9[%dma_start3A_109, %dma_start3A_110] : memref<2x128xi32, #tpu.memory_space<vmem>> -> memref<1x128xi32, #tpu.memory_space<vmem>>
        %dma_start3A_112 = arith.constant 0 : i32
        %dma_start3A_113 = tpu.memref_slice %arg2[%add3A, %add3A_50, %dma_start3A_112] : memref<32x80x128xi32, #tpu.memory_space<hbm>> -> memref<1x1x128xi32, #tpu.memory_space<hbm>>
        %dma_start3A_114 = tpu.memref_squeeze %dma_start3A_113 : memref<1x1x128xi32, #tpu.memory_space<hbm>> -> memref<1x128xi32, #tpu.memory_space<hbm>>
        %dma_start3A_115 = arith.constant 1 : i32
        %dma_start3A_116 = arith.constant 0 : i32
        %dma_start3A_117 = tpu.memref_slice %arg9[%dma_start3A_115, %dma_start3A_116] : memref<2x128xi32, #tpu.memory_space<vmem>> -> memref<1x128xi32, #tpu.memory_space<vmem>>
        %dma_start3A_118 = arith.constant 0 : i32
        %dma_start3A_119 = tpu.memref_slice %arg2[%add3A, %add3A_50, %dma_start3A_118] : memref<32x80x128xi32, #tpu.memory_space<hbm>> -> memref<1x1x128xi32, #tpu.memory_space<hbm>>
        %dma_start3A_120 = tpu.memref_squeeze %dma_start3A_119 : memref<1x1x128xi32, #tpu.memory_space<hbm>> -> memref<1x128xi32, #tpu.memory_space<hbm>>
        tpu.enqueue_dma source(%dma_start3A_120 : memref<1x128xi32, #tpu.memory_space<hbm>>) target(%dma_start3A_117 : memref<1x128xi32, #tpu.memory_space<vmem>>) target_semaphore(%run_scoped3A_108 : memref<!tpu.dma_semaphore, #tpu.memory_space<semaphore_mem>>)
        %dma_wait3A_121 = arith.constant 1 : i32
        %dma_wait3A_122 = arith.constant 0 : i32
        %dma_wait3A_123 = tpu.memref_slice %arg9[%dma_wait3A_121, %dma_wait3A_122] : memref<2x128xi32, #tpu.memory_space<vmem>> -> memref<1x128xi32, #tpu.memory_space<vmem>>
        %dma_wait3A_124 = arith.constant 0 : i32
        %dma_wait3A_125 = tpu.memref_slice %arg2[%add3A, %add3A_50, %dma_wait3A_124] : memref<32x80x128xi32, #tpu.memory_space<hbm>> -> memref<1x1x128xi32, #tpu.memory_space<hbm>>
        %dma_wait3A_126 = tpu.memref_squeeze %dma_wait3A_125 : memref<1x1x128xi32, #tpu.memory_space<hbm>> -> memref<1x128xi32, #tpu.memory_space<hbm>>
        %dma_wait3A_127 = arith.constant 1 : i32
        %dma_wait3A_128 = arith.constant 0 : i32
        %dma_wait3A_129 = tpu.memref_slice %arg9[%dma_wait3A_127, %dma_wait3A_128] : memref<2x128xi32, #tpu.memory_space<vmem>> -> memref<1x128xi32, #tpu.memory_space<vmem>>
        %dma_wait3A_130 = arith.constant 0 : i32
        %dma_wait3A_131 = tpu.memref_slice %arg2[%add3A, %add3A_50, %dma_wait3A_130] : memref<32x80x128xi32, #tpu.memory_space<hbm>> -> memref<1x1x128xi32, #tpu.memory_space<hbm>>
        %dma_wait3A_132 = tpu.memref_squeeze %dma_wait3A_131 : memref<1x1x128xi32, #tpu.memory_space<hbm>> -> memref<1x128xi32, #tpu.memory_space<hbm>>
        tpu.wait_dma2 semaphore(%run_scoped3A_108 : memref<!tpu.dma_semaphore, #tpu.memory_space<semaphore_mem>>) src(%dma_wait3A_132 : memref<1x128xi32, #tpu.memory_space<hbm>>) dst(%dma_wait3A_129 : memref<1x128xi32, #tpu.memory_space<vmem>>)
        tpu.yield
      }) : () -> ()
      "tpu.region"() ({
        %run_scoped3A_108 = tpu.sem_alloc : memref<!tpu.dma_semaphore, #tpu.memory_space<semaphore_mem>>
        %dma_start3A_109 = arith.constant 1 : i32
        %dma_start3A_110 = arith.constant 0 : i32
        %dma_start3A_111 = tpu.memref_slice %arg10[%dma_start3A_109, %dma_start3A_110] : memref<2x128xi32, #tpu.memory_space<vmem>> -> memref<1x128xi32, #tpu.memory_space<vmem>>
        %dma_start3A_112 = arith.constant 0 : i32
        %dma_start3A_113 = tpu.memref_slice %arg3[%add3A, %add3A_50, %dma_start3A_112] : memref<32x80x128xi32, #tpu.memory_space<hbm>> -> memref<1x1x128xi32, #tpu.memory_space<hbm>>
        %dma_start3A_114 = tpu.memref_squeeze %dma_start3A_113 : memref<1x1x128xi32, #tpu.memory_space<hbm>> -> memref<1x128xi32, #tpu.memory_space<hbm>>
        %dma_start3A_115 = arith.constant 1 : i32
        %dma_start3A_116 = arith.constant 0 : i32
        %dma_start3A_117 = tpu.memref_slice %arg10[%dma_start3A_115, %dma_start3A_116] : memref<2x128xi32, #tpu.memory_space<vmem>> -> memref<1x128xi32, #tpu.memory_space<vmem>>
        %dma_start3A_118 = arith.constant 0 : i32
        %dma_start3A_119 = tpu.memref_slice %arg3[%add3A, %add3A_50, %dma_start3A_118] : memref<32x80x128xi32, #tpu.memory_space<hbm>> -> memref<1x1x128xi32, #tpu.memory_space<hbm>>
        %dma_start3A_120 = tpu.memref_squeeze %dma_start3A_119 : memref<1x1x128xi32, #tpu.memory_space<hbm>> -> memref<1x128xi32, #tpu.memory_space<hbm>>
        tpu.enqueue_dma source(%dma_start3A_120 : memref<1x128xi32, #tpu.memory_space<hbm>>) target(%dma_start3A_117 : memref<1x128xi32, #tpu.memory_space<vmem>>) target_semaphore(%run_scoped3A_108 : memref<!tpu.dma_semaphore, #tpu.memory_space<semaphore_mem>>)
        %dma_wait3A_121 = arith.constant 1 : i32
        %dma_wait3A_122 = arith.constant 0 : i32
        %dma_wait3A_123 = tpu.memref_slice %arg10[%dma_wait3A_121, %dma_wait3A_122] : memref<2x128xi32, #tpu.memory_space<vmem>> -> memref<1x128xi32, #tpu.memory_space<vmem>>
        %dma_wait3A_124 = arith.constant 0 : i32
        %dma_wait3A_125 = tpu.memref_slice %arg3[%add3A, %add3A_50, %dma_wait3A_124] : memref<32x80x128xi32, #tpu.memory_space<hbm>> -> memref<1x1x128xi32, #tpu.memory_space<hbm>>
        %dma_wait3A_126 = tpu.memref_squeeze %dma_wait3A_125 : memref<1x1x128xi32, #tpu.memory_space<hbm>> -> memref<1x128xi32, #tpu.memory_space<hbm>>
        %dma_wait3A_127 = arith.constant 1 : i32
        %dma_wait3A_128 = arith.constant 0 : i32
        %dma_wait3A_129 = tpu.memref_slice %arg10[%dma_wait3A_127, %dma_wait3A_128] : memref<2x128xi32, #tpu.memory_space<vmem>> -> memref<1x128xi32, #tpu.memory_space<vmem>>
        %dma_wait3A_130 = arith.constant 0 : i32
        %dma_wait3A_131 = tpu.memref_slice %arg3[%add3A, %add3A_50, %dma_wait3A_130] : memref<32x80x128xi32, #tpu.memory_space<hbm>> -> memref<1x1x128xi32, #tpu.memory_space<hbm>>
        %dma_wait3A_132 = tpu.memref_squeeze %dma_wait3A_131 : memref<1x1x128xi32, #tpu.memory_space<hbm>> -> memref<1x128xi32, #tpu.memory_space<hbm>>
        tpu.wait_dma2 semaphore(%run_scoped3A_108 : memref<!tpu.dma_semaphore, #tpu.memory_space<semaphore_mem>>) src(%dma_wait3A_132 : memref<1x128xi32, #tpu.memory_space<hbm>>) dst(%dma_wait3A_129 : memref<1x128xi32, #tpu.memory_space<vmem>>)
        tpu.yield
      }) : () -> ()
      %dma_start3A_51 = arith.constant 1 : i32
      %dma_start3A_52 = arith.constant 1 : i32
      %dma_start3A_53 = arith.constant 0 : i32
      %dma_start3A_54 = arith.constant 0 : i32
      %dma_start3A_55 = tpu.memref_slice %arg11[%dma_start3A_52, %dma_start3A_53, %dma_start3A_54] : memref<2x128x128xf32, #tpu.memory_space<vmem>> -> memref<1x128x128xf32, #tpu.memory_space<vmem>>
      %dma_start3A_56 = tpu.memref_squeeze %dma_start3A_55 : memref<1x128x128xf32, #tpu.memory_space<vmem>> -> memref<128x128xf32, #tpu.memory_space<vmem>>
      %dma_start3A_57 = arith.constant 0 : i32
      %dma_start3A_58 = tpu.memref_slice %arg9[%dma_start3A_51, %dma_start3A_57] : memref<2x128xi32, #tpu.memory_space<vmem>> -> memref<1x128xi32, #tpu.memory_space<vmem>>
      %dma_start3A_59 = tpu.memref_squeeze %dma_start3A_58 : memref<1x128xi32, #tpu.memory_space<vmem>> -> memref<128xi32, #tpu.memory_space<vmem>>
      %dma_start3A_60 = arith.constant 0 : i32
      %dma_start3A_61 = arith.constant 0 : i32
      %dma_start3A_62 = tpu.memref_slice %arg4[%dma_start3A_60, %dma_start3A_61] : memref<10000x128xf32, #tpu.memory_space<hbm>> -> memref<10000x128xf32, #tpu.memory_space<hbm>>
      tpu.enqueue_indirect_dma source(%dma_start3A_62 : memref<10000x128xf32, #tpu.memory_space<hbm>>) target(%dma_start3A_56 : memref<128x128xf32, #tpu.memory_space<vmem>>) offsets(%dma_start3A_59 : memref<128xi32, #tpu.memory_space<vmem>>) semaphore(%arg14 : memref<!tpu.dma_semaphore, #tpu.memory_space<semaphore_mem>>)
      %mul3A_63 = arith.constant 10240 : i32
      %mul3A_64 = arith.muli %add3A, %mul3A_63 : i32
      %mul3A_65 = arith.constant 128 : i32
      %mul3A_66 = arith.muli %add3A_50, %mul3A_65 : i32
      %add3A_67 = arith.addi %mul3A_64, %mul3A_66 : i32
      %mul3A_68 = arith.constant 8 : i32
      %mul3A_69 = arith.muli %add3A_67, %mul3A_68 : i32
      "tpu.region"() ({
        %run_scoped3A_108 = tpu.sem_alloc : memref<!tpu.dma_semaphore, #tpu.memory_space<semaphore_mem>>
        %dma_start3A_109 = arith.constant 1040 : i32
        %dma_start3A_110 = tpu.memref_slice %arg12[%dma_start3A_109] : memref<2080xf32, #tpu.memory_space<vmem>> -> memref<1024xf32, #tpu.memory_space<vmem>>
        %dma_start3A_111 = tpu.memref_slice %arg5[%mul3A_69] : memref<2621440xf32, #tpu.memory_space<hbm>> -> memref<1024xf32, #tpu.memory_space<hbm>>
        %dma_start3A_112 = arith.constant 1040 : i32
        %dma_start3A_113 = tpu.memref_slice %arg12[%dma_start3A_112] : memref<2080xf32, #tpu.memory_space<vmem>> -> memref<1024xf32, #tpu.memory_space<vmem>>
        %dma_start3A_114 = tpu.memref_slice %arg5[%mul3A_69] : memref<2621440xf32, #tpu.memory_space<hbm>> -> memref<1024xf32, #tpu.memory_space<hbm>>
        tpu.enqueue_dma source(%dma_start3A_114 : memref<1024xf32, #tpu.memory_space<hbm>>) target(%dma_start3A_113 : memref<1024xf32, #tpu.memory_space<vmem>>) target_semaphore(%run_scoped3A_108 : memref<!tpu.dma_semaphore, #tpu.memory_space<semaphore_mem>>)
        %dma_wait3A_115 = arith.constant 1040 : i32
        %dma_wait3A_116 = tpu.memref_slice %arg12[%dma_wait3A_115] : memref<2080xf32, #tpu.memory_space<vmem>> -> memref<1024xf32, #tpu.memory_space<vmem>>
        %dma_wait3A_117 = tpu.memref_slice %arg5[%mul3A_69] : memref<2621440xf32, #tpu.memory_space<hbm>> -> memref<1024xf32, #tpu.memory_space<hbm>>
        %dma_wait3A_118 = arith.constant 1040 : i32
        %dma_wait3A_119 = tpu.memref_slice %arg12[%dma_wait3A_118] : memref<2080xf32, #tpu.memory_space<vmem>> -> memref<1024xf32, #tpu.memory_space<vmem>>
        %dma_wait3A_120 = tpu.memref_slice %arg5[%mul3A_69] : memref<2621440xf32, #tpu.memory_space<hbm>> -> memref<1024xf32, #tpu.memory_space<hbm>>
        tpu.wait_dma2 semaphore(%run_scoped3A_108 : memref<!tpu.dma_semaphore, #tpu.memory_space<semaphore_mem>>) src(%dma_wait3A_120 : memref<1024xf32, #tpu.memory_space<hbm>>) dst(%dma_wait3A_119 : memref<1024xf32, #tpu.memory_space<vmem>>)
        tpu.yield
      }) : () -> ()
      %dma_wait3A = arith.constant 0 : i32
      %dma_wait3A_70 = arith.constant 0 : i32
      %dma_wait3A_71 = arith.constant 0 : i32
      %dma_wait3A_72 = arith.constant 0 : i32
      %dma_wait3A_73 = tpu.memref_slice %arg11[%dma_wait3A_70, %dma_wait3A_71, %dma_wait3A_72] : memref<2x128x128xf32, #tpu.memory_space<vmem>> -> memref<1x128x128xf32, #tpu.memory_space<vmem>>
      %dma_wait3A_74 = tpu.memref_squeeze %dma_wait3A_73 : memref<1x128x128xf32, #tpu.memory_space<vmem>> -> memref<128x128xf32, #tpu.memory_space<vmem>>
      %dma_wait3A_75 = arith.constant 0 : i32
      %dma_wait3A_76 = tpu.memref_slice %arg9[%dma_wait3A, %dma_wait3A_75] : memref<2x128xi32, #tpu.memory_space<vmem>> -> memref<1x128xi32, #tpu.memory_space<vmem>>
      %dma_wait3A_77 = tpu.memref_squeeze %dma_wait3A_76 : memref<1x128xi32, #tpu.memory_space<vmem>> -> memref<128xi32, #tpu.memory_space<vmem>>
      %dma_wait3A_78 = arith.constant 0 : i32
      %dma_wait3A_79 = arith.constant 0 : i32
      %dma_wait3A_80 = tpu.memref_slice %arg4[%dma_wait3A_78, %dma_wait3A_79] : memref<10000x128xf32, #tpu.memory_space<hbm>> -> memref<10000x128xf32, #tpu.memory_space<hbm>>
      tpu.wait_indirect_dma semaphore(%arg14 : memref<!tpu.dma_semaphore, #tpu.memory_space<semaphore_mem>>) src(%dma_wait3A_80 : memref<10000x128xf32, #tpu.memory_space<hbm>>) dst(%dma_wait3A_74 : memref<128x128xf32, #tpu.memory_space<vmem>>)
      %scan3A_81 = arith.constant 0 : i32
      %scan3A_82 = arith.constant 0 : i32
      %scan3A_83 = arith.constant 128 : i32
      %scan3A_84 = arith.addi %scan3A_82, %scan3A_83 : i32
      %scan3A_85 = arith.constant 1 : i32
      scf.for %scan3A_108 = %scan3A_82 to %scan3A_84 step %scan3A_85  : i32 {
        %mul3A_109 = arith.constant 8 : i32
        %mul3A_110 = arith.muli %mul3A_109, %scan3A_108 : i32
        %add3A_111 = arith.constant 0 : i32
        %add3A_112 = arith.addi %add3A_111, %mul3A_110 : i32
        %get3A = arith.index_cast %add3A_112 : i32 to index
        %get3A_113 = tpu.vector_load %arg12[%get3A] {strides = array<i32>} : memref<2080xf32, #tpu.memory_space<vmem>>, vector<16xf32>,
        %get3A_114 = vector.shape_cast %get3A_113 : vector<16xf32> to vector<16xf32>
        %get3A_115 = arith.constant 0 : i32
        %get3A_116 = arith.index_cast %get3A_115 : i32 to index
        %get3A_117 = arith.index_cast %scan3A_108 : i32 to index
        %get3A_118 = arith.constant 0 : index
        %get3A_119 = tpu.vector_load %arg11[%get3A_116, %get3A_117, %get3A_118] {strides = array<i32>} : memref<2x128x128xf32, #tpu.memory_space<vmem>>, vector<1x1x16xf32>,
        %get3A_120 = vector.shape_cast %get3A_119 : vector<1x1x16xf32> to vector<16xf32>
        %lt3A = arith.constant 8 : i32
        %lt3A_121 = vector.broadcast %lt3A : i32 to vector<16xi32>
        %lt3A_122 = arith.cmpi slt, %iota3A, %lt3A_121 : vector<16xi32>
        %slice3A = vector.extract_strided_slice %get3A_114 {offsets = [0], sizes = [1], strides = [1]} : vector<16xf32> to vector<1xf32>
        %squeeze3A = vector.extract %slice3A[0] : f32 from vector<1xf32>
        %broadcast_in_dim3A = vector.broadcast %squeeze3A : f32 to vector<16xf32>
        %slice3A_123 = vector.extract_strided_slice %get3A_114 {offsets = [1], sizes = [1], strides = [1]} : vector<16xf32> to vector<1xf32>
        %squeeze3A_124 = vector.extract %slice3A_123[0] : f32 from vector<1xf32>
        %broadcast_in_dim3A_125 = vector.broadcast %squeeze3A_124 : f32 to vector<16xf32>
        %select_n3A = arith.select %lt3A_122, %broadcast_in_dim3A, %broadcast_in_dim3A_125 : vector<16xi1>, vector<16xf32>
        %mul3A_126 = arith.mulf %get3A_120, %select_n3A : vector<16xf32>
        %swap3A = arith.constant 0 : i32
        %swap3A_127 = arith.index_cast %swap3A : i32 to index
        %swap3A_128 = arith.index_cast %scan3A_108 : i32 to index
        %swap3A_129 = arith.constant 0 : index
        %swap3A_130 = tpu.vector_load %arg11[%swap3A_127, %swap3A_128, %swap3A_129] {strides = array<i32>} : memref<2x128x128xf32, #tpu.memory_space<vmem>>, vector<1x1x16xf32>,
        %swap3A_131 = vector.shape_cast %swap3A_130 : vector<1x1x16xf32> to vector<16xf32>
        %swap3A_132 = vector.shape_cast %mul3A_126 : vector<16xf32> to vector<1x1x16xf32>
        tpu.vector_store %arg11[%swap3A_127, %swap3A_128, %swap3A_129], %swap3A_132 {strides = array<i32>} : memref<2x128x128xf32, #tpu.memory_space<vmem>>, vector<1x1x16xf32>,
        %get3A_133 = arith.constant 0 : i32
        %get3A_134 = arith.index_cast %get3A_133 : i32 to index
        %get3A_135 = arith.index_cast %scan3A_108 : i32 to index
        %get3A_136 = arith.constant 16 : index
        %get3A_137 = tpu.vector_load %arg11[%get3A_134, %get3A_135, %get3A_136] {strides = array<i32>} : memref<2x128x128xf32, #tpu.memory_space<vmem>>, vector<1x1x16xf32>,
        %get3A_138 = vector.shape_cast %get3A_137 : vector<1x1x16xf32> to vector<16xf32>
        %lt3A_139 = arith.constant 8 : i32
        %lt3A_140 = vector.broadcast %lt3A_139 : i32 to vector<16xi32>
        %lt3A_141 = arith.cmpi slt, %iota3A, %lt3A_140 : vector<16xi32>
        %slice3A_142 = vector.extract_strided_slice %get3A_114 {offsets = [2], sizes = [1], strides = [1]} : vector<16xf32> to vector<1xf32>
        %squeeze3A_143 = vector.extract %slice3A_142[0] : f32 from vector<1xf32>
        %broadcast_in_dim3A_144 = vector.broadcast %squeeze3A_143 : f32 to vector<16xf32>
        %slice3A_145 = vector.extract_strided_slice %get3A_114 {offsets = [3], sizes = [1], strides = [1]} : vector<16xf32> to vector<1xf32>
        %squeeze3A_146 = vector.extract %slice3A_145[0] : f32 from vector<1xf32>
        %broadcast_in_dim3A_147 = vector.broadcast %squeeze3A_146 : f32 to vector<16xf32>
        %select_n3A_148 = arith.select %lt3A_141, %broadcast_in_dim3A_144, %broadcast_in_dim3A_147 : vector<16xi1>, vector<16xf32>
        %mul3A_149 = arith.mulf %get3A_138, %select_n3A_148 : vector<16xf32>
        %swap3A_150 = arith.constant 0 : i32
        %swap3A_151 = arith.index_cast %swap3A_150 : i32 to index
        %swap3A_152 = arith.index_cast %scan3A_108 : i32 to index
        %swap3A_153 = arith.constant 16 : index
        %swap3A_154 = tpu.vector_load %arg11[%swap3A_151, %swap3A_152, %swap3A_153] {strides = array<i32>} : memref<2x128x128xf32, #tpu.memory_space<vmem>>, vector<1x1x16xf32>,
        %swap3A_155 = vector.shape_cast %swap3A_154 : vector<1x1x16xf32> to vector<16xf32>
        %swap3A_156 = vector.shape_cast %mul3A_149 : vector<16xf32> to vector<1x1x16xf32>
        tpu.vector_store %arg11[%swap3A_151, %swap3A_152, %swap3A_153], %swap3A_156 {strides = array<i32>} : memref<2x128x128xf32, #tpu.memory_space<vmem>>, vector<1x1x16xf32>,
        %get3A_157 = arith.constant 0 : i32
        %get3A_158 = arith.index_cast %get3A_157 : i32 to index
        %get3A_159 = arith.index_cast %scan3A_108 : i32 to index
        %get3A_160 = arith.constant 32 : index
        %get3A_161 = tpu.vector_load %arg11[%get3A_158, %get3A_159, %get3A_160] {strides = array<i32>} : memref<2x128x128xf32, #tpu.memory_space<vmem>>, vector<1x1x16xf32>,
        %get3A_162 = vector.shape_cast %get3A_161 : vector<1x1x16xf32> to vector<16xf32>
        %lt3A_163 = arith.constant 8 : i32
        %lt3A_164 = vector.broadcast %lt3A_163 : i32 to vector<16xi32>
        %lt3A_165 = arith.cmpi slt, %iota3A, %lt3A_164 : vector<16xi32>
        %slice3A_166 = vector.extract_strided_slice %get3A_114 {offsets = [4], sizes = [1], strides = [1]} : vector<16xf32> to vector<1xf32>
        %squeeze3A_167 = vector.extract %slice3A_166[0] : f32 from vector<1xf32>
        %broadcast_in_dim3A_168 = vector.broadcast %squeeze3A_167 : f32 to vector<16xf32>
        %slice3A_169 = vector.extract_strided_slice %get3A_114 {offsets = [5], sizes = [1], strides = [1]} : vector<16xf32> to vector<1xf32>
        %squeeze3A_170 = vector.extract %slice3A_169[0] : f32 from vector<1xf32>
        %broadcast_in_dim3A_171 = vector.broadcast %squeeze3A_170 : f32 to vector<16xf32>
        %select_n3A_172 = arith.select %lt3A_165, %broadcast_in_dim3A_168, %broadcast_in_dim3A_171 : vector<16xi1>, vector<16xf32>
        %mul3A_173 = arith.mulf %get3A_162, %select_n3A_172 : vector<16xf32>
        %swap3A_174 = arith.constant 0 : i32
        %swap3A_175 = arith.index_cast %swap3A_174 : i32 to index
        %swap3A_176 = arith.index_cast %scan3A_108 : i32 to index
        %swap3A_177 = arith.constant 32 : index
        %swap3A_178 = tpu.vector_load %arg11[%swap3A_175, %swap3A_176, %swap3A_177] {strides = array<i32>} : memref<2x128x128xf32, #tpu.memory_space<vmem>>, vector<1x1x16xf32>,
        %swap3A_179 = vector.shape_cast %swap3A_178 : vector<1x1x16xf32> to vector<16xf32>
        %swap3A_180 = vector.shape_cast %mul3A_173 : vector<16xf32> to vector<1x1x16xf32>
        tpu.vector_store %arg11[%swap3A_175, %swap3A_176, %swap3A_177], %swap3A_180 {strides = array<i32>} : memref<2x128x128xf32, #tpu.memory_space<vmem>>, vector<1x1x16xf32>,
        %get3A_181 = arith.constant 0 : i32
        %get3A_182 = arith.index_cast %get3A_181 : i32 to index
        %get3A_183 = arith.index_cast %scan3A_108 : i32 to index
        %get3A_184 = arith.constant 48 : index
        %get3A_185 = tpu.vector_load %arg11[%get3A_182, %get3A_183, %get3A_184] {strides = array<i32>} : memref<2x128x128xf32, #tpu.memory_space<vmem>>, vector<1x1x16xf32>,
        %get3A_186 = vector.shape_cast %get3A_185 : vector<1x1x16xf32> to vector<16xf32>
        %lt3A_187 = arith.constant 8 : i32
        %lt3A_188 = vector.broadcast %lt3A_187 : i32 to vector<16xi32>
        %lt3A_189 = arith.cmpi slt, %iota3A, %lt3A_188 : vector<16xi32>
        %slice3A_190 = vector.extract_strided_slice %get3A_114 {offsets = [6], sizes = [1], strides = [1]} : vector<16xf32> to vector<1xf32>
        %squeeze3A_191 = vector.extract %slice3A_190[0] : f32 from vector<1xf32>
        %broadcast_in_dim3A_192 = vector.broadcast %squeeze3A_191 : f32 to vector<16xf32>
        %slice3A_193 = vector.extract_strided_slice %get3A_114 {offsets = [7], sizes = [1], strides = [1]} : vector<16xf32> to vector<1xf32>
        %squeeze3A_194 = vector.extract %slice3A_193[0] : f32 from vector<1xf32>
        %broadcast_in_dim3A_195 = vector.broadcast %squeeze3A_194 : f32 to vector<16xf32>
        %select_n3A_196 = arith.select %lt3A_189, %broadcast_in_dim3A_192, %broadcast_in_dim3A_195 : vector<16xi1>, vector<16xf32>
        %mul3A_197 = arith.mulf %get3A_186, %select_n3A_196 : vector<16xf32>
        %swap3A_198 = arith.constant 0 : i32
        %swap3A_199 = arith.index_cast %swap3A_198 : i32 to index
        %swap3A_200 = arith.index_cast %scan3A_108 : i32 to index
        %swap3A_201 = arith.constant 48 : index
        %swap3A_202 = tpu.vector_load %arg11[%swap3A_199, %swap3A_200, %swap3A_201] {strides = array<i32>} : memref<2x128x128xf32, #tpu.memory_space<vmem>>, vector<1x1x16xf32>,
        %swap3A_203 = vector.shape_cast %swap3A_202 : vector<1x1x16xf32> to vector<16xf32>
        %swap3A_204 = vector.shape_cast %mul3A_197 : vector<16xf32> to vector<1x1x16xf32>
        tpu.vector_store %arg11[%swap3A_199, %swap3A_200, %swap3A_201], %swap3A_204 {strides = array<i32>} : memref<2x128x128xf32, #tpu.memory_space<vmem>>, vector<1x1x16xf32>,
      }
      %scan3A_86 = arith.constant 128 : i32
      %run_scoped3A = arith.constant 0 : i32
      %run_scoped3A_87 = arith.constant 0 : i32
      "tpu.region"() ({
        %run_scoped3A_108 = tpu.sem_alloc : memref<!tpu.dma_semaphore, #tpu.memory_space<semaphore_mem>>
        %dma_start3A_109 = arith.constant 0 : i32
        %dma_start3A_110 = arith.constant 0 : i32
        %dma_start3A_111 = tpu.memref_slice %arg11[%run_scoped3A, %dma_start3A_109, %dma_start3A_110] : memref<2x128x128xf32, #tpu.memory_space<vmem>> -> memref<1x128x128xf32, #tpu.memory_space<vmem>>
        %dma_start3A_112 = tpu.memref_squeeze %dma_start3A_111 : memref<1x128x128xf32, #tpu.memory_space<vmem>> -> memref<128x128xf32, #tpu.memory_space<vmem>>
        %dma_start3A_113 = arith.constant 0 : i32
        %dma_start3A_114 = tpu.memref_slice %arg10[%run_scoped3A_87, %dma_start3A_113] : memref<2x128xi32, #tpu.memory_space<vmem>> -> memref<1x128xi32, #tpu.memory_space<vmem>>
        %dma_start3A_115 = tpu.memref_squeeze %dma_start3A_114 : memref<1x128xi32, #tpu.memory_space<vmem>> -> memref<128xi32, #tpu.memory_space<vmem>>
        %dma_start3A_116 = arith.constant 0 : i32
        %dma_start3A_117 = arith.constant 0 : i32
        %dma_start3A_118 = tpu.memref_slice %arg13[%dma_start3A_116, %dma_start3A_117] : memref<10016x128xf32, #tpu.memory_space<vmem_shared>> -> memref<10016x128xf32, #tpu.memory_space<vmem_shared>>
        tpu.enqueue_indirect_dma source(%dma_start3A_112 : memref<128x128xf32, #tpu.memory_space<vmem>>) target(%dma_start3A_118 : memref<10016x128xf32, #tpu.memory_space<vmem_shared>>) offsets(%dma_start3A_115 : memref<128xi32, #tpu.memory_space<vmem>>) semaphore(%run_scoped3A_108 : memref<!tpu.dma_semaphore, #tpu.memory_space<semaphore_mem>>) {add = true}
        %dma_wait3A_119 = arith.constant 0 : i32
        %dma_wait3A_120 = arith.constant 0 : i32
        %dma_wait3A_121 = tpu.memref_slice %arg11[%run_scoped3A, %dma_wait3A_119, %dma_wait3A_120] : memref<2x128x128xf32, #tpu.memory_space<vmem>> -> memref<1x128x128xf32, #tpu.memory_space<vmem>>
        %dma_wait3A_122 = tpu.memref_squeeze %dma_wait3A_121 : memref<1x128x128xf32, #tpu.memory_space<vmem>> -> memref<128x128xf32, #tpu.memory_space<vmem>>
        %dma_wait3A_123 = arith.constant 0 : i32
        %dma_wait3A_124 = tpu.memref_slice %arg10[%run_scoped3A_87, %dma_wait3A_123] : memref<2x128xi32, #tpu.memory_space<vmem>> -> memref<1x128xi32, #tpu.memory_space<vmem>>
        %dma_wait3A_125 = tpu.memref_squeeze %dma_wait3A_124 : memref<1x128xi32, #tpu.memory_space<vmem>> -> memref<128xi32, #tpu.memory_space<vmem>>
        %dma_wait3A_126 = arith.constant 0 : i32
        %dma_wait3A_127 = arith.constant 0 : i32
        %dma_wait3A_128 = tpu.memref_slice %arg13[%dma_wait3A_126, %dma_wait3A_127] : memref<10016x128xf32, #tpu.memory_space<vmem_shared>> -> memref<10016x128xf32, #tpu.memory_space<vmem_shared>>
        tpu.wait_indirect_dma semaphore(%run_scoped3A_108 : memref<!tpu.dma_semaphore, #tpu.memory_space<semaphore_mem>>) src(%dma_wait3A_122 : memref<128x128xf32, #tpu.memory_space<vmem>>) dst(%dma_wait3A_128 : memref<10016x128xf32, #tpu.memory_space<vmem_shared>>)
        tpu.yield
      }) : () -> ()
      %dma_wait3A_88 = arith.constant 1 : i32
      %dma_wait3A_89 = arith.constant 1 : i32
      %dma_wait3A_90 = arith.constant 0 : i32
      %dma_wait3A_91 = arith.constant 0 : i32
      %dma_wait3A_92 = tpu.memref_slice %arg11[%dma_wait3A_89, %dma_wait3A_90, %dma_wait3A_91] : memref<2x128x128xf32, #tpu.memory_space<vmem>> -> memref<1x128x128xf32, #tpu.memory_space<vmem>>
      %dma_wait3A_93 = tpu.memref_squeeze %dma_wait3A_92 : memref<1x128x128xf32, #tpu.memory_space<vmem>> -> memref<128x128xf32, #tpu.memory_space<vmem>>
      %dma_wait3A_94 = arith.constant 0 : i32
      %dma_wait3A_95 = tpu.memref_slice %arg9[%dma_wait3A_88, %dma_wait3A_94] : memref<2x128xi32, #tpu.memory_space<vmem>> -> memref<1x128xi32, #tpu.memory_space<vmem>>
      %dma_wait3A_96 = tpu.memref_squeeze %dma_wait3A_95 : memref<1x128xi32, #tpu.memory_space<vmem>> -> memref<128xi32, #tpu.memory_space<vmem>>
      %dma_wait3A_97 = arith.constant 0 : i32
      %dma_wait3A_98 = arith.constant 0 : i32
      %dma_wait3A_99 = tpu.memref_slice %arg4[%dma_wait3A_97, %dma_wait3A_98] : memref<10000x128xf32, #tpu.memory_space<hbm>> -> memref<10000x128xf32, #tpu.memory_space<hbm>>
      tpu.wait_indirect_dma semaphore(%arg14 : memref<!tpu.dma_semaphore, #tpu.memory_space<semaphore_mem>>) src(%dma_wait3A_99 : memref<10000x128xf32, #tpu.memory_space<hbm>>) dst(%dma_wait3A_93 : memref<128x128xf32, #tpu.memory_space<vmem>>)
      %scan3A_100 = arith.constant 0 : i32
      %scan3A_101 = arith.constant 0 : i32
      %scan3A_102 = arith.constant 128 : i32
      %scan3A_103 = arith.addi %scan3A_101, %scan3A_102 : i32
      %scan3A_104 = arith.constant 1 : i32
      scf.for %scan3A_108 = %scan3A_101 to %scan3A_103 step %scan3A_104  : i32 {
        %mul3A_109 = arith.constant 8 : i32
        %mul3A_110 = arith.muli %mul3A_109, %scan3A_108 : i32
        %add3A_111 = arith.constant 1040 : i32
        %add3A_112 = arith.addi %add3A_111, %mul3A_110 : i32
        %get3A = arith.index_cast %add3A_112 : i32 to index
        %get3A_113 = tpu.vector_load %arg12[%get3A] {strides = array<i32>} : memref<2080xf32, #tpu.memory_space<vmem>>, vector<16xf32>,
        %get3A_114 = vector.shape_cast %get3A_113 : vector<16xf32> to vector<16xf32>
        %get3A_115 = arith.constant 1 : i32
        %get3A_116 = arith.index_cast %get3A_115 : i32 to index
        %get3A_117 = arith.index_cast %scan3A_108 : i32 to index
        %get3A_118 = arith.constant 0 : index
        %get3A_119 = tpu.vector_load %arg11[%get3A_116, %get3A_117, %get3A_118] {strides = array<i32>} : memref<2x128x128xf32, #tpu.memory_space<vmem>>, vector<1x1x16xf32>,
        %get3A_120 = vector.shape_cast %get3A_119 : vector<1x1x16xf32> to vector<16xf32>
        %lt3A = arith.constant 8 : i32
        %lt3A_121 = vector.broadcast %lt3A : i32 to vector<16xi32>
        %lt3A_122 = arith.cmpi slt, %iota3A, %lt3A_121 : vector<16xi32>
        %slice3A = vector.extract_strided_slice %get3A_114 {offsets = [0], sizes = [1], strides = [1]} : vector<16xf32> to vector<1xf32>
        %squeeze3A = vector.extract %slice3A[0] : f32 from vector<1xf32>
        %broadcast_in_dim3A = vector.broadcast %squeeze3A : f32 to vector<16xf32>
        %slice3A_123 = vector.extract_strided_slice %get3A_114 {offsets = [1], sizes = [1], strides = [1]} : vector<16xf32> to vector<1xf32>
        %squeeze3A_124 = vector.extract %slice3A_123[0] : f32 from vector<1xf32>
        %broadcast_in_dim3A_125 = vector.broadcast %squeeze3A_124 : f32 to vector<16xf32>
        %select_n3A = arith.select %lt3A_122, %broadcast_in_dim3A, %broadcast_in_dim3A_125 : vector<16xi1>, vector<16xf32>
        %mul3A_126 = arith.mulf %get3A_120, %select_n3A : vector<16xf32>
        %swap3A = arith.constant 1 : i32
        %swap3A_127 = arith.index_cast %swap3A : i32 to index
        %swap3A_128 = arith.index_cast %scan3A_108 : i32 to index
        %swap3A_129 = arith.constant 0 : index
        %swap3A_130 = tpu.vector_load %arg11[%swap3A_127, %swap3A_128, %swap3A_129] {strides = array<i32>} : memref<2x128x128xf32, #tpu.memory_space<vmem>>, vector<1x1x16xf32>,
        %swap3A_131 = vector.shape_cast %swap3A_130 : vector<1x1x16xf32> to vector<16xf32>
        %swap3A_132 = vector.shape_cast %mul3A_126 : vector<16xf32> to vector<1x1x16xf32>
        tpu.vector_store %arg11[%swap3A_127, %swap3A_128, %swap3A_129], %swap3A_132 {strides = array<i32>} : memref<2x128x128xf32, #tpu.memory_space<vmem>>, vector<1x1x16xf32>,
        %get3A_133 = arith.constant 1 : i32
        %get3A_134 = arith.index_cast %get3A_133 : i32 to index
        %get3A_135 = arith.index_cast %scan3A_108 : i32 to index
        %get3A_136 = arith.constant 16 : index
        %get3A_137 = tpu.vector_load %arg11[%get3A_134, %get3A_135, %get3A_136] {strides = array<i32>} : memref<2x128x128xf32, #tpu.memory_space<vmem>>, vector<1x1x16xf32>,
        %get3A_138 = vector.shape_cast %get3A_137 : vector<1x1x16xf32> to vector<16xf32>
        %lt3A_139 = arith.constant 8 : i32
        %lt3A_140 = vector.broadcast %lt3A_139 : i32 to vector<16xi32>
        %lt3A_141 = arith.cmpi slt, %iota3A, %lt3A_140 : vector<16xi32>
        %slice3A_142 = vector.extract_strided_slice %get3A_114 {offsets = [2], sizes = [1], strides = [1]} : vector<16xf32> to vector<1xf32>
        %squeeze3A_143 = vector.extract %slice3A_142[0] : f32 from vector<1xf32>
        %broadcast_in_dim3A_144 = vector.broadcast %squeeze3A_143 : f32 to vector<16xf32>
        %slice3A_145 = vector.extract_strided_slice %get3A_114 {offsets = [3], sizes = [1], strides = [1]} : vector<16xf32> to vector<1xf32>
        %squeeze3A_146 = vector.extract %slice3A_145[0] : f32 from vector<1xf32>
        %broadcast_in_dim3A_147 = vector.broadcast %squeeze3A_146 : f32 to vector<16xf32>
        %select_n3A_148 = arith.select %lt3A_141, %broadcast_in_dim3A_144, %broadcast_in_dim3A_147 : vector<16xi1>, vector<16xf32>
        %mul3A_149 = arith.mulf %get3A_138, %select_n3A_148 : vector<16xf32>
        %swap3A_150 = arith.constant 1 : i32
        %swap3A_151 = arith.index_cast %swap3A_150 : i32 to index
        %swap3A_152 = arith.index_cast %scan3A_108 : i32 to index
        %swap3A_153 = arith.constant 16 : index
        %swap3A_154 = tpu.vector_load %arg11[%swap3A_151, %swap3A_152, %swap3A_153] {strides = array<i32>} : memref<2x128x128xf32, #tpu.memory_space<vmem>>, vector<1x1x16xf32>,
        %swap3A_155 = vector.shape_cast %swap3A_154 : vector<1x1x16xf32> to vector<16xf32>
        %swap3A_156 = vector.shape_cast %mul3A_149 : vector<16xf32> to vector<1x1x16xf32>
        tpu.vector_store %arg11[%swap3A_151, %swap3A_152, %swap3A_153], %swap3A_156 {strides = array<i32>} : memref<2x128x128xf32, #tpu.memory_space<vmem>>, vector<1x1x16xf32>,
        %get3A_157 = arith.constant 1 : i32
        %get3A_158 = arith.index_cast %get3A_157 : i32 to index
        %get3A_159 = arith.index_cast %scan3A_108 : i32 to index
        %get3A_160 = arith.constant 32 : index
        %get3A_161 = tpu.vector_load %arg11[%get3A_158, %get3A_159, %get3A_160] {strides = array<i32>} : memref<2x128x128xf32, #tpu.memory_space<vmem>>, vector<1x1x16xf32>,
        %get3A_162 = vector.shape_cast %get3A_161 : vector<1x1x16xf32> to vector<16xf32>
        %lt3A_163 = arith.constant 8 : i32
        %lt3A_164 = vector.broadcast %lt3A_163 : i32 to vector<16xi32>
        %lt3A_165 = arith.cmpi slt, %iota3A, %lt3A_164 : vector<16xi32>
        %slice3A_166 = vector.extract_strided_slice %get3A_114 {offsets = [4], sizes = [1], strides = [1]} : vector<16xf32> to vector<1xf32>
        %squeeze3A_167 = vector.extract %slice3A_166[0] : f32 from vector<1xf32>
        %broadcast_in_dim3A_168 = vector.broadcast %squeeze3A_167 : f32 to vector<16xf32>
        %slice3A_169 = vector.extract_strided_slice %get3A_114 {offsets = [5], sizes = [1], strides = [1]} : vector<16xf32> to vector<1xf32>
        %squeeze3A_170 = vector.extract %slice3A_169[0] : f32 from vector<1xf32>
        %broadcast_in_dim3A_171 = vector.broadcast %squeeze3A_170 : f32 to vector<16xf32>
        %select_n3A_172 = arith.select %lt3A_165, %broadcast_in_dim3A_168, %broadcast_in_dim3A_171 : vector<16xi1>, vector<16xf32>
        %mul3A_173 = arith.mulf %get3A_162, %select_n3A_172 : vector<16xf32>
        %swap3A_174 = arith.constant 1 : i32
        %swap3A_175 = arith.index_cast %swap3A_174 : i32 to index
        %swap3A_176 = arith.index_cast %scan3A_108 : i32 to index
        %swap3A_177 = arith.constant 32 : index
        %swap3A_178 = tpu.vector_load %arg11[%swap3A_175, %swap3A_176, %swap3A_177] {strides = array<i32>} : memref<2x128x128xf32, #tpu.memory_space<vmem>>, vector<1x1x16xf32>,
        %swap3A_179 = vector.shape_cast %swap3A_178 : vector<1x1x16xf32> to vector<16xf32>
        %swap3A_180 = vector.shape_cast %mul3A_173 : vector<16xf32> to vector<1x1x16xf32>
        tpu.vector_store %arg11[%swap3A_175, %swap3A_176, %swap3A_177], %swap3A_180 {strides = array<i32>} : memref<2x128x128xf32, #tpu.memory_space<vmem>>, vector<1x1x16xf32>,
        %get3A_181 = arith.constant 1 : i32
        %get3A_182 = arith.index_cast %get3A_181 : i32 to index
        %get3A_183 = arith.index_cast %scan3A_108 : i32 to index
        %get3A_184 = arith.constant 48 : index
        %get3A_185 = tpu.vector_load %arg11[%get3A_182, %get3A_183, %get3A_184] {strides = array<i32>} : memref<2x128x128xf32, #tpu.memory_space<vmem>>, vector<1x1x16xf32>,
        %get3A_186 = vector.shape_cast %get3A_185 : vector<1x1x16xf32> to vector<16xf32>
        %lt3A_187 = arith.constant 8 : i32
        %lt3A_188 = vector.broadcast %lt3A_187 : i32 to vector<16xi32>
        %lt3A_189 = arith.cmpi slt, %iota3A, %lt3A_188 : vector<16xi32>
        %slice3A_190 = vector.extract_strided_slice %get3A_114 {offsets = [6], sizes = [1], strides = [1]} : vector<16xf32> to vector<1xf32>
        %squeeze3A_191 = vector.extract %slice3A_190[0] : f32 from vector<1xf32>
        %broadcast_in_dim3A_192 = vector.broadcast %squeeze3A_191 : f32 to vector<16xf32>
        %slice3A_193 = vector.extract_strided_slice %get3A_114 {offsets = [7], sizes = [1], strides = [1]} : vector<16xf32> to vector<1xf32>
        %squeeze3A_194 = vector.extract %slice3A_193[0] : f32 from vector<1xf32>
        %broadcast_in_dim3A_195 = vector.broadcast %squeeze3A_194 : f32 to vector<16xf32>
        %select_n3A_196 = arith.select %lt3A_189, %broadcast_in_dim3A_192, %broadcast_in_dim3A_195 : vector<16xi1>, vector<16xf32>
        %mul3A_197 = arith.mulf %get3A_186, %select_n3A_196 : vector<16xf32>
        %swap3A_198 = arith.constant 1 : i32
        %swap3A_199 = arith.index_cast %swap3A_198 : i32 to index
        %swap3A_200 = arith.index_cast %scan3A_108 : i32 to index
        %swap3A_201 = arith.constant 48 : index
        %swap3A_202 = tpu.vector_load %arg11[%swap3A_199, %swap3A_200, %swap3A_201] {strides = array<i32>} : memref<2x128x128xf32, #tpu.memory_space<vmem>>, vector<1x1x16xf32>,
        %swap3A_203 = vector.shape_cast %swap3A_202 : vector<1x1x16xf32> to vector<16xf32>
        %swap3A_204 = vector.shape_cast %mul3A_197 : vector<16xf32> to vector<1x1x16xf32>
        tpu.vector_store %arg11[%swap3A_199, %swap3A_200, %swap3A_201], %swap3A_204 {strides = array<i32>} : memref<2x128x128xf32, #tpu.memory_space<vmem>>, vector<1x1x16xf32>,
      }
      %scan3A_105 = arith.constant 128 : i32
      %run_scoped3A_106 = arith.constant 1 : i32
      %run_scoped3A_107 = arith.constant 1 : i32
      "tpu.region"() ({
        %run_scoped3A_108 = tpu.sem_alloc : memref<!tpu.dma_semaphore, #tpu.memory_space<semaphore_mem>>
        %dma_start3A_109 = arith.constant 0 : i32
        %dma_start3A_110 = arith.constant 0 : i32
        %dma_start3A_111 = tpu.memref_slice %arg11[%run_scoped3A_106, %dma_start3A_109, %dma_start3A_110] : memref<2x128x128xf32, #tpu.memory_space<vmem>> -> memref<1x128x128xf32, #tpu.memory_space<vmem>>
        %dma_start3A_112 = tpu.memref_squeeze %dma_start3A_111 : memref<1x128x128xf32, #tpu.memory_space<vmem>> -> memref<128x128xf32, #tpu.memory_space<vmem>>
        %dma_start3A_113 = arith.constant 0 : i32
        %dma_start3A_114 = tpu.memref_slice %arg10[%run_scoped3A_107, %dma_start3A_113] : memref<2x128xi32, #tpu.memory_space<vmem>> -> memref<1x128xi32, #tpu.memory_space<vmem>>
        %dma_start3A_115 = tpu.memref_squeeze %dma_start3A_114 : memref<1x128xi32, #tpu.memory_space<vmem>> -> memref<128xi32, #tpu.memory_space<vmem>>
        %dma_start3A_116 = arith.constant 0 : i32
        %dma_start3A_117 = arith.constant 0 : i32
        %dma_start3A_118 = tpu.memref_slice %arg13[%dma_start3A_116, %dma_start3A_117] : memref<10016x128xf32, #tpu.memory_space<vmem_shared>> -> memref<10016x128xf32, #tpu.memory_space<vmem_shared>>
        tpu.enqueue_indirect_dma source(%dma_start3A_112 : memref<128x128xf32, #tpu.memory_space<vmem>>) target(%dma_start3A_118 : memref<10016x128xf32, #tpu.memory_space<vmem_shared>>) offsets(%dma_start3A_115 : memref<128xi32, #tpu.memory_space<vmem>>) semaphore(%run_scoped3A_108 : memref<!tpu.dma_semaphore, #tpu.memory_space<semaphore_mem>>) {add = true}
        %dma_wait3A_119 = arith.constant 0 : i32
        %dma_wait3A_120 = arith.constant 0 : i32
        %dma_wait3A_121 = tpu.memref_slice %arg11[%run_scoped3A_106, %dma_wait3A_119, %dma_wait3A_120] : memref<2x128x128xf32, #tpu.memory_space<vmem>> -> memref<1x128x128xf32, #tpu.memory_space<vmem>>
        %dma_wait3A_122 = tpu.memref_squeeze %dma_wait3A_121 : memref<1x128x128xf32, #tpu.memory_space<vmem>> -> memref<128x128xf32, #tpu.memory_space<vmem>>
        %dma_wait3A_123 = arith.constant 0 : i32
        %dma_wait3A_124 = tpu.memref_slice %arg10[%run_scoped3A_107, %dma_wait3A_123] : memref<2x128xi32, #tpu.memory_space<vmem>> -> memref<1x128xi32, #tpu.memory_space<vmem>>
        %dma_wait3A_125 = tpu.memref_squeeze %dma_wait3A_124 : memref<1x128xi32, #tpu.memory_space<vmem>> -> memref<128xi32, #tpu.memory_space<vmem>>
        %dma_wait3A_126 = arith.constant 0 : i32
        %dma_wait3A_127 = arith.constant 0 : i32
        %dma_wait3A_128 = tpu.memref_slice %arg13[%dma_wait3A_126, %dma_wait3A_127] : memref<10016x128xf32, #tpu.memory_space<vmem_shared>> -> memref<10016x128xf32, #tpu.memory_space<vmem_shared>>
        tpu.wait_indirect_dma semaphore(%run_scoped3A_108 : memref<!tpu.dma_semaphore, #tpu.memory_space<semaphore_mem>>) src(%dma_wait3A_122 : memref<128x128xf32, #tpu.memory_space<vmem>>) dst(%dma_wait3A_128 : memref<10016x128xf32, #tpu.memory_space<vmem_shared>>)
        tpu.yield
      }) : () -> ()
    }
    %scan3A_7 = arith.constant 40 : i32
    %barrier3A_8 = arith.constant 0 : index
    tpu.barrier barrier_id(%barrier3A_8)
    %eq3A_9 = arith.constant 0 : i32
    %eq3A_10 = arith.cmpi eq, %arg1, %eq3A_9 : i32
    %eq3A_11 = arith.constant 0 : i32
    %eq3A_12 = arith.cmpi eq, %arg0, %eq3A_11 : i32
    %and3A = arith.andi %eq3A_10, %eq3A_12 : i1
    %convert_element_type3A_13 = arith.extui %and3A : i1 to i32
    %cond3A_14 = arith.constant 0 : i32
    %cond3A_15 = arith.cmpi ne, %convert_element_type3A_13, %cond3A_14 : i32
    scf.if %cond3A_15 {
      "tpu.region"() ({
        %run_scoped3A = tpu.sem_alloc : memref<!tpu.dma_semaphore, #tpu.memory_space<semaphore_mem>>
        tpu.enqueue_dma source(%arg13 : memref<10016x128xf32, #tpu.memory_space<vmem_shared>>) target(%arg7 : memref<10016x128xf32, #tpu.memory_space<hbm>>) target_semaphore(%run_scoped3A : memref<!tpu.dma_semaphore, #tpu.memory_space<semaphore_mem>>)
        tpu.wait_dma2 semaphore(%run_scoped3A : memref<!tpu.dma_semaphore, #tpu.memory_space<semaphore_mem>>) src(%arg13 : memref<10016x128xf32, #tpu.memory_space<vmem_shared>>) dst(%arg7 : memref<10016x128xf32, #tpu.memory_space<hbm>>)
        tpu.yield
      }) : () -> ()
    } else {
    }
    %eq3A_16 = arith.constant 0 : i32
    %eq3A_17 = arith.cmpi eq, %arg1, %eq3A_16 : i32
    %eq3A_18 = arith.constant 1 : i32
    %eq3A_19 = arith.cmpi eq, %arg0, %eq3A_18 : i32
    %and3A_20 = arith.andi %eq3A_17, %eq3A_19 : i1
    %convert_element_type3A_21 = arith.extui %and3A_20 : i1 to i32
    %cond3A_22 = arith.constant 0 : i32
    %cond3A_23 = arith.cmpi ne, %convert_element_type3A_21, %cond3A_22 : i32
    scf.if %cond3A_23 {
      "tpu.region"() ({
        %run_scoped3A = tpu.sem_alloc : memref<!tpu.dma_semaphore, #tpu.memory_space<semaphore_mem>>
        tpu.enqueue_dma source(%arg13 : memref<10016x128xf32, #tpu.memory_space<vmem_shared>>) target(%arg8 : memref<10016x128xf32, #tpu.memory_space<hbm>>) target_semaphore(%run_scoped3A : memref<!tpu.dma_semaphore, #tpu.memory_space<semaphore_mem>>)
        tpu.wait_dma2 semaphore(%run_scoped3A : memref<!tpu.dma_semaphore, #tpu.memory_space<semaphore_mem>>) src(%arg13 : memref<10016x128xf32, #tpu.memory_space<vmem_shared>>) dst(%arg8 : memref<10016x128xf32, #tpu.memory_space<hbm>>)
        tpu.yield
      }) : () -> ()
    } else {
    }
    return
  }
}

#map = affine_map<(d0, d1) -> (0, 0, 0)>
#map1 = affine_map<(d0, d1) -> (0, 0)>
#map2 = affine_map<(d0, d1) -> (0)>
module attributes {stable_mosaic.version = 14 : i64} {
  func.func @body(%arg0: i32, %arg1: i32, %arg2: memref<32x80x128xi32, #tpu.memory_space<hbm>>, %arg3: memref<32x80x128xi32, #tpu.memory_space<hbm>>, %arg4: memref<10016x128xf32, #tpu.memory_space<hbm>>, %arg5: memref<10016x128xf32, #tpu.memory_space<hbm>>, %arg6: memref<10016x128xf32, #tpu.memory_space<hbm>>, %arg7: memref<2621440xf32, #tpu.memory_space<hbm>>, %arg8: memref<10016x128xf32, #tpu.memory_space<hbm>>, %arg9: memref<10016x128xf32, #tpu.memory_space<hbm>>, %arg10: memref<1x128xi32, #tpu.memory_space<vmem>>, %arg11: memref<1x128xi32, #tpu.memory_space<vmem>>, %arg12: memref<128x128xf32, #tpu.memory_space<vmem>>, %arg13: memref<128x128xf32, #tpu.memory_space<vmem>>, %arg14: memref<128x128xf32, #tpu.memory_space<vmem>>, %arg15: memref<1040xf32, #tpu.memory_space<vmem>>, %arg16: memref<10016x128xf32, #tpu.memory_space<vmem_shared>>, %arg17: memref<!tpu.dma_semaphore, #tpu.memory_space<semaphore_mem>>) attributes {dimension_semantics = [#tpu.dimension_semantics<core_parallel>, #tpu.dimension_semantics<subcore_parallel>], iteration_bounds = array<i64: 2, 16>, scalar_prefetch = 0 : i64, scratch_operands = 8 : i64, tpu.core_type = #tpu.core_type<sc_vector_subcore>, window_params = [{transform_indices = #map}, {transform_indices = #map}, {transform_indices = #map1}, {transform_indices = #map1}, {transform_indices = #map1}, {transform_indices = #map2}, {transform_indices = #map1}, {transform_indices = #map1}]} {
    %eq3A = arith.constant 0 : i32
    %eq3A_0 = arith.cmpi eq, %arg1, %eq3A : i32
    %convert_element_type3A = arith.extui %eq3A_0 : i1 to i32
    %cond3A = arith.constant 0 : i32
    %cond3A_1 = arith.cmpi ne, %convert_element_type3A, %cond3A : i32
    scf.if %cond3A_1 {
      "tpu.region"() ({
        %run_scoped3A = tpu.sem_alloc : memref<!tpu.dma_semaphore, #tpu.memory_space<semaphore_mem>>
        tpu.enqueue_dma source(%arg6 : memref<10016x128xf32, #tpu.memory_space<hbm>>) target(%arg16 : memref<10016x128xf32, #tpu.memory_space<vmem_shared>>) target_semaphore(%run_scoped3A : memref<!tpu.dma_semaphore, #tpu.memory_space<semaphore_mem>>)
        tpu.wait_dma2 semaphore(%run_scoped3A : memref<!tpu.dma_semaphore, #tpu.memory_space<semaphore_mem>>) src(%arg6 : memref<10016x128xf32, #tpu.memory_space<hbm>>) dst(%arg16 : memref<10016x128xf32, #tpu.memory_space<vmem_shared>>)
        tpu.yield
      }) : () -> ()
    } else {
    }
    %barrier3A = arith.constant 0 : index
    tpu.barrier barrier_id(%barrier3A)
    %mul3A = arith.constant 2 : i32
    %mul3A_2 = arith.muli %arg1, %mul3A : i32
    %add3A = arith.addi %mul3A_2, %arg0 : i32
    "tpu.region"() ({
      %run_scoped3A = tpu.sem_alloc : memref<!tpu.dma_semaphore, #tpu.memory_space<semaphore_mem>>
      %dma_start3A = arith.constant 0 : i32
      %dma_start3A_24 = arith.constant 0 : i32
      %dma_start3A_25 = tpu.memref_slice %arg6[%dma_start3A, %dma_start3A_24] : memref<10016x128xf32, #tpu.memory_space<hbm>> -> memref<128x128xf32, #tpu.memory_space<hbm>>
      %dma_start3A_26 = arith.constant 0 : i32
      %dma_start3A_27 = arith.constant 0 : i32
      %dma_start3A_28 = tpu.memref_slice %arg6[%dma_start3A_26, %dma_start3A_27] : memref<10016x128xf32, #tpu.memory_space<hbm>> -> memref<128x128xf32, #tpu.memory_space<hbm>>
      tpu.enqueue_dma source(%dma_start3A_28 : memref<128x128xf32, #tpu.memory_space<hbm>>) target(%arg14 : memref<128x128xf32, #tpu.memory_space<vmem>>) target_semaphore(%run_scoped3A : memref<!tpu.dma_semaphore, #tpu.memory_space<semaphore_mem>>)
      %dma_wait3A = arith.constant 0 : i32
      %dma_wait3A_29 = arith.constant 0 : i32
      %dma_wait3A_30 = tpu.memref_slice %arg6[%dma_wait3A, %dma_wait3A_29] : memref<10016x128xf32, #tpu.memory_space<hbm>> -> memref<128x128xf32, #tpu.memory_space<hbm>>
      %dma_wait3A_31 = arith.constant 0 : i32
      %dma_wait3A_32 = arith.constant 0 : i32
      %dma_wait3A_33 = tpu.memref_slice %arg6[%dma_wait3A_31, %dma_wait3A_32] : memref<10016x128xf32, #tpu.memory_space<hbm>> -> memref<128x128xf32, #tpu.memory_space<hbm>>
      tpu.wait_dma2 semaphore(%run_scoped3A : memref<!tpu.dma_semaphore, #tpu.memory_space<semaphore_mem>>) src(%dma_wait3A_33 : memref<128x128xf32, #tpu.memory_space<hbm>>) dst(%arg14 : memref<128x128xf32, #tpu.memory_space<vmem>>)
      tpu.yield
    }) : () -> ()
    %scan3A = arith.constant 0 : i32
    %scan3A_3 = arith.constant 0 : i32
    %scan3A_4 = arith.constant 80 : i32
    %scan3A_5 = arith.addi %scan3A_3, %scan3A_4 : i32
    %scan3A_6 = arith.constant 1 : i32
    scf.for %scan3A_24 = %scan3A_3 to %scan3A_5 step %scan3A_6  : i32 {
      "tpu.region"() ({
        %run_scoped3A_64 = tpu.sem_alloc : memref<!tpu.dma_semaphore, #tpu.memory_space<semaphore_mem>>
        %dma_start3A_65 = arith.constant 0 : i32
        %dma_start3A_66 = tpu.memref_slice %arg2[%add3A, %scan3A_24, %dma_start3A_65] : memref<32x80x128xi32, #tpu.memory_space<hbm>> -> memref<1x1x128xi32, #tpu.memory_space<hbm>>
        %dma_start3A_67 = tpu.memref_squeeze %dma_start3A_66 : memref<1x1x128xi32, #tpu.memory_space<hbm>> -> memref<1x128xi32, #tpu.memory_space<hbm>>
        %dma_start3A_68 = arith.constant 0 : i32
        %dma_start3A_69 = tpu.memref_slice %arg2[%add3A, %scan3A_24, %dma_start3A_68] : memref<32x80x128xi32, #tpu.memory_space<hbm>> -> memref<1x1x128xi32, #tpu.memory_space<hbm>>
        %dma_start3A_70 = tpu.memref_squeeze %dma_start3A_69 : memref<1x1x128xi32, #tpu.memory_space<hbm>> -> memref<1x128xi32, #tpu.memory_space<hbm>>
        tpu.enqueue_dma source(%dma_start3A_70 : memref<1x128xi32, #tpu.memory_space<hbm>>) target(%arg10 : memref<1x128xi32, #tpu.memory_space<vmem>>) target_semaphore(%run_scoped3A_64 : memref<!tpu.dma_semaphore, #tpu.memory_space<semaphore_mem>>)
        %dma_wait3A_71 = arith.constant 0 : i32
        %dma_wait3A_72 = tpu.memref_slice %arg2[%add3A, %scan3A_24, %dma_wait3A_71] : memref<32x80x128xi32, #tpu.memory_space<hbm>> -> memref<1x1x128xi32, #tpu.memory_space<hbm>>
        %dma_wait3A_73 = tpu.memref_squeeze %dma_wait3A_72 : memref<1x1x128xi32, #tpu.memory_space<hbm>> -> memref<1x128xi32, #tpu.memory_space<hbm>>
        %dma_wait3A_74 = arith.constant 0 : i32
        %dma_wait3A_75 = tpu.memref_slice %arg2[%add3A, %scan3A_24, %dma_wait3A_74] : memref<32x80x128xi32, #tpu.memory_space<hbm>> -> memref<1x1x128xi32, #tpu.memory_space<hbm>>
        %dma_wait3A_76 = tpu.memref_squeeze %dma_wait3A_75 : memref<1x1x128xi32, #tpu.memory_space<hbm>> -> memref<1x128xi32, #tpu.memory_space<hbm>>
        tpu.wait_dma2 semaphore(%run_scoped3A_64 : memref<!tpu.dma_semaphore, #tpu.memory_space<semaphore_mem>>) src(%dma_wait3A_76 : memref<1x128xi32, #tpu.memory_space<hbm>>) dst(%arg10 : memref<1x128xi32, #tpu.memory_space<vmem>>)
        tpu.yield
      }) : () -> ()
      "tpu.region"() ({
        %run_scoped3A_64 = tpu.sem_alloc : memref<!tpu.dma_semaphore, #tpu.memory_space<semaphore_mem>>
        %dma_start3A_65 = arith.constant 0 : i32
        %dma_start3A_66 = tpu.memref_slice %arg3[%add3A, %scan3A_24, %dma_start3A_65] : memref<32x80x128xi32, #tpu.memory_space<hbm>> -> memref<1x1x128xi32, #tpu.memory_space<hbm>>
        %dma_start3A_67 = tpu.memref_squeeze %dma_start3A_66 : memref<1x1x128xi32, #tpu.memory_space<hbm>> -> memref<1x128xi32, #tpu.memory_space<hbm>>
        %dma_start3A_68 = arith.constant 0 : i32
        %dma_start3A_69 = tpu.memref_slice %arg3[%add3A, %scan3A_24, %dma_start3A_68] : memref<32x80x128xi32, #tpu.memory_space<hbm>> -> memref<1x1x128xi32, #tpu.memory_space<hbm>>
        %dma_start3A_70 = tpu.memref_squeeze %dma_start3A_69 : memref<1x1x128xi32, #tpu.memory_space<hbm>> -> memref<1x128xi32, #tpu.memory_space<hbm>>
        tpu.enqueue_dma source(%dma_start3A_70 : memref<1x128xi32, #tpu.memory_space<hbm>>) target(%arg11 : memref<1x128xi32, #tpu.memory_space<vmem>>) target_semaphore(%run_scoped3A_64 : memref<!tpu.dma_semaphore, #tpu.memory_space<semaphore_mem>>)
        %dma_wait3A_71 = arith.constant 0 : i32
        %dma_wait3A_72 = tpu.memref_slice %arg3[%add3A, %scan3A_24, %dma_wait3A_71] : memref<32x80x128xi32, #tpu.memory_space<hbm>> -> memref<1x1x128xi32, #tpu.memory_space<hbm>>
        %dma_wait3A_73 = tpu.memref_squeeze %dma_wait3A_72 : memref<1x1x128xi32, #tpu.memory_space<hbm>> -> memref<1x128xi32, #tpu.memory_space<hbm>>
        %dma_wait3A_74 = arith.constant 0 : i32
        %dma_wait3A_75 = tpu.memref_slice %arg3[%add3A, %scan3A_24, %dma_wait3A_74] : memref<32x80x128xi32, #tpu.memory_space<hbm>> -> memref<1x1x128xi32, #tpu.memory_space<hbm>>
        %dma_wait3A_76 = tpu.memref_squeeze %dma_wait3A_75 : memref<1x1x128xi32, #tpu.memory_space<hbm>> -> memref<1x128xi32, #tpu.memory_space<hbm>>
        tpu.wait_dma2 semaphore(%run_scoped3A_64 : memref<!tpu.dma_semaphore, #tpu.memory_space<semaphore_mem>>) src(%dma_wait3A_76 : memref<1x128xi32, #tpu.memory_space<hbm>>) dst(%arg11 : memref<1x128xi32, #tpu.memory_space<vmem>>)
        tpu.yield
      }) : () -> ()
      %dma_start3A = arith.constant 0 : i32
      %dma_start3A_25 = arith.constant 0 : i32
      %dma_start3A_26 = tpu.memref_slice %arg10[%dma_start3A, %dma_start3A_25] : memref<1x128xi32, #tpu.memory_space<vmem>> -> memref<1x128xi32, #tpu.memory_space<vmem>>
      %dma_start3A_27 = tpu.memref_squeeze %dma_start3A_26 : memref<1x128xi32, #tpu.memory_space<vmem>> -> memref<128xi32, #tpu.memory_space<vmem>>
      %dma_start3A_28 = arith.constant 0 : i32
      %dma_start3A_29 = arith.constant 0 : i32
      %dma_start3A_30 = tpu.memref_slice %arg4[%dma_start3A_28, %dma_start3A_29] : memref<10016x128xf32, #tpu.memory_space<hbm>> -> memref<10016x128xf32, #tpu.memory_space<hbm>>
      tpu.enqueue_indirect_dma source(%dma_start3A_30 : memref<10016x128xf32, #tpu.memory_space<hbm>>) target(%arg12 : memref<128x128xf32, #tpu.memory_space<vmem>>) offsets(%dma_start3A_27 : memref<128xi32, #tpu.memory_space<vmem>>) semaphore(%arg17 : memref<!tpu.dma_semaphore, #tpu.memory_space<semaphore_mem>>)
      %dma_start3A_31 = arith.constant 0 : i32
      %dma_start3A_32 = arith.constant 0 : i32
      %dma_start3A_33 = tpu.memref_slice %arg11[%dma_start3A_31, %dma_start3A_32] : memref<1x128xi32, #tpu.memory_space<vmem>> -> memref<1x128xi32, #tpu.memory_space<vmem>>
      %dma_start3A_34 = tpu.memref_squeeze %dma_start3A_33 : memref<1x128xi32, #tpu.memory_space<vmem>> -> memref<128xi32, #tpu.memory_space<vmem>>
      %dma_start3A_35 = arith.constant 0 : i32
      %dma_start3A_36 = arith.constant 0 : i32
      %dma_start3A_37 = tpu.memref_slice %arg5[%dma_start3A_35, %dma_start3A_36] : memref<10016x128xf32, #tpu.memory_space<hbm>> -> memref<10016x128xf32, #tpu.memory_space<hbm>>
      tpu.enqueue_indirect_dma source(%dma_start3A_37 : memref<10016x128xf32, #tpu.memory_space<hbm>>) target(%arg13 : memref<128x128xf32, #tpu.memory_space<vmem>>) offsets(%dma_start3A_34 : memref<128xi32, #tpu.memory_space<vmem>>) semaphore(%arg17 : memref<!tpu.dma_semaphore, #tpu.memory_space<semaphore_mem>>)
      %dma_wait3A = arith.constant 0 : i32
      %dma_wait3A_38 = arith.constant 0 : i32
      %dma_wait3A_39 = tpu.memref_slice %arg10[%dma_wait3A, %dma_wait3A_38] : memref<1x128xi32, #tpu.memory_space<vmem>> -> memref<1x128xi32, #tpu.memory_space<vmem>>
      %dma_wait3A_40 = tpu.memref_squeeze %dma_wait3A_39 : memref<1x128xi32, #tpu.memory_space<vmem>> -> memref<128xi32, #tpu.memory_space<vmem>>
      %dma_wait3A_41 = arith.constant 0 : i32
      %dma_wait3A_42 = arith.constant 0 : i32
      %dma_wait3A_43 = tpu.memref_slice %arg4[%dma_wait3A_41, %dma_wait3A_42] : memref<10016x128xf32, #tpu.memory_space<hbm>> -> memref<10016x128xf32, #tpu.memory_space<hbm>>
      tpu.wait_indirect_dma semaphore(%arg17 : memref<!tpu.dma_semaphore, #tpu.memory_space<semaphore_mem>>) src(%dma_wait3A_43 : memref<10016x128xf32, #tpu.memory_space<hbm>>) dst(%arg12 : memref<128x128xf32, #tpu.memory_space<vmem>>)
      %dma_wait3A_44 = arith.constant 0 : i32
      %dma_wait3A_45 = arith.constant 0 : i32
      %dma_wait3A_46 = tpu.memref_slice %arg11[%dma_wait3A_44, %dma_wait3A_45] : memref<1x128xi32, #tpu.memory_space<vmem>> -> memref<1x128xi32, #tpu.memory_space<vmem>>
      %dma_wait3A_47 = tpu.memref_squeeze %dma_wait3A_46 : memref<1x128xi32, #tpu.memory_space<vmem>> -> memref<128xi32, #tpu.memory_space<vmem>>
      %dma_wait3A_48 = arith.constant 0 : i32
      %dma_wait3A_49 = arith.constant 0 : i32
      %dma_wait3A_50 = tpu.memref_slice %arg5[%dma_wait3A_48, %dma_wait3A_49] : memref<10016x128xf32, #tpu.memory_space<hbm>> -> memref<10016x128xf32, #tpu.memory_space<hbm>>
      tpu.wait_indirect_dma semaphore(%arg17 : memref<!tpu.dma_semaphore, #tpu.memory_space<semaphore_mem>>) src(%dma_wait3A_50 : memref<10016x128xf32, #tpu.memory_space<hbm>>) dst(%arg13 : memref<128x128xf32, #tpu.memory_space<vmem>>)
      %mul3A_51 = arith.constant 10240 : i32
      %mul3A_52 = arith.muli %add3A, %mul3A_51 : i32
      %mul3A_53 = arith.constant 128 : i32
      %mul3A_54 = arith.muli %scan3A_24, %mul3A_53 : i32
      %add3A_55 = arith.addi %mul3A_52, %mul3A_54 : i32
      %mul3A_56 = arith.constant 8 : i32
      %mul3A_57 = arith.muli %add3A_55, %mul3A_56 : i32
      %scan3A_58 = arith.constant 0 : i32
      %scan3A_59 = arith.constant 0 : i32
      %scan3A_60 = arith.constant 128 : i32
      %scan3A_61 = arith.addi %scan3A_59, %scan3A_60 : i32
      %scan3A_62 = arith.constant 1 : i32
      scf.for %scan3A_64 = %scan3A_59 to %scan3A_61 step %scan3A_62  : i32 {
        %get3A = arith.index_cast %scan3A_64 : i32 to index
        %get3A_65 = arith.constant 0 : index
        %get3A_66 = tpu.vector_load %arg12[%get3A, %get3A_65] {strides = array<i32>} : memref<128x128xf32, #tpu.memory_space<vmem>>, vector<1x16xf32>,
        %get3A_67 = vector.shape_cast %get3A_66 : vector<1x16xf32> to vector<16xf32>
        %get3A_68 = arith.index_cast %scan3A_64 : i32 to index
        %get3A_69 = arith.constant 0 : index
        %get3A_70 = tpu.vector_load %arg13[%get3A_68, %get3A_69] {strides = array<i32>} : memref<128x128xf32, #tpu.memory_space<vmem>>, vector<1x16xf32>,
        %get3A_71 = vector.shape_cast %get3A_70 : vector<1x16xf32> to vector<16xf32>
        %add3A_72 = arith.addf %get3A_67, %get3A_71 : vector<16xf32>
        %ge3A = arith.constant 0.000000e+00 : f32
        %ge3A_73 = vector.broadcast %ge3A : f32 to vector<16xf32>
        %ge3A_74 = arith.cmpf oge, %add3A_72, %ge3A_73 : vector<16xf32>
        %mul3A_75 = arith.constant 2.000000e-01 : f32
        %mul3A_76 = vector.broadcast %mul3A_75 : f32 to vector<16xf32>
        %mul3A_77 = arith.mulf %add3A_72, %mul3A_76 : vector<16xf32>
        %select_n3A = arith.select %ge3A_74, %add3A_72, %mul3A_77 : vector<16xi1>, vector<16xf32>
        %exp3A = math.exp %select_n3A : vector<16xf32>
        %swap3A = arith.index_cast %scan3A_64 : i32 to index
        %swap3A_78 = arith.constant 0 : index
        %swap3A_79 = tpu.vector_load %arg14[%swap3A, %swap3A_78] {strides = array<i32>} : memref<128x128xf32, #tpu.memory_space<vmem>>, vector<1x16xf32>,
        %swap3A_80 = vector.shape_cast %swap3A_79 : vector<1x16xf32> to vector<16xf32>
        %swap3A_81 = vector.shape_cast %exp3A : vector<16xf32> to vector<1x16xf32>
        tpu.vector_store %arg14[%swap3A, %swap3A_78], %swap3A_81 {strides = array<i32>} : memref<128x128xf32, #tpu.memory_space<vmem>>, vector<1x16xf32>,
        %mul3A_82 = arith.constant 8 : i32
        %mul3A_83 = arith.muli %mul3A_82, %scan3A_64 : i32
        %swap3A_84 = arith.index_cast %mul3A_83 : i32 to index
        %swap3A_85 = tpu.vector_load %arg15[%swap3A_84] {strides = array<i32>} : memref<1040xf32, #tpu.memory_space<vmem>>, vector<16xf32>,
        %swap3A_86 = vector.shape_cast %swap3A_85 : vector<16xf32> to vector<16xf32>
        %swap3A_87 = vector.shape_cast %exp3A : vector<16xf32> to vector<16xf32>
        tpu.vector_store %arg15[%swap3A_84], %swap3A_87 {strides = array<i32>} : memref<1040xf32, #tpu.memory_space<vmem>>, vector<16xf32>,
      }
      %scan3A_63 = arith.constant 128 : i32
      %run_scoped3A = arith.constant 0 : i32
      "tpu.region"() ({
        %run_scoped3A_64 = tpu.sem_alloc : memref<!tpu.dma_semaphore, #tpu.memory_space<semaphore_mem>>
        %dma_start3A_65 = arith.constant 0 : i32
        %dma_start3A_66 = tpu.memref_slice %arg11[%run_scoped3A, %dma_start3A_65] : memref<1x128xi32, #tpu.memory_space<vmem>> -> memref<1x128xi32, #tpu.memory_space<vmem>>
        %dma_start3A_67 = tpu.memref_squeeze %dma_start3A_66 : memref<1x128xi32, #tpu.memory_space<vmem>> -> memref<128xi32, #tpu.memory_space<vmem>>
        %dma_start3A_68 = arith.constant 0 : i32
        %dma_start3A_69 = arith.constant 0 : i32
        %dma_start3A_70 = tpu.memref_slice %arg16[%dma_start3A_68, %dma_start3A_69] : memref<10016x128xf32, #tpu.memory_space<vmem_shared>> -> memref<10016x128xf32, #tpu.memory_space<vmem_shared>>
        tpu.enqueue_indirect_dma source(%arg14 : memref<128x128xf32, #tpu.memory_space<vmem>>) target(%dma_start3A_70 : memref<10016x128xf32, #tpu.memory_space<vmem_shared>>) offsets(%dma_start3A_67 : memref<128xi32, #tpu.memory_space<vmem>>) semaphore(%run_scoped3A_64 : memref<!tpu.dma_semaphore, #tpu.memory_space<semaphore_mem>>) {add = true}
        %dma_wait3A_71 = arith.constant 0 : i32
        %dma_wait3A_72 = tpu.memref_slice %arg11[%run_scoped3A, %dma_wait3A_71] : memref<1x128xi32, #tpu.memory_space<vmem>> -> memref<1x128xi32, #tpu.memory_space<vmem>>
        %dma_wait3A_73 = tpu.memref_squeeze %dma_wait3A_72 : memref<1x128xi32, #tpu.memory_space<vmem>> -> memref<128xi32, #tpu.memory_space<vmem>>
        %dma_wait3A_74 = arith.constant 0 : i32
        %dma_wait3A_75 = arith.constant 0 : i32
        %dma_wait3A_76 = tpu.memref_slice %arg16[%dma_wait3A_74, %dma_wait3A_75] : memref<10016x128xf32, #tpu.memory_space<vmem_shared>> -> memref<10016x128xf32, #tpu.memory_space<vmem_shared>>
        tpu.wait_indirect_dma semaphore(%run_scoped3A_64 : memref<!tpu.dma_semaphore, #tpu.memory_space<semaphore_mem>>) src(%arg14 : memref<128x128xf32, #tpu.memory_space<vmem>>) dst(%dma_wait3A_76 : memref<10016x128xf32, #tpu.memory_space<vmem_shared>>)
        tpu.yield
      }) : () -> ()
      "tpu.region"() ({
        %run_scoped3A_64 = tpu.sem_alloc : memref<!tpu.dma_semaphore, #tpu.memory_space<semaphore_mem>>
        %dma_start3A_65 = arith.constant 0 : i32
        %dma_start3A_66 = tpu.memref_slice %arg15[%dma_start3A_65] : memref<1040xf32, #tpu.memory_space<vmem>> -> memref<1024xf32, #tpu.memory_space<vmem>>
        %dma_start3A_67 = tpu.memref_slice %arg7[%mul3A_57] : memref<2621440xf32, #tpu.memory_space<hbm>> -> memref<1024xf32, #tpu.memory_space<hbm>>
        %dma_start3A_68 = tpu.memref_slice %arg7[%mul3A_57] : memref<2621440xf32, #tpu.memory_space<hbm>> -> memref<1024xf32, #tpu.memory_space<hbm>>
        %dma_start3A_69 = arith.constant 0 : i32
        %dma_start3A_70 = tpu.memref_slice %arg15[%dma_start3A_69] : memref<1040xf32, #tpu.memory_space<vmem>> -> memref<1024xf32, #tpu.memory_space<vmem>>
        tpu.enqueue_dma source(%dma_start3A_70 : memref<1024xf32, #tpu.memory_space<vmem>>) target(%dma_start3A_68 : memref<1024xf32, #tpu.memory_space<hbm>>) target_semaphore(%run_scoped3A_64 : memref<!tpu.dma_semaphore, #tpu.memory_space<semaphore_mem>>)
        %dma_wait3A_71 = arith.constant 0 : i32
        %dma_wait3A_72 = tpu.memref_slice %arg15[%dma_wait3A_71] : memref<1040xf32, #tpu.memory_space<vmem>> -> memref<1024xf32, #tpu.memory_space<vmem>>
        %dma_wait3A_73 = tpu.memref_slice %arg7[%mul3A_57] : memref<2621440xf32, #tpu.memory_space<hbm>> -> memref<1024xf32, #tpu.memory_space<hbm>>
        %dma_wait3A_74 = tpu.memref_slice %arg7[%mul3A_57] : memref<2621440xf32, #tpu.memory_space<hbm>> -> memref<1024xf32, #tpu.memory_space<hbm>>
        %dma_wait3A_75 = arith.constant 0 : i32
        %dma_wait3A_76 = tpu.memref_slice %arg15[%dma_wait3A_75] : memref<1040xf32, #tpu.memory_space<vmem>> -> memref<1024xf32, #tpu.memory_space<vmem>>
        tpu.wait_dma2 semaphore(%run_scoped3A_64 : memref<!tpu.dma_semaphore, #tpu.memory_space<semaphore_mem>>) src(%dma_wait3A_76 : memref<1024xf32, #tpu.memory_space<vmem>>) dst(%dma_wait3A_74 : memref<1024xf32, #tpu.memory_space<hbm>>)
        tpu.yield
      }) : () -> ()
    }
    %scan3A_7 = arith.constant 80 : i32
    %barrier3A_8 = arith.constant 0 : index
    tpu.barrier barrier_id(%barrier3A_8)
    %eq3A_9 = arith.constant 0 : i32
    %eq3A_10 = arith.cmpi eq, %arg1, %eq3A_9 : i32
    %eq3A_11 = arith.constant 0 : i32
    %eq3A_12 = arith.cmpi eq, %arg0, %eq3A_11 : i32
    %and3A = arith.andi %eq3A_10, %eq3A_12 : i1
    %convert_element_type3A_13 = arith.extui %and3A : i1 to i32
    %cond3A_14 = arith.constant 0 : i32
    %cond3A_15 = arith.cmpi ne, %convert_element_type3A_13, %cond3A_14 : i32
    scf.if %cond3A_15 {
      "tpu.region"() ({
        %run_scoped3A = tpu.sem_alloc : memref<!tpu.dma_semaphore, #tpu.memory_space<semaphore_mem>>
        tpu.enqueue_dma source(%arg16 : memref<10016x128xf32, #tpu.memory_space<vmem_shared>>) target(%arg8 : memref<10016x128xf32, #tpu.memory_space<hbm>>) target_semaphore(%run_scoped3A : memref<!tpu.dma_semaphore, #tpu.memory_space<semaphore_mem>>)
        tpu.wait_dma2 semaphore(%run_scoped3A : memref<!tpu.dma_semaphore, #tpu.memory_space<semaphore_mem>>) src(%arg16 : memref<10016x128xf32, #tpu.memory_space<vmem_shared>>) dst(%arg8 : memref<10016x128xf32, #tpu.memory_space<hbm>>)
        tpu.yield
      }) : () -> ()
    } else {
    }
    %eq3A_16 = arith.constant 0 : i32
    %eq3A_17 = arith.cmpi eq, %arg1, %eq3A_16 : i32
    %eq3A_18 = arith.constant 1 : i32
    %eq3A_19 = arith.cmpi eq, %arg0, %eq3A_18 : i32
    %and3A_20 = arith.andi %eq3A_17, %eq3A_19 : i1
    %convert_element_type3A_21 = arith.extui %and3A_20 : i1 to i32
    %cond3A_22 = arith.constant 0 : i32
    %cond3A_23 = arith.cmpi ne, %convert_element_type3A_21, %cond3A_22 : i32
    scf.if %cond3A_23 {
      "tpu.region"() ({
        %run_scoped3A = tpu.sem_alloc : memref<!tpu.dma_semaphore, #tpu.memory_space<semaphore_mem>>
        tpu.enqueue_dma source(%arg16 : memref<10016x128xf32, #tpu.memory_space<vmem_shared>>) target(%arg9 : memref<10016x128xf32, #tpu.memory_space<hbm>>) target_semaphore(%run_scoped3A : memref<!tpu.dma_semaphore, #tpu.memory_space<semaphore_mem>>)
        tpu.wait_dma2 semaphore(%run_scoped3A : memref<!tpu.dma_semaphore, #tpu.memory_space<semaphore_mem>>) src(%arg16 : memref<10016x128xf32, #tpu.memory_space<vmem_shared>>) dst(%arg9 : memref<10016x128xf32, #tpu.memory_space<hbm>>)
        tpu.yield
      }) : () -> ()
    } else {
    }
    return
  }
}

#map = affine_map<(d0, d1) -> (0, 0, 0)>
#map1 = affine_map<(d0, d1) -> (0, 0)>
#map2 = affine_map<(d0, d1) -> (0)>
module attributes {stable_mosaic.version = 14 : i64} {
  func.func @body(%arg0: i32, %arg1: i32, %arg2: memref<32x80x128xi32, #tpu.memory_space<hbm>>, %arg3: memref<32x80x128xi32, #tpu.memory_space<hbm>>, %arg4: memref<10000x128xf32, #tpu.memory_space<hbm>>, %arg5: memref<2621440xf32, #tpu.memory_space<hbm>>, %arg6: memref<10016x128xf32, #tpu.memory_space<hbm>>, %arg7: memref<10016x128xf32, #tpu.memory_space<hbm>>, %arg8: memref<10016x128xf32, #tpu.memory_space<hbm>>, %arg9: memref<2x128xi32, #tpu.memory_space<vmem>>, %arg10: memref<2x128xi32, #tpu.memory_space<vmem>>, %arg11: memref<2x128x128xf32, #tpu.memory_space<vmem>>, %arg12: memref<2080xf32, #tpu.memory_space<vmem>>, %arg13: memref<10016x128xf32, #tpu.memory_space<vmem_shared>>, %arg14: memref<!tpu.dma_semaphore, #tpu.memory_space<semaphore_mem>>) attributes {dimension_semantics = [#tpu.dimension_semantics<core_parallel>, #tpu.dimension_semantics<subcore_parallel>], iteration_bounds = array<i64: 2, 16>, scalar_prefetch = 0 : i64, scratch_operands = 6 : i64, tpu.core_type = #tpu.core_type<sc_vector_subcore>, window_params = [{transform_indices = #map}, {transform_indices = #map}, {transform_indices = #map1}, {transform_indices = #map2}, {transform_indices = #map1}, {transform_indices = #map1}, {transform_indices = #map1}]} {
    %eq3A = arith.constant 0 : i32
    %eq3A_0 = arith.cmpi eq, %arg1, %eq3A : i32
    %convert_element_type3A = arith.extui %eq3A_0 : i1 to i32
    %cond3A = arith.constant 0 : i32
    %cond3A_1 = arith.cmpi ne, %convert_element_type3A, %cond3A : i32
    scf.if %cond3A_1 {
      "tpu.region"() ({
        %run_scoped3A = tpu.sem_alloc : memref<!tpu.dma_semaphore, #tpu.memory_space<semaphore_mem>>
        tpu.enqueue_dma source(%arg6 : memref<10016x128xf32, #tpu.memory_space<hbm>>) target(%arg13 : memref<10016x128xf32, #tpu.memory_space<vmem_shared>>) target_semaphore(%run_scoped3A : memref<!tpu.dma_semaphore, #tpu.memory_space<semaphore_mem>>)
        tpu.wait_dma2 semaphore(%run_scoped3A : memref<!tpu.dma_semaphore, #tpu.memory_space<semaphore_mem>>) src(%arg6 : memref<10016x128xf32, #tpu.memory_space<hbm>>) dst(%arg13 : memref<10016x128xf32, #tpu.memory_space<vmem_shared>>)
        tpu.yield
      }) : () -> ()
    } else {
    }
    %barrier3A = arith.constant 0 : index
    tpu.barrier barrier_id(%barrier3A)
    %mul3A = arith.constant 2 : i32
    %mul3A_2 = arith.muli %arg1, %mul3A : i32
    %add3A = arith.addi %mul3A_2, %arg0 : i32
    %iota3A = tpu.iota {dimensions = array<i32: 0>} : vector<16xi32>
    %scan3A = arith.constant 0 : i32
    %scan3A_3 = arith.constant 0 : i32
    %scan3A_4 = arith.constant 40 : i32
    %scan3A_5 = arith.addi %scan3A_3, %scan3A_4 : i32
    %scan3A_6 = arith.constant 1 : i32
    scf.for %scan3A_24 = %scan3A_3 to %scan3A_5 step %scan3A_6  : i32 {
      %mul3A_25 = arith.constant 2 : i32
      %mul3A_26 = arith.muli %mul3A_25, %scan3A_24 : i32
      %add3A_27 = arith.constant 0 : i32
      %add3A_28 = arith.addi %mul3A_26, %add3A_27 : i32
      "tpu.region"() ({
        %run_scoped3A_108 = tpu.sem_alloc : memref<!tpu.dma_semaphore, #tpu.memory_space<semaphore_mem>>
        %dma_start3A_109 = arith.constant 0 : i32
        %dma_start3A_110 = arith.constant 0 : i32
        %dma_start3A_111 = tpu.memref_slice %arg9[%dma_start3A_109, %dma_start3A_110] : memref<2x128xi32, #tpu.memory_space<vmem>> -> memref<1x128xi32, #tpu.memory_space<vmem>>
        %dma_start3A_112 = arith.constant 0 : i32
        %dma_start3A_113 = tpu.memref_slice %arg2[%add3A, %add3A_28, %dma_start3A_112] : memref<32x80x128xi32, #tpu.memory_space<hbm>> -> memref<1x1x128xi32, #tpu.memory_space<hbm>>
        %dma_start3A_114 = tpu.memref_squeeze %dma_start3A_113 : memref<1x1x128xi32, #tpu.memory_space<hbm>> -> memref<1x128xi32, #tpu.memory_space<hbm>>
        %dma_start3A_115 = arith.constant 0 : i32
        %dma_start3A_116 = arith.constant 0 : i32
        %dma_start3A_117 = tpu.memref_slice %arg9[%dma_start3A_115, %dma_start3A_116] : memref<2x128xi32, #tpu.memory_space<vmem>> -> memref<1x128xi32, #tpu.memory_space<vmem>>
        %dma_start3A_118 = arith.constant 0 : i32
        %dma_start3A_119 = tpu.memref_slice %arg2[%add3A, %add3A_28, %dma_start3A_118] : memref<32x80x128xi32, #tpu.memory_space<hbm>> -> memref<1x1x128xi32, #tpu.memory_space<hbm>>
        %dma_start3A_120 = tpu.memref_squeeze %dma_start3A_119 : memref<1x1x128xi32, #tpu.memory_space<hbm>> -> memref<1x128xi32, #tpu.memory_space<hbm>>
        tpu.enqueue_dma source(%dma_start3A_120 : memref<1x128xi32, #tpu.memory_space<hbm>>) target(%dma_start3A_117 : memref<1x128xi32, #tpu.memory_space<vmem>>) target_semaphore(%run_scoped3A_108 : memref<!tpu.dma_semaphore, #tpu.memory_space<semaphore_mem>>)
        %dma_wait3A_121 = arith.constant 0 : i32
        %dma_wait3A_122 = arith.constant 0 : i32
        %dma_wait3A_123 = tpu.memref_slice %arg9[%dma_wait3A_121, %dma_wait3A_122] : memref<2x128xi32, #tpu.memory_space<vmem>> -> memref<1x128xi32, #tpu.memory_space<vmem>>
        %dma_wait3A_124 = arith.constant 0 : i32
        %dma_wait3A_125 = tpu.memref_slice %arg2[%add3A, %add3A_28, %dma_wait3A_124] : memref<32x80x128xi32, #tpu.memory_space<hbm>> -> memref<1x1x128xi32, #tpu.memory_space<hbm>>
        %dma_wait3A_126 = tpu.memref_squeeze %dma_wait3A_125 : memref<1x1x128xi32, #tpu.memory_space<hbm>> -> memref<1x128xi32, #tpu.memory_space<hbm>>
        %dma_wait3A_127 = arith.constant 0 : i32
        %dma_wait3A_128 = arith.constant 0 : i32
        %dma_wait3A_129 = tpu.memref_slice %arg9[%dma_wait3A_127, %dma_wait3A_128] : memref<2x128xi32, #tpu.memory_space<vmem>> -> memref<1x128xi32, #tpu.memory_space<vmem>>
        %dma_wait3A_130 = arith.constant 0 : i32
        %dma_wait3A_131 = tpu.memref_slice %arg2[%add3A, %add3A_28, %dma_wait3A_130] : memref<32x80x128xi32, #tpu.memory_space<hbm>> -> memref<1x1x128xi32, #tpu.memory_space<hbm>>
        %dma_wait3A_132 = tpu.memref_squeeze %dma_wait3A_131 : memref<1x1x128xi32, #tpu.memory_space<hbm>> -> memref<1x128xi32, #tpu.memory_space<hbm>>
        tpu.wait_dma2 semaphore(%run_scoped3A_108 : memref<!tpu.dma_semaphore, #tpu.memory_space<semaphore_mem>>) src(%dma_wait3A_132 : memref<1x128xi32, #tpu.memory_space<hbm>>) dst(%dma_wait3A_129 : memref<1x128xi32, #tpu.memory_space<vmem>>)
        tpu.yield
      }) : () -> ()
      "tpu.region"() ({
        %run_scoped3A_108 = tpu.sem_alloc : memref<!tpu.dma_semaphore, #tpu.memory_space<semaphore_mem>>
        %dma_start3A_109 = arith.constant 0 : i32
        %dma_start3A_110 = arith.constant 0 : i32
        %dma_start3A_111 = tpu.memref_slice %arg10[%dma_start3A_109, %dma_start3A_110] : memref<2x128xi32, #tpu.memory_space<vmem>> -> memref<1x128xi32, #tpu.memory_space<vmem>>
        %dma_start3A_112 = arith.constant 0 : i32
        %dma_start3A_113 = tpu.memref_slice %arg3[%add3A, %add3A_28, %dma_start3A_112] : memref<32x80x128xi32, #tpu.memory_space<hbm>> -> memref<1x1x128xi32, #tpu.memory_space<hbm>>
        %dma_start3A_114 = tpu.memref_squeeze %dma_start3A_113 : memref<1x1x128xi32, #tpu.memory_space<hbm>> -> memref<1x128xi32, #tpu.memory_space<hbm>>
        %dma_start3A_115 = arith.constant 0 : i32
        %dma_start3A_116 = arith.constant 0 : i32
        %dma_start3A_117 = tpu.memref_slice %arg10[%dma_start3A_115, %dma_start3A_116] : memref<2x128xi32, #tpu.memory_space<vmem>> -> memref<1x128xi32, #tpu.memory_space<vmem>>
        %dma_start3A_118 = arith.constant 0 : i32
        %dma_start3A_119 = tpu.memref_slice %arg3[%add3A, %add3A_28, %dma_start3A_118] : memref<32x80x128xi32, #tpu.memory_space<hbm>> -> memref<1x1x128xi32, #tpu.memory_space<hbm>>
        %dma_start3A_120 = tpu.memref_squeeze %dma_start3A_119 : memref<1x1x128xi32, #tpu.memory_space<hbm>> -> memref<1x128xi32, #tpu.memory_space<hbm>>
        tpu.enqueue_dma source(%dma_start3A_120 : memref<1x128xi32, #tpu.memory_space<hbm>>) target(%dma_start3A_117 : memref<1x128xi32, #tpu.memory_space<vmem>>) target_semaphore(%run_scoped3A_108 : memref<!tpu.dma_semaphore, #tpu.memory_space<semaphore_mem>>)
        %dma_wait3A_121 = arith.constant 0 : i32
        %dma_wait3A_122 = arith.constant 0 : i32
        %dma_wait3A_123 = tpu.memref_slice %arg10[%dma_wait3A_121, %dma_wait3A_122] : memref<2x128xi32, #tpu.memory_space<vmem>> -> memref<1x128xi32, #tpu.memory_space<vmem>>
        %dma_wait3A_124 = arith.constant 0 : i32
        %dma_wait3A_125 = tpu.memref_slice %arg3[%add3A, %add3A_28, %dma_wait3A_124] : memref<32x80x128xi32, #tpu.memory_space<hbm>> -> memref<1x1x128xi32, #tpu.memory_space<hbm>>
        %dma_wait3A_126 = tpu.memref_squeeze %dma_wait3A_125 : memref<1x1x128xi32, #tpu.memory_space<hbm>> -> memref<1x128xi32, #tpu.memory_space<hbm>>
        %dma_wait3A_127 = arith.constant 0 : i32
        %dma_wait3A_128 = arith.constant 0 : i32
        %dma_wait3A_129 = tpu.memref_slice %arg10[%dma_wait3A_127, %dma_wait3A_128] : memref<2x128xi32, #tpu.memory_space<vmem>> -> memref<1x128xi32, #tpu.memory_space<vmem>>
        %dma_wait3A_130 = arith.constant 0 : i32
        %dma_wait3A_131 = tpu.memref_slice %arg3[%add3A, %add3A_28, %dma_wait3A_130] : memref<32x80x128xi32, #tpu.memory_space<hbm>> -> memref<1x1x128xi32, #tpu.memory_space<hbm>>
        %dma_wait3A_132 = tpu.memref_squeeze %dma_wait3A_131 : memref<1x1x128xi32, #tpu.memory_space<hbm>> -> memref<1x128xi32, #tpu.memory_space<hbm>>
        tpu.wait_dma2 semaphore(%run_scoped3A_108 : memref<!tpu.dma_semaphore, #tpu.memory_space<semaphore_mem>>) src(%dma_wait3A_132 : memref<1x128xi32, #tpu.memory_space<hbm>>) dst(%dma_wait3A_129 : memref<1x128xi32, #tpu.memory_space<vmem>>)
        tpu.yield
      }) : () -> ()
      %dma_start3A = arith.constant 0 : i32
      %dma_start3A_29 = arith.constant 0 : i32
      %dma_start3A_30 = arith.constant 0 : i32
      %dma_start3A_31 = arith.constant 0 : i32
      %dma_start3A_32 = tpu.memref_slice %arg11[%dma_start3A_29, %dma_start3A_30, %dma_start3A_31] : memref<2x128x128xf32, #tpu.memory_space<vmem>> -> memref<1x128x128xf32, #tpu.memory_space<vmem>>
      %dma_start3A_33 = tpu.memref_squeeze %dma_start3A_32 : memref<1x128x128xf32, #tpu.memory_space<vmem>> -> memref<128x128xf32, #tpu.memory_space<vmem>>
      %dma_start3A_34 = arith.constant 0 : i32
      %dma_start3A_35 = tpu.memref_slice %arg9[%dma_start3A, %dma_start3A_34] : memref<2x128xi32, #tpu.memory_space<vmem>> -> memref<1x128xi32, #tpu.memory_space<vmem>>
      %dma_start3A_36 = tpu.memref_squeeze %dma_start3A_35 : memref<1x128xi32, #tpu.memory_space<vmem>> -> memref<128xi32, #tpu.memory_space<vmem>>
      %dma_start3A_37 = arith.constant 0 : i32
      %dma_start3A_38 = arith.constant 0 : i32
      %dma_start3A_39 = tpu.memref_slice %arg4[%dma_start3A_37, %dma_start3A_38] : memref<10000x128xf32, #tpu.memory_space<hbm>> -> memref<10000x128xf32, #tpu.memory_space<hbm>>
      tpu.enqueue_indirect_dma source(%dma_start3A_39 : memref<10000x128xf32, #tpu.memory_space<hbm>>) target(%dma_start3A_33 : memref<128x128xf32, #tpu.memory_space<vmem>>) offsets(%dma_start3A_36 : memref<128xi32, #tpu.memory_space<vmem>>) semaphore(%arg14 : memref<!tpu.dma_semaphore, #tpu.memory_space<semaphore_mem>>)
      %mul3A_40 = arith.constant 10240 : i32
      %mul3A_41 = arith.muli %add3A, %mul3A_40 : i32
      %mul3A_42 = arith.constant 128 : i32
      %mul3A_43 = arith.muli %add3A_28, %mul3A_42 : i32
      %add3A_44 = arith.addi %mul3A_41, %mul3A_43 : i32
      %mul3A_45 = arith.constant 8 : i32
      %mul3A_46 = arith.muli %add3A_44, %mul3A_45 : i32
      "tpu.region"() ({
        %run_scoped3A_108 = tpu.sem_alloc : memref<!tpu.dma_semaphore, #tpu.memory_space<semaphore_mem>>
        %dma_start3A_109 = arith.constant 0 : i32
        %dma_start3A_110 = tpu.memref_slice %arg12[%dma_start3A_109] : memref<2080xf32, #tpu.memory_space<vmem>> -> memref<1024xf32, #tpu.memory_space<vmem>>
        %dma_start3A_111 = tpu.memref_slice %arg5[%mul3A_46] : memref<2621440xf32, #tpu.memory_space<hbm>> -> memref<1024xf32, #tpu.memory_space<hbm>>
        %dma_start3A_112 = arith.constant 0 : i32
        %dma_start3A_113 = tpu.memref_slice %arg12[%dma_start3A_112] : memref<2080xf32, #tpu.memory_space<vmem>> -> memref<1024xf32, #tpu.memory_space<vmem>>
        %dma_start3A_114 = tpu.memref_slice %arg5[%mul3A_46] : memref<2621440xf32, #tpu.memory_space<hbm>> -> memref<1024xf32, #tpu.memory_space<hbm>>
        tpu.enqueue_dma source(%dma_start3A_114 : memref<1024xf32, #tpu.memory_space<hbm>>) target(%dma_start3A_113 : memref<1024xf32, #tpu.memory_space<vmem>>) target_semaphore(%run_scoped3A_108 : memref<!tpu.dma_semaphore, #tpu.memory_space<semaphore_mem>>)
        %dma_wait3A_115 = arith.constant 0 : i32
        %dma_wait3A_116 = tpu.memref_slice %arg12[%dma_wait3A_115] : memref<2080xf32, #tpu.memory_space<vmem>> -> memref<1024xf32, #tpu.memory_space<vmem>>
        %dma_wait3A_117 = tpu.memref_slice %arg5[%mul3A_46] : memref<2621440xf32, #tpu.memory_space<hbm>> -> memref<1024xf32, #tpu.memory_space<hbm>>
        %dma_wait3A_118 = arith.constant 0 : i32
        %dma_wait3A_119 = tpu.memref_slice %arg12[%dma_wait3A_118] : memref<2080xf32, #tpu.memory_space<vmem>> -> memref<1024xf32, #tpu.memory_space<vmem>>
        %dma_wait3A_120 = tpu.memref_slice %arg5[%mul3A_46] : memref<2621440xf32, #tpu.memory_space<hbm>> -> memref<1024xf32, #tpu.memory_space<hbm>>
        tpu.wait_dma2 semaphore(%run_scoped3A_108 : memref<!tpu.dma_semaphore, #tpu.memory_space<semaphore_mem>>) src(%dma_wait3A_120 : memref<1024xf32, #tpu.memory_space<hbm>>) dst(%dma_wait3A_119 : memref<1024xf32, #tpu.memory_space<vmem>>)
        tpu.yield
      }) : () -> ()
      %mul3A_47 = arith.constant 2 : i32
      %mul3A_48 = arith.muli %mul3A_47, %scan3A_24 : i32
      %add3A_49 = arith.constant 1 : i32
      %add3A_50 = arith.addi %mul3A_48, %add3A_49 : i32
      "tpu.region"() ({
        %run_scoped3A_108 = tpu.sem_alloc : memref<!tpu.dma_semaphore, #tpu.memory_space<semaphore_mem>>
        %dma_start3A_109 = arith.constant 1 : i32
        %dma_start3A_110 = arith.constant 0 : i32
        %dma_start3A_111 = tpu.memref_slice %arg9[%dma_start3A_109, %dma_start3A_110] : memref<2x128xi32, #tpu.memory_space<vmem>> -> memref<1x128xi32, #tpu.memory_space<vmem>>
        %dma_start3A_112 = arith.constant 0 : i32
        %dma_start3A_113 = tpu.memref_slice %arg2[%add3A, %add3A_50, %dma_start3A_112] : memref<32x80x128xi32, #tpu.memory_space<hbm>> -> memref<1x1x128xi32, #tpu.memory_space<hbm>>
        %dma_start3A_114 = tpu.memref_squeeze %dma_start3A_113 : memref<1x1x128xi32, #tpu.memory_space<hbm>> -> memref<1x128xi32, #tpu.memory_space<hbm>>
        %dma_start3A_115 = arith.constant 1 : i32
        %dma_start3A_116 = arith.constant 0 : i32
        %dma_start3A_117 = tpu.memref_slice %arg9[%dma_start3A_115, %dma_start3A_116] : memref<2x128xi32, #tpu.memory_space<vmem>> -> memref<1x128xi32, #tpu.memory_space<vmem>>
        %dma_start3A_118 = arith.constant 0 : i32
        %dma_start3A_119 = tpu.memref_slice %arg2[%add3A, %add3A_50, %dma_start3A_118] : memref<32x80x128xi32, #tpu.memory_space<hbm>> -> memref<1x1x128xi32, #tpu.memory_space<hbm>>
        %dma_start3A_120 = tpu.memref_squeeze %dma_start3A_119 : memref<1x1x128xi32, #tpu.memory_space<hbm>> -> memref<1x128xi32, #tpu.memory_space<hbm>>
        tpu.enqueue_dma source(%dma_start3A_120 : memref<1x128xi32, #tpu.memory_space<hbm>>) target(%dma_start3A_117 : memref<1x128xi32, #tpu.memory_space<vmem>>) target_semaphore(%run_scoped3A_108 : memref<!tpu.dma_semaphore, #tpu.memory_space<semaphore_mem>>)
        %dma_wait3A_121 = arith.constant 1 : i32
        %dma_wait3A_122 = arith.constant 0 : i32
        %dma_wait3A_123 = tpu.memref_slice %arg9[%dma_wait3A_121, %dma_wait3A_122] : memref<2x128xi32, #tpu.memory_space<vmem>> -> memref<1x128xi32, #tpu.memory_space<vmem>>
        %dma_wait3A_124 = arith.constant 0 : i32
        %dma_wait3A_125 = tpu.memref_slice %arg2[%add3A, %add3A_50, %dma_wait3A_124] : memref<32x80x128xi32, #tpu.memory_space<hbm>> -> memref<1x1x128xi32, #tpu.memory_space<hbm>>
        %dma_wait3A_126 = tpu.memref_squeeze %dma_wait3A_125 : memref<1x1x128xi32, #tpu.memory_space<hbm>> -> memref<1x128xi32, #tpu.memory_space<hbm>>
        %dma_wait3A_127 = arith.constant 1 : i32
        %dma_wait3A_128 = arith.constant 0 : i32
        %dma_wait3A_129 = tpu.memref_slice %arg9[%dma_wait3A_127, %dma_wait3A_128] : memref<2x128xi32, #tpu.memory_space<vmem>> -> memref<1x128xi32, #tpu.memory_space<vmem>>
        %dma_wait3A_130 = arith.constant 0 : i32
        %dma_wait3A_131 = tpu.memref_slice %arg2[%add3A, %add3A_50, %dma_wait3A_130] : memref<32x80x128xi32, #tpu.memory_space<hbm>> -> memref<1x1x128xi32, #tpu.memory_space<hbm>>
        %dma_wait3A_132 = tpu.memref_squeeze %dma_wait3A_131 : memref<1x1x128xi32, #tpu.memory_space<hbm>> -> memref<1x128xi32, #tpu.memory_space<hbm>>
        tpu.wait_dma2 semaphore(%run_scoped3A_108 : memref<!tpu.dma_semaphore, #tpu.memory_space<semaphore_mem>>) src(%dma_wait3A_132 : memref<1x128xi32, #tpu.memory_space<hbm>>) dst(%dma_wait3A_129 : memref<1x128xi32, #tpu.memory_space<vmem>>)
        tpu.yield
      }) : () -> ()
      "tpu.region"() ({
        %run_scoped3A_108 = tpu.sem_alloc : memref<!tpu.dma_semaphore, #tpu.memory_space<semaphore_mem>>
        %dma_start3A_109 = arith.constant 1 : i32
        %dma_start3A_110 = arith.constant 0 : i32
        %dma_start3A_111 = tpu.memref_slice %arg10[%dma_start3A_109, %dma_start3A_110] : memref<2x128xi32, #tpu.memory_space<vmem>> -> memref<1x128xi32, #tpu.memory_space<vmem>>
        %dma_start3A_112 = arith.constant 0 : i32
        %dma_start3A_113 = tpu.memref_slice %arg3[%add3A, %add3A_50, %dma_start3A_112] : memref<32x80x128xi32, #tpu.memory_space<hbm>> -> memref<1x1x128xi32, #tpu.memory_space<hbm>>
        %dma_start3A_114 = tpu.memref_squeeze %dma_start3A_113 : memref<1x1x128xi32, #tpu.memory_space<hbm>> -> memref<1x128xi32, #tpu.memory_space<hbm>>
        %dma_start3A_115 = arith.constant 1 : i32
        %dma_start3A_116 = arith.constant 0 : i32
        %dma_start3A_117 = tpu.memref_slice %arg10[%dma_start3A_115, %dma_start3A_116] : memref<2x128xi32, #tpu.memory_space<vmem>> -> memref<1x128xi32, #tpu.memory_space<vmem>>
        %dma_start3A_118 = arith.constant 0 : i32
        %dma_start3A_119 = tpu.memref_slice %arg3[%add3A, %add3A_50, %dma_start3A_118] : memref<32x80x128xi32, #tpu.memory_space<hbm>> -> memref<1x1x128xi32, #tpu.memory_space<hbm>>
        %dma_start3A_120 = tpu.memref_squeeze %dma_start3A_119 : memref<1x1x128xi32, #tpu.memory_space<hbm>> -> memref<1x128xi32, #tpu.memory_space<hbm>>
        tpu.enqueue_dma source(%dma_start3A_120 : memref<1x128xi32, #tpu.memory_space<hbm>>) target(%dma_start3A_117 : memref<1x128xi32, #tpu.memory_space<vmem>>) target_semaphore(%run_scoped3A_108 : memref<!tpu.dma_semaphore, #tpu.memory_space<semaphore_mem>>)
        %dma_wait3A_121 = arith.constant 1 : i32
        %dma_wait3A_122 = arith.constant 0 : i32
        %dma_wait3A_123 = tpu.memref_slice %arg10[%dma_wait3A_121, %dma_wait3A_122] : memref<2x128xi32, #tpu.memory_space<vmem>> -> memref<1x128xi32, #tpu.memory_space<vmem>>
        %dma_wait3A_124 = arith.constant 0 : i32
        %dma_wait3A_125 = tpu.memref_slice %arg3[%add3A, %add3A_50, %dma_wait3A_124] : memref<32x80x128xi32, #tpu.memory_space<hbm>> -> memref<1x1x128xi32, #tpu.memory_space<hbm>>
        %dma_wait3A_126 = tpu.memref_squeeze %dma_wait3A_125 : memref<1x1x128xi32, #tpu.memory_space<hbm>> -> memref<1x128xi32, #tpu.memory_space<hbm>>
        %dma_wait3A_127 = arith.constant 1 : i32
        %dma_wait3A_128 = arith.constant 0 : i32
        %dma_wait3A_129 = tpu.memref_slice %arg10[%dma_wait3A_127, %dma_wait3A_128] : memref<2x128xi32, #tpu.memory_space<vmem>> -> memref<1x128xi32, #tpu.memory_space<vmem>>
        %dma_wait3A_130 = arith.constant 0 : i32
        %dma_wait3A_131 = tpu.memref_slice %arg3[%add3A, %add3A_50, %dma_wait3A_130] : memref<32x80x128xi32, #tpu.memory_space<hbm>> -> memref<1x1x128xi32, #tpu.memory_space<hbm>>
        %dma_wait3A_132 = tpu.memref_squeeze %dma_wait3A_131 : memref<1x1x128xi32, #tpu.memory_space<hbm>> -> memref<1x128xi32, #tpu.memory_space<hbm>>
        tpu.wait_dma2 semaphore(%run_scoped3A_108 : memref<!tpu.dma_semaphore, #tpu.memory_space<semaphore_mem>>) src(%dma_wait3A_132 : memref<1x128xi32, #tpu.memory_space<hbm>>) dst(%dma_wait3A_129 : memref<1x128xi32, #tpu.memory_space<vmem>>)
        tpu.yield
      }) : () -> ()
      %dma_start3A_51 = arith.constant 1 : i32
      %dma_start3A_52 = arith.constant 1 : i32
      %dma_start3A_53 = arith.constant 0 : i32
      %dma_start3A_54 = arith.constant 0 : i32
      %dma_start3A_55 = tpu.memref_slice %arg11[%dma_start3A_52, %dma_start3A_53, %dma_start3A_54] : memref<2x128x128xf32, #tpu.memory_space<vmem>> -> memref<1x128x128xf32, #tpu.memory_space<vmem>>
      %dma_start3A_56 = tpu.memref_squeeze %dma_start3A_55 : memref<1x128x128xf32, #tpu.memory_space<vmem>> -> memref<128x128xf32, #tpu.memory_space<vmem>>
      %dma_start3A_57 = arith.constant 0 : i32
      %dma_start3A_58 = tpu.memref_slice %arg9[%dma_start3A_51, %dma_start3A_57] : memref<2x128xi32, #tpu.memory_space<vmem>> -> memref<1x128xi32, #tpu.memory_space<vmem>>
      %dma_start3A_59 = tpu.memref_squeeze %dma_start3A_58 : memref<1x128xi32, #tpu.memory_space<vmem>> -> memref<128xi32, #tpu.memory_space<vmem>>
      %dma_start3A_60 = arith.constant 0 : i32
      %dma_start3A_61 = arith.constant 0 : i32
      %dma_start3A_62 = tpu.memref_slice %arg4[%dma_start3A_60, %dma_start3A_61] : memref<10000x128xf32, #tpu.memory_space<hbm>> -> memref<10000x128xf32, #tpu.memory_space<hbm>>
      tpu.enqueue_indirect_dma source(%dma_start3A_62 : memref<10000x128xf32, #tpu.memory_space<hbm>>) target(%dma_start3A_56 : memref<128x128xf32, #tpu.memory_space<vmem>>) offsets(%dma_start3A_59 : memref<128xi32, #tpu.memory_space<vmem>>) semaphore(%arg14 : memref<!tpu.dma_semaphore, #tpu.memory_space<semaphore_mem>>)
      %mul3A_63 = arith.constant 10240 : i32
      %mul3A_64 = arith.muli %add3A, %mul3A_63 : i32
      %mul3A_65 = arith.constant 128 : i32
      %mul3A_66 = arith.muli %add3A_50, %mul3A_65 : i32
      %add3A_67 = arith.addi %mul3A_64, %mul3A_66 : i32
      %mul3A_68 = arith.constant 8 : i32
      %mul3A_69 = arith.muli %add3A_67, %mul3A_68 : i32
      "tpu.region"() ({
        %run_scoped3A_108 = tpu.sem_alloc : memref<!tpu.dma_semaphore, #tpu.memory_space<semaphore_mem>>
        %dma_start3A_109 = arith.constant 1040 : i32
        %dma_start3A_110 = tpu.memref_slice %arg12[%dma_start3A_109] : memref<2080xf32, #tpu.memory_space<vmem>> -> memref<1024xf32, #tpu.memory_space<vmem>>
        %dma_start3A_111 = tpu.memref_slice %arg5[%mul3A_69] : memref<2621440xf32, #tpu.memory_space<hbm>> -> memref<1024xf32, #tpu.memory_space<hbm>>
        %dma_start3A_112 = arith.constant 1040 : i32
        %dma_start3A_113 = tpu.memref_slice %arg12[%dma_start3A_112] : memref<2080xf32, #tpu.memory_space<vmem>> -> memref<1024xf32, #tpu.memory_space<vmem>>
        %dma_start3A_114 = tpu.memref_slice %arg5[%mul3A_69] : memref<2621440xf32, #tpu.memory_space<hbm>> -> memref<1024xf32, #tpu.memory_space<hbm>>
        tpu.enqueue_dma source(%dma_start3A_114 : memref<1024xf32, #tpu.memory_space<hbm>>) target(%dma_start3A_113 : memref<1024xf32, #tpu.memory_space<vmem>>) target_semaphore(%run_scoped3A_108 : memref<!tpu.dma_semaphore, #tpu.memory_space<semaphore_mem>>)
        %dma_wait3A_115 = arith.constant 1040 : i32
        %dma_wait3A_116 = tpu.memref_slice %arg12[%dma_wait3A_115] : memref<2080xf32, #tpu.memory_space<vmem>> -> memref<1024xf32, #tpu.memory_space<vmem>>
        %dma_wait3A_117 = tpu.memref_slice %arg5[%mul3A_69] : memref<2621440xf32, #tpu.memory_space<hbm>> -> memref<1024xf32, #tpu.memory_space<hbm>>
        %dma_wait3A_118 = arith.constant 1040 : i32
        %dma_wait3A_119 = tpu.memref_slice %arg12[%dma_wait3A_118] : memref<2080xf32, #tpu.memory_space<vmem>> -> memref<1024xf32, #tpu.memory_space<vmem>>
        %dma_wait3A_120 = tpu.memref_slice %arg5[%mul3A_69] : memref<2621440xf32, #tpu.memory_space<hbm>> -> memref<1024xf32, #tpu.memory_space<hbm>>
        tpu.wait_dma2 semaphore(%run_scoped3A_108 : memref<!tpu.dma_semaphore, #tpu.memory_space<semaphore_mem>>) src(%dma_wait3A_120 : memref<1024xf32, #tpu.memory_space<hbm>>) dst(%dma_wait3A_119 : memref<1024xf32, #tpu.memory_space<vmem>>)
        tpu.yield
      }) : () -> ()
      %dma_wait3A = arith.constant 0 : i32
      %dma_wait3A_70 = arith.constant 0 : i32
      %dma_wait3A_71 = arith.constant 0 : i32
      %dma_wait3A_72 = arith.constant 0 : i32
      %dma_wait3A_73 = tpu.memref_slice %arg11[%dma_wait3A_70, %dma_wait3A_71, %dma_wait3A_72] : memref<2x128x128xf32, #tpu.memory_space<vmem>> -> memref<1x128x128xf32, #tpu.memory_space<vmem>>
      %dma_wait3A_74 = tpu.memref_squeeze %dma_wait3A_73 : memref<1x128x128xf32, #tpu.memory_space<vmem>> -> memref<128x128xf32, #tpu.memory_space<vmem>>
      %dma_wait3A_75 = arith.constant 0 : i32
      %dma_wait3A_76 = tpu.memref_slice %arg9[%dma_wait3A, %dma_wait3A_75] : memref<2x128xi32, #tpu.memory_space<vmem>> -> memref<1x128xi32, #tpu.memory_space<vmem>>
      %dma_wait3A_77 = tpu.memref_squeeze %dma_wait3A_76 : memref<1x128xi32, #tpu.memory_space<vmem>> -> memref<128xi32, #tpu.memory_space<vmem>>
      %dma_wait3A_78 = arith.constant 0 : i32
      %dma_wait3A_79 = arith.constant 0 : i32
      %dma_wait3A_80 = tpu.memref_slice %arg4[%dma_wait3A_78, %dma_wait3A_79] : memref<10000x128xf32, #tpu.memory_space<hbm>> -> memref<10000x128xf32, #tpu.memory_space<hbm>>
      tpu.wait_indirect_dma semaphore(%arg14 : memref<!tpu.dma_semaphore, #tpu.memory_space<semaphore_mem>>) src(%dma_wait3A_80 : memref<10000x128xf32, #tpu.memory_space<hbm>>) dst(%dma_wait3A_74 : memref<128x128xf32, #tpu.memory_space<vmem>>)
      %scan3A_81 = arith.constant 0 : i32
      %scan3A_82 = arith.constant 0 : i32
      %scan3A_83 = arith.constant 128 : i32
      %scan3A_84 = arith.addi %scan3A_82, %scan3A_83 : i32
      %scan3A_85 = arith.constant 1 : i32
      scf.for %scan3A_108 = %scan3A_82 to %scan3A_84 step %scan3A_85  : i32 {
        %mul3A_109 = arith.constant 8 : i32
        %mul3A_110 = arith.muli %mul3A_109, %scan3A_108 : i32
        %add3A_111 = arith.constant 0 : i32
        %add3A_112 = arith.addi %add3A_111, %mul3A_110 : i32
        %get3A = arith.index_cast %add3A_112 : i32 to index
        %get3A_113 = tpu.vector_load %arg12[%get3A] {strides = array<i32>} : memref<2080xf32, #tpu.memory_space<vmem>>, vector<16xf32>,
        %get3A_114 = vector.shape_cast %get3A_113 : vector<16xf32> to vector<16xf32>
        %get3A_115 = arith.constant 0 : i32
        %get3A_116 = arith.index_cast %get3A_115 : i32 to index
        %get3A_117 = arith.index_cast %scan3A_108 : i32 to index
        %get3A_118 = arith.constant 0 : index
        %get3A_119 = tpu.vector_load %arg11[%get3A_116, %get3A_117, %get3A_118] {strides = array<i32>} : memref<2x128x128xf32, #tpu.memory_space<vmem>>, vector<1x1x16xf32>,
        %get3A_120 = vector.shape_cast %get3A_119 : vector<1x1x16xf32> to vector<16xf32>
        %slice3A = vector.extract_strided_slice %get3A_114 {offsets = [6], sizes = [1], strides = [1]} : vector<16xf32> to vector<1xf32>
        %squeeze3A = vector.extract %slice3A[0] : f32 from vector<1xf32>
        %broadcast_in_dim3A = vector.broadcast %squeeze3A : f32 to vector<16xf32>
        %mul3A_121 = arith.mulf %get3A_120, %broadcast_in_dim3A : vector<16xf32>
        %swap3A = arith.constant 0 : i32
        %swap3A_122 = arith.index_cast %swap3A : i32 to index
        %swap3A_123 = arith.index_cast %scan3A_108 : i32 to index
        %swap3A_124 = arith.constant 0 : index
        %swap3A_125 = tpu.vector_load %arg11[%swap3A_122, %swap3A_123, %swap3A_124] {strides = array<i32>} : memref<2x128x128xf32, #tpu.memory_space<vmem>>, vector<1x1x16xf32>,
        %swap3A_126 = vector.shape_cast %swap3A_125 : vector<1x1x16xf32> to vector<16xf32>
        %swap3A_127 = vector.shape_cast %mul3A_121 : vector<16xf32> to vector<1x1x16xf32>
        tpu.vector_store %arg11[%swap3A_122, %swap3A_123, %swap3A_124], %swap3A_127 {strides = array<i32>} : memref<2x128x128xf32, #tpu.memory_space<vmem>>, vector<1x1x16xf32>,
        %get3A_128 = arith.constant 0 : i32
        %get3A_129 = arith.index_cast %get3A_128 : i32 to index
        %get3A_130 = arith.index_cast %scan3A_108 : i32 to index
        %get3A_131 = arith.constant 16 : index
        %get3A_132 = tpu.vector_load %arg11[%get3A_129, %get3A_130, %get3A_131] {strides = array<i32>} : memref<2x128x128xf32, #tpu.memory_space<vmem>>, vector<1x1x16xf32>,
        %get3A_133 = vector.shape_cast %get3A_132 : vector<1x1x16xf32> to vector<16xf32>
        %lt3A = arith.constant 8 : i32
        %lt3A_134 = vector.broadcast %lt3A : i32 to vector<16xi32>
        %lt3A_135 = arith.cmpi slt, %iota3A, %lt3A_134 : vector<16xi32>
        %slice3A_136 = vector.extract_strided_slice %get3A_114 {offsets = [6], sizes = [1], strides = [1]} : vector<16xf32> to vector<1xf32>
        %squeeze3A_137 = vector.extract %slice3A_136[0] : f32 from vector<1xf32>
        %broadcast_in_dim3A_138 = vector.broadcast %squeeze3A_137 : f32 to vector<16xf32>
        %slice3A_139 = vector.extract_strided_slice %get3A_114 {offsets = [7], sizes = [1], strides = [1]} : vector<16xf32> to vector<1xf32>
        %squeeze3A_140 = vector.extract %slice3A_139[0] : f32 from vector<1xf32>
        %broadcast_in_dim3A_141 = vector.broadcast %squeeze3A_140 : f32 to vector<16xf32>
        %select_n3A = arith.select %lt3A_135, %broadcast_in_dim3A_138, %broadcast_in_dim3A_141 : vector<16xi1>, vector<16xf32>
        %mul3A_142 = arith.mulf %get3A_133, %select_n3A : vector<16xf32>
        %swap3A_143 = arith.constant 0 : i32
        %swap3A_144 = arith.index_cast %swap3A_143 : i32 to index
        %swap3A_145 = arith.index_cast %scan3A_108 : i32 to index
        %swap3A_146 = arith.constant 16 : index
        %swap3A_147 = tpu.vector_load %arg11[%swap3A_144, %swap3A_145, %swap3A_146] {strides = array<i32>} : memref<2x128x128xf32, #tpu.memory_space<vmem>>, vector<1x1x16xf32>,
        %swap3A_148 = vector.shape_cast %swap3A_147 : vector<1x1x16xf32> to vector<16xf32>
        %swap3A_149 = vector.shape_cast %mul3A_142 : vector<16xf32> to vector<1x1x16xf32>
        tpu.vector_store %arg11[%swap3A_144, %swap3A_145, %swap3A_146], %swap3A_149 {strides = array<i32>} : memref<2x128x128xf32, #tpu.memory_space<vmem>>, vector<1x1x16xf32>,
        %get3A_150 = arith.constant 0 : i32
        %get3A_151 = arith.index_cast %get3A_150 : i32 to index
        %get3A_152 = arith.index_cast %scan3A_108 : i32 to index
        %get3A_153 = arith.constant 32 : index
        %get3A_154 = tpu.vector_load %arg11[%get3A_151, %get3A_152, %get3A_153] {strides = array<i32>} : memref<2x128x128xf32, #tpu.memory_space<vmem>>, vector<1x1x16xf32>,
        %get3A_155 = vector.shape_cast %get3A_154 : vector<1x1x16xf32> to vector<16xf32>
        %slice3A_156 = vector.extract_strided_slice %get3A_114 {offsets = [7], sizes = [1], strides = [1]} : vector<16xf32> to vector<1xf32>
        %squeeze3A_157 = vector.extract %slice3A_156[0] : f32 from vector<1xf32>
        %broadcast_in_dim3A_158 = vector.broadcast %squeeze3A_157 : f32 to vector<16xf32>
        %mul3A_159 = arith.mulf %get3A_155, %broadcast_in_dim3A_158 : vector<16xf32>
        %swap3A_160 = arith.constant 0 : i32
        %swap3A_161 = arith.index_cast %swap3A_160 : i32 to index
        %swap3A_162 = arith.index_cast %scan3A_108 : i32 to index
        %swap3A_163 = arith.constant 32 : index
        %swap3A_164 = tpu.vector_load %arg11[%swap3A_161, %swap3A_162, %swap3A_163] {strides = array<i32>} : memref<2x128x128xf32, #tpu.memory_space<vmem>>, vector<1x1x16xf32>,
        %swap3A_165 = vector.shape_cast %swap3A_164 : vector<1x1x16xf32> to vector<16xf32>
        %swap3A_166 = vector.shape_cast %mul3A_159 : vector<16xf32> to vector<1x1x16xf32>
        tpu.vector_store %arg11[%swap3A_161, %swap3A_162, %swap3A_163], %swap3A_166 {strides = array<i32>} : memref<2x128x128xf32, #tpu.memory_space<vmem>>, vector<1x1x16xf32>,
        %get3A_167 = arith.constant 0 : i32
        %get3A_168 = arith.index_cast %get3A_167 : i32 to index
        %get3A_169 = arith.index_cast %scan3A_108 : i32 to index
        %get3A_170 = arith.constant 48 : index
        %get3A_171 = tpu.vector_load %arg11[%get3A_168, %get3A_169, %get3A_170] {strides = array<i32>} : memref<2x128x128xf32, #tpu.memory_space<vmem>>, vector<1x1x16xf32>,
        %get3A_172 = vector.shape_cast %get3A_171 : vector<1x1x16xf32> to vector<16xf32>
        %slice3A_173 = vector.extract_strided_slice %get3A_114 {offsets = [7], sizes = [1], strides = [1]} : vector<16xf32> to vector<1xf32>
        %squeeze3A_174 = vector.extract %slice3A_173[0] : f32 from vector<1xf32>
        %broadcast_in_dim3A_175 = vector.broadcast %squeeze3A_174 : f32 to vector<16xf32>
        %mul3A_176 = arith.mulf %get3A_172, %broadcast_in_dim3A_175 : vector<16xf32>
        %swap3A_177 = arith.constant 0 : i32
        %swap3A_178 = arith.index_cast %swap3A_177 : i32 to index
        %swap3A_179 = arith.index_cast %scan3A_108 : i32 to index
        %swap3A_180 = arith.constant 48 : index
        %swap3A_181 = tpu.vector_load %arg11[%swap3A_178, %swap3A_179, %swap3A_180] {strides = array<i32>} : memref<2x128x128xf32, #tpu.memory_space<vmem>>, vector<1x1x16xf32>,
        %swap3A_182 = vector.shape_cast %swap3A_181 : vector<1x1x16xf32> to vector<16xf32>
        %swap3A_183 = vector.shape_cast %mul3A_176 : vector<16xf32> to vector<1x1x16xf32>
        tpu.vector_store %arg11[%swap3A_178, %swap3A_179, %swap3A_180], %swap3A_183 {strides = array<i32>} : memref<2x128x128xf32, #tpu.memory_space<vmem>>, vector<1x1x16xf32>,
      }
      %scan3A_86 = arith.constant 128 : i32
      %run_scoped3A = arith.constant 0 : i32
      %run_scoped3A_87 = arith.constant 0 : i32
      "tpu.region"() ({
        %run_scoped3A_108 = tpu.sem_alloc : memref<!tpu.dma_semaphore, #tpu.memory_space<semaphore_mem>>
        %dma_start3A_109 = arith.constant 0 : i32
        %dma_start3A_110 = arith.constant 0 : i32
        %dma_start3A_111 = tpu.memref_slice %arg11[%run_scoped3A, %dma_start3A_109, %dma_start3A_110] : memref<2x128x128xf32, #tpu.memory_space<vmem>> -> memref<1x128x128xf32, #tpu.memory_space<vmem>>
        %dma_start3A_112 = tpu.memref_squeeze %dma_start3A_111 : memref<1x128x128xf32, #tpu.memory_space<vmem>> -> memref<128x128xf32, #tpu.memory_space<vmem>>
        %dma_start3A_113 = arith.constant 0 : i32
        %dma_start3A_114 = tpu.memref_slice %arg10[%run_scoped3A_87, %dma_start3A_113] : memref<2x128xi32, #tpu.memory_space<vmem>> -> memref<1x128xi32, #tpu.memory_space<vmem>>
        %dma_start3A_115 = tpu.memref_squeeze %dma_start3A_114 : memref<1x128xi32, #tpu.memory_space<vmem>> -> memref<128xi32, #tpu.memory_space<vmem>>
        %dma_start3A_116 = arith.constant 0 : i32
        %dma_start3A_117 = arith.constant 0 : i32
        %dma_start3A_118 = tpu.memref_slice %arg13[%dma_start3A_116, %dma_start3A_117] : memref<10016x128xf32, #tpu.memory_space<vmem_shared>> -> memref<10016x128xf32, #tpu.memory_space<vmem_shared>>
        tpu.enqueue_indirect_dma source(%dma_start3A_112 : memref<128x128xf32, #tpu.memory_space<vmem>>) target(%dma_start3A_118 : memref<10016x128xf32, #tpu.memory_space<vmem_shared>>) offsets(%dma_start3A_115 : memref<128xi32, #tpu.memory_space<vmem>>) semaphore(%run_scoped3A_108 : memref<!tpu.dma_semaphore, #tpu.memory_space<semaphore_mem>>) {add = true}
        %dma_wait3A_119 = arith.constant 0 : i32
        %dma_wait3A_120 = arith.constant 0 : i32
        %dma_wait3A_121 = tpu.memref_slice %arg11[%run_scoped3A, %dma_wait3A_119, %dma_wait3A_120] : memref<2x128x128xf32, #tpu.memory_space<vmem>> -> memref<1x128x128xf32, #tpu.memory_space<vmem>>
        %dma_wait3A_122 = tpu.memref_squeeze %dma_wait3A_121 : memref<1x128x128xf32, #tpu.memory_space<vmem>> -> memref<128x128xf32, #tpu.memory_space<vmem>>
        %dma_wait3A_123 = arith.constant 0 : i32
        %dma_wait3A_124 = tpu.memref_slice %arg10[%run_scoped3A_87, %dma_wait3A_123] : memref<2x128xi32, #tpu.memory_space<vmem>> -> memref<1x128xi32, #tpu.memory_space<vmem>>
        %dma_wait3A_125 = tpu.memref_squeeze %dma_wait3A_124 : memref<1x128xi32, #tpu.memory_space<vmem>> -> memref<128xi32, #tpu.memory_space<vmem>>
        %dma_wait3A_126 = arith.constant 0 : i32
        %dma_wait3A_127 = arith.constant 0 : i32
        %dma_wait3A_128 = tpu.memref_slice %arg13[%dma_wait3A_126, %dma_wait3A_127] : memref<10016x128xf32, #tpu.memory_space<vmem_shared>> -> memref<10016x128xf32, #tpu.memory_space<vmem_shared>>
        tpu.wait_indirect_dma semaphore(%run_scoped3A_108 : memref<!tpu.dma_semaphore, #tpu.memory_space<semaphore_mem>>) src(%dma_wait3A_122 : memref<128x128xf32, #tpu.memory_space<vmem>>) dst(%dma_wait3A_128 : memref<10016x128xf32, #tpu.memory_space<vmem_shared>>)
        tpu.yield
      }) : () -> ()
      %dma_wait3A_88 = arith.constant 1 : i32
      %dma_wait3A_89 = arith.constant 1 : i32
      %dma_wait3A_90 = arith.constant 0 : i32
      %dma_wait3A_91 = arith.constant 0 : i32
      %dma_wait3A_92 = tpu.memref_slice %arg11[%dma_wait3A_89, %dma_wait3A_90, %dma_wait3A_91] : memref<2x128x128xf32, #tpu.memory_space<vmem>> -> memref<1x128x128xf32, #tpu.memory_space<vmem>>
      %dma_wait3A_93 = tpu.memref_squeeze %dma_wait3A_92 : memref<1x128x128xf32, #tpu.memory_space<vmem>> -> memref<128x128xf32, #tpu.memory_space<vmem>>
      %dma_wait3A_94 = arith.constant 0 : i32
      %dma_wait3A_95 = tpu.memref_slice %arg9[%dma_wait3A_88, %dma_wait3A_94] : memref<2x128xi32, #tpu.memory_space<vmem>> -> memref<1x128xi32, #tpu.memory_space<vmem>>
      %dma_wait3A_96 = tpu.memref_squeeze %dma_wait3A_95 : memref<1x128xi32, #tpu.memory_space<vmem>> -> memref<128xi32, #tpu.memory_space<vmem>>
      %dma_wait3A_97 = arith.constant 0 : i32
      %dma_wait3A_98 = arith.constant 0 : i32
      %dma_wait3A_99 = tpu.memref_slice %arg4[%dma_wait3A_97, %dma_wait3A_98] : memref<10000x128xf32, #tpu.memory_space<hbm>> -> memref<10000x128xf32, #tpu.memory_space<hbm>>
      tpu.wait_indirect_dma semaphore(%arg14 : memref<!tpu.dma_semaphore, #tpu.memory_space<semaphore_mem>>) src(%dma_wait3A_99 : memref<10000x128xf32, #tpu.memory_space<hbm>>) dst(%dma_wait3A_93 : memref<128x128xf32, #tpu.memory_space<vmem>>)
      %scan3A_100 = arith.constant 0 : i32
      %scan3A_101 = arith.constant 0 : i32
      %scan3A_102 = arith.constant 128 : i32
      %scan3A_103 = arith.addi %scan3A_101, %scan3A_102 : i32
      %scan3A_104 = arith.constant 1 : i32
      scf.for %scan3A_108 = %scan3A_101 to %scan3A_103 step %scan3A_104  : i32 {
        %mul3A_109 = arith.constant 8 : i32
        %mul3A_110 = arith.muli %mul3A_109, %scan3A_108 : i32
        %add3A_111 = arith.constant 1040 : i32
        %add3A_112 = arith.addi %add3A_111, %mul3A_110 : i32
        %get3A = arith.index_cast %add3A_112 : i32 to index
        %get3A_113 = tpu.vector_load %arg12[%get3A] {strides = array<i32>} : memref<2080xf32, #tpu.memory_space<vmem>>, vector<16xf32>,
        %get3A_114 = vector.shape_cast %get3A_113 : vector<16xf32> to vector<16xf32>
        %get3A_115 = arith.constant 1 : i32
        %get3A_116 = arith.index_cast %get3A_115 : i32 to index
        %get3A_117 = arith.index_cast %scan3A_108 : i32 to index
        %get3A_118 = arith.constant 0 : index
        %get3A_119 = tpu.vector_load %arg11[%get3A_116, %get3A_117, %get3A_118] {strides = array<i32>} : memref<2x128x128xf32, #tpu.memory_space<vmem>>, vector<1x1x16xf32>,
        %get3A_120 = vector.shape_cast %get3A_119 : vector<1x1x16xf32> to vector<16xf32>
        %slice3A = vector.extract_strided_slice %get3A_114 {offsets = [6], sizes = [1], strides = [1]} : vector<16xf32> to vector<1xf32>
        %squeeze3A = vector.extract %slice3A[0] : f32 from vector<1xf32>
        %broadcast_in_dim3A = vector.broadcast %squeeze3A : f32 to vector<16xf32>
        %mul3A_121 = arith.mulf %get3A_120, %broadcast_in_dim3A : vector<16xf32>
        %swap3A = arith.constant 1 : i32
        %swap3A_122 = arith.index_cast %swap3A : i32 to index
        %swap3A_123 = arith.index_cast %scan3A_108 : i32 to index
        %swap3A_124 = arith.constant 0 : index
        %swap3A_125 = tpu.vector_load %arg11[%swap3A_122, %swap3A_123, %swap3A_124] {strides = array<i32>} : memref<2x128x128xf32, #tpu.memory_space<vmem>>, vector<1x1x16xf32>,
        %swap3A_126 = vector.shape_cast %swap3A_125 : vector<1x1x16xf32> to vector<16xf32>
        %swap3A_127 = vector.shape_cast %mul3A_121 : vector<16xf32> to vector<1x1x16xf32>
        tpu.vector_store %arg11[%swap3A_122, %swap3A_123, %swap3A_124], %swap3A_127 {strides = array<i32>} : memref<2x128x128xf32, #tpu.memory_space<vmem>>, vector<1x1x16xf32>,
        %get3A_128 = arith.constant 1 : i32
        %get3A_129 = arith.index_cast %get3A_128 : i32 to index
        %get3A_130 = arith.index_cast %scan3A_108 : i32 to index
        %get3A_131 = arith.constant 16 : index
        %get3A_132 = tpu.vector_load %arg11[%get3A_129, %get3A_130, %get3A_131] {strides = array<i32>} : memref<2x128x128xf32, #tpu.memory_space<vmem>>, vector<1x1x16xf32>,
        %get3A_133 = vector.shape_cast %get3A_132 : vector<1x1x16xf32> to vector<16xf32>
        %lt3A = arith.constant 8 : i32
        %lt3A_134 = vector.broadcast %lt3A : i32 to vector<16xi32>
        %lt3A_135 = arith.cmpi slt, %iota3A, %lt3A_134 : vector<16xi32>
        %slice3A_136 = vector.extract_strided_slice %get3A_114 {offsets = [6], sizes = [1], strides = [1]} : vector<16xf32> to vector<1xf32>
        %squeeze3A_137 = vector.extract %slice3A_136[0] : f32 from vector<1xf32>
        %broadcast_in_dim3A_138 = vector.broadcast %squeeze3A_137 : f32 to vector<16xf32>
        %slice3A_139 = vector.extract_strided_slice %get3A_114 {offsets = [7], sizes = [1], strides = [1]} : vector<16xf32> to vector<1xf32>
        %squeeze3A_140 = vector.extract %slice3A_139[0] : f32 from vector<1xf32>
        %broadcast_in_dim3A_141 = vector.broadcast %squeeze3A_140 : f32 to vector<16xf32>
        %select_n3A = arith.select %lt3A_135, %broadcast_in_dim3A_138, %broadcast_in_dim3A_141 : vector<16xi1>, vector<16xf32>
        %mul3A_142 = arith.mulf %get3A_133, %select_n3A : vector<16xf32>
        %swap3A_143 = arith.constant 1 : i32
        %swap3A_144 = arith.index_cast %swap3A_143 : i32 to index
        %swap3A_145 = arith.index_cast %scan3A_108 : i32 to index
        %swap3A_146 = arith.constant 16 : index
        %swap3A_147 = tpu.vector_load %arg11[%swap3A_144, %swap3A_145, %swap3A_146] {strides = array<i32>} : memref<2x128x128xf32, #tpu.memory_space<vmem>>, vector<1x1x16xf32>,
        %swap3A_148 = vector.shape_cast %swap3A_147 : vector<1x1x16xf32> to vector<16xf32>
        %swap3A_149 = vector.shape_cast %mul3A_142 : vector<16xf32> to vector<1x1x16xf32>
        tpu.vector_store %arg11[%swap3A_144, %swap3A_145, %swap3A_146], %swap3A_149 {strides = array<i32>} : memref<2x128x128xf32, #tpu.memory_space<vmem>>, vector<1x1x16xf32>,
        %get3A_150 = arith.constant 1 : i32
        %get3A_151 = arith.index_cast %get3A_150 : i32 to index
        %get3A_152 = arith.index_cast %scan3A_108 : i32 to index
        %get3A_153 = arith.constant 32 : index
        %get3A_154 = tpu.vector_load %arg11[%get3A_151, %get3A_152, %get3A_153] {strides = array<i32>} : memref<2x128x128xf32, #tpu.memory_space<vmem>>, vector<1x1x16xf32>,
        %get3A_155 = vector.shape_cast %get3A_154 : vector<1x1x16xf32> to vector<16xf32>
        %slice3A_156 = vector.extract_strided_slice %get3A_114 {offsets = [7], sizes = [1], strides = [1]} : vector<16xf32> to vector<1xf32>
        %squeeze3A_157 = vector.extract %slice3A_156[0] : f32 from vector<1xf32>
        %broadcast_in_dim3A_158 = vector.broadcast %squeeze3A_157 : f32 to vector<16xf32>
        %mul3A_159 = arith.mulf %get3A_155, %broadcast_in_dim3A_158 : vector<16xf32>
        %swap3A_160 = arith.constant 1 : i32
        %swap3A_161 = arith.index_cast %swap3A_160 : i32 to index
        %swap3A_162 = arith.index_cast %scan3A_108 : i32 to index
        %swap3A_163 = arith.constant 32 : index
        %swap3A_164 = tpu.vector_load %arg11[%swap3A_161, %swap3A_162, %swap3A_163] {strides = array<i32>} : memref<2x128x128xf32, #tpu.memory_space<vmem>>, vector<1x1x16xf32>,
        %swap3A_165 = vector.shape_cast %swap3A_164 : vector<1x1x16xf32> to vector<16xf32>
        %swap3A_166 = vector.shape_cast %mul3A_159 : vector<16xf32> to vector<1x1x16xf32>
        tpu.vector_store %arg11[%swap3A_161, %swap3A_162, %swap3A_163], %swap3A_166 {strides = array<i32>} : memref<2x128x128xf32, #tpu.memory_space<vmem>>, vector<1x1x16xf32>,
        %get3A_167 = arith.constant 1 : i32
        %get3A_168 = arith.index_cast %get3A_167 : i32 to index
        %get3A_169 = arith.index_cast %scan3A_108 : i32 to index
        %get3A_170 = arith.constant 48 : index
        %get3A_171 = tpu.vector_load %arg11[%get3A_168, %get3A_169, %get3A_170] {strides = array<i32>} : memref<2x128x128xf32, #tpu.memory_space<vmem>>, vector<1x1x16xf32>,
        %get3A_172 = vector.shape_cast %get3A_171 : vector<1x1x16xf32> to vector<16xf32>
        %slice3A_173 = vector.extract_strided_slice %get3A_114 {offsets = [7], sizes = [1], strides = [1]} : vector<16xf32> to vector<1xf32>
        %squeeze3A_174 = vector.extract %slice3A_173[0] : f32 from vector<1xf32>
        %broadcast_in_dim3A_175 = vector.broadcast %squeeze3A_174 : f32 to vector<16xf32>
        %mul3A_176 = arith.mulf %get3A_172, %broadcast_in_dim3A_175 : vector<16xf32>
        %swap3A_177 = arith.constant 1 : i32
        %swap3A_178 = arith.index_cast %swap3A_177 : i32 to index
        %swap3A_179 = arith.index_cast %scan3A_108 : i32 to index
        %swap3A_180 = arith.constant 48 : index
        %swap3A_181 = tpu.vector_load %arg11[%swap3A_178, %swap3A_179, %swap3A_180] {strides = array<i32>} : memref<2x128x128xf32, #tpu.memory_space<vmem>>, vector<1x1x16xf32>,
        %swap3A_182 = vector.shape_cast %swap3A_181 : vector<1x1x16xf32> to vector<16xf32>
        %swap3A_183 = vector.shape_cast %mul3A_176 : vector<16xf32> to vector<1x1x16xf32>
        tpu.vector_store %arg11[%swap3A_178, %swap3A_179, %swap3A_180], %swap3A_183 {strides = array<i32>} : memref<2x128x128xf32, #tpu.memory_space<vmem>>, vector<1x1x16xf32>,
      }
      %scan3A_105 = arith.constant 128 : i32
      %run_scoped3A_106 = arith.constant 1 : i32
      %run_scoped3A_107 = arith.constant 1 : i32
      "tpu.region"() ({
        %run_scoped3A_108 = tpu.sem_alloc : memref<!tpu.dma_semaphore, #tpu.memory_space<semaphore_mem>>
        %dma_start3A_109 = arith.constant 0 : i32
        %dma_start3A_110 = arith.constant 0 : i32
        %dma_start3A_111 = tpu.memref_slice %arg11[%run_scoped3A_106, %dma_start3A_109, %dma_start3A_110] : memref<2x128x128xf32, #tpu.memory_space<vmem>> -> memref<1x128x128xf32, #tpu.memory_space<vmem>>
        %dma_start3A_112 = tpu.memref_squeeze %dma_start3A_111 : memref<1x128x128xf32, #tpu.memory_space<vmem>> -> memref<128x128xf32, #tpu.memory_space<vmem>>
        %dma_start3A_113 = arith.constant 0 : i32
        %dma_start3A_114 = tpu.memref_slice %arg10[%run_scoped3A_107, %dma_start3A_113] : memref<2x128xi32, #tpu.memory_space<vmem>> -> memref<1x128xi32, #tpu.memory_space<vmem>>
        %dma_start3A_115 = tpu.memref_squeeze %dma_start3A_114 : memref<1x128xi32, #tpu.memory_space<vmem>> -> memref<128xi32, #tpu.memory_space<vmem>>
        %dma_start3A_116 = arith.constant 0 : i32
        %dma_start3A_117 = arith.constant 0 : i32
        %dma_start3A_118 = tpu.memref_slice %arg13[%dma_start3A_116, %dma_start3A_117] : memref<10016x128xf32, #tpu.memory_space<vmem_shared>> -> memref<10016x128xf32, #tpu.memory_space<vmem_shared>>
        tpu.enqueue_indirect_dma source(%dma_start3A_112 : memref<128x128xf32, #tpu.memory_space<vmem>>) target(%dma_start3A_118 : memref<10016x128xf32, #tpu.memory_space<vmem_shared>>) offsets(%dma_start3A_115 : memref<128xi32, #tpu.memory_space<vmem>>) semaphore(%run_scoped3A_108 : memref<!tpu.dma_semaphore, #tpu.memory_space<semaphore_mem>>) {add = true}
        %dma_wait3A_119 = arith.constant 0 : i32
        %dma_wait3A_120 = arith.constant 0 : i32
        %dma_wait3A_121 = tpu.memref_slice %arg11[%run_scoped3A_106, %dma_wait3A_119, %dma_wait3A_120] : memref<2x128x128xf32, #tpu.memory_space<vmem>> -> memref<1x128x128xf32, #tpu.memory_space<vmem>>
        %dma_wait3A_122 = tpu.memref_squeeze %dma_wait3A_121 : memref<1x128x128xf32, #tpu.memory_space<vmem>> -> memref<128x128xf32, #tpu.memory_space<vmem>>
        %dma_wait3A_123 = arith.constant 0 : i32
        %dma_wait3A_124 = tpu.memref_slice %arg10[%run_scoped3A_107, %dma_wait3A_123] : memref<2x128xi32, #tpu.memory_space<vmem>> -> memref<1x128xi32, #tpu.memory_space<vmem>>
        %dma_wait3A_125 = tpu.memref_squeeze %dma_wait3A_124 : memref<1x128xi32, #tpu.memory_space<vmem>> -> memref<128xi32, #tpu.memory_space<vmem>>
        %dma_wait3A_126 = arith.constant 0 : i32
        %dma_wait3A_127 = arith.constant 0 : i32
        %dma_wait3A_128 = tpu.memref_slice %arg13[%dma_wait3A_126, %dma_wait3A_127] : memref<10016x128xf32, #tpu.memory_space<vmem_shared>> -> memref<10016x128xf32, #tpu.memory_space<vmem_shared>>
        tpu.wait_indirect_dma semaphore(%run_scoped3A_108 : memref<!tpu.dma_semaphore, #tpu.memory_space<semaphore_mem>>) src(%dma_wait3A_122 : memref<128x128xf32, #tpu.memory_space<vmem>>) dst(%dma_wait3A_128 : memref<10016x128xf32, #tpu.memory_space<vmem_shared>>)
        tpu.yield
      }) : () -> ()
    }
    %scan3A_7 = arith.constant 40 : i32
    %barrier3A_8 = arith.constant 0 : index
    tpu.barrier barrier_id(%barrier3A_8)
    %eq3A_9 = arith.constant 0 : i32
    %eq3A_10 = arith.cmpi eq, %arg1, %eq3A_9 : i32
    %eq3A_11 = arith.constant 0 : i32
    %eq3A_12 = arith.cmpi eq, %arg0, %eq3A_11 : i32
    %and3A = arith.andi %eq3A_10, %eq3A_12 : i1
    %convert_element_type3A_13 = arith.extui %and3A : i1 to i32
    %cond3A_14 = arith.constant 0 : i32
    %cond3A_15 = arith.cmpi ne, %convert_element_type3A_13, %cond3A_14 : i32
    scf.if %cond3A_15 {
      "tpu.region"() ({
        %run_scoped3A = tpu.sem_alloc : memref<!tpu.dma_semaphore, #tpu.memory_space<semaphore_mem>>
        tpu.enqueue_dma source(%arg13 : memref<10016x128xf32, #tpu.memory_space<vmem_shared>>) target(%arg7 : memref<10016x128xf32, #tpu.memory_space<hbm>>) target_semaphore(%run_scoped3A : memref<!tpu.dma_semaphore, #tpu.memory_space<semaphore_mem>>)
        tpu.wait_dma2 semaphore(%run_scoped3A : memref<!tpu.dma_semaphore, #tpu.memory_space<semaphore_mem>>) src(%arg13 : memref<10016x128xf32, #tpu.memory_space<vmem_shared>>) dst(%arg7 : memref<10016x128xf32, #tpu.memory_space<hbm>>)
        tpu.yield
      }) : () -> ()
    } else {
    }
    %eq3A_16 = arith.constant 0 : i32
    %eq3A_17 = arith.cmpi eq, %arg1, %eq3A_16 : i32
    %eq3A_18 = arith.constant 1 : i32
    %eq3A_19 = arith.cmpi eq, %arg0, %eq3A_18 : i32
    %and3A_20 = arith.andi %eq3A_17, %eq3A_19 : i1
    %convert_element_type3A_21 = arith.extui %and3A_20 : i1 to i32
    %cond3A_22 = arith.constant 0 : i32
    %cond3A_23 = arith.cmpi ne, %convert_element_type3A_21, %cond3A_22 : i32
    scf.if %cond3A_23 {
      "tpu.region"() ({
        %run_scoped3A = tpu.sem_alloc : memref<!tpu.dma_semaphore, #tpu.memory_space<semaphore_mem>>
        tpu.enqueue_dma source(%arg13 : memref<10016x128xf32, #tpu.memory_space<vmem_shared>>) target(%arg8 : memref<10016x128xf32, #tpu.memory_space<hbm>>) target_semaphore(%run_scoped3A : memref<!tpu.dma_semaphore, #tpu.memory_space<semaphore_mem>>)
        tpu.wait_dma2 semaphore(%run_scoped3A : memref<!tpu.dma_semaphore, #tpu.memory_space<semaphore_mem>>) src(%arg13 : memref<10016x128xf32, #tpu.memory_space<vmem_shared>>) dst(%arg8 : memref<10016x128xf32, #tpu.memory_space<hbm>>)
        tpu.yield
      }) : () -> ()
    } else {
    }
    return
  }
}

#map = affine_map<(d0, d1) -> (0, 0, 0)>
#map1 = affine_map<(d0, d1) -> (0, 0)>
#map2 = affine_map<(d0, d1) -> (0)>
module attributes {stable_mosaic.version = 14 : i64} {
  func.func @body(%arg0: i32, %arg1: i32, %arg2: memref<32x80x128xi32, #tpu.memory_space<hbm>>, %arg3: memref<32x80x128xi32, #tpu.memory_space<hbm>>, %arg4: memref<10000x128xf32, #tpu.memory_space<hbm>>, %arg5: memref<2621440xf32, #tpu.memory_space<hbm>>, %arg6: memref<10016x128xf32, #tpu.memory_space<hbm>>, %arg7: memref<10016x128xf32, #tpu.memory_space<hbm>>, %arg8: memref<10016x128xf32, #tpu.memory_space<hbm>>, %arg9: memref<2x128xi32, #tpu.memory_space<vmem>>, %arg10: memref<2x128xi32, #tpu.memory_space<vmem>>, %arg11: memref<2x128x128xf32, #tpu.memory_space<vmem>>, %arg12: memref<2080xf32, #tpu.memory_space<vmem>>, %arg13: memref<10016x128xf32, #tpu.memory_space<vmem_shared>>, %arg14: memref<!tpu.dma_semaphore, #tpu.memory_space<semaphore_mem>>) attributes {dimension_semantics = [#tpu.dimension_semantics<core_parallel>, #tpu.dimension_semantics<subcore_parallel>], iteration_bounds = array<i64: 2, 16>, scalar_prefetch = 0 : i64, scratch_operands = 6 : i64, tpu.core_type = #tpu.core_type<sc_vector_subcore>, window_params = [{transform_indices = #map}, {transform_indices = #map}, {transform_indices = #map1}, {transform_indices = #map2}, {transform_indices = #map1}, {transform_indices = #map1}, {transform_indices = #map1}]} {
    %eq3A = arith.constant 0 : i32
    %eq3A_0 = arith.cmpi eq, %arg1, %eq3A : i32
    %convert_element_type3A = arith.extui %eq3A_0 : i1 to i32
    %cond3A = arith.constant 0 : i32
    %cond3A_1 = arith.cmpi ne, %convert_element_type3A, %cond3A : i32
    scf.if %cond3A_1 {
      "tpu.region"() ({
        %run_scoped3A = tpu.sem_alloc : memref<!tpu.dma_semaphore, #tpu.memory_space<semaphore_mem>>
        tpu.enqueue_dma source(%arg6 : memref<10016x128xf32, #tpu.memory_space<hbm>>) target(%arg13 : memref<10016x128xf32, #tpu.memory_space<vmem_shared>>) target_semaphore(%run_scoped3A : memref<!tpu.dma_semaphore, #tpu.memory_space<semaphore_mem>>)
        tpu.wait_dma2 semaphore(%run_scoped3A : memref<!tpu.dma_semaphore, #tpu.memory_space<semaphore_mem>>) src(%arg6 : memref<10016x128xf32, #tpu.memory_space<hbm>>) dst(%arg13 : memref<10016x128xf32, #tpu.memory_space<vmem_shared>>)
        tpu.yield
      }) : () -> ()
    } else {
    }
    %barrier3A = arith.constant 0 : index
    tpu.barrier barrier_id(%barrier3A)
    %mul3A = arith.constant 2 : i32
    %mul3A_2 = arith.muli %arg1, %mul3A : i32
    %add3A = arith.addi %mul3A_2, %arg0 : i32
    %iota3A = tpu.iota {dimensions = array<i32: 0>} : vector<16xi32>
    %scan3A = arith.constant 0 : i32
    %scan3A_3 = arith.constant 0 : i32
    %scan3A_4 = arith.constant 40 : i32
    %scan3A_5 = arith.addi %scan3A_3, %scan3A_4 : i32
    %scan3A_6 = arith.constant 1 : i32
    scf.for %scan3A_24 = %scan3A_3 to %scan3A_5 step %scan3A_6  : i32 {
      %mul3A_25 = arith.constant 2 : i32
      %mul3A_26 = arith.muli %mul3A_25, %scan3A_24 : i32
      %add3A_27 = arith.constant 0 : i32
      %add3A_28 = arith.addi %mul3A_26, %add3A_27 : i32
      "tpu.region"() ({
        %run_scoped3A_108 = tpu.sem_alloc : memref<!tpu.dma_semaphore, #tpu.memory_space<semaphore_mem>>
        %dma_start3A_109 = arith.constant 0 : i32
        %dma_start3A_110 = arith.constant 0 : i32
        %dma_start3A_111 = tpu.memref_slice %arg9[%dma_start3A_109, %dma_start3A_110] : memref<2x128xi32, #tpu.memory_space<vmem>> -> memref<1x128xi32, #tpu.memory_space<vmem>>
        %dma_start3A_112 = arith.constant 0 : i32
        %dma_start3A_113 = tpu.memref_slice %arg2[%add3A, %add3A_28, %dma_start3A_112] : memref<32x80x128xi32, #tpu.memory_space<hbm>> -> memref<1x1x128xi32, #tpu.memory_space<hbm>>
        %dma_start3A_114 = tpu.memref_squeeze %dma_start3A_113 : memref<1x1x128xi32, #tpu.memory_space<hbm>> -> memref<1x128xi32, #tpu.memory_space<hbm>>
        %dma_start3A_115 = arith.constant 0 : i32
        %dma_start3A_116 = arith.constant 0 : i32
        %dma_start3A_117 = tpu.memref_slice %arg9[%dma_start3A_115, %dma_start3A_116] : memref<2x128xi32, #tpu.memory_space<vmem>> -> memref<1x128xi32, #tpu.memory_space<vmem>>
        %dma_start3A_118 = arith.constant 0 : i32
        %dma_start3A_119 = tpu.memref_slice %arg2[%add3A, %add3A_28, %dma_start3A_118] : memref<32x80x128xi32, #tpu.memory_space<hbm>> -> memref<1x1x128xi32, #tpu.memory_space<hbm>>
        %dma_start3A_120 = tpu.memref_squeeze %dma_start3A_119 : memref<1x1x128xi32, #tpu.memory_space<hbm>> -> memref<1x128xi32, #tpu.memory_space<hbm>>
        tpu.enqueue_dma source(%dma_start3A_120 : memref<1x128xi32, #tpu.memory_space<hbm>>) target(%dma_start3A_117 : memref<1x128xi32, #tpu.memory_space<vmem>>) target_semaphore(%run_scoped3A_108 : memref<!tpu.dma_semaphore, #tpu.memory_space<semaphore_mem>>)
        %dma_wait3A_121 = arith.constant 0 : i32
        %dma_wait3A_122 = arith.constant 0 : i32
        %dma_wait3A_123 = tpu.memref_slice %arg9[%dma_wait3A_121, %dma_wait3A_122] : memref<2x128xi32, #tpu.memory_space<vmem>> -> memref<1x128xi32, #tpu.memory_space<vmem>>
        %dma_wait3A_124 = arith.constant 0 : i32
        %dma_wait3A_125 = tpu.memref_slice %arg2[%add3A, %add3A_28, %dma_wait3A_124] : memref<32x80x128xi32, #tpu.memory_space<hbm>> -> memref<1x1x128xi32, #tpu.memory_space<hbm>>
        %dma_wait3A_126 = tpu.memref_squeeze %dma_wait3A_125 : memref<1x1x128xi32, #tpu.memory_space<hbm>> -> memref<1x128xi32, #tpu.memory_space<hbm>>
        %dma_wait3A_127 = arith.constant 0 : i32
        %dma_wait3A_128 = arith.constant 0 : i32
        %dma_wait3A_129 = tpu.memref_slice %arg9[%dma_wait3A_127, %dma_wait3A_128] : memref<2x128xi32, #tpu.memory_space<vmem>> -> memref<1x128xi32, #tpu.memory_space<vmem>>
        %dma_wait3A_130 = arith.constant 0 : i32
        %dma_wait3A_131 = tpu.memref_slice %arg2[%add3A, %add3A_28, %dma_wait3A_130] : memref<32x80x128xi32, #tpu.memory_space<hbm>> -> memref<1x1x128xi32, #tpu.memory_space<hbm>>
        %dma_wait3A_132 = tpu.memref_squeeze %dma_wait3A_131 : memref<1x1x128xi32, #tpu.memory_space<hbm>> -> memref<1x128xi32, #tpu.memory_space<hbm>>
        tpu.wait_dma2 semaphore(%run_scoped3A_108 : memref<!tpu.dma_semaphore, #tpu.memory_space<semaphore_mem>>) src(%dma_wait3A_132 : memref<1x128xi32, #tpu.memory_space<hbm>>) dst(%dma_wait3A_129 : memref<1x128xi32, #tpu.memory_space<vmem>>)
        tpu.yield
      }) : () -> ()
      "tpu.region"() ({
        %run_scoped3A_108 = tpu.sem_alloc : memref<!tpu.dma_semaphore, #tpu.memory_space<semaphore_mem>>
        %dma_start3A_109 = arith.constant 0 : i32
        %dma_start3A_110 = arith.constant 0 : i32
        %dma_start3A_111 = tpu.memref_slice %arg10[%dma_start3A_109, %dma_start3A_110] : memref<2x128xi32, #tpu.memory_space<vmem>> -> memref<1x128xi32, #tpu.memory_space<vmem>>
        %dma_start3A_112 = arith.constant 0 : i32
        %dma_start3A_113 = tpu.memref_slice %arg3[%add3A, %add3A_28, %dma_start3A_112] : memref<32x80x128xi32, #tpu.memory_space<hbm>> -> memref<1x1x128xi32, #tpu.memory_space<hbm>>
        %dma_start3A_114 = tpu.memref_squeeze %dma_start3A_113 : memref<1x1x128xi32, #tpu.memory_space<hbm>> -> memref<1x128xi32, #tpu.memory_space<hbm>>
        %dma_start3A_115 = arith.constant 0 : i32
        %dma_start3A_116 = arith.constant 0 : i32
        %dma_start3A_117 = tpu.memref_slice %arg10[%dma_start3A_115, %dma_start3A_116] : memref<2x128xi32, #tpu.memory_space<vmem>> -> memref<1x128xi32, #tpu.memory_space<vmem>>
        %dma_start3A_118 = arith.constant 0 : i32
        %dma_start3A_119 = tpu.memref_slice %arg3[%add3A, %add3A_28, %dma_start3A_118] : memref<32x80x128xi32, #tpu.memory_space<hbm>> -> memref<1x1x128xi32, #tpu.memory_space<hbm>>
        %dma_start3A_120 = tpu.memref_squeeze %dma_start3A_119 : memref<1x1x128xi32, #tpu.memory_space<hbm>> -> memref<1x128xi32, #tpu.memory_space<hbm>>
        tpu.enqueue_dma source(%dma_start3A_120 : memref<1x128xi32, #tpu.memory_space<hbm>>) target(%dma_start3A_117 : memref<1x128xi32, #tpu.memory_space<vmem>>) target_semaphore(%run_scoped3A_108 : memref<!tpu.dma_semaphore, #tpu.memory_space<semaphore_mem>>)
        %dma_wait3A_121 = arith.constant 0 : i32
        %dma_wait3A_122 = arith.constant 0 : i32
        %dma_wait3A_123 = tpu.memref_slice %arg10[%dma_wait3A_121, %dma_wait3A_122] : memref<2x128xi32, #tpu.memory_space<vmem>> -> memref<1x128xi32, #tpu.memory_space<vmem>>
        %dma_wait3A_124 = arith.constant 0 : i32
        %dma_wait3A_125 = tpu.memref_slice %arg3[%add3A, %add3A_28, %dma_wait3A_124] : memref<32x80x128xi32, #tpu.memory_space<hbm>> -> memref<1x1x128xi32, #tpu.memory_space<hbm>>
        %dma_wait3A_126 = tpu.memref_squeeze %dma_wait3A_125 : memref<1x1x128xi32, #tpu.memory_space<hbm>> -> memref<1x128xi32, #tpu.memory_space<hbm>>
        %dma_wait3A_127 = arith.constant 0 : i32
        %dma_wait3A_128 = arith.constant 0 : i32
        %dma_wait3A_129 = tpu.memref_slice %arg10[%dma_wait3A_127, %dma_wait3A_128] : memref<2x128xi32, #tpu.memory_space<vmem>> -> memref<1x128xi32, #tpu.memory_space<vmem>>
        %dma_wait3A_130 = arith.constant 0 : i32
        %dma_wait3A_131 = tpu.memref_slice %arg3[%add3A, %add3A_28, %dma_wait3A_130] : memref<32x80x128xi32, #tpu.memory_space<hbm>> -> memref<1x1x128xi32, #tpu.memory_space<hbm>>
        %dma_wait3A_132 = tpu.memref_squeeze %dma_wait3A_131 : memref<1x1x128xi32, #tpu.memory_space<hbm>> -> memref<1x128xi32, #tpu.memory_space<hbm>>
        tpu.wait_dma2 semaphore(%run_scoped3A_108 : memref<!tpu.dma_semaphore, #tpu.memory_space<semaphore_mem>>) src(%dma_wait3A_132 : memref<1x128xi32, #tpu.memory_space<hbm>>) dst(%dma_wait3A_129 : memref<1x128xi32, #tpu.memory_space<vmem>>)
        tpu.yield
      }) : () -> ()
      %dma_start3A = arith.constant 0 : i32
      %dma_start3A_29 = arith.constant 0 : i32
      %dma_start3A_30 = arith.constant 0 : i32
      %dma_start3A_31 = arith.constant 0 : i32
      %dma_start3A_32 = tpu.memref_slice %arg11[%dma_start3A_29, %dma_start3A_30, %dma_start3A_31] : memref<2x128x128xf32, #tpu.memory_space<vmem>> -> memref<1x128x128xf32, #tpu.memory_space<vmem>>
      %dma_start3A_33 = tpu.memref_squeeze %dma_start3A_32 : memref<1x128x128xf32, #tpu.memory_space<vmem>> -> memref<128x128xf32, #tpu.memory_space<vmem>>
      %dma_start3A_34 = arith.constant 0 : i32
      %dma_start3A_35 = tpu.memref_slice %arg9[%dma_start3A, %dma_start3A_34] : memref<2x128xi32, #tpu.memory_space<vmem>> -> memref<1x128xi32, #tpu.memory_space<vmem>>
      %dma_start3A_36 = tpu.memref_squeeze %dma_start3A_35 : memref<1x128xi32, #tpu.memory_space<vmem>> -> memref<128xi32, #tpu.memory_space<vmem>>
      %dma_start3A_37 = arith.constant 0 : i32
      %dma_start3A_38 = arith.constant 0 : i32
      %dma_start3A_39 = tpu.memref_slice %arg4[%dma_start3A_37, %dma_start3A_38] : memref<10000x128xf32, #tpu.memory_space<hbm>> -> memref<10000x128xf32, #tpu.memory_space<hbm>>
      tpu.enqueue_indirect_dma source(%dma_start3A_39 : memref<10000x128xf32, #tpu.memory_space<hbm>>) target(%dma_start3A_33 : memref<128x128xf32, #tpu.memory_space<vmem>>) offsets(%dma_start3A_36 : memref<128xi32, #tpu.memory_space<vmem>>) semaphore(%arg14 : memref<!tpu.dma_semaphore, #tpu.memory_space<semaphore_mem>>)
      %mul3A_40 = arith.constant 10240 : i32
      %mul3A_41 = arith.muli %add3A, %mul3A_40 : i32
      %mul3A_42 = arith.constant 128 : i32
      %mul3A_43 = arith.muli %add3A_28, %mul3A_42 : i32
      %add3A_44 = arith.addi %mul3A_41, %mul3A_43 : i32
      %mul3A_45 = arith.constant 8 : i32
      %mul3A_46 = arith.muli %add3A_44, %mul3A_45 : i32
      "tpu.region"() ({
        %run_scoped3A_108 = tpu.sem_alloc : memref<!tpu.dma_semaphore, #tpu.memory_space<semaphore_mem>>
        %dma_start3A_109 = arith.constant 0 : i32
        %dma_start3A_110 = tpu.memref_slice %arg12[%dma_start3A_109] : memref<2080xf32, #tpu.memory_space<vmem>> -> memref<1024xf32, #tpu.memory_space<vmem>>
        %dma_start3A_111 = tpu.memref_slice %arg5[%mul3A_46] : memref<2621440xf32, #tpu.memory_space<hbm>> -> memref<1024xf32, #tpu.memory_space<hbm>>
        %dma_start3A_112 = arith.constant 0 : i32
        %dma_start3A_113 = tpu.memref_slice %arg12[%dma_start3A_112] : memref<2080xf32, #tpu.memory_space<vmem>> -> memref<1024xf32, #tpu.memory_space<vmem>>
        %dma_start3A_114 = tpu.memref_slice %arg5[%mul3A_46] : memref<2621440xf32, #tpu.memory_space<hbm>> -> memref<1024xf32, #tpu.memory_space<hbm>>
        tpu.enqueue_dma source(%dma_start3A_114 : memref<1024xf32, #tpu.memory_space<hbm>>) target(%dma_start3A_113 : memref<1024xf32, #tpu.memory_space<vmem>>) target_semaphore(%run_scoped3A_108 : memref<!tpu.dma_semaphore, #tpu.memory_space<semaphore_mem>>)
        %dma_wait3A_115 = arith.constant 0 : i32
        %dma_wait3A_116 = tpu.memref_slice %arg12[%dma_wait3A_115] : memref<2080xf32, #tpu.memory_space<vmem>> -> memref<1024xf32, #tpu.memory_space<vmem>>
        %dma_wait3A_117 = tpu.memref_slice %arg5[%mul3A_46] : memref<2621440xf32, #tpu.memory_space<hbm>> -> memref<1024xf32, #tpu.memory_space<hbm>>
        %dma_wait3A_118 = arith.constant 0 : i32
        %dma_wait3A_119 = tpu.memref_slice %arg12[%dma_wait3A_118] : memref<2080xf32, #tpu.memory_space<vmem>> -> memref<1024xf32, #tpu.memory_space<vmem>>
        %dma_wait3A_120 = tpu.memref_slice %arg5[%mul3A_46] : memref<2621440xf32, #tpu.memory_space<hbm>> -> memref<1024xf32, #tpu.memory_space<hbm>>
        tpu.wait_dma2 semaphore(%run_scoped3A_108 : memref<!tpu.dma_semaphore, #tpu.memory_space<semaphore_mem>>) src(%dma_wait3A_120 : memref<1024xf32, #tpu.memory_space<hbm>>) dst(%dma_wait3A_119 : memref<1024xf32, #tpu.memory_space<vmem>>)
        tpu.yield
      }) : () -> ()
      %mul3A_47 = arith.constant 2 : i32
      %mul3A_48 = arith.muli %mul3A_47, %scan3A_24 : i32
      %add3A_49 = arith.constant 1 : i32
      %add3A_50 = arith.addi %mul3A_48, %add3A_49 : i32
      "tpu.region"() ({
        %run_scoped3A_108 = tpu.sem_alloc : memref<!tpu.dma_semaphore, #tpu.memory_space<semaphore_mem>>
        %dma_start3A_109 = arith.constant 1 : i32
        %dma_start3A_110 = arith.constant 0 : i32
        %dma_start3A_111 = tpu.memref_slice %arg9[%dma_start3A_109, %dma_start3A_110] : memref<2x128xi32, #tpu.memory_space<vmem>> -> memref<1x128xi32, #tpu.memory_space<vmem>>
        %dma_start3A_112 = arith.constant 0 : i32
        %dma_start3A_113 = tpu.memref_slice %arg2[%add3A, %add3A_50, %dma_start3A_112] : memref<32x80x128xi32, #tpu.memory_space<hbm>> -> memref<1x1x128xi32, #tpu.memory_space<hbm>>
        %dma_start3A_114 = tpu.memref_squeeze %dma_start3A_113 : memref<1x1x128xi32, #tpu.memory_space<hbm>> -> memref<1x128xi32, #tpu.memory_space<hbm>>
        %dma_start3A_115 = arith.constant 1 : i32
        %dma_start3A_116 = arith.constant 0 : i32
        %dma_start3A_117 = tpu.memref_slice %arg9[%dma_start3A_115, %dma_start3A_116] : memref<2x128xi32, #tpu.memory_space<vmem>> -> memref<1x128xi32, #tpu.memory_space<vmem>>
        %dma_start3A_118 = arith.constant 0 : i32
        %dma_start3A_119 = tpu.memref_slice %arg2[%add3A, %add3A_50, %dma_start3A_118] : memref<32x80x128xi32, #tpu.memory_space<hbm>> -> memref<1x1x128xi32, #tpu.memory_space<hbm>>
        %dma_start3A_120 = tpu.memref_squeeze %dma_start3A_119 : memref<1x1x128xi32, #tpu.memory_space<hbm>> -> memref<1x128xi32, #tpu.memory_space<hbm>>
        tpu.enqueue_dma source(%dma_start3A_120 : memref<1x128xi32, #tpu.memory_space<hbm>>) target(%dma_start3A_117 : memref<1x128xi32, #tpu.memory_space<vmem>>) target_semaphore(%run_scoped3A_108 : memref<!tpu.dma_semaphore, #tpu.memory_space<semaphore_mem>>)
        %dma_wait3A_121 = arith.constant 1 : i32
        %dma_wait3A_122 = arith.constant 0 : i32
        %dma_wait3A_123 = tpu.memref_slice %arg9[%dma_wait3A_121, %dma_wait3A_122] : memref<2x128xi32, #tpu.memory_space<vmem>> -> memref<1x128xi32, #tpu.memory_space<vmem>>
        %dma_wait3A_124 = arith.constant 0 : i32
        %dma_wait3A_125 = tpu.memref_slice %arg2[%add3A, %add3A_50, %dma_wait3A_124] : memref<32x80x128xi32, #tpu.memory_space<hbm>> -> memref<1x1x128xi32, #tpu.memory_space<hbm>>
        %dma_wait3A_126 = tpu.memref_squeeze %dma_wait3A_125 : memref<1x1x128xi32, #tpu.memory_space<hbm>> -> memref<1x128xi32, #tpu.memory_space<hbm>>
        %dma_wait3A_127 = arith.constant 1 : i32
        %dma_wait3A_128 = arith.constant 0 : i32
        %dma_wait3A_129 = tpu.memref_slice %arg9[%dma_wait3A_127, %dma_wait3A_128] : memref<2x128xi32, #tpu.memory_space<vmem>> -> memref<1x128xi32, #tpu.memory_space<vmem>>
        %dma_wait3A_130 = arith.constant 0 : i32
        %dma_wait3A_131 = tpu.memref_slice %arg2[%add3A, %add3A_50, %dma_wait3A_130] : memref<32x80x128xi32, #tpu.memory_space<hbm>> -> memref<1x1x128xi32, #tpu.memory_space<hbm>>
        %dma_wait3A_132 = tpu.memref_squeeze %dma_wait3A_131 : memref<1x1x128xi32, #tpu.memory_space<hbm>> -> memref<1x128xi32, #tpu.memory_space<hbm>>
        tpu.wait_dma2 semaphore(%run_scoped3A_108 : memref<!tpu.dma_semaphore, #tpu.memory_space<semaphore_mem>>) src(%dma_wait3A_132 : memref<1x128xi32, #tpu.memory_space<hbm>>) dst(%dma_wait3A_129 : memref<1x128xi32, #tpu.memory_space<vmem>>)
        tpu.yield
      }) : () -> ()
      "tpu.region"() ({
        %run_scoped3A_108 = tpu.sem_alloc : memref<!tpu.dma_semaphore, #tpu.memory_space<semaphore_mem>>
        %dma_start3A_109 = arith.constant 1 : i32
        %dma_start3A_110 = arith.constant 0 : i32
        %dma_start3A_111 = tpu.memref_slice %arg10[%dma_start3A_109, %dma_start3A_110] : memref<2x128xi32, #tpu.memory_space<vmem>> -> memref<1x128xi32, #tpu.memory_space<vmem>>
        %dma_start3A_112 = arith.constant 0 : i32
        %dma_start3A_113 = tpu.memref_slice %arg3[%add3A, %add3A_50, %dma_start3A_112] : memref<32x80x128xi32, #tpu.memory_space<hbm>> -> memref<1x1x128xi32, #tpu.memory_space<hbm>>
        %dma_start3A_114 = tpu.memref_squeeze %dma_start3A_113 : memref<1x1x128xi32, #tpu.memory_space<hbm>> -> memref<1x128xi32, #tpu.memory_space<hbm>>
        %dma_start3A_115 = arith.constant 1 : i32
        %dma_start3A_116 = arith.constant 0 : i32
        %dma_start3A_117 = tpu.memref_slice %arg10[%dma_start3A_115, %dma_start3A_116] : memref<2x128xi32, #tpu.memory_space<vmem>> -> memref<1x128xi32, #tpu.memory_space<vmem>>
        %dma_start3A_118 = arith.constant 0 : i32
        %dma_start3A_119 = tpu.memref_slice %arg3[%add3A, %add3A_50, %dma_start3A_118] : memref<32x80x128xi32, #tpu.memory_space<hbm>> -> memref<1x1x128xi32, #tpu.memory_space<hbm>>
        %dma_start3A_120 = tpu.memref_squeeze %dma_start3A_119 : memref<1x1x128xi32, #tpu.memory_space<hbm>> -> memref<1x128xi32, #tpu.memory_space<hbm>>
        tpu.enqueue_dma source(%dma_start3A_120 : memref<1x128xi32, #tpu.memory_space<hbm>>) target(%dma_start3A_117 : memref<1x128xi32, #tpu.memory_space<vmem>>) target_semaphore(%run_scoped3A_108 : memref<!tpu.dma_semaphore, #tpu.memory_space<semaphore_mem>>)
        %dma_wait3A_121 = arith.constant 1 : i32
        %dma_wait3A_122 = arith.constant 0 : i32
        %dma_wait3A_123 = tpu.memref_slice %arg10[%dma_wait3A_121, %dma_wait3A_122] : memref<2x128xi32, #tpu.memory_space<vmem>> -> memref<1x128xi32, #tpu.memory_space<vmem>>
        %dma_wait3A_124 = arith.constant 0 : i32
        %dma_wait3A_125 = tpu.memref_slice %arg3[%add3A, %add3A_50, %dma_wait3A_124] : memref<32x80x128xi32, #tpu.memory_space<hbm>> -> memref<1x1x128xi32, #tpu.memory_space<hbm>>
        %dma_wait3A_126 = tpu.memref_squeeze %dma_wait3A_125 : memref<1x1x128xi32, #tpu.memory_space<hbm>> -> memref<1x128xi32, #tpu.memory_space<hbm>>
        %dma_wait3A_127 = arith.constant 1 : i32
        %dma_wait3A_128 = arith.constant 0 : i32
        %dma_wait3A_129 = tpu.memref_slice %arg10[%dma_wait3A_127, %dma_wait3A_128] : memref<2x128xi32, #tpu.memory_space<vmem>> -> memref<1x128xi32, #tpu.memory_space<vmem>>
        %dma_wait3A_130 = arith.constant 0 : i32
        %dma_wait3A_131 = tpu.memref_slice %arg3[%add3A, %add3A_50, %dma_wait3A_130] : memref<32x80x128xi32, #tpu.memory_space<hbm>> -> memref<1x1x128xi32, #tpu.memory_space<hbm>>
        %dma_wait3A_132 = tpu.memref_squeeze %dma_wait3A_131 : memref<1x1x128xi32, #tpu.memory_space<hbm>> -> memref<1x128xi32, #tpu.memory_space<hbm>>
        tpu.wait_dma2 semaphore(%run_scoped3A_108 : memref<!tpu.dma_semaphore, #tpu.memory_space<semaphore_mem>>) src(%dma_wait3A_132 : memref<1x128xi32, #tpu.memory_space<hbm>>) dst(%dma_wait3A_129 : memref<1x128xi32, #tpu.memory_space<vmem>>)
        tpu.yield
      }) : () -> ()
      %dma_start3A_51 = arith.constant 1 : i32
      %dma_start3A_52 = arith.constant 1 : i32
      %dma_start3A_53 = arith.constant 0 : i32
      %dma_start3A_54 = arith.constant 0 : i32
      %dma_start3A_55 = tpu.memref_slice %arg11[%dma_start3A_52, %dma_start3A_53, %dma_start3A_54] : memref<2x128x128xf32, #tpu.memory_space<vmem>> -> memref<1x128x128xf32, #tpu.memory_space<vmem>>
      %dma_start3A_56 = tpu.memref_squeeze %dma_start3A_55 : memref<1x128x128xf32, #tpu.memory_space<vmem>> -> memref<128x128xf32, #tpu.memory_space<vmem>>
      %dma_start3A_57 = arith.constant 0 : i32
      %dma_start3A_58 = tpu.memref_slice %arg9[%dma_start3A_51, %dma_start3A_57] : memref<2x128xi32, #tpu.memory_space<vmem>> -> memref<1x128xi32, #tpu.memory_space<vmem>>
      %dma_start3A_59 = tpu.memref_squeeze %dma_start3A_58 : memref<1x128xi32, #tpu.memory_space<vmem>> -> memref<128xi32, #tpu.memory_space<vmem>>
      %dma_start3A_60 = arith.constant 0 : i32
      %dma_start3A_61 = arith.constant 0 : i32
      %dma_start3A_62 = tpu.memref_slice %arg4[%dma_start3A_60, %dma_start3A_61] : memref<10000x128xf32, #tpu.memory_space<hbm>> -> memref<10000x128xf32, #tpu.memory_space<hbm>>
      tpu.enqueue_indirect_dma source(%dma_start3A_62 : memref<10000x128xf32, #tpu.memory_space<hbm>>) target(%dma_start3A_56 : memref<128x128xf32, #tpu.memory_space<vmem>>) offsets(%dma_start3A_59 : memref<128xi32, #tpu.memory_space<vmem>>) semaphore(%arg14 : memref<!tpu.dma_semaphore, #tpu.memory_space<semaphore_mem>>)
      %mul3A_63 = arith.constant 10240 : i32
      %mul3A_64 = arith.muli %add3A, %mul3A_63 : i32
      %mul3A_65 = arith.constant 128 : i32
      %mul3A_66 = arith.muli %add3A_50, %mul3A_65 : i32
      %add3A_67 = arith.addi %mul3A_64, %mul3A_66 : i32
      %mul3A_68 = arith.constant 8 : i32
      %mul3A_69 = arith.muli %add3A_67, %mul3A_68 : i32
      "tpu.region"() ({
        %run_scoped3A_108 = tpu.sem_alloc : memref<!tpu.dma_semaphore, #tpu.memory_space<semaphore_mem>>
        %dma_start3A_109 = arith.constant 1040 : i32
        %dma_start3A_110 = tpu.memref_slice %arg12[%dma_start3A_109] : memref<2080xf32, #tpu.memory_space<vmem>> -> memref<1024xf32, #tpu.memory_space<vmem>>
        %dma_start3A_111 = tpu.memref_slice %arg5[%mul3A_69] : memref<2621440xf32, #tpu.memory_space<hbm>> -> memref<1024xf32, #tpu.memory_space<hbm>>
        %dma_start3A_112 = arith.constant 1040 : i32
        %dma_start3A_113 = tpu.memref_slice %arg12[%dma_start3A_112] : memref<2080xf32, #tpu.memory_space<vmem>> -> memref<1024xf32, #tpu.memory_space<vmem>>
        %dma_start3A_114 = tpu.memref_slice %arg5[%mul3A_69] : memref<2621440xf32, #tpu.memory_space<hbm>> -> memref<1024xf32, #tpu.memory_space<hbm>>
        tpu.enqueue_dma source(%dma_start3A_114 : memref<1024xf32, #tpu.memory_space<hbm>>) target(%dma_start3A_113 : memref<1024xf32, #tpu.memory_space<vmem>>) target_semaphore(%run_scoped3A_108 : memref<!tpu.dma_semaphore, #tpu.memory_space<semaphore_mem>>)
        %dma_wait3A_115 = arith.constant 1040 : i32
        %dma_wait3A_116 = tpu.memref_slice %arg12[%dma_wait3A_115] : memref<2080xf32, #tpu.memory_space<vmem>> -> memref<1024xf32, #tpu.memory_space<vmem>>
        %dma_wait3A_117 = tpu.memref_slice %arg5[%mul3A_69] : memref<2621440xf32, #tpu.memory_space<hbm>> -> memref<1024xf32, #tpu.memory_space<hbm>>
        %dma_wait3A_118 = arith.constant 1040 : i32
        %dma_wait3A_119 = tpu.memref_slice %arg12[%dma_wait3A_118] : memref<2080xf32, #tpu.memory_space<vmem>> -> memref<1024xf32, #tpu.memory_space<vmem>>
        %dma_wait3A_120 = tpu.memref_slice %arg5[%mul3A_69] : memref<2621440xf32, #tpu.memory_space<hbm>> -> memref<1024xf32, #tpu.memory_space<hbm>>
        tpu.wait_dma2 semaphore(%run_scoped3A_108 : memref<!tpu.dma_semaphore, #tpu.memory_space<semaphore_mem>>) src(%dma_wait3A_120 : memref<1024xf32, #tpu.memory_space<hbm>>) dst(%dma_wait3A_119 : memref<1024xf32, #tpu.memory_space<vmem>>)
        tpu.yield
      }) : () -> ()
      %dma_wait3A = arith.constant 0 : i32
      %dma_wait3A_70 = arith.constant 0 : i32
      %dma_wait3A_71 = arith.constant 0 : i32
      %dma_wait3A_72 = arith.constant 0 : i32
      %dma_wait3A_73 = tpu.memref_slice %arg11[%dma_wait3A_70, %dma_wait3A_71, %dma_wait3A_72] : memref<2x128x128xf32, #tpu.memory_space<vmem>> -> memref<1x128x128xf32, #tpu.memory_space<vmem>>
      %dma_wait3A_74 = tpu.memref_squeeze %dma_wait3A_73 : memref<1x128x128xf32, #tpu.memory_space<vmem>> -> memref<128x128xf32, #tpu.memory_space<vmem>>
      %dma_wait3A_75 = arith.constant 0 : i32
      %dma_wait3A_76 = tpu.memref_slice %arg9[%dma_wait3A, %dma_wait3A_75] : memref<2x128xi32, #tpu.memory_space<vmem>> -> memref<1x128xi32, #tpu.memory_space<vmem>>
      %dma_wait3A_77 = tpu.memref_squeeze %dma_wait3A_76 : memref<1x128xi32, #tpu.memory_space<vmem>> -> memref<128xi32, #tpu.memory_space<vmem>>
      %dma_wait3A_78 = arith.constant 0 : i32
      %dma_wait3A_79 = arith.constant 0 : i32
      %dma_wait3A_80 = tpu.memref_slice %arg4[%dma_wait3A_78, %dma_wait3A_79] : memref<10000x128xf32, #tpu.memory_space<hbm>> -> memref<10000x128xf32, #tpu.memory_space<hbm>>
      tpu.wait_indirect_dma semaphore(%arg14 : memref<!tpu.dma_semaphore, #tpu.memory_space<semaphore_mem>>) src(%dma_wait3A_80 : memref<10000x128xf32, #tpu.memory_space<hbm>>) dst(%dma_wait3A_74 : memref<128x128xf32, #tpu.memory_space<vmem>>)
      %scan3A_81 = arith.constant 0 : i32
      %scan3A_82 = arith.constant 0 : i32
      %scan3A_83 = arith.constant 128 : i32
      %scan3A_84 = arith.addi %scan3A_82, %scan3A_83 : i32
      %scan3A_85 = arith.constant 1 : i32
      scf.for %scan3A_108 = %scan3A_82 to %scan3A_84 step %scan3A_85  : i32 {
        %mul3A_109 = arith.constant 8 : i32
        %mul3A_110 = arith.muli %mul3A_109, %scan3A_108 : i32
        %add3A_111 = arith.constant 0 : i32
        %add3A_112 = arith.addi %add3A_111, %mul3A_110 : i32
        %get3A = arith.index_cast %add3A_112 : i32 to index
        %get3A_113 = tpu.vector_load %arg12[%get3A] {strides = array<i32>} : memref<2080xf32, #tpu.memory_space<vmem>>, vector<16xf32>,
        %get3A_114 = vector.shape_cast %get3A_113 : vector<16xf32> to vector<16xf32>
        %get3A_115 = arith.constant 0 : i32
        %get3A_116 = arith.index_cast %get3A_115 : i32 to index
        %get3A_117 = arith.index_cast %scan3A_108 : i32 to index
        %get3A_118 = arith.constant 0 : index
        %get3A_119 = tpu.vector_load %arg11[%get3A_116, %get3A_117, %get3A_118] {strides = array<i32>} : memref<2x128x128xf32, #tpu.memory_space<vmem>>, vector<1x1x16xf32>,
        %get3A_120 = vector.shape_cast %get3A_119 : vector<1x1x16xf32> to vector<16xf32>
        %slice3A = vector.extract_strided_slice %get3A_114 {offsets = [3], sizes = [1], strides = [1]} : vector<16xf32> to vector<1xf32>
        %squeeze3A = vector.extract %slice3A[0] : f32 from vector<1xf32>
        %broadcast_in_dim3A = vector.broadcast %squeeze3A : f32 to vector<16xf32>
        %mul3A_121 = arith.mulf %get3A_120, %broadcast_in_dim3A : vector<16xf32>
        %swap3A = arith.constant 0 : i32
        %swap3A_122 = arith.index_cast %swap3A : i32 to index
        %swap3A_123 = arith.index_cast %scan3A_108 : i32 to index
        %swap3A_124 = arith.constant 0 : index
        %swap3A_125 = tpu.vector_load %arg11[%swap3A_122, %swap3A_123, %swap3A_124] {strides = array<i32>} : memref<2x128x128xf32, #tpu.memory_space<vmem>>, vector<1x1x16xf32>,
        %swap3A_126 = vector.shape_cast %swap3A_125 : vector<1x1x16xf32> to vector<16xf32>
        %swap3A_127 = vector.shape_cast %mul3A_121 : vector<16xf32> to vector<1x1x16xf32>
        tpu.vector_store %arg11[%swap3A_122, %swap3A_123, %swap3A_124], %swap3A_127 {strides = array<i32>} : memref<2x128x128xf32, #tpu.memory_space<vmem>>, vector<1x1x16xf32>,
        %get3A_128 = arith.constant 0 : i32
        %get3A_129 = arith.index_cast %get3A_128 : i32 to index
        %get3A_130 = arith.index_cast %scan3A_108 : i32 to index
        %get3A_131 = arith.constant 16 : index
        %get3A_132 = tpu.vector_load %arg11[%get3A_129, %get3A_130, %get3A_131] {strides = array<i32>} : memref<2x128x128xf32, #tpu.memory_space<vmem>>, vector<1x1x16xf32>,
        %get3A_133 = vector.shape_cast %get3A_132 : vector<1x1x16xf32> to vector<16xf32>
        %slice3A_134 = vector.extract_strided_slice %get3A_114 {offsets = [3], sizes = [1], strides = [1]} : vector<16xf32> to vector<1xf32>
        %squeeze3A_135 = vector.extract %slice3A_134[0] : f32 from vector<1xf32>
        %broadcast_in_dim3A_136 = vector.broadcast %squeeze3A_135 : f32 to vector<16xf32>
        %mul3A_137 = arith.mulf %get3A_133, %broadcast_in_dim3A_136 : vector<16xf32>
        %swap3A_138 = arith.constant 0 : i32
        %swap3A_139 = arith.index_cast %swap3A_138 : i32 to index
        %swap3A_140 = arith.index_cast %scan3A_108 : i32 to index
        %swap3A_141 = arith.constant 16 : index
        %swap3A_142 = tpu.vector_load %arg11[%swap3A_139, %swap3A_140, %swap3A_141] {strides = array<i32>} : memref<2x128x128xf32, #tpu.memory_space<vmem>>, vector<1x1x16xf32>,
        %swap3A_143 = vector.shape_cast %swap3A_142 : vector<1x1x16xf32> to vector<16xf32>
        %swap3A_144 = vector.shape_cast %mul3A_137 : vector<16xf32> to vector<1x1x16xf32>
        tpu.vector_store %arg11[%swap3A_139, %swap3A_140, %swap3A_141], %swap3A_144 {strides = array<i32>} : memref<2x128x128xf32, #tpu.memory_space<vmem>>, vector<1x1x16xf32>,
        %get3A_145 = arith.constant 0 : i32
        %get3A_146 = arith.index_cast %get3A_145 : i32 to index
        %get3A_147 = arith.index_cast %scan3A_108 : i32 to index
        %get3A_148 = arith.constant 32 : index
        %get3A_149 = tpu.vector_load %arg11[%get3A_146, %get3A_147, %get3A_148] {strides = array<i32>} : memref<2x128x128xf32, #tpu.memory_space<vmem>>, vector<1x1x16xf32>,
        %get3A_150 = vector.shape_cast %get3A_149 : vector<1x1x16xf32> to vector<16xf32>
        %slice3A_151 = vector.extract_strided_slice %get3A_114 {offsets = [4], sizes = [1], strides = [1]} : vector<16xf32> to vector<1xf32>
        %squeeze3A_152 = vector.extract %slice3A_151[0] : f32 from vector<1xf32>
        %broadcast_in_dim3A_153 = vector.broadcast %squeeze3A_152 : f32 to vector<16xf32>
        %mul3A_154 = arith.mulf %get3A_150, %broadcast_in_dim3A_153 : vector<16xf32>
        %swap3A_155 = arith.constant 0 : i32
        %swap3A_156 = arith.index_cast %swap3A_155 : i32 to index
        %swap3A_157 = arith.index_cast %scan3A_108 : i32 to index
        %swap3A_158 = arith.constant 32 : index
        %swap3A_159 = tpu.vector_load %arg11[%swap3A_156, %swap3A_157, %swap3A_158] {strides = array<i32>} : memref<2x128x128xf32, #tpu.memory_space<vmem>>, vector<1x1x16xf32>,
        %swap3A_160 = vector.shape_cast %swap3A_159 : vector<1x1x16xf32> to vector<16xf32>
        %swap3A_161 = vector.shape_cast %mul3A_154 : vector<16xf32> to vector<1x1x16xf32>
        tpu.vector_store %arg11[%swap3A_156, %swap3A_157, %swap3A_158], %swap3A_161 {strides = array<i32>} : memref<2x128x128xf32, #tpu.memory_space<vmem>>, vector<1x1x16xf32>,
        %get3A_162 = arith.constant 0 : i32
        %get3A_163 = arith.index_cast %get3A_162 : i32 to index
        %get3A_164 = arith.index_cast %scan3A_108 : i32 to index
        %get3A_165 = arith.constant 48 : index
        %get3A_166 = tpu.vector_load %arg11[%get3A_163, %get3A_164, %get3A_165] {strides = array<i32>} : memref<2x128x128xf32, #tpu.memory_space<vmem>>, vector<1x1x16xf32>,
        %get3A_167 = vector.shape_cast %get3A_166 : vector<1x1x16xf32> to vector<16xf32>
        %slice3A_168 = vector.extract_strided_slice %get3A_114 {offsets = [4], sizes = [1], strides = [1]} : vector<16xf32> to vector<1xf32>
        %squeeze3A_169 = vector.extract %slice3A_168[0] : f32 from vector<1xf32>
        %broadcast_in_dim3A_170 = vector.broadcast %squeeze3A_169 : f32 to vector<16xf32>
        %mul3A_171 = arith.mulf %get3A_167, %broadcast_in_dim3A_170 : vector<16xf32>
        %swap3A_172 = arith.constant 0 : i32
        %swap3A_173 = arith.index_cast %swap3A_172 : i32 to index
        %swap3A_174 = arith.index_cast %scan3A_108 : i32 to index
        %swap3A_175 = arith.constant 48 : index
        %swap3A_176 = tpu.vector_load %arg11[%swap3A_173, %swap3A_174, %swap3A_175] {strides = array<i32>} : memref<2x128x128xf32, #tpu.memory_space<vmem>>, vector<1x1x16xf32>,
        %swap3A_177 = vector.shape_cast %swap3A_176 : vector<1x1x16xf32> to vector<16xf32>
        %swap3A_178 = vector.shape_cast %mul3A_171 : vector<16xf32> to vector<1x1x16xf32>
        tpu.vector_store %arg11[%swap3A_173, %swap3A_174, %swap3A_175], %swap3A_178 {strides = array<i32>} : memref<2x128x128xf32, #tpu.memory_space<vmem>>, vector<1x1x16xf32>,
        %get3A_179 = arith.constant 0 : i32
        %get3A_180 = arith.index_cast %get3A_179 : i32 to index
        %get3A_181 = arith.index_cast %scan3A_108 : i32 to index
        %get3A_182 = arith.constant 64 : index
        %get3A_183 = tpu.vector_load %arg11[%get3A_180, %get3A_181, %get3A_182] {strides = array<i32>} : memref<2x128x128xf32, #tpu.memory_space<vmem>>, vector<1x1x16xf32>,
        %get3A_184 = vector.shape_cast %get3A_183 : vector<1x1x16xf32> to vector<16xf32>
        %lt3A = arith.constant 8 : i32
        %lt3A_185 = vector.broadcast %lt3A : i32 to vector<16xi32>
        %lt3A_186 = arith.cmpi slt, %iota3A, %lt3A_185 : vector<16xi32>
        %slice3A_187 = vector.extract_strided_slice %get3A_114 {offsets = [4], sizes = [1], strides = [1]} : vector<16xf32> to vector<1xf32>
        %squeeze3A_188 = vector.extract %slice3A_187[0] : f32 from vector<1xf32>
        %broadcast_in_dim3A_189 = vector.broadcast %squeeze3A_188 : f32 to vector<16xf32>
        %slice3A_190 = vector.extract_strided_slice %get3A_114 {offsets = [5], sizes = [1], strides = [1]} : vector<16xf32> to vector<1xf32>
        %squeeze3A_191 = vector.extract %slice3A_190[0] : f32 from vector<1xf32>
        %broadcast_in_dim3A_192 = vector.broadcast %squeeze3A_191 : f32 to vector<16xf32>
        %select_n3A = arith.select %lt3A_186, %broadcast_in_dim3A_189, %broadcast_in_dim3A_192 : vector<16xi1>, vector<16xf32>
        %mul3A_193 = arith.mulf %get3A_184, %select_n3A : vector<16xf32>
        %swap3A_194 = arith.constant 0 : i32
        %swap3A_195 = arith.index_cast %swap3A_194 : i32 to index
        %swap3A_196 = arith.index_cast %scan3A_108 : i32 to index
        %swap3A_197 = arith.constant 64 : index
        %swap3A_198 = tpu.vector_load %arg11[%swap3A_195, %swap3A_196, %swap3A_197] {strides = array<i32>} : memref<2x128x128xf32, #tpu.memory_space<vmem>>, vector<1x1x16xf32>,
        %swap3A_199 = vector.shape_cast %swap3A_198 : vector<1x1x16xf32> to vector<16xf32>
        %swap3A_200 = vector.shape_cast %mul3A_193 : vector<16xf32> to vector<1x1x16xf32>
        tpu.vector_store %arg11[%swap3A_195, %swap3A_196, %swap3A_197], %swap3A_200 {strides = array<i32>} : memref<2x128x128xf32, #tpu.memory_space<vmem>>, vector<1x1x16xf32>,
        %get3A_201 = arith.constant 0 : i32
        %get3A_202 = arith.index_cast %get3A_201 : i32 to index
        %get3A_203 = arith.index_cast %scan3A_108 : i32 to index
        %get3A_204 = arith.constant 80 : index
        %get3A_205 = tpu.vector_load %arg11[%get3A_202, %get3A_203, %get3A_204] {strides = array<i32>} : memref<2x128x128xf32, #tpu.memory_space<vmem>>, vector<1x1x16xf32>,
        %get3A_206 = vector.shape_cast %get3A_205 : vector<1x1x16xf32> to vector<16xf32>
        %slice3A_207 = vector.extract_strided_slice %get3A_114 {offsets = [5], sizes = [1], strides = [1]} : vector<16xf32> to vector<1xf32>
        %squeeze3A_208 = vector.extract %slice3A_207[0] : f32 from vector<1xf32>
        %broadcast_in_dim3A_209 = vector.broadcast %squeeze3A_208 : f32 to vector<16xf32>
        %mul3A_210 = arith.mulf %get3A_206, %broadcast_in_dim3A_209 : vector<16xf32>
        %swap3A_211 = arith.constant 0 : i32
        %swap3A_212 = arith.index_cast %swap3A_211 : i32 to index
        %swap3A_213 = arith.index_cast %scan3A_108 : i32 to index
        %swap3A_214 = arith.constant 80 : index
        %swap3A_215 = tpu.vector_load %arg11[%swap3A_212, %swap3A_213, %swap3A_214] {strides = array<i32>} : memref<2x128x128xf32, #tpu.memory_space<vmem>>, vector<1x1x16xf32>,
        %swap3A_216 = vector.shape_cast %swap3A_215 : vector<1x1x16xf32> to vector<16xf32>
        %swap3A_217 = vector.shape_cast %mul3A_210 : vector<16xf32> to vector<1x1x16xf32>
        tpu.vector_store %arg11[%swap3A_212, %swap3A_213, %swap3A_214], %swap3A_217 {strides = array<i32>} : memref<2x128x128xf32, #tpu.memory_space<vmem>>, vector<1x1x16xf32>,
        %get3A_218 = arith.constant 0 : i32
        %get3A_219 = arith.index_cast %get3A_218 : i32 to index
        %get3A_220 = arith.index_cast %scan3A_108 : i32 to index
        %get3A_221 = arith.constant 96 : index
        %get3A_222 = tpu.vector_load %arg11[%get3A_219, %get3A_220, %get3A_221] {strides = array<i32>} : memref<2x128x128xf32, #tpu.memory_space<vmem>>, vector<1x1x16xf32>,
        %get3A_223 = vector.shape_cast %get3A_222 : vector<1x1x16xf32> to vector<16xf32>
        %slice3A_224 = vector.extract_strided_slice %get3A_114 {offsets = [5], sizes = [1], strides = [1]} : vector<16xf32> to vector<1xf32>
        %squeeze3A_225 = vector.extract %slice3A_224[0] : f32 from vector<1xf32>
        %broadcast_in_dim3A_226 = vector.broadcast %squeeze3A_225 : f32 to vector<16xf32>
        %mul3A_227 = arith.mulf %get3A_223, %broadcast_in_dim3A_226 : vector<16xf32>
        %swap3A_228 = arith.constant 0 : i32
        %swap3A_229 = arith.index_cast %swap3A_228 : i32 to index
        %swap3A_230 = arith.index_cast %scan3A_108 : i32 to index
        %swap3A_231 = arith.constant 96 : index
        %swap3A_232 = tpu.vector_load %arg11[%swap3A_229, %swap3A_230, %swap3A_231] {strides = array<i32>} : memref<2x128x128xf32, #tpu.memory_space<vmem>>, vector<1x1x16xf32>,
        %swap3A_233 = vector.shape_cast %swap3A_232 : vector<1x1x16xf32> to vector<16xf32>
        %swap3A_234 = vector.shape_cast %mul3A_227 : vector<16xf32> to vector<1x1x16xf32>
        tpu.vector_store %arg11[%swap3A_229, %swap3A_230, %swap3A_231], %swap3A_234 {strides = array<i32>} : memref<2x128x128xf32, #tpu.memory_space<vmem>>, vector<1x1x16xf32>,
        %get3A_235 = arith.constant 0 : i32
        %get3A_236 = arith.index_cast %get3A_235 : i32 to index
        %get3A_237 = arith.index_cast %scan3A_108 : i32 to index
        %get3A_238 = arith.constant 112 : index
        %get3A_239 = tpu.vector_load %arg11[%get3A_236, %get3A_237, %get3A_238] {strides = array<i32>} : memref<2x128x128xf32, #tpu.memory_space<vmem>>, vector<1x1x16xf32>,
        %get3A_240 = vector.shape_cast %get3A_239 : vector<1x1x16xf32> to vector<16xf32>
        %slice3A_241 = vector.extract_strided_slice %get3A_114 {offsets = [6], sizes = [1], strides = [1]} : vector<16xf32> to vector<1xf32>
        %squeeze3A_242 = vector.extract %slice3A_241[0] : f32 from vector<1xf32>
        %broadcast_in_dim3A_243 = vector.broadcast %squeeze3A_242 : f32 to vector<16xf32>
        %mul3A_244 = arith.mulf %get3A_240, %broadcast_in_dim3A_243 : vector<16xf32>
        %swap3A_245 = arith.constant 0 : i32
        %swap3A_246 = arith.index_cast %swap3A_245 : i32 to index
        %swap3A_247 = arith.index_cast %scan3A_108 : i32 to index
        %swap3A_248 = arith.constant 112 : index
        %swap3A_249 = tpu.vector_load %arg11[%swap3A_246, %swap3A_247, %swap3A_248] {strides = array<i32>} : memref<2x128x128xf32, #tpu.memory_space<vmem>>, vector<1x1x16xf32>,
        %swap3A_250 = vector.shape_cast %swap3A_249 : vector<1x1x16xf32> to vector<16xf32>
        %swap3A_251 = vector.shape_cast %mul3A_244 : vector<16xf32> to vector<1x1x16xf32>
        tpu.vector_store %arg11[%swap3A_246, %swap3A_247, %swap3A_248], %swap3A_251 {strides = array<i32>} : memref<2x128x128xf32, #tpu.memory_space<vmem>>, vector<1x1x16xf32>,
      }
      %scan3A_86 = arith.constant 128 : i32
      %run_scoped3A = arith.constant 0 : i32
      %run_scoped3A_87 = arith.constant 0 : i32
      "tpu.region"() ({
        %run_scoped3A_108 = tpu.sem_alloc : memref<!tpu.dma_semaphore, #tpu.memory_space<semaphore_mem>>
        %dma_start3A_109 = arith.constant 0 : i32
        %dma_start3A_110 = arith.constant 0 : i32
        %dma_start3A_111 = tpu.memref_slice %arg11[%run_scoped3A, %dma_start3A_109, %dma_start3A_110] : memref<2x128x128xf32, #tpu.memory_space<vmem>> -> memref<1x128x128xf32, #tpu.memory_space<vmem>>
        %dma_start3A_112 = tpu.memref_squeeze %dma_start3A_111 : memref<1x128x128xf32, #tpu.memory_space<vmem>> -> memref<128x128xf32, #tpu.memory_space<vmem>>
        %dma_start3A_113 = arith.constant 0 : i32
        %dma_start3A_114 = tpu.memref_slice %arg10[%run_scoped3A_87, %dma_start3A_113] : memref<2x128xi32, #tpu.memory_space<vmem>> -> memref<1x128xi32, #tpu.memory_space<vmem>>
        %dma_start3A_115 = tpu.memref_squeeze %dma_start3A_114 : memref<1x128xi32, #tpu.memory_space<vmem>> -> memref<128xi32, #tpu.memory_space<vmem>>
        %dma_start3A_116 = arith.constant 0 : i32
        %dma_start3A_117 = arith.constant 0 : i32
        %dma_start3A_118 = tpu.memref_slice %arg13[%dma_start3A_116, %dma_start3A_117] : memref<10016x128xf32, #tpu.memory_space<vmem_shared>> -> memref<10016x128xf32, #tpu.memory_space<vmem_shared>>
        tpu.enqueue_indirect_dma source(%dma_start3A_112 : memref<128x128xf32, #tpu.memory_space<vmem>>) target(%dma_start3A_118 : memref<10016x128xf32, #tpu.memory_space<vmem_shared>>) offsets(%dma_start3A_115 : memref<128xi32, #tpu.memory_space<vmem>>) semaphore(%run_scoped3A_108 : memref<!tpu.dma_semaphore, #tpu.memory_space<semaphore_mem>>) {add = true}
        %dma_wait3A_119 = arith.constant 0 : i32
        %dma_wait3A_120 = arith.constant 0 : i32
        %dma_wait3A_121 = tpu.memref_slice %arg11[%run_scoped3A, %dma_wait3A_119, %dma_wait3A_120] : memref<2x128x128xf32, #tpu.memory_space<vmem>> -> memref<1x128x128xf32, #tpu.memory_space<vmem>>
        %dma_wait3A_122 = tpu.memref_squeeze %dma_wait3A_121 : memref<1x128x128xf32, #tpu.memory_space<vmem>> -> memref<128x128xf32, #tpu.memory_space<vmem>>
        %dma_wait3A_123 = arith.constant 0 : i32
        %dma_wait3A_124 = tpu.memref_slice %arg10[%run_scoped3A_87, %dma_wait3A_123] : memref<2x128xi32, #tpu.memory_space<vmem>> -> memref<1x128xi32, #tpu.memory_space<vmem>>
        %dma_wait3A_125 = tpu.memref_squeeze %dma_wait3A_124 : memref<1x128xi32, #tpu.memory_space<vmem>> -> memref<128xi32, #tpu.memory_space<vmem>>
        %dma_wait3A_126 = arith.constant 0 : i32
        %dma_wait3A_127 = arith.constant 0 : i32
        %dma_wait3A_128 = tpu.memref_slice %arg13[%dma_wait3A_126, %dma_wait3A_127] : memref<10016x128xf32, #tpu.memory_space<vmem_shared>> -> memref<10016x128xf32, #tpu.memory_space<vmem_shared>>
        tpu.wait_indirect_dma semaphore(%run_scoped3A_108 : memref<!tpu.dma_semaphore, #tpu.memory_space<semaphore_mem>>) src(%dma_wait3A_122 : memref<128x128xf32, #tpu.memory_space<vmem>>) dst(%dma_wait3A_128 : memref<10016x128xf32, #tpu.memory_space<vmem_shared>>)
        tpu.yield
      }) : () -> ()
      %dma_wait3A_88 = arith.constant 1 : i32
      %dma_wait3A_89 = arith.constant 1 : i32
      %dma_wait3A_90 = arith.constant 0 : i32
      %dma_wait3A_91 = arith.constant 0 : i32
      %dma_wait3A_92 = tpu.memref_slice %arg11[%dma_wait3A_89, %dma_wait3A_90, %dma_wait3A_91] : memref<2x128x128xf32, #tpu.memory_space<vmem>> -> memref<1x128x128xf32, #tpu.memory_space<vmem>>
      %dma_wait3A_93 = tpu.memref_squeeze %dma_wait3A_92 : memref<1x128x128xf32, #tpu.memory_space<vmem>> -> memref<128x128xf32, #tpu.memory_space<vmem>>
      %dma_wait3A_94 = arith.constant 0 : i32
      %dma_wait3A_95 = tpu.memref_slice %arg9[%dma_wait3A_88, %dma_wait3A_94] : memref<2x128xi32, #tpu.memory_space<vmem>> -> memref<1x128xi32, #tpu.memory_space<vmem>>
      %dma_wait3A_96 = tpu.memref_squeeze %dma_wait3A_95 : memref<1x128xi32, #tpu.memory_space<vmem>> -> memref<128xi32, #tpu.memory_space<vmem>>
      %dma_wait3A_97 = arith.constant 0 : i32
      %dma_wait3A_98 = arith.constant 0 : i32
      %dma_wait3A_99 = tpu.memref_slice %arg4[%dma_wait3A_97, %dma_wait3A_98] : memref<10000x128xf32, #tpu.memory_space<hbm>> -> memref<10000x128xf32, #tpu.memory_space<hbm>>
      tpu.wait_indirect_dma semaphore(%arg14 : memref<!tpu.dma_semaphore, #tpu.memory_space<semaphore_mem>>) src(%dma_wait3A_99 : memref<10000x128xf32, #tpu.memory_space<hbm>>) dst(%dma_wait3A_93 : memref<128x128xf32, #tpu.memory_space<vmem>>)
      %scan3A_100 = arith.constant 0 : i32
      %scan3A_101 = arith.constant 0 : i32
      %scan3A_102 = arith.constant 128 : i32
      %scan3A_103 = arith.addi %scan3A_101, %scan3A_102 : i32
      %scan3A_104 = arith.constant 1 : i32
      scf.for %scan3A_108 = %scan3A_101 to %scan3A_103 step %scan3A_104  : i32 {
        %mul3A_109 = arith.constant 8 : i32
        %mul3A_110 = arith.muli %mul3A_109, %scan3A_108 : i32
        %add3A_111 = arith.constant 1040 : i32
        %add3A_112 = arith.addi %add3A_111, %mul3A_110 : i32
        %get3A = arith.index_cast %add3A_112 : i32 to index
        %get3A_113 = tpu.vector_load %arg12[%get3A] {strides = array<i32>} : memref<2080xf32, #tpu.memory_space<vmem>>, vector<16xf32>,
        %get3A_114 = vector.shape_cast %get3A_113 : vector<16xf32> to vector<16xf32>
        %get3A_115 = arith.constant 1 : i32
        %get3A_116 = arith.index_cast %get3A_115 : i32 to index
        %get3A_117 = arith.index_cast %scan3A_108 : i32 to index
        %get3A_118 = arith.constant 0 : index
        %get3A_119 = tpu.vector_load %arg11[%get3A_116, %get3A_117, %get3A_118] {strides = array<i32>} : memref<2x128x128xf32, #tpu.memory_space<vmem>>, vector<1x1x16xf32>,
        %get3A_120 = vector.shape_cast %get3A_119 : vector<1x1x16xf32> to vector<16xf32>
        %slice3A = vector.extract_strided_slice %get3A_114 {offsets = [3], sizes = [1], strides = [1]} : vector<16xf32> to vector<1xf32>
        %squeeze3A = vector.extract %slice3A[0] : f32 from vector<1xf32>
        %broadcast_in_dim3A = vector.broadcast %squeeze3A : f32 to vector<16xf32>
        %mul3A_121 = arith.mulf %get3A_120, %broadcast_in_dim3A : vector<16xf32>
        %swap3A = arith.constant 1 : i32
        %swap3A_122 = arith.index_cast %swap3A : i32 to index
        %swap3A_123 = arith.index_cast %scan3A_108 : i32 to index
        %swap3A_124 = arith.constant 0 : index
        %swap3A_125 = tpu.vector_load %arg11[%swap3A_122, %swap3A_123, %swap3A_124] {strides = array<i32>} : memref<2x128x128xf32, #tpu.memory_space<vmem>>, vector<1x1x16xf32>,
        %swap3A_126 = vector.shape_cast %swap3A_125 : vector<1x1x16xf32> to vector<16xf32>
        %swap3A_127 = vector.shape_cast %mul3A_121 : vector<16xf32> to vector<1x1x16xf32>
        tpu.vector_store %arg11[%swap3A_122, %swap3A_123, %swap3A_124], %swap3A_127 {strides = array<i32>} : memref<2x128x128xf32, #tpu.memory_space<vmem>>, vector<1x1x16xf32>,
        %get3A_128 = arith.constant 1 : i32
        %get3A_129 = arith.index_cast %get3A_128 : i32 to index
        %get3A_130 = arith.index_cast %scan3A_108 : i32 to index
        %get3A_131 = arith.constant 16 : index
        %get3A_132 = tpu.vector_load %arg11[%get3A_129, %get3A_130, %get3A_131] {strides = array<i32>} : memref<2x128x128xf32, #tpu.memory_space<vmem>>, vector<1x1x16xf32>,
        %get3A_133 = vector.shape_cast %get3A_132 : vector<1x1x16xf32> to vector<16xf32>
        %slice3A_134 = vector.extract_strided_slice %get3A_114 {offsets = [3], sizes = [1], strides = [1]} : vector<16xf32> to vector<1xf32>
        %squeeze3A_135 = vector.extract %slice3A_134[0] : f32 from vector<1xf32>
        %broadcast_in_dim3A_136 = vector.broadcast %squeeze3A_135 : f32 to vector<16xf32>
        %mul3A_137 = arith.mulf %get3A_133, %broadcast_in_dim3A_136 : vector<16xf32>
        %swap3A_138 = arith.constant 1 : i32
        %swap3A_139 = arith.index_cast %swap3A_138 : i32 to index
        %swap3A_140 = arith.index_cast %scan3A_108 : i32 to index
        %swap3A_141 = arith.constant 16 : index
        %swap3A_142 = tpu.vector_load %arg11[%swap3A_139, %swap3A_140, %swap3A_141] {strides = array<i32>} : memref<2x128x128xf32, #tpu.memory_space<vmem>>, vector<1x1x16xf32>,
        %swap3A_143 = vector.shape_cast %swap3A_142 : vector<1x1x16xf32> to vector<16xf32>
        %swap3A_144 = vector.shape_cast %mul3A_137 : vector<16xf32> to vector<1x1x16xf32>
        tpu.vector_store %arg11[%swap3A_139, %swap3A_140, %swap3A_141], %swap3A_144 {strides = array<i32>} : memref<2x128x128xf32, #tpu.memory_space<vmem>>, vector<1x1x16xf32>,
        %get3A_145 = arith.constant 1 : i32
        %get3A_146 = arith.index_cast %get3A_145 : i32 to index
        %get3A_147 = arith.index_cast %scan3A_108 : i32 to index
        %get3A_148 = arith.constant 32 : index
        %get3A_149 = tpu.vector_load %arg11[%get3A_146, %get3A_147, %get3A_148] {strides = array<i32>} : memref<2x128x128xf32, #tpu.memory_space<vmem>>, vector<1x1x16xf32>,
        %get3A_150 = vector.shape_cast %get3A_149 : vector<1x1x16xf32> to vector<16xf32>
        %slice3A_151 = vector.extract_strided_slice %get3A_114 {offsets = [4], sizes = [1], strides = [1]} : vector<16xf32> to vector<1xf32>
        %squeeze3A_152 = vector.extract %slice3A_151[0] : f32 from vector<1xf32>
        %broadcast_in_dim3A_153 = vector.broadcast %squeeze3A_152 : f32 to vector<16xf32>
        %mul3A_154 = arith.mulf %get3A_150, %broadcast_in_dim3A_153 : vector<16xf32>
        %swap3A_155 = arith.constant 1 : i32
        %swap3A_156 = arith.index_cast %swap3A_155 : i32 to index
        %swap3A_157 = arith.index_cast %scan3A_108 : i32 to index
        %swap3A_158 = arith.constant 32 : index
        %swap3A_159 = tpu.vector_load %arg11[%swap3A_156, %swap3A_157, %swap3A_158] {strides = array<i32>} : memref<2x128x128xf32, #tpu.memory_space<vmem>>, vector<1x1x16xf32>,
        %swap3A_160 = vector.shape_cast %swap3A_159 : vector<1x1x16xf32> to vector<16xf32>
        %swap3A_161 = vector.shape_cast %mul3A_154 : vector<16xf32> to vector<1x1x16xf32>
        tpu.vector_store %arg11[%swap3A_156, %swap3A_157, %swap3A_158], %swap3A_161 {strides = array<i32>} : memref<2x128x128xf32, #tpu.memory_space<vmem>>, vector<1x1x16xf32>,
        %get3A_162 = arith.constant 1 : i32
        %get3A_163 = arith.index_cast %get3A_162 : i32 to index
        %get3A_164 = arith.index_cast %scan3A_108 : i32 to index
        %get3A_165 = arith.constant 48 : index
        %get3A_166 = tpu.vector_load %arg11[%get3A_163, %get3A_164, %get3A_165] {strides = array<i32>} : memref<2x128x128xf32, #tpu.memory_space<vmem>>, vector<1x1x16xf32>,
        %get3A_167 = vector.shape_cast %get3A_166 : vector<1x1x16xf32> to vector<16xf32>
        %slice3A_168 = vector.extract_strided_slice %get3A_114 {offsets = [4], sizes = [1], strides = [1]} : vector<16xf32> to vector<1xf32>
        %squeeze3A_169 = vector.extract %slice3A_168[0] : f32 from vector<1xf32>
        %broadcast_in_dim3A_170 = vector.broadcast %squeeze3A_169 : f32 to vector<16xf32>
        %mul3A_171 = arith.mulf %get3A_167, %broadcast_in_dim3A_170 : vector<16xf32>
        %swap3A_172 = arith.constant 1 : i32
        %swap3A_173 = arith.index_cast %swap3A_172 : i32 to index
        %swap3A_174 = arith.index_cast %scan3A_108 : i32 to index
        %swap3A_175 = arith.constant 48 : index
        %swap3A_176 = tpu.vector_load %arg11[%swap3A_173, %swap3A_174, %swap3A_175] {strides = array<i32>} : memref<2x128x128xf32, #tpu.memory_space<vmem>>, vector<1x1x16xf32>,
        %swap3A_177 = vector.shape_cast %swap3A_176 : vector<1x1x16xf32> to vector<16xf32>
        %swap3A_178 = vector.shape_cast %mul3A_171 : vector<16xf32> to vector<1x1x16xf32>
        tpu.vector_store %arg11[%swap3A_173, %swap3A_174, %swap3A_175], %swap3A_178 {strides = array<i32>} : memref<2x128x128xf32, #tpu.memory_space<vmem>>, vector<1x1x16xf32>,
        %get3A_179 = arith.constant 1 : i32
        %get3A_180 = arith.index_cast %get3A_179 : i32 to index
        %get3A_181 = arith.index_cast %scan3A_108 : i32 to index
        %get3A_182 = arith.constant 64 : index
        %get3A_183 = tpu.vector_load %arg11[%get3A_180, %get3A_181, %get3A_182] {strides = array<i32>} : memref<2x128x128xf32, #tpu.memory_space<vmem>>, vector<1x1x16xf32>,
        %get3A_184 = vector.shape_cast %get3A_183 : vector<1x1x16xf32> to vector<16xf32>
        %lt3A = arith.constant 8 : i32
        %lt3A_185 = vector.broadcast %lt3A : i32 to vector<16xi32>
        %lt3A_186 = arith.cmpi slt, %iota3A, %lt3A_185 : vector<16xi32>
        %slice3A_187 = vector.extract_strided_slice %get3A_114 {offsets = [4], sizes = [1], strides = [1]} : vector<16xf32> to vector<1xf32>
        %squeeze3A_188 = vector.extract %slice3A_187[0] : f32 from vector<1xf32>
        %broadcast_in_dim3A_189 = vector.broadcast %squeeze3A_188 : f32 to vector<16xf32>
        %slice3A_190 = vector.extract_strided_slice %get3A_114 {offsets = [5], sizes = [1], strides = [1]} : vector<16xf32> to vector<1xf32>
        %squeeze3A_191 = vector.extract %slice3A_190[0] : f32 from vector<1xf32>
        %broadcast_in_dim3A_192 = vector.broadcast %squeeze3A_191 : f32 to vector<16xf32>
        %select_n3A = arith.select %lt3A_186, %broadcast_in_dim3A_189, %broadcast_in_dim3A_192 : vector<16xi1>, vector<16xf32>
        %mul3A_193 = arith.mulf %get3A_184, %select_n3A : vector<16xf32>
        %swap3A_194 = arith.constant 1 : i32
        %swap3A_195 = arith.index_cast %swap3A_194 : i32 to index
        %swap3A_196 = arith.index_cast %scan3A_108 : i32 to index
        %swap3A_197 = arith.constant 64 : index
        %swap3A_198 = tpu.vector_load %arg11[%swap3A_195, %swap3A_196, %swap3A_197] {strides = array<i32>} : memref<2x128x128xf32, #tpu.memory_space<vmem>>, vector<1x1x16xf32>,
        %swap3A_199 = vector.shape_cast %swap3A_198 : vector<1x1x16xf32> to vector<16xf32>
        %swap3A_200 = vector.shape_cast %mul3A_193 : vector<16xf32> to vector<1x1x16xf32>
        tpu.vector_store %arg11[%swap3A_195, %swap3A_196, %swap3A_197], %swap3A_200 {strides = array<i32>} : memref<2x128x128xf32, #tpu.memory_space<vmem>>, vector<1x1x16xf32>,
        %get3A_201 = arith.constant 1 : i32
        %get3A_202 = arith.index_cast %get3A_201 : i32 to index
        %get3A_203 = arith.index_cast %scan3A_108 : i32 to index
        %get3A_204 = arith.constant 80 : index
        %get3A_205 = tpu.vector_load %arg11[%get3A_202, %get3A_203, %get3A_204] {strides = array<i32>} : memref<2x128x128xf32, #tpu.memory_space<vmem>>, vector<1x1x16xf32>,
        %get3A_206 = vector.shape_cast %get3A_205 : vector<1x1x16xf32> to vector<16xf32>
        %slice3A_207 = vector.extract_strided_slice %get3A_114 {offsets = [5], sizes = [1], strides = [1]} : vector<16xf32> to vector<1xf32>
        %squeeze3A_208 = vector.extract %slice3A_207[0] : f32 from vector<1xf32>
        %broadcast_in_dim3A_209 = vector.broadcast %squeeze3A_208 : f32 to vector<16xf32>
        %mul3A_210 = arith.mulf %get3A_206, %broadcast_in_dim3A_209 : vector<16xf32>
        %swap3A_211 = arith.constant 1 : i32
        %swap3A_212 = arith.index_cast %swap3A_211 : i32 to index
        %swap3A_213 = arith.index_cast %scan3A_108 : i32 to index
        %swap3A_214 = arith.constant 80 : index
        %swap3A_215 = tpu.vector_load %arg11[%swap3A_212, %swap3A_213, %swap3A_214] {strides = array<i32>} : memref<2x128x128xf32, #tpu.memory_space<vmem>>, vector<1x1x16xf32>,
        %swap3A_216 = vector.shape_cast %swap3A_215 : vector<1x1x16xf32> to vector<16xf32>
        %swap3A_217 = vector.shape_cast %mul3A_210 : vector<16xf32> to vector<1x1x16xf32>
        tpu.vector_store %arg11[%swap3A_212, %swap3A_213, %swap3A_214], %swap3A_217 {strides = array<i32>} : memref<2x128x128xf32, #tpu.memory_space<vmem>>, vector<1x1x16xf32>,
        %get3A_218 = arith.constant 1 : i32
        %get3A_219 = arith.index_cast %get3A_218 : i32 to index
        %get3A_220 = arith.index_cast %scan3A_108 : i32 to index
        %get3A_221 = arith.constant 96 : index
        %get3A_222 = tpu.vector_load %arg11[%get3A_219, %get3A_220, %get3A_221] {strides = array<i32>} : memref<2x128x128xf32, #tpu.memory_space<vmem>>, vector<1x1x16xf32>,
        %get3A_223 = vector.shape_cast %get3A_222 : vector<1x1x16xf32> to vector<16xf32>
        %slice3A_224 = vector.extract_strided_slice %get3A_114 {offsets = [5], sizes = [1], strides = [1]} : vector<16xf32> to vector<1xf32>
        %squeeze3A_225 = vector.extract %slice3A_224[0] : f32 from vector<1xf32>
        %broadcast_in_dim3A_226 = vector.broadcast %squeeze3A_225 : f32 to vector<16xf32>
        %mul3A_227 = arith.mulf %get3A_223, %broadcast_in_dim3A_226 : vector<16xf32>
        %swap3A_228 = arith.constant 1 : i32
        %swap3A_229 = arith.index_cast %swap3A_228 : i32 to index
        %swap3A_230 = arith.index_cast %scan3A_108 : i32 to index
        %swap3A_231 = arith.constant 96 : index
        %swap3A_232 = tpu.vector_load %arg11[%swap3A_229, %swap3A_230, %swap3A_231] {strides = array<i32>} : memref<2x128x128xf32, #tpu.memory_space<vmem>>, vector<1x1x16xf32>,
        %swap3A_233 = vector.shape_cast %swap3A_232 : vector<1x1x16xf32> to vector<16xf32>
        %swap3A_234 = vector.shape_cast %mul3A_227 : vector<16xf32> to vector<1x1x16xf32>
        tpu.vector_store %arg11[%swap3A_229, %swap3A_230, %swap3A_231], %swap3A_234 {strides = array<i32>} : memref<2x128x128xf32, #tpu.memory_space<vmem>>, vector<1x1x16xf32>,
        %get3A_235 = arith.constant 1 : i32
        %get3A_236 = arith.index_cast %get3A_235 : i32 to index
        %get3A_237 = arith.index_cast %scan3A_108 : i32 to index
        %get3A_238 = arith.constant 112 : index
        %get3A_239 = tpu.vector_load %arg11[%get3A_236, %get3A_237, %get3A_238] {strides = array<i32>} : memref<2x128x128xf32, #tpu.memory_space<vmem>>, vector<1x1x16xf32>,
        %get3A_240 = vector.shape_cast %get3A_239 : vector<1x1x16xf32> to vector<16xf32>
        %slice3A_241 = vector.extract_strided_slice %get3A_114 {offsets = [6], sizes = [1], strides = [1]} : vector<16xf32> to vector<1xf32>
        %squeeze3A_242 = vector.extract %slice3A_241[0] : f32 from vector<1xf32>
        %broadcast_in_dim3A_243 = vector.broadcast %squeeze3A_242 : f32 to vector<16xf32>
        %mul3A_244 = arith.mulf %get3A_240, %broadcast_in_dim3A_243 : vector<16xf32>
        %swap3A_245 = arith.constant 1 : i32
        %swap3A_246 = arith.index_cast %swap3A_245 : i32 to index
        %swap3A_247 = arith.index_cast %scan3A_108 : i32 to index
        %swap3A_248 = arith.constant 112 : index
        %swap3A_249 = tpu.vector_load %arg11[%swap3A_246, %swap3A_247, %swap3A_248] {strides = array<i32>} : memref<2x128x128xf32, #tpu.memory_space<vmem>>, vector<1x1x16xf32>,
        %swap3A_250 = vector.shape_cast %swap3A_249 : vector<1x1x16xf32> to vector<16xf32>
        %swap3A_251 = vector.shape_cast %mul3A_244 : vector<16xf32> to vector<1x1x16xf32>
        tpu.vector_store %arg11[%swap3A_246, %swap3A_247, %swap3A_248], %swap3A_251 {strides = array<i32>} : memref<2x128x128xf32, #tpu.memory_space<vmem>>, vector<1x1x16xf32>,
      }
      %scan3A_105 = arith.constant 128 : i32
      %run_scoped3A_106 = arith.constant 1 : i32
      %run_scoped3A_107 = arith.constant 1 : i32
      "tpu.region"() ({
        %run_scoped3A_108 = tpu.sem_alloc : memref<!tpu.dma_semaphore, #tpu.memory_space<semaphore_mem>>
        %dma_start3A_109 = arith.constant 0 : i32
        %dma_start3A_110 = arith.constant 0 : i32
        %dma_start3A_111 = tpu.memref_slice %arg11[%run_scoped3A_106, %dma_start3A_109, %dma_start3A_110] : memref<2x128x128xf32, #tpu.memory_space<vmem>> -> memref<1x128x128xf32, #tpu.memory_space<vmem>>
        %dma_start3A_112 = tpu.memref_squeeze %dma_start3A_111 : memref<1x128x128xf32, #tpu.memory_space<vmem>> -> memref<128x128xf32, #tpu.memory_space<vmem>>
        %dma_start3A_113 = arith.constant 0 : i32
        %dma_start3A_114 = tpu.memref_slice %arg10[%run_scoped3A_107, %dma_start3A_113] : memref<2x128xi32, #tpu.memory_space<vmem>> -> memref<1x128xi32, #tpu.memory_space<vmem>>
        %dma_start3A_115 = tpu.memref_squeeze %dma_start3A_114 : memref<1x128xi32, #tpu.memory_space<vmem>> -> memref<128xi32, #tpu.memory_space<vmem>>
        %dma_start3A_116 = arith.constant 0 : i32
        %dma_start3A_117 = arith.constant 0 : i32
        %dma_start3A_118 = tpu.memref_slice %arg13[%dma_start3A_116, %dma_start3A_117] : memref<10016x128xf32, #tpu.memory_space<vmem_shared>> -> memref<10016x128xf32, #tpu.memory_space<vmem_shared>>
        tpu.enqueue_indirect_dma source(%dma_start3A_112 : memref<128x128xf32, #tpu.memory_space<vmem>>) target(%dma_start3A_118 : memref<10016x128xf32, #tpu.memory_space<vmem_shared>>) offsets(%dma_start3A_115 : memref<128xi32, #tpu.memory_space<vmem>>) semaphore(%run_scoped3A_108 : memref<!tpu.dma_semaphore, #tpu.memory_space<semaphore_mem>>) {add = true}
        %dma_wait3A_119 = arith.constant 0 : i32
        %dma_wait3A_120 = arith.constant 0 : i32
        %dma_wait3A_121 = tpu.memref_slice %arg11[%run_scoped3A_106, %dma_wait3A_119, %dma_wait3A_120] : memref<2x128x128xf32, #tpu.memory_space<vmem>> -> memref<1x128x128xf32, #tpu.memory_space<vmem>>
        %dma_wait3A_122 = tpu.memref_squeeze %dma_wait3A_121 : memref<1x128x128xf32, #tpu.memory_space<vmem>> -> memref<128x128xf32, #tpu.memory_space<vmem>>
        %dma_wait3A_123 = arith.constant 0 : i32
        %dma_wait3A_124 = tpu.memref_slice %arg10[%run_scoped3A_107, %dma_wait3A_123] : memref<2x128xi32, #tpu.memory_space<vmem>> -> memref<1x128xi32, #tpu.memory_space<vmem>>
        %dma_wait3A_125 = tpu.memref_squeeze %dma_wait3A_124 : memref<1x128xi32, #tpu.memory_space<vmem>> -> memref<128xi32, #tpu.memory_space<vmem>>
        %dma_wait3A_126 = arith.constant 0 : i32
        %dma_wait3A_127 = arith.constant 0 : i32
        %dma_wait3A_128 = tpu.memref_slice %arg13[%dma_wait3A_126, %dma_wait3A_127] : memref<10016x128xf32, #tpu.memory_space<vmem_shared>> -> memref<10016x128xf32, #tpu.memory_space<vmem_shared>>
        tpu.wait_indirect_dma semaphore(%run_scoped3A_108 : memref<!tpu.dma_semaphore, #tpu.memory_space<semaphore_mem>>) src(%dma_wait3A_122 : memref<128x128xf32, #tpu.memory_space<vmem>>) dst(%dma_wait3A_128 : memref<10016x128xf32, #tpu.memory_space<vmem_shared>>)
        tpu.yield
      }) : () -> ()
    }
    %scan3A_7 = arith.constant 40 : i32
    %barrier3A_8 = arith.constant 0 : index
    tpu.barrier barrier_id(%barrier3A_8)
    %eq3A_9 = arith.constant 0 : i32
    %eq3A_10 = arith.cmpi eq, %arg1, %eq3A_9 : i32
    %eq3A_11 = arith.constant 0 : i32
    %eq3A_12 = arith.cmpi eq, %arg0, %eq3A_11 : i32
    %and3A = arith.andi %eq3A_10, %eq3A_12 : i1
    %convert_element_type3A_13 = arith.extui %and3A : i1 to i32
    %cond3A_14 = arith.constant 0 : i32
    %cond3A_15 = arith.cmpi ne, %convert_element_type3A_13, %cond3A_14 : i32
    scf.if %cond3A_15 {
      "tpu.region"() ({
        %run_scoped3A = tpu.sem_alloc : memref<!tpu.dma_semaphore, #tpu.memory_space<semaphore_mem>>
        tpu.enqueue_dma source(%arg13 : memref<10016x128xf32, #tpu.memory_space<vmem_shared>>) target(%arg7 : memref<10016x128xf32, #tpu.memory_space<hbm>>) target_semaphore(%run_scoped3A : memref<!tpu.dma_semaphore, #tpu.memory_space<semaphore_mem>>)
        tpu.wait_dma2 semaphore(%run_scoped3A : memref<!tpu.dma_semaphore, #tpu.memory_space<semaphore_mem>>) src(%arg13 : memref<10016x128xf32, #tpu.memory_space<vmem_shared>>) dst(%arg7 : memref<10016x128xf32, #tpu.memory_space<hbm>>)
        tpu.yield
      }) : () -> ()
    } else {
    }
    %eq3A_16 = arith.constant 0 : i32
    %eq3A_17 = arith.cmpi eq, %arg1, %eq3A_16 : i32
    %eq3A_18 = arith.constant 1 : i32
    %eq3A_19 = arith.cmpi eq, %arg0, %eq3A_18 : i32
    %and3A_20 = arith.andi %eq3A_17, %eq3A_19 : i1
    %convert_element_type3A_21 = arith.extui %and3A_20 : i1 to i32
    %cond3A_22 = arith.constant 0 : i32
    %cond3A_23 = arith.cmpi ne, %convert_element_type3A_21, %cond3A_22 : i32
    scf.if %cond3A_23 {
      "tpu.region"() ({
        %run_scoped3A = tpu.sem_alloc : memref<!tpu.dma_semaphore, #tpu.memory_space<semaphore_mem>>
        tpu.enqueue_dma source(%arg13 : memref<10016x128xf32, #tpu.memory_space<vmem_shared>>) target(%arg8 : memref<10016x128xf32, #tpu.memory_space<hbm>>) target_semaphore(%run_scoped3A : memref<!tpu.dma_semaphore, #tpu.memory_space<semaphore_mem>>)
        tpu.wait_dma2 semaphore(%run_scoped3A : memref<!tpu.dma_semaphore, #tpu.memory_space<semaphore_mem>>) src(%arg13 : memref<10016x128xf32, #tpu.memory_space<vmem_shared>>) dst(%arg8 : memref<10016x128xf32, #tpu.memory_space<hbm>>)
        tpu.yield
      }) : () -> ()
    } else {
    }
    return
  }
}

#map = affine_map<(d0, d1) -> (0, 0, 0)>
#map1 = affine_map<(d0, d1) -> (0, 0)>
#map2 = affine_map<(d0, d1) -> (0)>
module attributes {stable_mosaic.version = 14 : i64} {
  func.func @body(%arg0: i32, %arg1: i32, %arg2: memref<32x80x128xi32, #tpu.memory_space<hbm>>, %arg3: memref<32x80x128xi32, #tpu.memory_space<hbm>>, %arg4: memref<10000x128xf32, #tpu.memory_space<hbm>>, %arg5: memref<2621440xf32, #tpu.memory_space<hbm>>, %arg6: memref<10016x128xf32, #tpu.memory_space<hbm>>, %arg7: memref<10016x128xf32, #tpu.memory_space<hbm>>, %arg8: memref<10016x128xf32, #tpu.memory_space<hbm>>, %arg9: memref<2x128xi32, #tpu.memory_space<vmem>>, %arg10: memref<2x128xi32, #tpu.memory_space<vmem>>, %arg11: memref<2x128x128xf32, #tpu.memory_space<vmem>>, %arg12: memref<2080xf32, #tpu.memory_space<vmem>>, %arg13: memref<10016x128xf32, #tpu.memory_space<vmem_shared>>, %arg14: memref<!tpu.dma_semaphore, #tpu.memory_space<semaphore_mem>>) attributes {dimension_semantics = [#tpu.dimension_semantics<core_parallel>, #tpu.dimension_semantics<subcore_parallel>], iteration_bounds = array<i64: 2, 16>, scalar_prefetch = 0 : i64, scratch_operands = 6 : i64, tpu.core_type = #tpu.core_type<sc_vector_subcore>, window_params = [{transform_indices = #map}, {transform_indices = #map}, {transform_indices = #map1}, {transform_indices = #map2}, {transform_indices = #map1}, {transform_indices = #map1}, {transform_indices = #map1}]} {
    %eq3A = arith.constant 0 : i32
    %eq3A_0 = arith.cmpi eq, %arg1, %eq3A : i32
    %convert_element_type3A = arith.extui %eq3A_0 : i1 to i32
    %cond3A = arith.constant 0 : i32
    %cond3A_1 = arith.cmpi ne, %convert_element_type3A, %cond3A : i32
    scf.if %cond3A_1 {
      "tpu.region"() ({
        %run_scoped3A = tpu.sem_alloc : memref<!tpu.dma_semaphore, #tpu.memory_space<semaphore_mem>>
        tpu.enqueue_dma source(%arg6 : memref<10016x128xf32, #tpu.memory_space<hbm>>) target(%arg13 : memref<10016x128xf32, #tpu.memory_space<vmem_shared>>) target_semaphore(%run_scoped3A : memref<!tpu.dma_semaphore, #tpu.memory_space<semaphore_mem>>)
        tpu.wait_dma2 semaphore(%run_scoped3A : memref<!tpu.dma_semaphore, #tpu.memory_space<semaphore_mem>>) src(%arg6 : memref<10016x128xf32, #tpu.memory_space<hbm>>) dst(%arg13 : memref<10016x128xf32, #tpu.memory_space<vmem_shared>>)
        tpu.yield
      }) : () -> ()
    } else {
    }
    %barrier3A = arith.constant 0 : index
    tpu.barrier barrier_id(%barrier3A)
    %mul3A = arith.constant 2 : i32
    %mul3A_2 = arith.muli %arg1, %mul3A : i32
    %add3A = arith.addi %mul3A_2, %arg0 : i32
    %iota3A = tpu.iota {dimensions = array<i32: 0>} : vector<16xi32>
    %scan3A = arith.constant 0 : i32
    %scan3A_3 = arith.constant 0 : i32
    %scan3A_4 = arith.constant 40 : i32
    %scan3A_5 = arith.addi %scan3A_3, %scan3A_4 : i32
    %scan3A_6 = arith.constant 1 : i32
    scf.for %scan3A_24 = %scan3A_3 to %scan3A_5 step %scan3A_6  : i32 {
      %mul3A_25 = arith.constant 2 : i32
      %mul3A_26 = arith.muli %mul3A_25, %scan3A_24 : i32
      %add3A_27 = arith.constant 0 : i32
      %add3A_28 = arith.addi %mul3A_26, %add3A_27 : i32
      "tpu.region"() ({
        %run_scoped3A_108 = tpu.sem_alloc : memref<!tpu.dma_semaphore, #tpu.memory_space<semaphore_mem>>
        %dma_start3A_109 = arith.constant 0 : i32
        %dma_start3A_110 = arith.constant 0 : i32
        %dma_start3A_111 = tpu.memref_slice %arg9[%dma_start3A_109, %dma_start3A_110] : memref<2x128xi32, #tpu.memory_space<vmem>> -> memref<1x128xi32, #tpu.memory_space<vmem>>
        %dma_start3A_112 = arith.constant 0 : i32
        %dma_start3A_113 = tpu.memref_slice %arg2[%add3A, %add3A_28, %dma_start3A_112] : memref<32x80x128xi32, #tpu.memory_space<hbm>> -> memref<1x1x128xi32, #tpu.memory_space<hbm>>
        %dma_start3A_114 = tpu.memref_squeeze %dma_start3A_113 : memref<1x1x128xi32, #tpu.memory_space<hbm>> -> memref<1x128xi32, #tpu.memory_space<hbm>>
        %dma_start3A_115 = arith.constant 0 : i32
        %dma_start3A_116 = arith.constant 0 : i32
        %dma_start3A_117 = tpu.memref_slice %arg9[%dma_start3A_115, %dma_start3A_116] : memref<2x128xi32, #tpu.memory_space<vmem>> -> memref<1x128xi32, #tpu.memory_space<vmem>>
        %dma_start3A_118 = arith.constant 0 : i32
        %dma_start3A_119 = tpu.memref_slice %arg2[%add3A, %add3A_28, %dma_start3A_118] : memref<32x80x128xi32, #tpu.memory_space<hbm>> -> memref<1x1x128xi32, #tpu.memory_space<hbm>>
        %dma_start3A_120 = tpu.memref_squeeze %dma_start3A_119 : memref<1x1x128xi32, #tpu.memory_space<hbm>> -> memref<1x128xi32, #tpu.memory_space<hbm>>
        tpu.enqueue_dma source(%dma_start3A_120 : memref<1x128xi32, #tpu.memory_space<hbm>>) target(%dma_start3A_117 : memref<1x128xi32, #tpu.memory_space<vmem>>) target_semaphore(%run_scoped3A_108 : memref<!tpu.dma_semaphore, #tpu.memory_space<semaphore_mem>>)
        %dma_wait3A_121 = arith.constant 0 : i32
        %dma_wait3A_122 = arith.constant 0 : i32
        %dma_wait3A_123 = tpu.memref_slice %arg9[%dma_wait3A_121, %dma_wait3A_122] : memref<2x128xi32, #tpu.memory_space<vmem>> -> memref<1x128xi32, #tpu.memory_space<vmem>>
        %dma_wait3A_124 = arith.constant 0 : i32
        %dma_wait3A_125 = tpu.memref_slice %arg2[%add3A, %add3A_28, %dma_wait3A_124] : memref<32x80x128xi32, #tpu.memory_space<hbm>> -> memref<1x1x128xi32, #tpu.memory_space<hbm>>
        %dma_wait3A_126 = tpu.memref_squeeze %dma_wait3A_125 : memref<1x1x128xi32, #tpu.memory_space<hbm>> -> memref<1x128xi32, #tpu.memory_space<hbm>>
        %dma_wait3A_127 = arith.constant 0 : i32
        %dma_wait3A_128 = arith.constant 0 : i32
        %dma_wait3A_129 = tpu.memref_slice %arg9[%dma_wait3A_127, %dma_wait3A_128] : memref<2x128xi32, #tpu.memory_space<vmem>> -> memref<1x128xi32, #tpu.memory_space<vmem>>
        %dma_wait3A_130 = arith.constant 0 : i32
        %dma_wait3A_131 = tpu.memref_slice %arg2[%add3A, %add3A_28, %dma_wait3A_130] : memref<32x80x128xi32, #tpu.memory_space<hbm>> -> memref<1x1x128xi32, #tpu.memory_space<hbm>>
        %dma_wait3A_132 = tpu.memref_squeeze %dma_wait3A_131 : memref<1x1x128xi32, #tpu.memory_space<hbm>> -> memref<1x128xi32, #tpu.memory_space<hbm>>
        tpu.wait_dma2 semaphore(%run_scoped3A_108 : memref<!tpu.dma_semaphore, #tpu.memory_space<semaphore_mem>>) src(%dma_wait3A_132 : memref<1x128xi32, #tpu.memory_space<hbm>>) dst(%dma_wait3A_129 : memref<1x128xi32, #tpu.memory_space<vmem>>)
        tpu.yield
      }) : () -> ()
      "tpu.region"() ({
        %run_scoped3A_108 = tpu.sem_alloc : memref<!tpu.dma_semaphore, #tpu.memory_space<semaphore_mem>>
        %dma_start3A_109 = arith.constant 0 : i32
        %dma_start3A_110 = arith.constant 0 : i32
        %dma_start3A_111 = tpu.memref_slice %arg10[%dma_start3A_109, %dma_start3A_110] : memref<2x128xi32, #tpu.memory_space<vmem>> -> memref<1x128xi32, #tpu.memory_space<vmem>>
        %dma_start3A_112 = arith.constant 0 : i32
        %dma_start3A_113 = tpu.memref_slice %arg3[%add3A, %add3A_28, %dma_start3A_112] : memref<32x80x128xi32, #tpu.memory_space<hbm>> -> memref<1x1x128xi32, #tpu.memory_space<hbm>>
        %dma_start3A_114 = tpu.memref_squeeze %dma_start3A_113 : memref<1x1x128xi32, #tpu.memory_space<hbm>> -> memref<1x128xi32, #tpu.memory_space<hbm>>
        %dma_start3A_115 = arith.constant 0 : i32
        %dma_start3A_116 = arith.constant 0 : i32
        %dma_start3A_117 = tpu.memref_slice %arg10[%dma_start3A_115, %dma_start3A_116] : memref<2x128xi32, #tpu.memory_space<vmem>> -> memref<1x128xi32, #tpu.memory_space<vmem>>
        %dma_start3A_118 = arith.constant 0 : i32
        %dma_start3A_119 = tpu.memref_slice %arg3[%add3A, %add3A_28, %dma_start3A_118] : memref<32x80x128xi32, #tpu.memory_space<hbm>> -> memref<1x1x128xi32, #tpu.memory_space<hbm>>
        %dma_start3A_120 = tpu.memref_squeeze %dma_start3A_119 : memref<1x1x128xi32, #tpu.memory_space<hbm>> -> memref<1x128xi32, #tpu.memory_space<hbm>>
        tpu.enqueue_dma source(%dma_start3A_120 : memref<1x128xi32, #tpu.memory_space<hbm>>) target(%dma_start3A_117 : memref<1x128xi32, #tpu.memory_space<vmem>>) target_semaphore(%run_scoped3A_108 : memref<!tpu.dma_semaphore, #tpu.memory_space<semaphore_mem>>)
        %dma_wait3A_121 = arith.constant 0 : i32
        %dma_wait3A_122 = arith.constant 0 : i32
        %dma_wait3A_123 = tpu.memref_slice %arg10[%dma_wait3A_121, %dma_wait3A_122] : memref<2x128xi32, #tpu.memory_space<vmem>> -> memref<1x128xi32, #tpu.memory_space<vmem>>
        %dma_wait3A_124 = arith.constant 0 : i32
        %dma_wait3A_125 = tpu.memref_slice %arg3[%add3A, %add3A_28, %dma_wait3A_124] : memref<32x80x128xi32, #tpu.memory_space<hbm>> -> memref<1x1x128xi32, #tpu.memory_space<hbm>>
        %dma_wait3A_126 = tpu.memref_squeeze %dma_wait3A_125 : memref<1x1x128xi32, #tpu.memory_space<hbm>> -> memref<1x128xi32, #tpu.memory_space<hbm>>
        %dma_wait3A_127 = arith.constant 0 : i32
        %dma_wait3A_128 = arith.constant 0 : i32
        %dma_wait3A_129 = tpu.memref_slice %arg10[%dma_wait3A_127, %dma_wait3A_128] : memref<2x128xi32, #tpu.memory_space<vmem>> -> memref<1x128xi32, #tpu.memory_space<vmem>>
        %dma_wait3A_130 = arith.constant 0 : i32
        %dma_wait3A_131 = tpu.memref_slice %arg3[%add3A, %add3A_28, %dma_wait3A_130] : memref<32x80x128xi32, #tpu.memory_space<hbm>> -> memref<1x1x128xi32, #tpu.memory_space<hbm>>
        %dma_wait3A_132 = tpu.memref_squeeze %dma_wait3A_131 : memref<1x1x128xi32, #tpu.memory_space<hbm>> -> memref<1x128xi32, #tpu.memory_space<hbm>>
        tpu.wait_dma2 semaphore(%run_scoped3A_108 : memref<!tpu.dma_semaphore, #tpu.memory_space<semaphore_mem>>) src(%dma_wait3A_132 : memref<1x128xi32, #tpu.memory_space<hbm>>) dst(%dma_wait3A_129 : memref<1x128xi32, #tpu.memory_space<vmem>>)
        tpu.yield
      }) : () -> ()
      %dma_start3A = arith.constant 0 : i32
      %dma_start3A_29 = arith.constant 0 : i32
      %dma_start3A_30 = arith.constant 0 : i32
      %dma_start3A_31 = arith.constant 0 : i32
      %dma_start3A_32 = tpu.memref_slice %arg11[%dma_start3A_29, %dma_start3A_30, %dma_start3A_31] : memref<2x128x128xf32, #tpu.memory_space<vmem>> -> memref<1x128x128xf32, #tpu.memory_space<vmem>>
      %dma_start3A_33 = tpu.memref_squeeze %dma_start3A_32 : memref<1x128x128xf32, #tpu.memory_space<vmem>> -> memref<128x128xf32, #tpu.memory_space<vmem>>
      %dma_start3A_34 = arith.constant 0 : i32
      %dma_start3A_35 = tpu.memref_slice %arg9[%dma_start3A, %dma_start3A_34] : memref<2x128xi32, #tpu.memory_space<vmem>> -> memref<1x128xi32, #tpu.memory_space<vmem>>
      %dma_start3A_36 = tpu.memref_squeeze %dma_start3A_35 : memref<1x128xi32, #tpu.memory_space<vmem>> -> memref<128xi32, #tpu.memory_space<vmem>>
      %dma_start3A_37 = arith.constant 0 : i32
      %dma_start3A_38 = arith.constant 0 : i32
      %dma_start3A_39 = tpu.memref_slice %arg4[%dma_start3A_37, %dma_start3A_38] : memref<10000x128xf32, #tpu.memory_space<hbm>> -> memref<10000x128xf32, #tpu.memory_space<hbm>>
      tpu.enqueue_indirect_dma source(%dma_start3A_39 : memref<10000x128xf32, #tpu.memory_space<hbm>>) target(%dma_start3A_33 : memref<128x128xf32, #tpu.memory_space<vmem>>) offsets(%dma_start3A_36 : memref<128xi32, #tpu.memory_space<vmem>>) semaphore(%arg14 : memref<!tpu.dma_semaphore, #tpu.memory_space<semaphore_mem>>)
      %mul3A_40 = arith.constant 10240 : i32
      %mul3A_41 = arith.muli %add3A, %mul3A_40 : i32
      %mul3A_42 = arith.constant 128 : i32
      %mul3A_43 = arith.muli %add3A_28, %mul3A_42 : i32
      %add3A_44 = arith.addi %mul3A_41, %mul3A_43 : i32
      %mul3A_45 = arith.constant 8 : i32
      %mul3A_46 = arith.muli %add3A_44, %mul3A_45 : i32
      "tpu.region"() ({
        %run_scoped3A_108 = tpu.sem_alloc : memref<!tpu.dma_semaphore, #tpu.memory_space<semaphore_mem>>
        %dma_start3A_109 = arith.constant 0 : i32
        %dma_start3A_110 = tpu.memref_slice %arg12[%dma_start3A_109] : memref<2080xf32, #tpu.memory_space<vmem>> -> memref<1024xf32, #tpu.memory_space<vmem>>
        %dma_start3A_111 = tpu.memref_slice %arg5[%mul3A_46] : memref<2621440xf32, #tpu.memory_space<hbm>> -> memref<1024xf32, #tpu.memory_space<hbm>>
        %dma_start3A_112 = arith.constant 0 : i32
        %dma_start3A_113 = tpu.memref_slice %arg12[%dma_start3A_112] : memref<2080xf32, #tpu.memory_space<vmem>> -> memref<1024xf32, #tpu.memory_space<vmem>>
        %dma_start3A_114 = tpu.memref_slice %arg5[%mul3A_46] : memref<2621440xf32, #tpu.memory_space<hbm>> -> memref<1024xf32, #tpu.memory_space<hbm>>
        tpu.enqueue_dma source(%dma_start3A_114 : memref<1024xf32, #tpu.memory_space<hbm>>) target(%dma_start3A_113 : memref<1024xf32, #tpu.memory_space<vmem>>) target_semaphore(%run_scoped3A_108 : memref<!tpu.dma_semaphore, #tpu.memory_space<semaphore_mem>>)
        %dma_wait3A_115 = arith.constant 0 : i32
        %dma_wait3A_116 = tpu.memref_slice %arg12[%dma_wait3A_115] : memref<2080xf32, #tpu.memory_space<vmem>> -> memref<1024xf32, #tpu.memory_space<vmem>>
        %dma_wait3A_117 = tpu.memref_slice %arg5[%mul3A_46] : memref<2621440xf32, #tpu.memory_space<hbm>> -> memref<1024xf32, #tpu.memory_space<hbm>>
        %dma_wait3A_118 = arith.constant 0 : i32
        %dma_wait3A_119 = tpu.memref_slice %arg12[%dma_wait3A_118] : memref<2080xf32, #tpu.memory_space<vmem>> -> memref<1024xf32, #tpu.memory_space<vmem>>
        %dma_wait3A_120 = tpu.memref_slice %arg5[%mul3A_46] : memref<2621440xf32, #tpu.memory_space<hbm>> -> memref<1024xf32, #tpu.memory_space<hbm>>
        tpu.wait_dma2 semaphore(%run_scoped3A_108 : memref<!tpu.dma_semaphore, #tpu.memory_space<semaphore_mem>>) src(%dma_wait3A_120 : memref<1024xf32, #tpu.memory_space<hbm>>) dst(%dma_wait3A_119 : memref<1024xf32, #tpu.memory_space<vmem>>)
        tpu.yield
      }) : () -> ()
      %mul3A_47 = arith.constant 2 : i32
      %mul3A_48 = arith.muli %mul3A_47, %scan3A_24 : i32
      %add3A_49 = arith.constant 1 : i32
      %add3A_50 = arith.addi %mul3A_48, %add3A_49 : i32
      "tpu.region"() ({
        %run_scoped3A_108 = tpu.sem_alloc : memref<!tpu.dma_semaphore, #tpu.memory_space<semaphore_mem>>
        %dma_start3A_109 = arith.constant 1 : i32
        %dma_start3A_110 = arith.constant 0 : i32
        %dma_start3A_111 = tpu.memref_slice %arg9[%dma_start3A_109, %dma_start3A_110] : memref<2x128xi32, #tpu.memory_space<vmem>> -> memref<1x128xi32, #tpu.memory_space<vmem>>
        %dma_start3A_112 = arith.constant 0 : i32
        %dma_start3A_113 = tpu.memref_slice %arg2[%add3A, %add3A_50, %dma_start3A_112] : memref<32x80x128xi32, #tpu.memory_space<hbm>> -> memref<1x1x128xi32, #tpu.memory_space<hbm>>
        %dma_start3A_114 = tpu.memref_squeeze %dma_start3A_113 : memref<1x1x128xi32, #tpu.memory_space<hbm>> -> memref<1x128xi32, #tpu.memory_space<hbm>>
        %dma_start3A_115 = arith.constant 1 : i32
        %dma_start3A_116 = arith.constant 0 : i32
        %dma_start3A_117 = tpu.memref_slice %arg9[%dma_start3A_115, %dma_start3A_116] : memref<2x128xi32, #tpu.memory_space<vmem>> -> memref<1x128xi32, #tpu.memory_space<vmem>>
        %dma_start3A_118 = arith.constant 0 : i32
        %dma_start3A_119 = tpu.memref_slice %arg2[%add3A, %add3A_50, %dma_start3A_118] : memref<32x80x128xi32, #tpu.memory_space<hbm>> -> memref<1x1x128xi32, #tpu.memory_space<hbm>>
        %dma_start3A_120 = tpu.memref_squeeze %dma_start3A_119 : memref<1x1x128xi32, #tpu.memory_space<hbm>> -> memref<1x128xi32, #tpu.memory_space<hbm>>
        tpu.enqueue_dma source(%dma_start3A_120 : memref<1x128xi32, #tpu.memory_space<hbm>>) target(%dma_start3A_117 : memref<1x128xi32, #tpu.memory_space<vmem>>) target_semaphore(%run_scoped3A_108 : memref<!tpu.dma_semaphore, #tpu.memory_space<semaphore_mem>>)
        %dma_wait3A_121 = arith.constant 1 : i32
        %dma_wait3A_122 = arith.constant 0 : i32
        %dma_wait3A_123 = tpu.memref_slice %arg9[%dma_wait3A_121, %dma_wait3A_122] : memref<2x128xi32, #tpu.memory_space<vmem>> -> memref<1x128xi32, #tpu.memory_space<vmem>>
        %dma_wait3A_124 = arith.constant 0 : i32
        %dma_wait3A_125 = tpu.memref_slice %arg2[%add3A, %add3A_50, %dma_wait3A_124] : memref<32x80x128xi32, #tpu.memory_space<hbm>> -> memref<1x1x128xi32, #tpu.memory_space<hbm>>
        %dma_wait3A_126 = tpu.memref_squeeze %dma_wait3A_125 : memref<1x1x128xi32, #tpu.memory_space<hbm>> -> memref<1x128xi32, #tpu.memory_space<hbm>>
        %dma_wait3A_127 = arith.constant 1 : i32
        %dma_wait3A_128 = arith.constant 0 : i32
        %dma_wait3A_129 = tpu.memref_slice %arg9[%dma_wait3A_127, %dma_wait3A_128] : memref<2x128xi32, #tpu.memory_space<vmem>> -> memref<1x128xi32, #tpu.memory_space<vmem>>
        %dma_wait3A_130 = arith.constant 0 : i32
        %dma_wait3A_131 = tpu.memref_slice %arg2[%add3A, %add3A_50, %dma_wait3A_130] : memref<32x80x128xi32, #tpu.memory_space<hbm>> -> memref<1x1x128xi32, #tpu.memory_space<hbm>>
        %dma_wait3A_132 = tpu.memref_squeeze %dma_wait3A_131 : memref<1x1x128xi32, #tpu.memory_space<hbm>> -> memref<1x128xi32, #tpu.memory_space<hbm>>
        tpu.wait_dma2 semaphore(%run_scoped3A_108 : memref<!tpu.dma_semaphore, #tpu.memory_space<semaphore_mem>>) src(%dma_wait3A_132 : memref<1x128xi32, #tpu.memory_space<hbm>>) dst(%dma_wait3A_129 : memref<1x128xi32, #tpu.memory_space<vmem>>)
        tpu.yield
      }) : () -> ()
      "tpu.region"() ({
        %run_scoped3A_108 = tpu.sem_alloc : memref<!tpu.dma_semaphore, #tpu.memory_space<semaphore_mem>>
        %dma_start3A_109 = arith.constant 1 : i32
        %dma_start3A_110 = arith.constant 0 : i32
        %dma_start3A_111 = tpu.memref_slice %arg10[%dma_start3A_109, %dma_start3A_110] : memref<2x128xi32, #tpu.memory_space<vmem>> -> memref<1x128xi32, #tpu.memory_space<vmem>>
        %dma_start3A_112 = arith.constant 0 : i32
        %dma_start3A_113 = tpu.memref_slice %arg3[%add3A, %add3A_50, %dma_start3A_112] : memref<32x80x128xi32, #tpu.memory_space<hbm>> -> memref<1x1x128xi32, #tpu.memory_space<hbm>>
        %dma_start3A_114 = tpu.memref_squeeze %dma_start3A_113 : memref<1x1x128xi32, #tpu.memory_space<hbm>> -> memref<1x128xi32, #tpu.memory_space<hbm>>
        %dma_start3A_115 = arith.constant 1 : i32
        %dma_start3A_116 = arith.constant 0 : i32
        %dma_start3A_117 = tpu.memref_slice %arg10[%dma_start3A_115, %dma_start3A_116] : memref<2x128xi32, #tpu.memory_space<vmem>> -> memref<1x128xi32, #tpu.memory_space<vmem>>
        %dma_start3A_118 = arith.constant 0 : i32
        %dma_start3A_119 = tpu.memref_slice %arg3[%add3A, %add3A_50, %dma_start3A_118] : memref<32x80x128xi32, #tpu.memory_space<hbm>> -> memref<1x1x128xi32, #tpu.memory_space<hbm>>
        %dma_start3A_120 = tpu.memref_squeeze %dma_start3A_119 : memref<1x1x128xi32, #tpu.memory_space<hbm>> -> memref<1x128xi32, #tpu.memory_space<hbm>>
        tpu.enqueue_dma source(%dma_start3A_120 : memref<1x128xi32, #tpu.memory_space<hbm>>) target(%dma_start3A_117 : memref<1x128xi32, #tpu.memory_space<vmem>>) target_semaphore(%run_scoped3A_108 : memref<!tpu.dma_semaphore, #tpu.memory_space<semaphore_mem>>)
        %dma_wait3A_121 = arith.constant 1 : i32
        %dma_wait3A_122 = arith.constant 0 : i32
        %dma_wait3A_123 = tpu.memref_slice %arg10[%dma_wait3A_121, %dma_wait3A_122] : memref<2x128xi32, #tpu.memory_space<vmem>> -> memref<1x128xi32, #tpu.memory_space<vmem>>
        %dma_wait3A_124 = arith.constant 0 : i32
        %dma_wait3A_125 = tpu.memref_slice %arg3[%add3A, %add3A_50, %dma_wait3A_124] : memref<32x80x128xi32, #tpu.memory_space<hbm>> -> memref<1x1x128xi32, #tpu.memory_space<hbm>>
        %dma_wait3A_126 = tpu.memref_squeeze %dma_wait3A_125 : memref<1x1x128xi32, #tpu.memory_space<hbm>> -> memref<1x128xi32, #tpu.memory_space<hbm>>
        %dma_wait3A_127 = arith.constant 1 : i32
        %dma_wait3A_128 = arith.constant 0 : i32
        %dma_wait3A_129 = tpu.memref_slice %arg10[%dma_wait3A_127, %dma_wait3A_128] : memref<2x128xi32, #tpu.memory_space<vmem>> -> memref<1x128xi32, #tpu.memory_space<vmem>>
        %dma_wait3A_130 = arith.constant 0 : i32
        %dma_wait3A_131 = tpu.memref_slice %arg3[%add3A, %add3A_50, %dma_wait3A_130] : memref<32x80x128xi32, #tpu.memory_space<hbm>> -> memref<1x1x128xi32, #tpu.memory_space<hbm>>
        %dma_wait3A_132 = tpu.memref_squeeze %dma_wait3A_131 : memref<1x1x128xi32, #tpu.memory_space<hbm>> -> memref<1x128xi32, #tpu.memory_space<hbm>>
        tpu.wait_dma2 semaphore(%run_scoped3A_108 : memref<!tpu.dma_semaphore, #tpu.memory_space<semaphore_mem>>) src(%dma_wait3A_132 : memref<1x128xi32, #tpu.memory_space<hbm>>) dst(%dma_wait3A_129 : memref<1x128xi32, #tpu.memory_space<vmem>>)
        tpu.yield
      }) : () -> ()
      %dma_start3A_51 = arith.constant 1 : i32
      %dma_start3A_52 = arith.constant 1 : i32
      %dma_start3A_53 = arith.constant 0 : i32
      %dma_start3A_54 = arith.constant 0 : i32
      %dma_start3A_55 = tpu.memref_slice %arg11[%dma_start3A_52, %dma_start3A_53, %dma_start3A_54] : memref<2x128x128xf32, #tpu.memory_space<vmem>> -> memref<1x128x128xf32, #tpu.memory_space<vmem>>
      %dma_start3A_56 = tpu.memref_squeeze %dma_start3A_55 : memref<1x128x128xf32, #tpu.memory_space<vmem>> -> memref<128x128xf32, #tpu.memory_space<vmem>>
      %dma_start3A_57 = arith.constant 0 : i32
      %dma_start3A_58 = tpu.memref_slice %arg9[%dma_start3A_51, %dma_start3A_57] : memref<2x128xi32, #tpu.memory_space<vmem>> -> memref<1x128xi32, #tpu.memory_space<vmem>>
      %dma_start3A_59 = tpu.memref_squeeze %dma_start3A_58 : memref<1x128xi32, #tpu.memory_space<vmem>> -> memref<128xi32, #tpu.memory_space<vmem>>
      %dma_start3A_60 = arith.constant 0 : i32
      %dma_start3A_61 = arith.constant 0 : i32
      %dma_start3A_62 = tpu.memref_slice %arg4[%dma_start3A_60, %dma_start3A_61] : memref<10000x128xf32, #tpu.memory_space<hbm>> -> memref<10000x128xf32, #tpu.memory_space<hbm>>
      tpu.enqueue_indirect_dma source(%dma_start3A_62 : memref<10000x128xf32, #tpu.memory_space<hbm>>) target(%dma_start3A_56 : memref<128x128xf32, #tpu.memory_space<vmem>>) offsets(%dma_start3A_59 : memref<128xi32, #tpu.memory_space<vmem>>) semaphore(%arg14 : memref<!tpu.dma_semaphore, #tpu.memory_space<semaphore_mem>>)
      %mul3A_63 = arith.constant 10240 : i32
      %mul3A_64 = arith.muli %add3A, %mul3A_63 : i32
      %mul3A_65 = arith.constant 128 : i32
      %mul3A_66 = arith.muli %add3A_50, %mul3A_65 : i32
      %add3A_67 = arith.addi %mul3A_64, %mul3A_66 : i32
      %mul3A_68 = arith.constant 8 : i32
      %mul3A_69 = arith.muli %add3A_67, %mul3A_68 : i32
      "tpu.region"() ({
        %run_scoped3A_108 = tpu.sem_alloc : memref<!tpu.dma_semaphore, #tpu.memory_space<semaphore_mem>>
        %dma_start3A_109 = arith.constant 1040 : i32
        %dma_start3A_110 = tpu.memref_slice %arg12[%dma_start3A_109] : memref<2080xf32, #tpu.memory_space<vmem>> -> memref<1024xf32, #tpu.memory_space<vmem>>
        %dma_start3A_111 = tpu.memref_slice %arg5[%mul3A_69] : memref<2621440xf32, #tpu.memory_space<hbm>> -> memref<1024xf32, #tpu.memory_space<hbm>>
        %dma_start3A_112 = arith.constant 1040 : i32
        %dma_start3A_113 = tpu.memref_slice %arg12[%dma_start3A_112] : memref<2080xf32, #tpu.memory_space<vmem>> -> memref<1024xf32, #tpu.memory_space<vmem>>
        %dma_start3A_114 = tpu.memref_slice %arg5[%mul3A_69] : memref<2621440xf32, #tpu.memory_space<hbm>> -> memref<1024xf32, #tpu.memory_space<hbm>>
        tpu.enqueue_dma source(%dma_start3A_114 : memref<1024xf32, #tpu.memory_space<hbm>>) target(%dma_start3A_113 : memref<1024xf32, #tpu.memory_space<vmem>>) target_semaphore(%run_scoped3A_108 : memref<!tpu.dma_semaphore, #tpu.memory_space<semaphore_mem>>)
        %dma_wait3A_115 = arith.constant 1040 : i32
        %dma_wait3A_116 = tpu.memref_slice %arg12[%dma_wait3A_115] : memref<2080xf32, #tpu.memory_space<vmem>> -> memref<1024xf32, #tpu.memory_space<vmem>>
        %dma_wait3A_117 = tpu.memref_slice %arg5[%mul3A_69] : memref<2621440xf32, #tpu.memory_space<hbm>> -> memref<1024xf32, #tpu.memory_space<hbm>>
        %dma_wait3A_118 = arith.constant 1040 : i32
        %dma_wait3A_119 = tpu.memref_slice %arg12[%dma_wait3A_118] : memref<2080xf32, #tpu.memory_space<vmem>> -> memref<1024xf32, #tpu.memory_space<vmem>>
        %dma_wait3A_120 = tpu.memref_slice %arg5[%mul3A_69] : memref<2621440xf32, #tpu.memory_space<hbm>> -> memref<1024xf32, #tpu.memory_space<hbm>>
        tpu.wait_dma2 semaphore(%run_scoped3A_108 : memref<!tpu.dma_semaphore, #tpu.memory_space<semaphore_mem>>) src(%dma_wait3A_120 : memref<1024xf32, #tpu.memory_space<hbm>>) dst(%dma_wait3A_119 : memref<1024xf32, #tpu.memory_space<vmem>>)
        tpu.yield
      }) : () -> ()
      %dma_wait3A = arith.constant 0 : i32
      %dma_wait3A_70 = arith.constant 0 : i32
      %dma_wait3A_71 = arith.constant 0 : i32
      %dma_wait3A_72 = arith.constant 0 : i32
      %dma_wait3A_73 = tpu.memref_slice %arg11[%dma_wait3A_70, %dma_wait3A_71, %dma_wait3A_72] : memref<2x128x128xf32, #tpu.memory_space<vmem>> -> memref<1x128x128xf32, #tpu.memory_space<vmem>>
      %dma_wait3A_74 = tpu.memref_squeeze %dma_wait3A_73 : memref<1x128x128xf32, #tpu.memory_space<vmem>> -> memref<128x128xf32, #tpu.memory_space<vmem>>
      %dma_wait3A_75 = arith.constant 0 : i32
      %dma_wait3A_76 = tpu.memref_slice %arg9[%dma_wait3A, %dma_wait3A_75] : memref<2x128xi32, #tpu.memory_space<vmem>> -> memref<1x128xi32, #tpu.memory_space<vmem>>
      %dma_wait3A_77 = tpu.memref_squeeze %dma_wait3A_76 : memref<1x128xi32, #tpu.memory_space<vmem>> -> memref<128xi32, #tpu.memory_space<vmem>>
      %dma_wait3A_78 = arith.constant 0 : i32
      %dma_wait3A_79 = arith.constant 0 : i32
      %dma_wait3A_80 = tpu.memref_slice %arg4[%dma_wait3A_78, %dma_wait3A_79] : memref<10000x128xf32, #tpu.memory_space<hbm>> -> memref<10000x128xf32, #tpu.memory_space<hbm>>
      tpu.wait_indirect_dma semaphore(%arg14 : memref<!tpu.dma_semaphore, #tpu.memory_space<semaphore_mem>>) src(%dma_wait3A_80 : memref<10000x128xf32, #tpu.memory_space<hbm>>) dst(%dma_wait3A_74 : memref<128x128xf32, #tpu.memory_space<vmem>>)
      %scan3A_81 = arith.constant 0 : i32
      %scan3A_82 = arith.constant 0 : i32
      %scan3A_83 = arith.constant 128 : i32
      %scan3A_84 = arith.addi %scan3A_82, %scan3A_83 : i32
      %scan3A_85 = arith.constant 1 : i32
      scf.for %scan3A_108 = %scan3A_82 to %scan3A_84 step %scan3A_85  : i32 {
        %mul3A_109 = arith.constant 8 : i32
        %mul3A_110 = arith.muli %mul3A_109, %scan3A_108 : i32
        %add3A_111 = arith.constant 0 : i32
        %add3A_112 = arith.addi %add3A_111, %mul3A_110 : i32
        %get3A = arith.index_cast %add3A_112 : i32 to index
        %get3A_113 = tpu.vector_load %arg12[%get3A] {strides = array<i32>} : memref<2080xf32, #tpu.memory_space<vmem>>, vector<16xf32>,
        %get3A_114 = vector.shape_cast %get3A_113 : vector<16xf32> to vector<16xf32>
        %get3A_115 = arith.constant 0 : i32
        %get3A_116 = arith.index_cast %get3A_115 : i32 to index
        %get3A_117 = arith.index_cast %scan3A_108 : i32 to index
        %get3A_118 = arith.constant 0 : index
        %get3A_119 = tpu.vector_load %arg11[%get3A_116, %get3A_117, %get3A_118] {strides = array<i32>} : memref<2x128x128xf32, #tpu.memory_space<vmem>>, vector<1x1x16xf32>,
        %get3A_120 = vector.shape_cast %get3A_119 : vector<1x1x16xf32> to vector<16xf32>
        %slice3A = vector.extract_strided_slice %get3A_114 {offsets = [0], sizes = [1], strides = [1]} : vector<16xf32> to vector<1xf32>
        %squeeze3A = vector.extract %slice3A[0] : f32 from vector<1xf32>
        %broadcast_in_dim3A = vector.broadcast %squeeze3A : f32 to vector<16xf32>
        %mul3A_121 = arith.mulf %get3A_120, %broadcast_in_dim3A : vector<16xf32>
        %swap3A = arith.constant 0 : i32
        %swap3A_122 = arith.index_cast %swap3A : i32 to index
        %swap3A_123 = arith.index_cast %scan3A_108 : i32 to index
        %swap3A_124 = arith.constant 0 : index
        %swap3A_125 = tpu.vector_load %arg11[%swap3A_122, %swap3A_123, %swap3A_124] {strides = array<i32>} : memref<2x128x128xf32, #tpu.memory_space<vmem>>, vector<1x1x16xf32>,
        %swap3A_126 = vector.shape_cast %swap3A_125 : vector<1x1x16xf32> to vector<16xf32>
        %swap3A_127 = vector.shape_cast %mul3A_121 : vector<16xf32> to vector<1x1x16xf32>
        tpu.vector_store %arg11[%swap3A_122, %swap3A_123, %swap3A_124], %swap3A_127 {strides = array<i32>} : memref<2x128x128xf32, #tpu.memory_space<vmem>>, vector<1x1x16xf32>,
        %get3A_128 = arith.constant 0 : i32
        %get3A_129 = arith.index_cast %get3A_128 : i32 to index
        %get3A_130 = arith.index_cast %scan3A_108 : i32 to index
        %get3A_131 = arith.constant 16 : index
        %get3A_132 = tpu.vector_load %arg11[%get3A_129, %get3A_130, %get3A_131] {strides = array<i32>} : memref<2x128x128xf32, #tpu.memory_space<vmem>>, vector<1x1x16xf32>,
        %get3A_133 = vector.shape_cast %get3A_132 : vector<1x1x16xf32> to vector<16xf32>
        %slice3A_134 = vector.extract_strided_slice %get3A_114 {offsets = [0], sizes = [1], strides = [1]} : vector<16xf32> to vector<1xf32>
        %squeeze3A_135 = vector.extract %slice3A_134[0] : f32 from vector<1xf32>
        %broadcast_in_dim3A_136 = vector.broadcast %squeeze3A_135 : f32 to vector<16xf32>
        %mul3A_137 = arith.mulf %get3A_133, %broadcast_in_dim3A_136 : vector<16xf32>
        %swap3A_138 = arith.constant 0 : i32
        %swap3A_139 = arith.index_cast %swap3A_138 : i32 to index
        %swap3A_140 = arith.index_cast %scan3A_108 : i32 to index
        %swap3A_141 = arith.constant 16 : index
        %swap3A_142 = tpu.vector_load %arg11[%swap3A_139, %swap3A_140, %swap3A_141] {strides = array<i32>} : memref<2x128x128xf32, #tpu.memory_space<vmem>>, vector<1x1x16xf32>,
        %swap3A_143 = vector.shape_cast %swap3A_142 : vector<1x1x16xf32> to vector<16xf32>
        %swap3A_144 = vector.shape_cast %mul3A_137 : vector<16xf32> to vector<1x1x16xf32>
        tpu.vector_store %arg11[%swap3A_139, %swap3A_140, %swap3A_141], %swap3A_144 {strides = array<i32>} : memref<2x128x128xf32, #tpu.memory_space<vmem>>, vector<1x1x16xf32>,
        %get3A_145 = arith.constant 0 : i32
        %get3A_146 = arith.index_cast %get3A_145 : i32 to index
        %get3A_147 = arith.index_cast %scan3A_108 : i32 to index
        %get3A_148 = arith.constant 32 : index
        %get3A_149 = tpu.vector_load %arg11[%get3A_146, %get3A_147, %get3A_148] {strides = array<i32>} : memref<2x128x128xf32, #tpu.memory_space<vmem>>, vector<1x1x16xf32>,
        %get3A_150 = vector.shape_cast %get3A_149 : vector<1x1x16xf32> to vector<16xf32>
        %lt3A = arith.constant 8 : i32
        %lt3A_151 = vector.broadcast %lt3A : i32 to vector<16xi32>
        %lt3A_152 = arith.cmpi slt, %iota3A, %lt3A_151 : vector<16xi32>
        %slice3A_153 = vector.extract_strided_slice %get3A_114 {offsets = [0], sizes = [1], strides = [1]} : vector<16xf32> to vector<1xf32>
        %squeeze3A_154 = vector.extract %slice3A_153[0] : f32 from vector<1xf32>
        %broadcast_in_dim3A_155 = vector.broadcast %squeeze3A_154 : f32 to vector<16xf32>
        %slice3A_156 = vector.extract_strided_slice %get3A_114 {offsets = [1], sizes = [1], strides = [1]} : vector<16xf32> to vector<1xf32>
        %squeeze3A_157 = vector.extract %slice3A_156[0] : f32 from vector<1xf32>
        %broadcast_in_dim3A_158 = vector.broadcast %squeeze3A_157 : f32 to vector<16xf32>
        %select_n3A = arith.select %lt3A_152, %broadcast_in_dim3A_155, %broadcast_in_dim3A_158 : vector<16xi1>, vector<16xf32>
        %mul3A_159 = arith.mulf %get3A_150, %select_n3A : vector<16xf32>
        %swap3A_160 = arith.constant 0 : i32
        %swap3A_161 = arith.index_cast %swap3A_160 : i32 to index
        %swap3A_162 = arith.index_cast %scan3A_108 : i32 to index
        %swap3A_163 = arith.constant 32 : index
        %swap3A_164 = tpu.vector_load %arg11[%swap3A_161, %swap3A_162, %swap3A_163] {strides = array<i32>} : memref<2x128x128xf32, #tpu.memory_space<vmem>>, vector<1x1x16xf32>,
        %swap3A_165 = vector.shape_cast %swap3A_164 : vector<1x1x16xf32> to vector<16xf32>
        %swap3A_166 = vector.shape_cast %mul3A_159 : vector<16xf32> to vector<1x1x16xf32>
        tpu.vector_store %arg11[%swap3A_161, %swap3A_162, %swap3A_163], %swap3A_166 {strides = array<i32>} : memref<2x128x128xf32, #tpu.memory_space<vmem>>, vector<1x1x16xf32>,
        %get3A_167 = arith.constant 0 : i32
        %get3A_168 = arith.index_cast %get3A_167 : i32 to index
        %get3A_169 = arith.index_cast %scan3A_108 : i32 to index
        %get3A_170 = arith.constant 48 : index
        %get3A_171 = tpu.vector_load %arg11[%get3A_168, %get3A_169, %get3A_170] {strides = array<i32>} : memref<2x128x128xf32, #tpu.memory_space<vmem>>, vector<1x1x16xf32>,
        %get3A_172 = vector.shape_cast %get3A_171 : vector<1x1x16xf32> to vector<16xf32>
        %slice3A_173 = vector.extract_strided_slice %get3A_114 {offsets = [1], sizes = [1], strides = [1]} : vector<16xf32> to vector<1xf32>
        %squeeze3A_174 = vector.extract %slice3A_173[0] : f32 from vector<1xf32>
        %broadcast_in_dim3A_175 = vector.broadcast %squeeze3A_174 : f32 to vector<16xf32>
        %mul3A_176 = arith.mulf %get3A_172, %broadcast_in_dim3A_175 : vector<16xf32>
        %swap3A_177 = arith.constant 0 : i32
        %swap3A_178 = arith.index_cast %swap3A_177 : i32 to index
        %swap3A_179 = arith.index_cast %scan3A_108 : i32 to index
        %swap3A_180 = arith.constant 48 : index
        %swap3A_181 = tpu.vector_load %arg11[%swap3A_178, %swap3A_179, %swap3A_180] {strides = array<i32>} : memref<2x128x128xf32, #tpu.memory_space<vmem>>, vector<1x1x16xf32>,
        %swap3A_182 = vector.shape_cast %swap3A_181 : vector<1x1x16xf32> to vector<16xf32>
        %swap3A_183 = vector.shape_cast %mul3A_176 : vector<16xf32> to vector<1x1x16xf32>
        tpu.vector_store %arg11[%swap3A_178, %swap3A_179, %swap3A_180], %swap3A_183 {strides = array<i32>} : memref<2x128x128xf32, #tpu.memory_space<vmem>>, vector<1x1x16xf32>,
        %get3A_184 = arith.constant 0 : i32
        %get3A_185 = arith.index_cast %get3A_184 : i32 to index
        %get3A_186 = arith.index_cast %scan3A_108 : i32 to index
        %get3A_187 = arith.constant 64 : index
        %get3A_188 = tpu.vector_load %arg11[%get3A_185, %get3A_186, %get3A_187] {strides = array<i32>} : memref<2x128x128xf32, #tpu.memory_space<vmem>>, vector<1x1x16xf32>,
        %get3A_189 = vector.shape_cast %get3A_188 : vector<1x1x16xf32> to vector<16xf32>
        %slice3A_190 = vector.extract_strided_slice %get3A_114 {offsets = [1], sizes = [1], strides = [1]} : vector<16xf32> to vector<1xf32>
        %squeeze3A_191 = vector.extract %slice3A_190[0] : f32 from vector<1xf32>
        %broadcast_in_dim3A_192 = vector.broadcast %squeeze3A_191 : f32 to vector<16xf32>
        %mul3A_193 = arith.mulf %get3A_189, %broadcast_in_dim3A_192 : vector<16xf32>
        %swap3A_194 = arith.constant 0 : i32
        %swap3A_195 = arith.index_cast %swap3A_194 : i32 to index
        %swap3A_196 = arith.index_cast %scan3A_108 : i32 to index
        %swap3A_197 = arith.constant 64 : index
        %swap3A_198 = tpu.vector_load %arg11[%swap3A_195, %swap3A_196, %swap3A_197] {strides = array<i32>} : memref<2x128x128xf32, #tpu.memory_space<vmem>>, vector<1x1x16xf32>,
        %swap3A_199 = vector.shape_cast %swap3A_198 : vector<1x1x16xf32> to vector<16xf32>
        %swap3A_200 = vector.shape_cast %mul3A_193 : vector<16xf32> to vector<1x1x16xf32>
        tpu.vector_store %arg11[%swap3A_195, %swap3A_196, %swap3A_197], %swap3A_200 {strides = array<i32>} : memref<2x128x128xf32, #tpu.memory_space<vmem>>, vector<1x1x16xf32>,
        %get3A_201 = arith.constant 0 : i32
        %get3A_202 = arith.index_cast %get3A_201 : i32 to index
        %get3A_203 = arith.index_cast %scan3A_108 : i32 to index
        %get3A_204 = arith.constant 80 : index
        %get3A_205 = tpu.vector_load %arg11[%get3A_202, %get3A_203, %get3A_204] {strides = array<i32>} : memref<2x128x128xf32, #tpu.memory_space<vmem>>, vector<1x1x16xf32>,
        %get3A_206 = vector.shape_cast %get3A_205 : vector<1x1x16xf32> to vector<16xf32>
        %slice3A_207 = vector.extract_strided_slice %get3A_114 {offsets = [2], sizes = [1], strides = [1]} : vector<16xf32> to vector<1xf32>
        %squeeze3A_208 = vector.extract %slice3A_207[0] : f32 from vector<1xf32>
        %broadcast_in_dim3A_209 = vector.broadcast %squeeze3A_208 : f32 to vector<16xf32>
        %mul3A_210 = arith.mulf %get3A_206, %broadcast_in_dim3A_209 : vector<16xf32>
        %swap3A_211 = arith.constant 0 : i32
        %swap3A_212 = arith.index_cast %swap3A_211 : i32 to index
        %swap3A_213 = arith.index_cast %scan3A_108 : i32 to index
        %swap3A_214 = arith.constant 80 : index
        %swap3A_215 = tpu.vector_load %arg11[%swap3A_212, %swap3A_213, %swap3A_214] {strides = array<i32>} : memref<2x128x128xf32, #tpu.memory_space<vmem>>, vector<1x1x16xf32>,
        %swap3A_216 = vector.shape_cast %swap3A_215 : vector<1x1x16xf32> to vector<16xf32>
        %swap3A_217 = vector.shape_cast %mul3A_210 : vector<16xf32> to vector<1x1x16xf32>
        tpu.vector_store %arg11[%swap3A_212, %swap3A_213, %swap3A_214], %swap3A_217 {strides = array<i32>} : memref<2x128x128xf32, #tpu.memory_space<vmem>>, vector<1x1x16xf32>,
        %get3A_218 = arith.constant 0 : i32
        %get3A_219 = arith.index_cast %get3A_218 : i32 to index
        %get3A_220 = arith.index_cast %scan3A_108 : i32 to index
        %get3A_221 = arith.constant 96 : index
        %get3A_222 = tpu.vector_load %arg11[%get3A_219, %get3A_220, %get3A_221] {strides = array<i32>} : memref<2x128x128xf32, #tpu.memory_space<vmem>>, vector<1x1x16xf32>,
        %get3A_223 = vector.shape_cast %get3A_222 : vector<1x1x16xf32> to vector<16xf32>
        %slice3A_224 = vector.extract_strided_slice %get3A_114 {offsets = [2], sizes = [1], strides = [1]} : vector<16xf32> to vector<1xf32>
        %squeeze3A_225 = vector.extract %slice3A_224[0] : f32 from vector<1xf32>
        %broadcast_in_dim3A_226 = vector.broadcast %squeeze3A_225 : f32 to vector<16xf32>
        %mul3A_227 = arith.mulf %get3A_223, %broadcast_in_dim3A_226 : vector<16xf32>
        %swap3A_228 = arith.constant 0 : i32
        %swap3A_229 = arith.index_cast %swap3A_228 : i32 to index
        %swap3A_230 = arith.index_cast %scan3A_108 : i32 to index
        %swap3A_231 = arith.constant 96 : index
        %swap3A_232 = tpu.vector_load %arg11[%swap3A_229, %swap3A_230, %swap3A_231] {strides = array<i32>} : memref<2x128x128xf32, #tpu.memory_space<vmem>>, vector<1x1x16xf32>,
        %swap3A_233 = vector.shape_cast %swap3A_232 : vector<1x1x16xf32> to vector<16xf32>
        %swap3A_234 = vector.shape_cast %mul3A_227 : vector<16xf32> to vector<1x1x16xf32>
        tpu.vector_store %arg11[%swap3A_229, %swap3A_230, %swap3A_231], %swap3A_234 {strides = array<i32>} : memref<2x128x128xf32, #tpu.memory_space<vmem>>, vector<1x1x16xf32>,
        %get3A_235 = arith.constant 0 : i32
        %get3A_236 = arith.index_cast %get3A_235 : i32 to index
        %get3A_237 = arith.index_cast %scan3A_108 : i32 to index
        %get3A_238 = arith.constant 112 : index
        %get3A_239 = tpu.vector_load %arg11[%get3A_236, %get3A_237, %get3A_238] {strides = array<i32>} : memref<2x128x128xf32, #tpu.memory_space<vmem>>, vector<1x1x16xf32>,
        %get3A_240 = vector.shape_cast %get3A_239 : vector<1x1x16xf32> to vector<16xf32>
        %lt3A_241 = arith.constant 8 : i32
        %lt3A_242 = vector.broadcast %lt3A_241 : i32 to vector<16xi32>
        %lt3A_243 = arith.cmpi slt, %iota3A, %lt3A_242 : vector<16xi32>
        %slice3A_244 = vector.extract_strided_slice %get3A_114 {offsets = [2], sizes = [1], strides = [1]} : vector<16xf32> to vector<1xf32>
        %squeeze3A_245 = vector.extract %slice3A_244[0] : f32 from vector<1xf32>
        %broadcast_in_dim3A_246 = vector.broadcast %squeeze3A_245 : f32 to vector<16xf32>
        %slice3A_247 = vector.extract_strided_slice %get3A_114 {offsets = [3], sizes = [1], strides = [1]} : vector<16xf32> to vector<1xf32>
        %squeeze3A_248 = vector.extract %slice3A_247[0] : f32 from vector<1xf32>
        %broadcast_in_dim3A_249 = vector.broadcast %squeeze3A_248 : f32 to vector<16xf32>
        %select_n3A_250 = arith.select %lt3A_243, %broadcast_in_dim3A_246, %broadcast_in_dim3A_249 : vector<16xi1>, vector<16xf32>
        %mul3A_251 = arith.mulf %get3A_240, %select_n3A_250 : vector<16xf32>
        %swap3A_252 = arith.constant 0 : i32
        %swap3A_253 = arith.index_cast %swap3A_252 : i32 to index
        %swap3A_254 = arith.index_cast %scan3A_108 : i32 to index
        %swap3A_255 = arith.constant 112 : index
        %swap3A_256 = tpu.vector_load %arg11[%swap3A_253, %swap3A_254, %swap3A_255] {strides = array<i32>} : memref<2x128x128xf32, #tpu.memory_space<vmem>>, vector<1x1x16xf32>,
        %swap3A_257 = vector.shape_cast %swap3A_256 : vector<1x1x16xf32> to vector<16xf32>
        %swap3A_258 = vector.shape_cast %mul3A_251 : vector<16xf32> to vector<1x1x16xf32>
        tpu.vector_store %arg11[%swap3A_253, %swap3A_254, %swap3A_255], %swap3A_258 {strides = array<i32>} : memref<2x128x128xf32, #tpu.memory_space<vmem>>, vector<1x1x16xf32>,
      }
      %scan3A_86 = arith.constant 128 : i32
      %run_scoped3A = arith.constant 0 : i32
      %run_scoped3A_87 = arith.constant 0 : i32
      "tpu.region"() ({
        %run_scoped3A_108 = tpu.sem_alloc : memref<!tpu.dma_semaphore, #tpu.memory_space<semaphore_mem>>
        %dma_start3A_109 = arith.constant 0 : i32
        %dma_start3A_110 = arith.constant 0 : i32
        %dma_start3A_111 = tpu.memref_slice %arg11[%run_scoped3A, %dma_start3A_109, %dma_start3A_110] : memref<2x128x128xf32, #tpu.memory_space<vmem>> -> memref<1x128x128xf32, #tpu.memory_space<vmem>>
        %dma_start3A_112 = tpu.memref_squeeze %dma_start3A_111 : memref<1x128x128xf32, #tpu.memory_space<vmem>> -> memref<128x128xf32, #tpu.memory_space<vmem>>
        %dma_start3A_113 = arith.constant 0 : i32
        %dma_start3A_114 = tpu.memref_slice %arg10[%run_scoped3A_87, %dma_start3A_113] : memref<2x128xi32, #tpu.memory_space<vmem>> -> memref<1x128xi32, #tpu.memory_space<vmem>>
        %dma_start3A_115 = tpu.memref_squeeze %dma_start3A_114 : memref<1x128xi32, #tpu.memory_space<vmem>> -> memref<128xi32, #tpu.memory_space<vmem>>
        %dma_start3A_116 = arith.constant 0 : i32
        %dma_start3A_117 = arith.constant 0 : i32
        %dma_start3A_118 = tpu.memref_slice %arg13[%dma_start3A_116, %dma_start3A_117] : memref<10016x128xf32, #tpu.memory_space<vmem_shared>> -> memref<10016x128xf32, #tpu.memory_space<vmem_shared>>
        tpu.enqueue_indirect_dma source(%dma_start3A_112 : memref<128x128xf32, #tpu.memory_space<vmem>>) target(%dma_start3A_118 : memref<10016x128xf32, #tpu.memory_space<vmem_shared>>) offsets(%dma_start3A_115 : memref<128xi32, #tpu.memory_space<vmem>>) semaphore(%run_scoped3A_108 : memref<!tpu.dma_semaphore, #tpu.memory_space<semaphore_mem>>) {add = true}
        %dma_wait3A_119 = arith.constant 0 : i32
        %dma_wait3A_120 = arith.constant 0 : i32
        %dma_wait3A_121 = tpu.memref_slice %arg11[%run_scoped3A, %dma_wait3A_119, %dma_wait3A_120] : memref<2x128x128xf32, #tpu.memory_space<vmem>> -> memref<1x128x128xf32, #tpu.memory_space<vmem>>
        %dma_wait3A_122 = tpu.memref_squeeze %dma_wait3A_121 : memref<1x128x128xf32, #tpu.memory_space<vmem>> -> memref<128x128xf32, #tpu.memory_space<vmem>>
        %dma_wait3A_123 = arith.constant 0 : i32
        %dma_wait3A_124 = tpu.memref_slice %arg10[%run_scoped3A_87, %dma_wait3A_123] : memref<2x128xi32, #tpu.memory_space<vmem>> -> memref<1x128xi32, #tpu.memory_space<vmem>>
        %dma_wait3A_125 = tpu.memref_squeeze %dma_wait3A_124 : memref<1x128xi32, #tpu.memory_space<vmem>> -> memref<128xi32, #tpu.memory_space<vmem>>
        %dma_wait3A_126 = arith.constant 0 : i32
        %dma_wait3A_127 = arith.constant 0 : i32
        %dma_wait3A_128 = tpu.memref_slice %arg13[%dma_wait3A_126, %dma_wait3A_127] : memref<10016x128xf32, #tpu.memory_space<vmem_shared>> -> memref<10016x128xf32, #tpu.memory_space<vmem_shared>>
        tpu.wait_indirect_dma semaphore(%run_scoped3A_108 : memref<!tpu.dma_semaphore, #tpu.memory_space<semaphore_mem>>) src(%dma_wait3A_122 : memref<128x128xf32, #tpu.memory_space<vmem>>) dst(%dma_wait3A_128 : memref<10016x128xf32, #tpu.memory_space<vmem_shared>>)
        tpu.yield
      }) : () -> ()
      %dma_wait3A_88 = arith.constant 1 : i32
      %dma_wait3A_89 = arith.constant 1 : i32
      %dma_wait3A_90 = arith.constant 0 : i32
      %dma_wait3A_91 = arith.constant 0 : i32
      %dma_wait3A_92 = tpu.memref_slice %arg11[%dma_wait3A_89, %dma_wait3A_90, %dma_wait3A_91] : memref<2x128x128xf32, #tpu.memory_space<vmem>> -> memref<1x128x128xf32, #tpu.memory_space<vmem>>
      %dma_wait3A_93 = tpu.memref_squeeze %dma_wait3A_92 : memref<1x128x128xf32, #tpu.memory_space<vmem>> -> memref<128x128xf32, #tpu.memory_space<vmem>>
      %dma_wait3A_94 = arith.constant 0 : i32
      %dma_wait3A_95 = tpu.memref_slice %arg9[%dma_wait3A_88, %dma_wait3A_94] : memref<2x128xi32, #tpu.memory_space<vmem>> -> memref<1x128xi32, #tpu.memory_space<vmem>>
      %dma_wait3A_96 = tpu.memref_squeeze %dma_wait3A_95 : memref<1x128xi32, #tpu.memory_space<vmem>> -> memref<128xi32, #tpu.memory_space<vmem>>
      %dma_wait3A_97 = arith.constant 0 : i32
      %dma_wait3A_98 = arith.constant 0 : i32
      %dma_wait3A_99 = tpu.memref_slice %arg4[%dma_wait3A_97, %dma_wait3A_98] : memref<10000x128xf32, #tpu.memory_space<hbm>> -> memref<10000x128xf32, #tpu.memory_space<hbm>>
      tpu.wait_indirect_dma semaphore(%arg14 : memref<!tpu.dma_semaphore, #tpu.memory_space<semaphore_mem>>) src(%dma_wait3A_99 : memref<10000x128xf32, #tpu.memory_space<hbm>>) dst(%dma_wait3A_93 : memref<128x128xf32, #tpu.memory_space<vmem>>)
      %scan3A_100 = arith.constant 0 : i32
      %scan3A_101 = arith.constant 0 : i32
      %scan3A_102 = arith.constant 128 : i32
      %scan3A_103 = arith.addi %scan3A_101, %scan3A_102 : i32
      %scan3A_104 = arith.constant 1 : i32
      scf.for %scan3A_108 = %scan3A_101 to %scan3A_103 step %scan3A_104  : i32 {
        %mul3A_109 = arith.constant 8 : i32
        %mul3A_110 = arith.muli %mul3A_109, %scan3A_108 : i32
        %add3A_111 = arith.constant 1040 : i32
        %add3A_112 = arith.addi %add3A_111, %mul3A_110 : i32
        %get3A = arith.index_cast %add3A_112 : i32 to index
        %get3A_113 = tpu.vector_load %arg12[%get3A] {strides = array<i32>} : memref<2080xf32, #tpu.memory_space<vmem>>, vector<16xf32>,
        %get3A_114 = vector.shape_cast %get3A_113 : vector<16xf32> to vector<16xf32>
        %get3A_115 = arith.constant 1 : i32
        %get3A_116 = arith.index_cast %get3A_115 : i32 to index
        %get3A_117 = arith.index_cast %scan3A_108 : i32 to index
        %get3A_118 = arith.constant 0 : index
        %get3A_119 = tpu.vector_load %arg11[%get3A_116, %get3A_117, %get3A_118] {strides = array<i32>} : memref<2x128x128xf32, #tpu.memory_space<vmem>>, vector<1x1x16xf32>,
        %get3A_120 = vector.shape_cast %get3A_119 : vector<1x1x16xf32> to vector<16xf32>
        %slice3A = vector.extract_strided_slice %get3A_114 {offsets = [0], sizes = [1], strides = [1]} : vector<16xf32> to vector<1xf32>
        %squeeze3A = vector.extract %slice3A[0] : f32 from vector<1xf32>
        %broadcast_in_dim3A = vector.broadcast %squeeze3A : f32 to vector<16xf32>
        %mul3A_121 = arith.mulf %get3A_120, %broadcast_in_dim3A : vector<16xf32>
        %swap3A = arith.constant 1 : i32
        %swap3A_122 = arith.index_cast %swap3A : i32 to index
        %swap3A_123 = arith.index_cast %scan3A_108 : i32 to index
        %swap3A_124 = arith.constant 0 : index
        %swap3A_125 = tpu.vector_load %arg11[%swap3A_122, %swap3A_123, %swap3A_124] {strides = array<i32>} : memref<2x128x128xf32, #tpu.memory_space<vmem>>, vector<1x1x16xf32>,
        %swap3A_126 = vector.shape_cast %swap3A_125 : vector<1x1x16xf32> to vector<16xf32>
        %swap3A_127 = vector.shape_cast %mul3A_121 : vector<16xf32> to vector<1x1x16xf32>
        tpu.vector_store %arg11[%swap3A_122, %swap3A_123, %swap3A_124], %swap3A_127 {strides = array<i32>} : memref<2x128x128xf32, #tpu.memory_space<vmem>>, vector<1x1x16xf32>,
        %get3A_128 = arith.constant 1 : i32
        %get3A_129 = arith.index_cast %get3A_128 : i32 to index
        %get3A_130 = arith.index_cast %scan3A_108 : i32 to index
        %get3A_131 = arith.constant 16 : index
        %get3A_132 = tpu.vector_load %arg11[%get3A_129, %get3A_130, %get3A_131] {strides = array<i32>} : memref<2x128x128xf32, #tpu.memory_space<vmem>>, vector<1x1x16xf32>,
        %get3A_133 = vector.shape_cast %get3A_132 : vector<1x1x16xf32> to vector<16xf32>
        %slice3A_134 = vector.extract_strided_slice %get3A_114 {offsets = [0], sizes = [1], strides = [1]} : vector<16xf32> to vector<1xf32>
        %squeeze3A_135 = vector.extract %slice3A_134[0] : f32 from vector<1xf32>
        %broadcast_in_dim3A_136 = vector.broadcast %squeeze3A_135 : f32 to vector<16xf32>
        %mul3A_137 = arith.mulf %get3A_133, %broadcast_in_dim3A_136 : vector<16xf32>
        %swap3A_138 = arith.constant 1 : i32
        %swap3A_139 = arith.index_cast %swap3A_138 : i32 to index
        %swap3A_140 = arith.index_cast %scan3A_108 : i32 to index
        %swap3A_141 = arith.constant 16 : index
        %swap3A_142 = tpu.vector_load %arg11[%swap3A_139, %swap3A_140, %swap3A_141] {strides = array<i32>} : memref<2x128x128xf32, #tpu.memory_space<vmem>>, vector<1x1x16xf32>,
        %swap3A_143 = vector.shape_cast %swap3A_142 : vector<1x1x16xf32> to vector<16xf32>
        %swap3A_144 = vector.shape_cast %mul3A_137 : vector<16xf32> to vector<1x1x16xf32>
        tpu.vector_store %arg11[%swap3A_139, %swap3A_140, %swap3A_141], %swap3A_144 {strides = array<i32>} : memref<2x128x128xf32, #tpu.memory_space<vmem>>, vector<1x1x16xf32>,
        %get3A_145 = arith.constant 1 : i32
        %get3A_146 = arith.index_cast %get3A_145 : i32 to index
        %get3A_147 = arith.index_cast %scan3A_108 : i32 to index
        %get3A_148 = arith.constant 32 : index
        %get3A_149 = tpu.vector_load %arg11[%get3A_146, %get3A_147, %get3A_148] {strides = array<i32>} : memref<2x128x128xf32, #tpu.memory_space<vmem>>, vector<1x1x16xf32>,
        %get3A_150 = vector.shape_cast %get3A_149 : vector<1x1x16xf32> to vector<16xf32>
        %lt3A = arith.constant 8 : i32
        %lt3A_151 = vector.broadcast %lt3A : i32 to vector<16xi32>
        %lt3A_152 = arith.cmpi slt, %iota3A, %lt3A_151 : vector<16xi32>
        %slice3A_153 = vector.extract_strided_slice %get3A_114 {offsets = [0], sizes = [1], strides = [1]} : vector<16xf32> to vector<1xf32>
        %squeeze3A_154 = vector.extract %slice3A_153[0] : f32 from vector<1xf32>
        %broadcast_in_dim3A_155 = vector.broadcast %squeeze3A_154 : f32 to vector<16xf32>
        %slice3A_156 = vector.extract_strided_slice %get3A_114 {offsets = [1], sizes = [1], strides = [1]} : vector<16xf32> to vector<1xf32>
        %squeeze3A_157 = vector.extract %slice3A_156[0] : f32 from vector<1xf32>
        %broadcast_in_dim3A_158 = vector.broadcast %squeeze3A_157 : f32 to vector<16xf32>
        %select_n3A = arith.select %lt3A_152, %broadcast_in_dim3A_155, %broadcast_in_dim3A_158 : vector<16xi1>, vector<16xf32>
        %mul3A_159 = arith.mulf %get3A_150, %select_n3A : vector<16xf32>
        %swap3A_160 = arith.constant 1 : i32
        %swap3A_161 = arith.index_cast %swap3A_160 : i32 to index
        %swap3A_162 = arith.index_cast %scan3A_108 : i32 to index
        %swap3A_163 = arith.constant 32 : index
        %swap3A_164 = tpu.vector_load %arg11[%swap3A_161, %swap3A_162, %swap3A_163] {strides = array<i32>} : memref<2x128x128xf32, #tpu.memory_space<vmem>>, vector<1x1x16xf32>,
        %swap3A_165 = vector.shape_cast %swap3A_164 : vector<1x1x16xf32> to vector<16xf32>
        %swap3A_166 = vector.shape_cast %mul3A_159 : vector<16xf32> to vector<1x1x16xf32>
        tpu.vector_store %arg11[%swap3A_161, %swap3A_162, %swap3A_163], %swap3A_166 {strides = array<i32>} : memref<2x128x128xf32, #tpu.memory_space<vmem>>, vector<1x1x16xf32>,
        %get3A_167 = arith.constant 1 : i32
        %get3A_168 = arith.index_cast %get3A_167 : i32 to index
        %get3A_169 = arith.index_cast %scan3A_108 : i32 to index
        %get3A_170 = arith.constant 48 : index
        %get3A_171 = tpu.vector_load %arg11[%get3A_168, %get3A_169, %get3A_170] {strides = array<i32>} : memref<2x128x128xf32, #tpu.memory_space<vmem>>, vector<1x1x16xf32>,
        %get3A_172 = vector.shape_cast %get3A_171 : vector<1x1x16xf32> to vector<16xf32>
        %slice3A_173 = vector.extract_strided_slice %get3A_114 {offsets = [1], sizes = [1], strides = [1]} : vector<16xf32> to vector<1xf32>
        %squeeze3A_174 = vector.extract %slice3A_173[0] : f32 from vector<1xf32>
        %broadcast_in_dim3A_175 = vector.broadcast %squeeze3A_174 : f32 to vector<16xf32>
        %mul3A_176 = arith.mulf %get3A_172, %broadcast_in_dim3A_175 : vector<16xf32>
        %swap3A_177 = arith.constant 1 : i32
        %swap3A_178 = arith.index_cast %swap3A_177 : i32 to index
        %swap3A_179 = arith.index_cast %scan3A_108 : i32 to index
        %swap3A_180 = arith.constant 48 : index
        %swap3A_181 = tpu.vector_load %arg11[%swap3A_178, %swap3A_179, %swap3A_180] {strides = array<i32>} : memref<2x128x128xf32, #tpu.memory_space<vmem>>, vector<1x1x16xf32>,
        %swap3A_182 = vector.shape_cast %swap3A_181 : vector<1x1x16xf32> to vector<16xf32>
        %swap3A_183 = vector.shape_cast %mul3A_176 : vector<16xf32> to vector<1x1x16xf32>
        tpu.vector_store %arg11[%swap3A_178, %swap3A_179, %swap3A_180], %swap3A_183 {strides = array<i32>} : memref<2x128x128xf32, #tpu.memory_space<vmem>>, vector<1x1x16xf32>,
        %get3A_184 = arith.constant 1 : i32
        %get3A_185 = arith.index_cast %get3A_184 : i32 to index
        %get3A_186 = arith.index_cast %scan3A_108 : i32 to index
        %get3A_187 = arith.constant 64 : index
        %get3A_188 = tpu.vector_load %arg11[%get3A_185, %get3A_186, %get3A_187] {strides = array<i32>} : memref<2x128x128xf32, #tpu.memory_space<vmem>>, vector<1x1x16xf32>,
        %get3A_189 = vector.shape_cast %get3A_188 : vector<1x1x16xf32> to vector<16xf32>
        %slice3A_190 = vector.extract_strided_slice %get3A_114 {offsets = [1], sizes = [1], strides = [1]} : vector<16xf32> to vector<1xf32>
        %squeeze3A_191 = vector.extract %slice3A_190[0] : f32 from vector<1xf32>
        %broadcast_in_dim3A_192 = vector.broadcast %squeeze3A_191 : f32 to vector<16xf32>
        %mul3A_193 = arith.mulf %get3A_189, %broadcast_in_dim3A_192 : vector<16xf32>
        %swap3A_194 = arith.constant 1 : i32
        %swap3A_195 = arith.index_cast %swap3A_194 : i32 to index
        %swap3A_196 = arith.index_cast %scan3A_108 : i32 to index
        %swap3A_197 = arith.constant 64 : index
        %swap3A_198 = tpu.vector_load %arg11[%swap3A_195, %swap3A_196, %swap3A_197] {strides = array<i32>} : memref<2x128x128xf32, #tpu.memory_space<vmem>>, vector<1x1x16xf32>,
        %swap3A_199 = vector.shape_cast %swap3A_198 : vector<1x1x16xf32> to vector<16xf32>
        %swap3A_200 = vector.shape_cast %mul3A_193 : vector<16xf32> to vector<1x1x16xf32>
        tpu.vector_store %arg11[%swap3A_195, %swap3A_196, %swap3A_197], %swap3A_200 {strides = array<i32>} : memref<2x128x128xf32, #tpu.memory_space<vmem>>, vector<1x1x16xf32>,
        %get3A_201 = arith.constant 1 : i32
        %get3A_202 = arith.index_cast %get3A_201 : i32 to index
        %get3A_203 = arith.index_cast %scan3A_108 : i32 to index
        %get3A_204 = arith.constant 80 : index
        %get3A_205 = tpu.vector_load %arg11[%get3A_202, %get3A_203, %get3A_204] {strides = array<i32>} : memref<2x128x128xf32, #tpu.memory_space<vmem>>, vector<1x1x16xf32>,
        %get3A_206 = vector.shape_cast %get3A_205 : vector<1x1x16xf32> to vector<16xf32>
        %slice3A_207 = vector.extract_strided_slice %get3A_114 {offsets = [2], sizes = [1], strides = [1]} : vector<16xf32> to vector<1xf32>
        %squeeze3A_208 = vector.extract %slice3A_207[0] : f32 from vector<1xf32>
        %broadcast_in_dim3A_209 = vector.broadcast %squeeze3A_208 : f32 to vector<16xf32>
        %mul3A_210 = arith.mulf %get3A_206, %broadcast_in_dim3A_209 : vector<16xf32>
        %swap3A_211 = arith.constant 1 : i32
        %swap3A_212 = arith.index_cast %swap3A_211 : i32 to index
        %swap3A_213 = arith.index_cast %scan3A_108 : i32 to index
        %swap3A_214 = arith.constant 80 : index
        %swap3A_215 = tpu.vector_load %arg11[%swap3A_212, %swap3A_213, %swap3A_214] {strides = array<i32>} : memref<2x128x128xf32, #tpu.memory_space<vmem>>, vector<1x1x16xf32>,
        %swap3A_216 = vector.shape_cast %swap3A_215 : vector<1x1x16xf32> to vector<16xf32>
        %swap3A_217 = vector.shape_cast %mul3A_210 : vector<16xf32> to vector<1x1x16xf32>
        tpu.vector_store %arg11[%swap3A_212, %swap3A_213, %swap3A_214], %swap3A_217 {strides = array<i32>} : memref<2x128x128xf32, #tpu.memory_space<vmem>>, vector<1x1x16xf32>,
        %get3A_218 = arith.constant 1 : i32
        %get3A_219 = arith.index_cast %get3A_218 : i32 to index
        %get3A_220 = arith.index_cast %scan3A_108 : i32 to index
        %get3A_221 = arith.constant 96 : index
        %get3A_222 = tpu.vector_load %arg11[%get3A_219, %get3A_220, %get3A_221] {strides = array<i32>} : memref<2x128x128xf32, #tpu.memory_space<vmem>>, vector<1x1x16xf32>,
        %get3A_223 = vector.shape_cast %get3A_222 : vector<1x1x16xf32> to vector<16xf32>
        %slice3A_224 = vector.extract_strided_slice %get3A_114 {offsets = [2], sizes = [1], strides = [1]} : vector<16xf32> to vector<1xf32>
        %squeeze3A_225 = vector.extract %slice3A_224[0] : f32 from vector<1xf32>
        %broadcast_in_dim3A_226 = vector.broadcast %squeeze3A_225 : f32 to vector<16xf32>
        %mul3A_227 = arith.mulf %get3A_223, %broadcast_in_dim3A_226 : vector<16xf32>
        %swap3A_228 = arith.constant 1 : i32
        %swap3A_229 = arith.index_cast %swap3A_228 : i32 to index
        %swap3A_230 = arith.index_cast %scan3A_108 : i32 to index
        %swap3A_231 = arith.constant 96 : index
        %swap3A_232 = tpu.vector_load %arg11[%swap3A_229, %swap3A_230, %swap3A_231] {strides = array<i32>} : memref<2x128x128xf32, #tpu.memory_space<vmem>>, vector<1x1x16xf32>,
        %swap3A_233 = vector.shape_cast %swap3A_232 : vector<1x1x16xf32> to vector<16xf32>
        %swap3A_234 = vector.shape_cast %mul3A_227 : vector<16xf32> to vector<1x1x16xf32>
        tpu.vector_store %arg11[%swap3A_229, %swap3A_230, %swap3A_231], %swap3A_234 {strides = array<i32>} : memref<2x128x128xf32, #tpu.memory_space<vmem>>, vector<1x1x16xf32>,
        %get3A_235 = arith.constant 1 : i32
        %get3A_236 = arith.index_cast %get3A_235 : i32 to index
        %get3A_237 = arith.index_cast %scan3A_108 : i32 to index
        %get3A_238 = arith.constant 112 : index
        %get3A_239 = tpu.vector_load %arg11[%get3A_236, %get3A_237, %get3A_238] {strides = array<i32>} : memref<2x128x128xf32, #tpu.memory_space<vmem>>, vector<1x1x16xf32>,
        %get3A_240 = vector.shape_cast %get3A_239 : vector<1x1x16xf32> to vector<16xf32>
        %lt3A_241 = arith.constant 8 : i32
        %lt3A_242 = vector.broadcast %lt3A_241 : i32 to vector<16xi32>
        %lt3A_243 = arith.cmpi slt, %iota3A, %lt3A_242 : vector<16xi32>
        %slice3A_244 = vector.extract_strided_slice %get3A_114 {offsets = [2], sizes = [1], strides = [1]} : vector<16xf32> to vector<1xf32>
        %squeeze3A_245 = vector.extract %slice3A_244[0] : f32 from vector<1xf32>
        %broadcast_in_dim3A_246 = vector.broadcast %squeeze3A_245 : f32 to vector<16xf32>
        %slice3A_247 = vector.extract_strided_slice %get3A_114 {offsets = [3], sizes = [1], strides = [1]} : vector<16xf32> to vector<1xf32>
        %squeeze3A_248 = vector.extract %slice3A_247[0] : f32 from vector<1xf32>
        %broadcast_in_dim3A_249 = vector.broadcast %squeeze3A_248 : f32 to vector<16xf32>
        %select_n3A_250 = arith.select %lt3A_243, %broadcast_in_dim3A_246, %broadcast_in_dim3A_249 : vector<16xi1>, vector<16xf32>
        %mul3A_251 = arith.mulf %get3A_240, %select_n3A_250 : vector<16xf32>
        %swap3A_252 = arith.constant 1 : i32
        %swap3A_253 = arith.index_cast %swap3A_252 : i32 to index
        %swap3A_254 = arith.index_cast %scan3A_108 : i32 to index
        %swap3A_255 = arith.constant 112 : index
        %swap3A_256 = tpu.vector_load %arg11[%swap3A_253, %swap3A_254, %swap3A_255] {strides = array<i32>} : memref<2x128x128xf32, #tpu.memory_space<vmem>>, vector<1x1x16xf32>,
        %swap3A_257 = vector.shape_cast %swap3A_256 : vector<1x1x16xf32> to vector<16xf32>
        %swap3A_258 = vector.shape_cast %mul3A_251 : vector<16xf32> to vector<1x1x16xf32>
        tpu.vector_store %arg11[%swap3A_253, %swap3A_254, %swap3A_255], %swap3A_258 {strides = array<i32>} : memref<2x128x128xf32, #tpu.memory_space<vmem>>, vector<1x1x16xf32>,
      }
      %scan3A_105 = arith.constant 128 : i32
      %run_scoped3A_106 = arith.constant 1 : i32
      %run_scoped3A_107 = arith.constant 1 : i32
      "tpu.region"() ({
        %run_scoped3A_108 = tpu.sem_alloc : memref<!tpu.dma_semaphore, #tpu.memory_space<semaphore_mem>>
        %dma_start3A_109 = arith.constant 0 : i32
        %dma_start3A_110 = arith.constant 0 : i32
        %dma_start3A_111 = tpu.memref_slice %arg11[%run_scoped3A_106, %dma_start3A_109, %dma_start3A_110] : memref<2x128x128xf32, #tpu.memory_space<vmem>> -> memref<1x128x128xf32, #tpu.memory_space<vmem>>
        %dma_start3A_112 = tpu.memref_squeeze %dma_start3A_111 : memref<1x128x128xf32, #tpu.memory_space<vmem>> -> memref<128x128xf32, #tpu.memory_space<vmem>>
        %dma_start3A_113 = arith.constant 0 : i32
        %dma_start3A_114 = tpu.memref_slice %arg10[%run_scoped3A_107, %dma_start3A_113] : memref<2x128xi32, #tpu.memory_space<vmem>> -> memref<1x128xi32, #tpu.memory_space<vmem>>
        %dma_start3A_115 = tpu.memref_squeeze %dma_start3A_114 : memref<1x128xi32, #tpu.memory_space<vmem>> -> memref<128xi32, #tpu.memory_space<vmem>>
        %dma_start3A_116 = arith.constant 0 : i32
        %dma_start3A_117 = arith.constant 0 : i32
        %dma_start3A_118 = tpu.memref_slice %arg13[%dma_start3A_116, %dma_start3A_117] : memref<10016x128xf32, #tpu.memory_space<vmem_shared>> -> memref<10016x128xf32, #tpu.memory_space<vmem_shared>>
        tpu.enqueue_indirect_dma source(%dma_start3A_112 : memref<128x128xf32, #tpu.memory_space<vmem>>) target(%dma_start3A_118 : memref<10016x128xf32, #tpu.memory_space<vmem_shared>>) offsets(%dma_start3A_115 : memref<128xi32, #tpu.memory_space<vmem>>) semaphore(%run_scoped3A_108 : memref<!tpu.dma_semaphore, #tpu.memory_space<semaphore_mem>>) {add = true}
        %dma_wait3A_119 = arith.constant 0 : i32
        %dma_wait3A_120 = arith.constant 0 : i32
        %dma_wait3A_121 = tpu.memref_slice %arg11[%run_scoped3A_106, %dma_wait3A_119, %dma_wait3A_120] : memref<2x128x128xf32, #tpu.memory_space<vmem>> -> memref<1x128x128xf32, #tpu.memory_space<vmem>>
        %dma_wait3A_122 = tpu.memref_squeeze %dma_wait3A_121 : memref<1x128x128xf32, #tpu.memory_space<vmem>> -> memref<128x128xf32, #tpu.memory_space<vmem>>
        %dma_wait3A_123 = arith.constant 0 : i32
        %dma_wait3A_124 = tpu.memref_slice %arg10[%run_scoped3A_107, %dma_wait3A_123] : memref<2x128xi32, #tpu.memory_space<vmem>> -> memref<1x128xi32, #tpu.memory_space<vmem>>
        %dma_wait3A_125 = tpu.memref_squeeze %dma_wait3A_124 : memref<1x128xi32, #tpu.memory_space<vmem>> -> memref<128xi32, #tpu.memory_space<vmem>>
        %dma_wait3A_126 = arith.constant 0 : i32
        %dma_wait3A_127 = arith.constant 0 : i32
        %dma_wait3A_128 = tpu.memref_slice %arg13[%dma_wait3A_126, %dma_wait3A_127] : memref<10016x128xf32, #tpu.memory_space<vmem_shared>> -> memref<10016x128xf32, #tpu.memory_space<vmem_shared>>
        tpu.wait_indirect_dma semaphore(%run_scoped3A_108 : memref<!tpu.dma_semaphore, #tpu.memory_space<semaphore_mem>>) src(%dma_wait3A_122 : memref<128x128xf32, #tpu.memory_space<vmem>>) dst(%dma_wait3A_128 : memref<10016x128xf32, #tpu.memory_space<vmem_shared>>)
        tpu.yield
      }) : () -> ()
    }
    %scan3A_7 = arith.constant 40 : i32
    %barrier3A_8 = arith.constant 0 : index
    tpu.barrier barrier_id(%barrier3A_8)
    %eq3A_9 = arith.constant 0 : i32
    %eq3A_10 = arith.cmpi eq, %arg1, %eq3A_9 : i32
    %eq3A_11 = arith.constant 0 : i32
    %eq3A_12 = arith.cmpi eq, %arg0, %eq3A_11 : i32
    %and3A = arith.andi %eq3A_10, %eq3A_12 : i1
    %convert_element_type3A_13 = arith.extui %and3A : i1 to i32
    %cond3A_14 = arith.constant 0 : i32
    %cond3A_15 = arith.cmpi ne, %convert_element_type3A_13, %cond3A_14 : i32
    scf.if %cond3A_15 {
      "tpu.region"() ({
        %run_scoped3A = tpu.sem_alloc : memref<!tpu.dma_semaphore, #tpu.memory_space<semaphore_mem>>
        tpu.enqueue_dma source(%arg13 : memref<10016x128xf32, #tpu.memory_space<vmem_shared>>) target(%arg7 : memref<10016x128xf32, #tpu.memory_space<hbm>>) target_semaphore(%run_scoped3A : memref<!tpu.dma_semaphore, #tpu.memory_space<semaphore_mem>>)
        tpu.wait_dma2 semaphore(%run_scoped3A : memref<!tpu.dma_semaphore, #tpu.memory_space<semaphore_mem>>) src(%arg13 : memref<10016x128xf32, #tpu.memory_space<vmem_shared>>) dst(%arg7 : memref<10016x128xf32, #tpu.memory_space<hbm>>)
        tpu.yield
      }) : () -> ()
    } else {
    }
    %eq3A_16 = arith.constant 0 : i32
    %eq3A_17 = arith.cmpi eq, %arg1, %eq3A_16 : i32
    %eq3A_18 = arith.constant 1 : i32
    %eq3A_19 = arith.cmpi eq, %arg0, %eq3A_18 : i32
    %and3A_20 = arith.andi %eq3A_17, %eq3A_19 : i1
    %convert_element_type3A_21 = arith.extui %and3A_20 : i1 to i32
    %cond3A_22 = arith.constant 0 : i32
    %cond3A_23 = arith.cmpi ne, %convert_element_type3A_21, %cond3A_22 : i32
    scf.if %cond3A_23 {
      "tpu.region"() ({
        %run_scoped3A = tpu.sem_alloc : memref<!tpu.dma_semaphore, #tpu.memory_space<semaphore_mem>>
        tpu.enqueue_dma source(%arg13 : memref<10016x128xf32, #tpu.memory_space<vmem_shared>>) target(%arg8 : memref<10016x128xf32, #tpu.memory_space<hbm>>) target_semaphore(%run_scoped3A : memref<!tpu.dma_semaphore, #tpu.memory_space<semaphore_mem>>)
        tpu.wait_dma2 semaphore(%run_scoped3A : memref<!tpu.dma_semaphore, #tpu.memory_space<semaphore_mem>>) src(%arg13 : memref<10016x128xf32, #tpu.memory_space<vmem_shared>>) dst(%arg8 : memref<10016x128xf32, #tpu.memory_space<hbm>>)
        tpu.yield
      }) : () -> ()
    } else {
    }
    return
  }
}

module attributes {stable_mosaic.version = 14 : i64} {
  func.func @_mm1_body(%arg0: i32, %arg1: memref<400x128xf32, #tpu.memory_space<vmem>>, %arg2: memref<128x64xf32, #tpu.memory_space<vmem>>, %arg3: memref<1x64xf32, #tpu.memory_space<vmem>>, %arg4: memref<1x64xf32, #tpu.memory_space<vmem>>, %arg5: memref<64x8xf32, #tpu.memory_space<vmem>>, %arg6: memref<64x8xf32, #tpu.memory_space<vmem>>, %arg7: memref<400x64xf32, #tpu.memory_space<vmem>>, %arg8: memref<400x16xf32, #tpu.memory_space<vmem>>) attributes {dimension_semantics = [#tpu.dimension_semantics<arbitrary>], iteration_bounds = array<i64: 25>, scalar_prefetch = 0 : i64, scratch_operands = 0 : i64, tpu.core_type = #tpu.core_type<tc>, window_params = [{transform_indices = @transform_0, window_bounds = array<i64: 400, 128>}, {pipeline_mode = #tpu.pipeline_mode<synchronous>, transform_indices = @transform_1, window_bounds = array<i64: 128, 64>}, {pipeline_mode = #tpu.pipeline_mode<synchronous>, transform_indices = @transform_2, window_bounds = array<i64: 1, 64>}, {pipeline_mode = #tpu.pipeline_mode<synchronous>, transform_indices = @transform_3, window_bounds = array<i64: 1, 64>}, {pipeline_mode = #tpu.pipeline_mode<synchronous>, transform_indices = @transform_4, window_bounds = array<i64: 64, 8>}, {pipeline_mode = #tpu.pipeline_mode<synchronous>, transform_indices = @transform_5, window_bounds = array<i64: 64, 8>}, {transform_indices = @transform_6, window_bounds = array<i64: 400, 64>}, {transform_indices = @transform_7, window_bounds = array<i64: 400, 16>}]} {
    %get3A = arith.constant 0 : index
    %get3A_0 = arith.constant 0 : index
    %get3A_1 = vector.load %arg1[%get3A, %get3A_0] : memref<400x128xf32, #tpu.memory_space<vmem>>, vector<400x128xf32>
    %get3A_2 = arith.constant 0 : index
    %get3A_3 = arith.constant 0 : index
    %get3A_4 = vector.load %arg2[%get3A_2, %get3A_3] : memref<128x64xf32, #tpu.memory_space<vmem>>, vector<128x64xf32>
    %dot_general3A = arith.constant dense<0.000000e+00> : vector<400x64xf32>
    %dot_general3A_5 = tpu.matmul %get3A_1, %get3A_4, %dot_general3A {dimension_numbers = #tpu.dot_dimension_numbers<[1], [0], [0], [1], [0, 0, 1, 1], [], []>, transpose_lhs_hint = false} : vector<400x128xf32>, vector<128x64xf32>, vector<400x64xf32> -> vector<400x64xf32>
    %swap3A = arith.constant 0 : index
    %swap3A_6 = arith.constant 0 : index
    %swap3A_7 = vector.load %arg7[%swap3A, %swap3A_6] : memref<400x64xf32, #tpu.memory_space<vmem>>, vector<400x64xf32>
    tpu.vector_store %arg7[%swap3A, %swap3A_6], %dot_general3A_5 {strides = array<i32>} : memref<400x64xf32, #tpu.memory_space<vmem>>, vector<400x64xf32>,
    %get3A_8 = arith.constant 0 : index
    %get3A_9 = arith.constant 0 : index
    %get3A_10 = vector.load %arg3[%get3A_8, %get3A_9] : memref<1x64xf32, #tpu.memory_space<vmem>>, vector<1x64xf32>
    %mul3A = vector.broadcast %get3A_10 : vector<1x64xf32> to vector<400x64xf32>
    %mul3A_11 = arith.mulf %dot_general3A_5, %mul3A : vector<400x64xf32>
    %get3A_12 = arith.constant 0 : index
    %get3A_13 = arith.constant 0 : index
    %get3A_14 = vector.load %arg5[%get3A_12, %get3A_13] : memref<64x8xf32, #tpu.memory_space<vmem>>, vector<64x8xf32>
    %dot_general3A_15 = arith.constant dense<0.000000e+00> : vector<400x8xf32>
    %dot_general3A_16 = tpu.matmul %mul3A_11, %get3A_14, %dot_general3A_15 {dimension_numbers = #tpu.dot_dimension_numbers<[1], [0], [0], [1], [0, 0, 1, 1], [], []>, transpose_lhs_hint = false} : vector<400x64xf32>, vector<64x8xf32>, vector<400x8xf32> -> vector<400x8xf32>
    %get3A_17 = arith.constant 0 : index
    %get3A_18 = arith.constant 0 : index
    %get3A_19 = vector.load %arg4[%get3A_17, %get3A_18] : memref<1x64xf32, #tpu.memory_space<vmem>>, vector<1x64xf32>
    %mul3A_20 = vector.broadcast %get3A_19 : vector<1x64xf32> to vector<400x64xf32>
    %mul3A_21 = arith.mulf %dot_general3A_5, %mul3A_20 : vector<400x64xf32>
    %get3A_22 = arith.constant 0 : index
    %get3A_23 = arith.constant 0 : index
    %get3A_24 = vector.load %arg6[%get3A_22, %get3A_23] : memref<64x8xf32, #tpu.memory_space<vmem>>, vector<64x8xf32>
    %dot_general3A_25 = arith.constant dense<0.000000e+00> : vector<400x8xf32>
    %dot_general3A_26 = tpu.matmul %mul3A_21, %get3A_24, %dot_general3A_25 {dimension_numbers = #tpu.dot_dimension_numbers<[1], [0], [0], [1], [0, 0, 1, 1], [], []>, transpose_lhs_hint = false} : vector<400x64xf32>, vector<64x8xf32>, vector<400x8xf32> -> vector<400x8xf32>
    %concatenate3A = tpu.concatenate %dot_general3A_16, %dot_general3A_26 in 1 : vector<400x8xf32>, vector<400x8xf32> -> vector<400x16xf32>
    %swap3A_27 = arith.constant 0 : index
    %swap3A_28 = arith.constant 0 : index
    %swap3A_29 = vector.load %arg8[%swap3A_27, %swap3A_28] : memref<400x16xf32, #tpu.memory_space<vmem>>, vector<400x16xf32>
    tpu.vector_store %arg8[%swap3A_27, %swap3A_28], %concatenate3A {strides = array<i32>} : memref<400x16xf32, #tpu.memory_space<vmem>>, vector<400x16xf32>,
    return
  }
  func.func @transform_0(%arg0: i32) -> (i32, i32) {
    %c0_i32 = arith.constant 0 : i32
    %c0_i32_0 = arith.constant 0 : i32
    return %arg0, %c0_i32 : i32, i32
  }
  func.func @transform_1(%arg0: i32) -> (i32, i32) {
    %c0_i32 = arith.constant 0 : i32
    %c0_i32_0 = arith.constant 0 : i32
    %c0_i32_1 = arith.constant 0 : i32
    return %c0_i32, %c0_i32_0 : i32, i32
  }
  func.func @transform_2(%arg0: i32) -> (i32, i32) {
    %c0_i32 = arith.constant 0 : i32
    %c0_i32_0 = arith.constant 0 : i32
    %c0_i32_1 = arith.constant 0 : i32
    return %c0_i32, %c0_i32_0 : i32, i32
  }
  func.func @transform_3(%arg0: i32) -> (i32, i32) {
    %c0_i32 = arith.constant 0 : i32
    %c0_i32_0 = arith.constant 0 : i32
    %c0_i32_1 = arith.constant 0 : i32
    return %c0_i32, %c0_i32_0 : i32, i32
  }
  func.func @transform_4(%arg0: i32) -> (i32, i32) {
    %c0_i32 = arith.constant 0 : i32
    %c0_i32_0 = arith.constant 0 : i32
    %c0_i32_1 = arith.constant 0 : i32
    return %c0_i32, %c0_i32_0 : i32, i32
  }
  func.func @transform_5(%arg0: i32) -> (i32, i32) {
    %c0_i32 = arith.constant 0 : i32
    %c0_i32_0 = arith.constant 0 : i32
    %c0_i32_1 = arith.constant 0 : i32
    return %c0_i32, %c0_i32_0 : i32, i32
  }
  func.func @transform_6(%arg0: i32) -> (i32, i32) {
    %c0_i32 = arith.constant 0 : i32
    %c0_i32_0 = arith.constant 0 : i32
    return %arg0, %c0_i32 : i32, i32
  }
  func.func @transform_7(%arg0: i32) -> (i32, i32) {
    %c0_i32 = arith.constant 0 : i32
    %c0_i32_0 = arith.constant 0 : i32
    return %arg0, %c0_i32 : i32, i32
  }
}

module attributes {stable_mosaic.version = 14 : i64} {
  func.func @_prep2_body(%arg0: i32, %arg1: memref<400x128xf32, #tpu.memory_space<vmem>>, %arg2: memref<400x128xf32, #tpu.memory_space<vmem>>, %arg3: memref<400x128xf32, #tpu.memory_space<vmem>>, %arg4: memref<400x128xf32, #tpu.memory_space<vmem>>, %arg5: memref<1x64xf32, #tpu.memory_space<vmem>>, %arg6: memref<8x64xf32, #tpu.memory_space<vmem>>, %arg7: memref<64x320xf32, #tpu.memory_space<vmem>>, %arg8: memref<1x320xf32, #tpu.memory_space<vmem>>, %arg9: memref<1x320xf32, #tpu.memory_space<vmem>>, %arg10: memref<320x8xf32, #tpu.memory_space<vmem>>, %arg11: memref<320x8xf32, #tpu.memory_space<vmem>>, %arg12: memref<400x320xf32, #tpu.memory_space<vmem>>, %arg13: memref<400x24xf32, #tpu.memory_space<vmem>>) attributes {dimension_semantics = [#tpu.dimension_semantics<arbitrary>], iteration_bounds = array<i64: 25>, scalar_prefetch = 0 : i64, scratch_operands = 0 : i64, tpu.core_type = #tpu.core_type<tc>, window_params = [{transform_indices = @transform_0, window_bounds = array<i64: 400, 128>}, {transform_indices = @transform_1, window_bounds = array<i64: 400, 128>}, {transform_indices = @transform_2, window_bounds = array<i64: 400, 128>}, {transform_indices = @transform_3, window_bounds = array<i64: 400, 128>}, {pipeline_mode = #tpu.pipeline_mode<synchronous>, transform_indices = @transform_4, window_bounds = array<i64: 1, 64>}, {pipeline_mode = #tpu.pipeline_mode<synchronous>, transform_indices = @transform_5, window_bounds = array<i64: 8, 64>}, {pipeline_mode = #tpu.pipeline_mode<synchronous>, transform_indices = @transform_6, window_bounds = array<i64: 64, 320>}, {pipeline_mode = #tpu.pipeline_mode<synchronous>, transform_indices = @transform_7, window_bounds = array<i64: 1, 320>}, {pipeline_mode = #tpu.pipeline_mode<synchronous>, transform_indices = @transform_8, window_bounds = array<i64: 1, 320>}, {pipeline_mode = #tpu.pipeline_mode<synchronous>, transform_indices = @transform_9, window_bounds = array<i64: 320, 8>}, {pipeline_mode = #tpu.pipeline_mode<synchronous>, transform_indices = @transform_10, window_bounds = array<i64: 320, 8>}, {transform_indices = @transform_11, window_bounds = array<i64: 400, 320>}, {transform_indices = @transform_12, window_bounds = array<i64: 400, 24>}]} {
    %get3A = arith.constant 0 : index
    %get3A_0 = arith.constant 0 : index
    %get3A_1 = vector.load %arg3[%get3A, %get3A_0] : memref<400x128xf32, #tpu.memory_space<vmem>>, vector<400x128xf32>
    %get3A_2 = arith.constant 0 : index
    %get3A_3 = arith.constant 0 : index
    %get3A_4 = vector.load %arg4[%get3A_2, %get3A_3] : memref<400x128xf32, #tpu.memory_space<vmem>>, vector<400x128xf32>
    %add3A = arith.addf %get3A_1, %get3A_4 : vector<400x128xf32>
    %slice3A = vector.extract_strided_slice %add3A {offsets = [0, 0], sizes = [400, 8], strides = [1, 1]} : vector<400x128xf32> to vector<400x8xf32>
    %add3A_5 = arith.constant 1.000000e-16 : f32
    %add3A_6 = vector.broadcast %add3A_5 : f32 to vector<400x8xf32>
    %add3A_7 = arith.addf %slice3A, %add3A_6 : vector<400x8xf32>
    %div3A = arith.constant 1.000000e+00 : f32
    %div3A_8 = vector.broadcast %div3A : f32 to vector<400x8xf32>
    %div3A_9 = arith.divf %div3A_8, %add3A_7 : vector<400x8xf32>
    %get3A_10 = arith.constant 0 : index
    %get3A_11 = arith.constant 0 : index
    %get3A_12 = vector.load %arg1[%get3A_10, %get3A_11] : memref<400x128xf32, #tpu.memory_space<vmem>>, vector<400x128xf32>
    %get3A_13 = arith.constant 0 : index
    %get3A_14 = arith.constant 0 : index
    %get3A_15 = vector.load %arg2[%get3A_13, %get3A_14] : memref<400x128xf32, #tpu.memory_space<vmem>>, vector<400x128xf32>
    %add3A_16 = arith.addf %get3A_12, %get3A_15 : vector<400x128xf32>
    %slice3A_17 = vector.extract_strided_slice %add3A_16 {offsets = [0, 0], sizes = [400, 64], strides = [1, 1]} : vector<400x128xf32> to vector<400x64xf32>
    %get3A_18 = arith.constant 0 : index
    %get3A_19 = arith.constant 0 : index
    %get3A_20 = vector.load %arg6[%get3A_18, %get3A_19] : memref<8x64xf32, #tpu.memory_space<vmem>>, vector<8x64xf32>
    %dot_general3A = arith.constant dense<0.000000e+00> : vector<400x64xf32>
    %dot_general3A_21 = tpu.matmul %div3A_9, %get3A_20, %dot_general3A {dimension_numbers = #tpu.dot_dimension_numbers<[1], [0], [0], [1], [0, 0, 1, 1], [], []>, transpose_lhs_hint = false} : vector<400x8xf32>, vector<8x64xf32>, vector<400x64xf32> -> vector<400x64xf32>
    %mul3A = arith.mulf %slice3A_17, %dot_general3A_21 : vector<400x64xf32>
    %get3A_22 = arith.constant 0 : index
    %get3A_23 = arith.constant 0 : index
    %get3A_24 = vector.load %arg5[%get3A_22, %get3A_23] : memref<1x64xf32, #tpu.memory_space<vmem>>, vector<1x64xf32>
    %add3A_25 = vector.broadcast %get3A_24 : vector<1x64xf32> to vector<400x64xf32>
    %add3A_26 = arith.addf %mul3A, %add3A_25 : vector<400x64xf32>
    %gt3A = arith.constant 0.000000e+00 : f32
    %gt3A_27 = vector.broadcast %gt3A : f32 to vector<400x64xf32>
    %gt3A_28 = arith.cmpf ogt, %add3A_26, %gt3A_27 : vector<400x64xf32>
    %exp3A = math.exp %add3A_26 : vector<400x64xf32>
    %sub3A = arith.constant 1.000000e+00 : f32
    %sub3A_29 = vector.broadcast %sub3A : f32 to vector<400x64xf32>
    %sub3A_30 = arith.subf %exp3A, %sub3A_29 : vector<400x64xf32>
    %select_n3A = arith.select %gt3A_28, %add3A_26, %sub3A_30 : vector<400x64xi1>, vector<400x64xf32>
    %get3A_31 = arith.constant 0 : index
    %get3A_32 = arith.constant 0 : index
    %get3A_33 = vector.load %arg7[%get3A_31, %get3A_32] : memref<64x320xf32, #tpu.memory_space<vmem>>, vector<64x320xf32>
    %dot_general3A_34 = arith.constant dense<0.000000e+00> : vector<400x320xf32>
    %dot_general3A_35 = tpu.matmul %select_n3A, %get3A_33, %dot_general3A_34 {dimension_numbers = #tpu.dot_dimension_numbers<[1], [0], [0], [1], [0, 0, 1, 1], [], []>, transpose_lhs_hint = false} : vector<400x64xf32>, vector<64x320xf32>, vector<400x320xf32> -> vector<400x320xf32>
    %swap3A = arith.constant 0 : index
    %swap3A_36 = arith.constant 0 : index
    %swap3A_37 = vector.load %arg12[%swap3A, %swap3A_36] : memref<400x320xf32, #tpu.memory_space<vmem>>, vector<400x320xf32>
    tpu.vector_store %arg12[%swap3A, %swap3A_36], %dot_general3A_35 {strides = array<i32>} : memref<400x320xf32, #tpu.memory_space<vmem>>, vector<400x320xf32>,
    %get3A_38 = arith.constant 0 : index
    %get3A_39 = arith.constant 0 : index
    %get3A_40 = vector.load %arg8[%get3A_38, %get3A_39] : memref<1x320xf32, #tpu.memory_space<vmem>>, vector<1x320xf32>
    %mul3A_41 = vector.broadcast %get3A_40 : vector<1x320xf32> to vector<400x320xf32>
    %mul3A_42 = arith.mulf %dot_general3A_35, %mul3A_41 : vector<400x320xf32>
    %get3A_43 = arith.constant 0 : index
    %get3A_44 = arith.constant 0 : index
    %get3A_45 = vector.load %arg10[%get3A_43, %get3A_44] : memref<320x8xf32, #tpu.memory_space<vmem>>, vector<320x8xf32>
    %dot_general3A_46 = arith.constant dense<0.000000e+00> : vector<400x8xf32>
    %dot_general3A_47 = tpu.matmul %mul3A_42, %get3A_45, %dot_general3A_46 {dimension_numbers = #tpu.dot_dimension_numbers<[1], [0], [0], [1], [0, 0, 1, 1], [], []>, transpose_lhs_hint = false} : vector<400x320xf32>, vector<320x8xf32>, vector<400x8xf32> -> vector<400x8xf32>
    %get3A_48 = arith.constant 0 : index
    %get3A_49 = arith.constant 0 : index
    %get3A_50 = vector.load %arg9[%get3A_48, %get3A_49] : memref<1x320xf32, #tpu.memory_space<vmem>>, vector<1x320xf32>
    %mul3A_51 = vector.broadcast %get3A_50 : vector<1x320xf32> to vector<400x320xf32>
    %mul3A_52 = arith.mulf %dot_general3A_35, %mul3A_51 : vector<400x320xf32>
    %get3A_53 = arith.constant 0 : index
    %get3A_54 = arith.constant 0 : index
    %get3A_55 = vector.load %arg11[%get3A_53, %get3A_54] : memref<320x8xf32, #tpu.memory_space<vmem>>, vector<320x8xf32>
    %dot_general3A_56 = arith.constant dense<0.000000e+00> : vector<400x8xf32>
    %dot_general3A_57 = tpu.matmul %mul3A_52, %get3A_55, %dot_general3A_56 {dimension_numbers = #tpu.dot_dimension_numbers<[1], [0], [0], [1], [0, 0, 1, 1], [], []>, transpose_lhs_hint = false} : vector<400x320xf32>, vector<320x8xf32>, vector<400x8xf32> -> vector<400x8xf32>
    %concatenate3A = tpu.concatenate %dot_general3A_47, %dot_general3A_57, %div3A_9 in 1 : vector<400x8xf32>, vector<400x8xf32>, vector<400x8xf32> -> vector<400x24xf32>
    %swap3A_58 = arith.constant 0 : index
    %swap3A_59 = arith.constant 0 : index
    %swap3A_60 = vector.load %arg13[%swap3A_58, %swap3A_59] : memref<400x24xf32, #tpu.memory_space<vmem>>, vector<400x24xf32>
    tpu.vector_store %arg13[%swap3A_58, %swap3A_59], %concatenate3A {strides = array<i32>} : memref<400x24xf32, #tpu.memory_space<vmem>>, vector<400x24xf32>,
    return
  }
  func.func @transform_0(%arg0: i32) -> (i32, i32) {
    %c0_i32 = arith.constant 0 : i32
    %c0_i32_0 = arith.constant 0 : i32
    return %arg0, %c0_i32 : i32, i32
  }
  func.func @transform_1(%arg0: i32) -> (i32, i32) {
    %c0_i32 = arith.constant 0 : i32
    %c0_i32_0 = arith.constant 0 : i32
    return %arg0, %c0_i32 : i32, i32
  }
  func.func @transform_2(%arg0: i32) -> (i32, i32) {
    %c0_i32 = arith.constant 0 : i32
    %c0_i32_0 = arith.constant 0 : i32
    return %arg0, %c0_i32 : i32, i32
  }
  func.func @transform_3(%arg0: i32) -> (i32, i32) {
    %c0_i32 = arith.constant 0 : i32
    %c0_i32_0 = arith.constant 0 : i32
    return %arg0, %c0_i32 : i32, i32
  }
  func.func @transform_4(%arg0: i32) -> (i32, i32) {
    %c0_i32 = arith.constant 0 : i32
    %c0_i32_0 = arith.constant 0 : i32
    %c0_i32_1 = arith.constant 0 : i32
    return %c0_i32, %c0_i32_0 : i32, i32
  }
  func.func @transform_5(%arg0: i32) -> (i32, i32) {
    %c0_i32 = arith.constant 0 : i32
    %c0_i32_0 = arith.constant 0 : i32
    %c0_i32_1 = arith.constant 0 : i32
    return %c0_i32, %c0_i32_0 : i32, i32
  }
  func.func @transform_6(%arg0: i32) -> (i32, i32) {
    %c0_i32 = arith.constant 0 : i32
    %c0_i32_0 = arith.constant 0 : i32
    %c0_i32_1 = arith.constant 0 : i32
    return %c0_i32, %c0_i32_0 : i32, i32
  }
  func.func @transform_7(%arg0: i32) -> (i32, i32) {
    %c0_i32 = arith.constant 0 : i32
    %c0_i32_0 = arith.constant 0 : i32
    %c0_i32_1 = arith.constant 0 : i32
    return %c0_i32, %c0_i32_0 : i32, i32
  }
  func.func @transform_8(%arg0: i32) -> (i32, i32) {
    %c0_i32 = arith.constant 0 : i32
    %c0_i32_0 = arith.constant 0 : i32
    %c0_i32_1 = arith.constant 0 : i32
    return %c0_i32, %c0_i32_0 : i32, i32
  }
  func.func @transform_9(%arg0: i32) -> (i32, i32) {
    %c0_i32 = arith.constant 0 : i32
    %c0_i32_0 = arith.constant 0 : i32
    %c0_i32_1 = arith.constant 0 : i32
    return %c0_i32, %c0_i32_0 : i32, i32
  }
  func.func @transform_10(%arg0: i32) -> (i32, i32) {
    %c0_i32 = arith.constant 0 : i32
    %c0_i32_0 = arith.constant 0 : i32
    %c0_i32_1 = arith.constant 0 : i32
    return %c0_i32, %c0_i32_0 : i32, i32
  }
  func.func @transform_11(%arg0: i32) -> (i32, i32) {
    %c0_i32 = arith.constant 0 : i32
    %c0_i32_0 = arith.constant 0 : i32
    return %arg0, %c0_i32 : i32, i32
  }
  func.func @transform_12(%arg0: i32) -> (i32, i32) {
    %c0_i32 = arith.constant 0 : i32
    %c0_i32_0 = arith.constant 0 : i32
    return %arg0, %c0_i32 : i32, i32
  }
}

module attributes {stable_mosaic.version = 14 : i64} {
  func.func @_final_body(%arg0: i32, %arg1: memref<400x128xf32, #tpu.memory_space<vmem>>, %arg2: memref<400x128xf32, #tpu.memory_space<vmem>>, %arg3: memref<400x128xf32, #tpu.memory_space<vmem>>, %arg4: memref<400x128xf32, #tpu.memory_space<vmem>>, %arg5: memref<400x128xf32, #tpu.memory_space<vmem>>, %arg6: memref<400x128xf32, #tpu.memory_space<vmem>>, %arg7: memref<400x128xf32, #tpu.memory_space<vmem>>, %arg8: memref<400x128xf32, #tpu.memory_space<vmem>>, %arg9: memref<1x320xf32, #tpu.memory_space<vmem>>, %arg10: memref<8x320xf32, #tpu.memory_space<vmem>>, %arg11: memref<400x320xf32, #tpu.memory_space<vmem>>) attributes {dimension_semantics = [#tpu.dimension_semantics<arbitrary>], iteration_bounds = array<i64: 25>, scalar_prefetch = 0 : i64, scratch_operands = 0 : i64, tpu.core_type = #tpu.core_type<tc>, window_params = [{transform_indices = @transform_0, window_bounds = array<i64: 400, 128>}, {transform_indices = @transform_1, window_bounds = array<i64: 400, 128>}, {transform_indices = @transform_2, window_bounds = array<i64: 400, 128>}, {transform_indices = @transform_3, window_bounds = array<i64: 400, 128>}, {transform_indices = @transform_4, window_bounds = array<i64: 400, 128>}, {transform_indices = @transform_5, window_bounds = array<i64: 400, 128>}, {transform_indices = @transform_6, window_bounds = array<i64: 400, 128>}, {transform_indices = @transform_7, window_bounds = array<i64: 400, 128>}, {pipeline_mode = #tpu.pipeline_mode<synchronous>, transform_indices = @transform_8, window_bounds = array<i64: 1, 320>}, {pipeline_mode = #tpu.pipeline_mode<synchronous>, transform_indices = @transform_9, window_bounds = array<i64: 8, 320>}, {transform_indices = @transform_10, window_bounds = array<i64: 400, 320>}]} {
    %get3A = arith.constant 0 : index
    %get3A_0 = arith.constant 0 : index
    %get3A_1 = vector.load %arg7[%get3A, %get3A_0] : memref<400x128xf32, #tpu.memory_space<vmem>>, vector<400x128xf32>
    %get3A_2 = arith.constant 0 : index
    %get3A_3 = arith.constant 0 : index
    %get3A_4 = vector.load %arg8[%get3A_2, %get3A_3] : memref<400x128xf32, #tpu.memory_space<vmem>>, vector<400x128xf32>
    %add3A = arith.addf %get3A_1, %get3A_4 : vector<400x128xf32>
    %slice3A = vector.extract_strided_slice %add3A {offsets = [0, 0], sizes = [400, 8], strides = [1, 1]} : vector<400x128xf32> to vector<400x8xf32>
    %add3A_5 = arith.constant 1.000000e-16 : f32
    %add3A_6 = vector.broadcast %add3A_5 : f32 to vector<400x8xf32>
    %add3A_7 = arith.addf %slice3A, %add3A_6 : vector<400x8xf32>
    %div3A = arith.constant 1.000000e+00 : f32
    %div3A_8 = vector.broadcast %div3A : f32 to vector<400x8xf32>
    %div3A_9 = arith.divf %div3A_8, %add3A_7 : vector<400x8xf32>
    %get3A_10 = arith.constant 0 : index
    %get3A_11 = arith.constant 0 : index
    %get3A_12 = vector.load %arg1[%get3A_10, %get3A_11] : memref<400x128xf32, #tpu.memory_space<vmem>>, vector<400x128xf32>
    %get3A_13 = arith.constant 0 : index
    %get3A_14 = arith.constant 0 : index
    %get3A_15 = vector.load %arg2[%get3A_13, %get3A_14] : memref<400x128xf32, #tpu.memory_space<vmem>>, vector<400x128xf32>
    %add3A_16 = arith.addf %get3A_12, %get3A_15 : vector<400x128xf32>
    %get3A_17 = arith.constant 0 : index
    %get3A_18 = arith.constant 0 : index
    %get3A_19 = vector.load %arg3[%get3A_17, %get3A_18] : memref<400x128xf32, #tpu.memory_space<vmem>>, vector<400x128xf32>
    %get3A_20 = arith.constant 0 : index
    %get3A_21 = arith.constant 0 : index
    %get3A_22 = vector.load %arg4[%get3A_20, %get3A_21] : memref<400x128xf32, #tpu.memory_space<vmem>>, vector<400x128xf32>
    %add3A_23 = arith.addf %get3A_19, %get3A_22 : vector<400x128xf32>
    %get3A_24 = arith.constant 0 : index
    %get3A_25 = arith.constant 0 : index
    %get3A_26 = vector.load %arg5[%get3A_24, %get3A_25] : memref<400x128xf32, #tpu.memory_space<vmem>>, vector<400x128xf32>
    %get3A_27 = arith.constant 0 : index
    %get3A_28 = arith.constant 0 : index
    %get3A_29 = vector.load %arg6[%get3A_27, %get3A_28] : memref<400x128xf32, #tpu.memory_space<vmem>>, vector<400x128xf32>
    %add3A_30 = arith.addf %get3A_26, %get3A_29 : vector<400x128xf32>
    %slice3A_31 = vector.extract_strided_slice %add3A_30 {offsets = [0, 0], sizes = [400, 64], strides = [1, 1]} : vector<400x128xf32> to vector<400x64xf32>
    %concatenate3A = tpu.concatenate %add3A_16, %add3A_23, %slice3A_31 in 1 : vector<400x128xf32>, vector<400x128xf32>, vector<400x64xf32> -> vector<400x320xf32>
    %get3A_32 = arith.constant 0 : index
    %get3A_33 = arith.constant 0 : index
    %get3A_34 = vector.load %arg10[%get3A_32, %get3A_33] : memref<8x320xf32, #tpu.memory_space<vmem>>, vector<8x320xf32>
    %dot_general3A = arith.constant dense<0.000000e+00> : vector<400x320xf32>
    %dot_general3A_35 = tpu.matmul %div3A_9, %get3A_34, %dot_general3A {dimension_numbers = #tpu.dot_dimension_numbers<[1], [0], [0], [1], [0, 0, 1, 1], [], []>, transpose_lhs_hint = false} : vector<400x8xf32>, vector<8x320xf32>, vector<400x320xf32> -> vector<400x320xf32>
    %mul3A = arith.mulf %concatenate3A, %dot_general3A_35 : vector<400x320xf32>
    %get3A_36 = arith.constant 0 : index
    %get3A_37 = arith.constant 0 : index
    %get3A_38 = vector.load %arg9[%get3A_36, %get3A_37] : memref<1x320xf32, #tpu.memory_space<vmem>>, vector<1x320xf32>
    %add3A_39 = vector.broadcast %get3A_38 : vector<1x320xf32> to vector<400x320xf32>
    %add3A_40 = arith.addf %mul3A, %add3A_39 : vector<400x320xf32>
    %reduce_max3A = arith.constant dense<0xFF800000> : vector<400xf32>
    %reduce_max3A_41 = vector.multi_reduction <maximumf>, %add3A_40, %reduce_max3A [1] : vector<400x320xf32> to vector<400xf32>
    %broadcast_in_dim3A = vector.shape_cast %reduce_max3A_41 : vector<400xf32> to vector<400x1xf32>
    %sub3A = vector.broadcast %broadcast_in_dim3A : vector<400x1xf32> to vector<400x320xf32>
    %sub3A_42 = arith.subf %add3A_40, %sub3A : vector<400x320xf32>
    %exp3A = math.exp %sub3A_42 : vector<400x320xf32>
    %reduce_sum3A = arith.constant dense<0.000000e+00> : vector<400xf32>
    %reduce_sum3A_43 = vector.multi_reduction <add>, %exp3A, %reduce_sum3A [1] : vector<400x320xf32> to vector<400xf32>
    %broadcast_in_dim3A_44 = vector.shape_cast %reduce_sum3A_43 : vector<400xf32> to vector<400x1xf32>
    %log3A = math.log %broadcast_in_dim3A_44 : vector<400x1xf32>
    %add3A_45 = arith.addf %broadcast_in_dim3A, %log3A : vector<400x1xf32>
    %sub3A_46 = vector.broadcast %add3A_45 : vector<400x1xf32> to vector<400x320xf32>
    %sub3A_47 = arith.subf %add3A_40, %sub3A_46 : vector<400x320xf32>
    %swap3A = arith.constant 0 : index
    %swap3A_48 = arith.constant 0 : index
    %swap3A_49 = vector.load %arg11[%swap3A, %swap3A_48] : memref<400x320xf32, #tpu.memory_space<vmem>>, vector<400x320xf32>
    tpu.vector_store %arg11[%swap3A, %swap3A_48], %sub3A_47 {strides = array<i32>} : memref<400x320xf32, #tpu.memory_space<vmem>>, vector<400x320xf32>,
    return
  }
  func.func @transform_0(%arg0: i32) -> (i32, i32) {
    %c0_i32 = arith.constant 0 : i32
    %c0_i32_0 = arith.constant 0 : i32
    return %arg0, %c0_i32 : i32, i32
  }
  func.func @transform_1(%arg0: i32) -> (i32, i32) {
    %c0_i32 = arith.constant 0 : i32
    %c0_i32_0 = arith.constant 0 : i32
    return %arg0, %c0_i32 : i32, i32
  }
  func.func @transform_2(%arg0: i32) -> (i32, i32) {
    %c0_i32 = arith.constant 0 : i32
    %c0_i32_0 = arith.constant 0 : i32
    return %arg0, %c0_i32 : i32, i32
  }
  func.func @transform_3(%arg0: i32) -> (i32, i32) {
    %c0_i32 = arith.constant 0 : i32
    %c0_i32_0 = arith.constant 0 : i32
    return %arg0, %c0_i32 : i32, i32
  }
  func.func @transform_4(%arg0: i32) -> (i32, i32) {
    %c0_i32 = arith.constant 0 : i32
    %c0_i32_0 = arith.constant 0 : i32
    return %arg0, %c0_i32 : i32, i32
  }
  func.func @transform_5(%arg0: i32) -> (i32, i32) {
    %c0_i32 = arith.constant 0 : i32
    %c0_i32_0 = arith.constant 0 : i32
    return %arg0, %c0_i32 : i32, i32
  }
  func.func @transform_6(%arg0: i32) -> (i32, i32) {
    %c0_i32 = arith.constant 0 : i32
    %c0_i32_0 = arith.constant 0 : i32
    return %arg0, %c0_i32 : i32, i32
  }
  func.func @transform_7(%arg0: i32) -> (i32, i32) {
    %c0_i32 = arith.constant 0 : i32
    %c0_i32_0 = arith.constant 0 : i32
    return %arg0, %c0_i32 : i32, i32
  }
  func.func @transform_8(%arg0: i32) -> (i32, i32) {
    %c0_i32 = arith.constant 0 : i32
    %c0_i32_0 = arith.constant 0 : i32
    %c0_i32_1 = arith.constant 0 : i32
    return %c0_i32, %c0_i32_0 : i32, i32
  }
  func.func @transform_9(%arg0: i32) -> (i32, i32) {
    %c0_i32 = arith.constant 0 : i32
    %c0_i32_0 = arith.constant 0 : i32
    %c0_i32_1 = arith.constant 0 : i32
    return %c0_i32, %c0_i32_0 : i32, i32
  }
  func.func @transform_10(%arg0: i32) -> (i32, i32) {
    %c0_i32 = arith.constant 0 : i32
    %c0_i32_0 = arith.constant 0 : i32
    return %arg0, %c0_i32 : i32, i32
  }
}

</mosaic_0001>

<sc_bundles>
// kernel: kernel.12.cloned.1.call-start
scs
__scs_entry_jumppad:
0x0: {  	(pc) =	sbr.rel $0x88, $3  }
0x1: {  	(tag) =	ssettag $0x0;
	lr =	simm.s32 $0x1  }
0x2: {  	[smem:$0x3F97] =	sst lr;
	_ =	strace $0xD0000000  }
0x3: {  	_ = 	snop  }
0x4: {  	_ = 	snop  }
0x5: {  	_ = 	snop  }
0x6: {  	_ = 	snop  }
0x7: {  	_ = 	snop  }
__scs_overlays_trampoline_lowered:
0x8: {  	[smem:$0x3FA6] =	sst s0  }
0x9: {  	[smem:$0x3FA7] =	sst s1  }
0xa: {  	[smem:$0x3FA8] =	sst s2  }
0xb: {  	[smem:$0x3FA9] =	sst s3  }
0xc: {  	[smem:$0x3FAA] =	sst s4  }
0xd: {  	[smem:$0x3FAB] =	sst s5  }
0xe: {  	[smem:$0x3FAC] =	sst s6  }
0xf: {  	[smem:$0x3FAD] =	sst s7  }
0x10: {  	[smem:$0x3FAE] =	sst s8  }
0x11: {  	[smem:$0x3FAF] =	sst s9;
	s0 =	simm.s32 @!p0 $0x0  }
0x12: {  	s1 =	sld [smem:$0x3F95];
	s0 =	simm.s32 @p0 $0x1  }
0x13: {  	[smem:$0x3FB0] =	sst s0;
	s0 =	simm.s32 @!p1 $0x0  }
0x14: {  	s2 =	sld [smem:$0x3F94];
	s0 =	simm.s32 @p1 $0x1  }
0x15: {  	[smem:$0x3FB1] =	sst s0;
	s0 =	simm.s32 @!p2 $0x0  }
0x16: {  	s3 =	sld [smem:$0x3FDB];
	s0 =	simm.s32 @p2 $0x1  }
0x17: {  	s4 =	simm.s32 $0x1BF5;
	[smem:$0x3FB3] =	sst s0  }
0x18: {  	s0 =	sld [smem:$0x3F96];
	_ =	swait.ge [sflag:s4], $0x0  }
0x19: {  	s7 =	sld [smem:$0x3F97]  }
0x1a: {  	s8 =	sadd.s32 $0xFFFFE003, lr  }
0x1b: {  	s9 =	sadd.s32 $0xFFFFFEF7, lr;
	s5 =	simm.s32 $0xFFFFFFFF;
	p2 =	slt.u32 s8, $0xFFFFF086  }
0x1c: {  	p1 =	slt.u32 s9, $0xF7A;
	s5 =	simm.s32 @!p2 $0x0  }
0x1d: {  	s5 =	simm.s32 @p1 $0x1;
	p0 =	seq.s32 s7, s2  }
0x1e: {  	s7 =	smul.u32 @!p0 $0xF7A, s2;
	p2 =	seq.s32 @!p0 s5, $0x0  }
0x1f: {  	s9 =	smul.u32 $0xF7A, s1;
	s8 =	simm.s32 @!p0 $0x1BF5;
	p2 =	por !p2, p0  }
0x20: {  	[sflag:s8] =	ssyncset.s32 @!p0 $0xFFFFF086;
	s6 =	sadd.s32 @!p0 s3, s7;
	s7 =	simm.s32 @!p0 $0x108  }
0x21: {  	s3 =	sadd.s32 s3, s9;
	s6 =	sadd.s32 @!p0 $0x88, s6;
	s7 =	simm.s32 @p2 $0x1082  }
0x22: {  	[simem:s7], [sflag:s8] =	dma.local @!p0 [hbm:s6], $0xF7A  }
0x23: {  	s9 =	sor.u32 $0xD0000000, s2;
	s6 =	simm.s32 $0x108;
	_ =	swait.ge @!p0 [sflag:s8], $0x0  }
0x24: {  	s3 =	sadd.s32 $0x88, s3;
	s6 =	simm.s32 @!p1 $0x1082;
	[sflag:s4] =	ssyncset.s32 $0xFFFFF086  }
0x25: {  	[simem:s6], [sflag:s4] =	dma.local [hbm:s3], $0xF7A  }
0x26: {  	[smem:$0x3F97] =	sst s1;
	(tag) =	ssettag s2;
	_ =	strace s9  }
0x27: {  	s1 =	sld [smem:$0x3FA7]  }
0x28: {  	s2 =	sld [smem:$0x3FA8]  }
0x29: {  	s4 =	sld [smem:$0x3FAA]  }
0x2a: {  	p0 =	seq.s32 s5, $0x0;
	s5 =	sld [smem:$0x3FAB]  }
0x2b: {  	s6 =	sld [smem:$0x3FAC]  }
0x2c: {  	s7 =	sld [smem:$0x3FAD]  }
0x2d: {  	s3 =	simm.s32 $0x108;
	s8 =	sld [smem:$0x3FAE]  }
0x2e: {  	s3 =	simm.s32 @!p0 $0x1082;
	s9 =	sld [smem:$0x3FAF]  }
0x2f: {  	lr =	sadd.s32 s0, s3;
	s0 =	sld [smem:$0x3FA6]  }
0x30: {  	s3 =	sld [smem:$0x3FA9]  }
0x31: {  	[smem:$0x3FB2] =	sst s10  }
0x32: {  	s10 =	sld [smem:$0x3FB0];
	_ =	sdelay $0x3  }
0x33: {  	p0 =	seq.s32 s10, $0x1;
	s10 =	sld [smem:$0x3FB2];
	_ =	sdelay $0x3  }
0x34: {  	[smem:$0x3FB2] =	sst s10  }
0x35: {  	s10 =	sld [smem:$0x3FB1];
	_ =	sdelay $0x3  }
0x36: {  	p1 =	seq.s32 s10, $0x1;
	s10 =	sld [smem:$0x3FB2];
	_ =	sdelay $0x3  }
0x37: {  	[smem:$0x3FB2] =	sst s10  }
0x38: {  	s10 =	sld [smem:$0x3FB3]  }
0x39: {  	_ = 	snop;
	(pc) =	sbr.ind lr, $3  }
0x3a: {  	_ = 	snop  }
0x3b: {  	_ = 	snop  }
0x3c: {  	p2 =	seq.s32 s10, $0x1;
	s10 =	sld [smem:$0x3FB2]  }
0x3d: {  	_ =	shalt  }
0x3e: {  	_ =	shalt  }
0x3f: {  	_ =	shalt  }
0x40: {  	_ =	shalt  }
0x41: {  	_ =	shalt  }
0x42: {  	_ =	shalt  }
0x43: {  	_ =	shalt  }
0x44: {  	_ =	shalt  }
0x45: {  	_ =	shalt  }
0x46: {  	_ =	shalt  }
0x47: {  	_ =	shalt  }
0x48: {  	_ =	shalt  }
0x49: {  	_ =	shalt  }
0x4a: {  	_ =	shalt  }
0x4b: {  	_ =	shalt  }
0x4c: {  	_ =	shalt  }
0x4d: {  	_ =	shalt  }
0x4e: {  	_ =	shalt  }
0x4f: {  	_ =	shalt  }
0x50: {  	_ =	shalt  }
0x51: {  	_ =	shalt  }
0x52: {  	_ =	shalt  }
0x53: {  	_ =	shalt  }
0x54: {  	_ =	shalt  }
0x55: {  	_ =	shalt  }
0x56: {  	_ =	shalt  }
0x57: {  	_ =	shalt  }
0x58: {  	_ =	shalt  }
0x59: {  	_ =	shalt  }
0x5a: {  	_ =	shalt  }
0x5b: {  	_ =	shalt  }
0x5c: {  	_ =	shalt  }
0x5d: {  	_ =	shalt  }
0x5e: {  	_ =	shalt  }
0x5f: {  	_ =	shalt  }
0x60: {  	_ =	shalt  }
0x61: {  	_ =	shalt  }
0x62: {  	_ =	shalt  }
0x63: {  	_ =	shalt  }
0x64: {  	_ =	shalt  }
0x65: {  	_ =	shalt  }
0x66: {  	_ =	shalt  }
0x67: {  	_ =	shalt  }
0x68: {  	_ =	shalt  }
0x69: {  	_ =	shalt  }
0x6a: {  	_ =	shalt  }
0x6b: {  	_ =	shalt  }
0x6c: {  	_ =	shalt  }
0x6d: {  	_ =	shalt  }
0x6e: {  	_ =	shalt  }
0x6f: {  	_ =	shalt  }
0x70: {  	_ =	shalt  }
0x71: {  	_ =	shalt  }
0x72: {  	_ =	shalt  }
0x73: {  	_ =	shalt  }
0x74: {  	_ =	shalt  }
0x75: {  	_ =	shalt  }
0x76: {  	_ =	shalt  }
0x77: {  	_ =	shalt  }
0x78: {  	_ =	shalt  }
0x79: {  	_ =	shalt  }
0x7a: {  	_ =	shalt  }
0x7b: {  	_ =	shalt  }
0x7c: {  	_ =	shalt  }
0x7d: {  	_ =	shalt  }
0x7e: {  	_ =	shalt  }
0x7f: {  	_ =	shalt  }
0x80: {  	_ =	shalt  }
0x81: {  	_ =	shalt  }
0x82: {  	_ =	shalt  }
0x83: {  	_ =	shalt  }
0x84: {  	_ =	shalt  }
0x85: {  	_ =	shalt  }
0x86: {  	_ =	shalt  }
0x87: {  	_ =	shalt  }
.Lfunc_end0:
.L_simem_size_0:
called_computation_lowered:
.L_overlay_start_0:
0x88: {  	s2 =	sld [smem:$0x3FD9]  }
0x89: {  	s3 =	sld [smem:$0x3FFE];
	_ =	sdelay $0x1  }
0x8a: {  	s1 =	srdreg.scid  }
0x8b: {  	s0 =	sand.u32 $0x1, s1  }
0x8c: {  	s14 =	sshll.u32 s0, $0xA;
	s2 =	sadd.s32 s3, s2  }
0x8d: {  	s2 =	sadd.s32 s2, s14  }
0x8e: {  	[smem:$0x3FBE] =	sst s2  }
0x8f: {  	_ = 	snop  }
0x90: {  	s2 =	sld [smem:$0x3FD0];
	_ =	sdelay $0x2  }
0x91: {  	s15 =	simm.s32 $0xD;
	s4 =	simm.s32 $0x10  }
0x92: {  	[smem:s4], [sflag:s15] =	dma.local [hbm:s2], $0x1  }
0x93: {  	_ =	swait.eq [sflag:s15], $0x1  }
0x94: {  	[sflag:s15] =	ssyncset.done $0x0  }
0x95: {  	s16 =	sld [smem:$0x10];
	[sflag:s15] =	ssyncadd.s32 $0xFFFFFFFF  }
0x96: {  	s17 =	sld [smem:$0x11];
	(tm) =	ssettm $0x1  }
0x97: {  	s18 =	sld [smem:$0x3FFB];
	_ =	sdelay $0x3  }
0x98: {  	_ =	strace s18  }
0x99: {  	s4 =	sld [smem:$0x3FFC];
	_ =	sdelay $0x3  }
0x9a: {  	_ =	strace s4  }
0x9b: {  	s4 =	sld [smem:$0x3FFD];
	_ =	sdelay $0x3  }
0x9c: {  	_ =	strace s4  }
0x9d: {  	_ =	strace $0x8FFFFFFF  }
0x9e: {  	s19 =	sld [smem:$0x3FDB];
	_ =	sdelay $0x1  }
0x9f: {  	s5 =	simm.s32 $_scs_section_size  }
0xa0: {  	s6 =	simm.s32 $_size__tile_overlayer_lowered;
	s7 =	simm.s32 $_tile_overlayer_lowered  }
0xa1: {  	s22 =	simm.s32 $0x1BFF;
	s21 =	sshll.u32 s7, $0x1;
	s4 =	sadd.s32 s5, s19  }
0xa2: {  	s8 =	simm.s32 $0x0;
	s20 =	sshll.u32 s6, $0x1;
	s6 =	sadd.s32 s21, s4  }
0xa3: {  	[timem:s8], [sflag:s22] =	dma.local [hbm:s6], s20  }
0xa4: {  	_ =	swait.ge [sflag:s22], s20  }
0xa5: {  	s5 =	ssub.s32 $0x0, s20;
	[sflag:s22] =	ssyncset.done $0x0  }
0xa6: {  	[sflag:s22] =	ssyncadd.s32 s5;
	_ =	sdelay $0x1  }
0xa7: {  	s23 =	simm.s32 $0x1B8B  }
0xa8: {  	_ =	swait.ge [sflag:s23], $0x1  }
0xa9: {  	[sflag:s23] =	ssyncset.done $0x0  }
0xaa: {  	s25 =	simm.s32 $0x1B8E;
	s24 =	sld [smem:$0x3FFE];
	[sflag:s23] =	ssyncadd.s32 $0xFFFFFFFF  }
0xab: {  	s26 =	simm.s32 $execute0_lowered;
	[smem:$0x3FD2] =	sst s25  }
0xac: {  	s6 =	sshll.u32 s26, $0x1;
	_ =	strace $0x80000046;
	[dreg:$0x1] =	wrdreg $0xFFFFFFFF  }
0xad: {  	s28 =	simm.s32 $_size_execute0_lowered;
	s4 =	sadd.s32 s4, s6;
	[dreg:$0x0] =	wrdreg $0x0  }
0xae: {  	s6 =	sshll.u32 s28, $0x1;
	[dreg:$0x2] =	wrdreg s4  }
0xaf: {  	[dreg:$0x3] =	wrdreg s6  }
0xb0: {  	[dreg:$0x4] =	wrdreg $0xC0  }
0xb1: {  	_ =	task [dreg:s8], $0x5FFFF  }
0xb2: {  	[dreg:$0x1] =	wrdreg $0xFFFFFFFF  }
0xb3: {  	[dreg:$0x0] =	wrdreg $0x60  }
0xb4: {  	[dreg:$0x2] =	wrdreg s24  }
0xb5: {  	[dreg:$0x3] =	wrdreg s17  }
0xb6: {  	[dreg:$0x4] =	wrdreg s16  }
0xb7: {  	[dreg:$0x5] =	wrdreg $0xC5800  }
0xb8: {  	[dreg:$0x6] =	wrdreg $0x9  }
0xb9: {  	_ =	task.clear_ibuf [dreg:s8], $0x7FFFF;
	_ =	strace $0x90000046  }
0xba: {  	s29 =	simm.s32 $0x9;
	_ =	strace $0x80000048  }
0xbb: {  	_ =	swait.ge [sflag:s29], $0x1  }
0xbc: {  	[sflag:s29] =	ssyncadd.s32 $0xFFFFFFFF  }
0xbd: {  	_ =	strace $0x90000048  }
0xbe: {  	_ =	sfence  }
0xbf: {  	s30 =	sld [smem:$0x0];
	_ =	sdelay $0x2  }
0xc0: {  	s31 =	sshll.u32 s1, $0xD;
	s1 =	sshrl.u32 s1, $0x2  }
0xc1: {  	s3 =	sand.u32 $0x4000, s31;
	s1 =	sadd.s32 s1, s30  }
0xc2: {  	s0 =	sor.u32 s3, s0;
	s1 =	sshll.u32 s1, $0x11  }
0xc3: {  	s0 =	sor.u32 s1, s0  }
0xc4: {  	s0 =	sadd.s32 $0x8F2B, s0  }
0xc5: {  	[sflag:s0] =	ssyncadd.remote.s32 $0x1  }
0xc6: {  	_ =	sfence.sel $0xFFFF  }
0xc7: {  	[dreg:$0x0] =	wrdreg $0xFFFFFFFF;
	(pc) =	sbr.abs _section_cstart, $3  }
0xc8: {  	[dreg:$0x1] =	wrdreg $0xFFFFFFFF  }
0xc9: {  	_ =	task.clear_ibuf [dreg:s8], $0x2FFFF;
	_ =	strace $0x9FFFFFFF  }
0xca: {  	(tm) =	ssettm $0x7FFFFFFF  }
0xcb: {  	_ =	shalt  }
tec
execute0_lowered:
.L_overlay_start_1:
0x0: {  	(tag) =	ssettag $0x1  }
0x1: {  	s11 =	rddreg [dreg:$0x0]  }
0x2: {  	s1 =	rddreg [dreg:$0x1]  }
0x3: {  	s2 =	rddreg [dreg:$0x2]  }
0x4: {  	s3 =	rddreg [dreg:$0x3]  }
0x5: {  	s0 =	rddreg [dreg:$0x4]  }
0x6: {  	s4 =	simm.s32 $0x0;
	s9 =	srdreg.scid;
	s8 =	stileid.u32  }
0x7: {  	s16 =	simm.s32 $0x8100;
	s17 =	simm.s32 $0x2;
	s18 =	simm.s32 $0x80  }
0x8: {  	s19 =	simm.s32 $0x100;
	s20 =	simm.s32 $0x4100;
	s21 =	simm.s32 $0x1  }
0x9: {  	s22 =	simm.s32 $0xC100;
	[smem:$0x7FF] =	sst s4;
	s5 =	sadd.s32 $0x11000, s11  }
0xa: {  	s6 =	sadd.s32 $0x7000, s11;
	s7 =	sadd.s32 $0x1B000, s11;
	s14 =	sand.u32 $0x1, s9  }
0xb: {  	s9 =	sadd.s32 $0x90600, s11;
	s13 =	sshll.u32 s8, $0x1;
	s10 =	sadd.s32 $0x42200, s11  }
0xc: {  	s11 =	sadd.s32 $0x69400, s11;
	p0 =	seq.s32 s8, $0x0;
	_ =	strace $0x80000047  }
0xd: {  	s12 =	ssub.s32 $0x2, s14;
	s13 =	sor.u32 s14, s13;
	p1 =	seq.s32 s14, $0x1  }
0xe: {  	s23 =	sor.u32 s14, s8;
	s15 =	sshrl.u32 s12, $0x1;
	p1 =	por !p0, !p1  }
0xf: {  	p0 =	sne.s32 s8, $0x0;
	s15 =	ssub.s32 s12, s15;
	s12 =	smul.u32 $0x2800, s13  }
0x10: {  	p2 =	sne.s32 s23, $0x0;
	s23 =	simm.s32 $0x0;
	s13 =	smul.u32 $0x14000, s13  }
0x11: {  	p1 =	por !p1, !p1;
	s14 =	smax.u32 s15, $0x1;
	s15 =	sshrl.u32 @!p0 s3, $0x3  }
.LBB2_1:
0x12: {  	s24 =	simm.s32 @!p0 $0x1C02  }
0x13: {  	[spmem:s15], [sflag:s24] =	dma.local @!p0 [hbm:s7], $0x27200  }
0x14: {  	s24 =	simm.s32 @!p0 $0x2  }
0x15: {  	_ =	swait.ge @!p0 [sflag:s24], $0x27200  }
0x16: {  	[sflag:s24] =	ssyncset.done @!p0 $0x0  }
0x17: {  	[sflag:s24] =	ssyncadd.s32 @!p0 $0xFFFD8E00  }
0x18: {  	[bflag:$0x0] =	sbarrier.arrive $0xFFFF  }
0x19: {  	[tilespmem:s16], [sflag:$0x2] =	stream.linear.gather [hbm4b:s7+s4], $0x4000, $0x38;
	[tilespmem:$0x1FE80] =	vst v63  }
0x1a: {  	_ =	swait.ge [sflag:s17], $0x4000  }
0x1b: {  	[sflag:s17] =	ssyncset.done $0x0  }
0x1c: {  	s24 =	simm.s32 $0x0;
	[sflag:s17] =	ssyncadd.s32 $0xFFFFC000  }
.LBB2_2:
0x1d: {  	s25 =	sshll.u32 s24, $0x7  }
0x1e: {  	s26 =	sand.u32 $0x3C00, s25  }
0x1f: {  	s25 =	sand.u32 $0x380, s25;
	s26 =	sadd.s32 s12, s26  }
0x20: {  	s25 =	sor.u32 s25, s26  }
0x21: {  	s25 =	sshrl.u32 s25, $0x3  }
0x22: {  	s28 =	simm.s32 $0x0;
	s30 =	sadd.s32 s5, s25  }
0x23: {  	[tilespmem:s28], [sflag:$0x2] =	stream.linear.gather [hbm4b:s30+s28], $0x80, $0x38;
	[tilespmem:$0x1FE80] =	vst v63  }
0x24: {  	_ =	swait.ge [sflag:s17], $0x80  }
0x25: {  	[sflag:s17] =	ssyncset.done $0x0  }
0x26: {  	s25 =	sadd.s32 s6, s25;
	[sflag:s17] =	ssyncadd.s32 $0xFFFFFF80  }
0x27: {  	[tilespmem:s18], [sflag:$0x2] =	stream.linear.gather [hbm4b:s25+s28], $0x80, $0x38;
	[tilespmem:$0x1FE80] =	vst v63  }
0x28: {  	_ =	swait.ge [sflag:s17], $0x80  }
0x29: {  	[sflag:s17] =	ssyncset.done $0x0  }
0x2a: {  	[sflag:s17] =	ssyncadd.s32 $0xFFFFFF80  }
0x2b: {  	[tilespmem:s19], [sflag:$0x1] =	stream.indirect.gather [hbm4b:s1+s18], $0x80, s28, s18, $0xb8;
	[tilespmem:$0x1FE80] =	vst v63  }
0x2c: {  	_ = 	snop  }
0x2d: {  	[tilespmem:s20], [sflag:$0x1] =	stream.indirect.gather [hbm4b:s2+s18], $0x80, s18, s18, $0xb8;
	[tilespmem:$0x1FE80] =	vst v63  }
0x2e: {  	_ =	swait.ge [sflag:s21], $0x4000  }
0x2f: {  	[sflag:s21] =	ssyncset.done $0x0  }
0x30: {  	[sflag:s21] =	ssyncadd.s32 $0xFFFFC000  }
0x31: {  	_ =	swait.ge [sflag:s21], $0x4000  }
0x32: {  	[sflag:s21] =	ssyncset.done $0x0  }
0x33: {  	s31 =	simm.s32 $0x0;
	[sflag:s21] =	ssyncadd.s32 $0xFFFFC000  }
0x34: {  	v0 =	vld [tilespmem:s31+$0x4100]  }
0x35: {  	v1 =	vld [tilespmem:s31+$0x100];
	_ =	sdelay $0x4  }
0x36: {  	v0 =	vadd.f32 v0, v1;
	_ =	sdelay $0x1  }
0x37: {  	v1 =	vmul.f32 $2.000000030e-01, v0  }
0x38: {  	vm0 =	vge.f32 v0, $0.0e+00  }
0x39: {  	v0 =	vsel vm0, v0, v1  }
0x3a: {  	v0 =	vmul.f32 $1.442695020e+00, v0;
	_ =	sdelay $0x1  }
0x3b: {  	(erf) = vpow2.f32 v0;
	_ =	sdelay $0x8  }
0x3c: {  	v0 =	vpop (erf)  }
0x3d: {  	s25 =	simm.s32 $0xC100;
	[tilespmem:s31+$0x8100] =	vst v0  }
0x3e: {  	s26 =	simm.s32 $0x80;
	[tilespmem:s25+$0x0] =	vst v0  }
0x3f: {  	v0 =	vld [tilespmem:s26+$0x4100]  }
0x40: {  	s28 =	simm.s32 $0x400;
	v1 =	vld [tilespmem:s26+$0x100]  }
.LBB2_3:
0x41: {  	p3 =	sne.s32 s28, $0xFE00;
	_ =	sdelay $0x3  }
0x42: {  	v0 =	vadd.f32 v0, v1;
	_ =	sdelay $0x1  }
0x43: {  	v1 =	vmul.f32 $2.000000030e-01, v0  }
0x44: {  	vm0 =	vge.f32 v0, $0.0e+00  }
0x45: {  	v0 =	vsel vm0, v0, v1  }
0x46: {  	v0 =	vmul.f32 $1.442695020e+00, v0;
	_ =	sdelay $0x1  }
0x47: {  	(erf) = vpow2.f32 v0;
	_ =	sdelay $0x8  }
.Ltmp0:
0x48: {  	v0 =	vpop (erf);
	(pc) =	sbr.rel @p3 .LBB2_3-.Ltmp0, $4  }
0x49: {  	s25 =	sadd.s32 $0x8, s25;
	[tilespmem:s26+$0x8100] =	vst v0  }
0x4a: {  	s26 =	sshra.s32 s28, $0x2;
	[tilespmem:s25+$0x0] =	vst v0  }
0x4b: {  	v0 =	vld [tilespmem:s26+$0x4100]  }
0x4c: {  	s28 =	sadd.s32 $0x200, s28;
	v1 =	vld [tilespmem:s26+$0x100]  }
0x4d: {  	_ =	sdelay $0x3  }
0x4e: {  	v0 =	vadd.f32 v0, v1;
	_ =	sdelay $0x1  }
0x4f: {  	v1 =	vmul.f32 $2.000000030e-01, v0  }
0x50: {  	vm0 =	vge.f32 v0, $0.0e+00  }
0x51: {  	v0 =	vsel vm0, v0, v1  }
0x52: {  	v0 =	vmul.f32 $1.442695020e+00, v0;
	_ =	sdelay $0x1  }
0x53: {  	(erf) = vpow2.f32 v0;
	_ =	sdelay $0x8  }
0x54: {  	v0 =	vpop (erf)  }
0x55: {  	s25 =	sadd.s32 $0x8, s25;
	[tilespmem:s26+$0x8100] =	vst v0  }
0x56: {  	s31 =	sshll.u32 s24, $0xA;
	[tilespmem:s25+$0x0] =	vst v0  }
0x57: {  	[spmem:s3] =	stream.indirect.scatter.add.f32 [tilespmem:s16], [sflag:$0x2], $0x80, s18, s18, $0xb8;
	[tilespmem:$0x1FE80] =	vst v63  }
0x58: {  	s24 =	sadd.s32 $0x1, s24;
	s25 =	sadd.s32 s13, s31;
	_ =	swait.ge [sflag:s17], $0x4000  }
0x59: {  	p3 =	sne.s32 s24, $0x50;
	s25 =	sshrl.u32 s25, $0x3;
	[sflag:s17] =	ssyncset.done $0x0  }
.Ltmp1:
0x5a: {  	s25 =	sadd.s32 s9, s25;
	[sflag:s17] =	ssyncadd.s32 $0xFFFFC000;
	(pc) =	sbr.rel @p3 .LBB2_2-.Ltmp1, $4  }
0x5b: {  	[hbm4b:s25+s4] =	stream.linear.scatter [tilespmem:s22], [sflag:$0x2], $0x400, $0x38;
	[tilespmem:$0x1FE80] =	vst v63  }
0x5c: {  	_ =	swait.ge [sflag:s17], $0x400  }
0x5d: {  	[sflag:s17] =	ssyncset.done $0x0  }
0x5e: {  	[sflag:s17] =	ssyncadd.s32 $0xFFFFFC00  }
0x5f: {  	s24 =	sshll.u32 @!p2 s8, $0x6  }
0x60: {  	[bflag:$0x0] =	sbarrier.arrive $0xFFFF;
	s25 =	sshrl.u32 @!p2 s3, $0x3;
	s24 =	sor.u32 @!p2 $0x1C02, s24  }
0x61: {  	[hbm:s10], [sflag:s24] =	dma.local @!p2 [spmem:s25], $0x27200  }
0x62: {  	s24 =	simm.s32 @!p2 $0x2  }
0x63: {  	s23 =	sadd.s32 $0x1, s23;
	_ =	swait.ge @!p2 [sflag:s24], $0x27200  }
0x64: {  	p3 =	sne.s32 s23, s14;
	[sflag:s24] =	ssyncset.done @!p2 $0x0  }
0x65: {  	s25 =	simm.s32 @p1 $0x1C02;
	[sflag:s24] =	ssyncadd.s32 @!p2 $0xFFFD8E00;
	s24 =	sshrl.u32 @p1 s3, $0x3  }
0x66: {  	[hbm:s11], [sflag:s25] =	dma.local @p1 [spmem:s24], $0x27200  }
.Ltmp2:
0x67: {  	_ = 	snop;
	(pc) =	sbr.rel @p3 .LBB2_1-.Ltmp2, $4  }
0x68: {  	s24 =	simm.s32 @p1 $0x2  }
0x69: {  	_ =	swait.ge @p1 [sflag:s24], $0x27200  }
0x6a: {  	[sflag:s24] =	ssyncset.done @p1 $0x0  }
0x6b: {  	[sflag:s24] =	ssyncadd.s32 @p1 $0xFFFD8E00  }
0x6c: {  	_ =	sfence.sel $0x180000  }
0x6d: {  	[bflag:$0x0] =	sbarrier.arrive $0xFFFF  }
0x6e: {  	_ =	strace $0x90000047  }
0x6f: {  	s0 =	sadd.s32 @!p0 $0x100000, s0;
	[bflag:$0x2] =	sbarrier.arrive $0xFFFF  }
0x70: {  	[sflag:s0] =	ssyncadd.tile.s32 @!p0 $0x1;
	_ =	shalt  }
.Lfunc_end2:
_tile_overlayer_lowered:
.L_overlay_start_2:
0x71: {  	(tag) =	ssettag $0x2  }
0x72: {  	s0 =	rddreg [dreg:$0x0];
	s2 =	stileid.u32  }
0x73: {  	s1 =	rddreg [dreg:$0x1];
	p0 =	sne.s32 s2, $0x0  }
0x74: {  	s3 =	rddreg [dreg:$0x2];
	[bflag:$0x3] =	sbarrier.arrive $0xFFFF;
	s2 =	simm.s32 @!p0 $0x1C02  }
0x75: {  	[timem:s3], [sflag:s2] =	dma.local @!p0 [hbm:s0], s1  }
0x76: {  	s0 =	simm.s32 @!p0 $0x2  }
0x77: {  	_ =	swait.ge @!p0 [sflag:s0], s1  }
0x78: {  	s1 =	ssub.s32 @!p0 $0x0, s1;
	[sflag:s0] =	ssyncset.done @!p0 $0x0  }
0x79: {  	[sflag:s0] =	ssyncadd.s32 @!p0 s1  }
0x7a: {  	[bflag:$0x3] =	sbarrier.arrive $0xFFFF  }
0x7b: {  	_ =	shalt  }

// kernel: kernel.15.cloned.1.call-start
scs
__scs_entry_jumppad:
0x0: {  	(pc) =	sbr.rel $0x88, $3  }
0x1: {  	(tag) =	ssettag $0x0;
	lr =	simm.s32 $0x1  }
0x2: {  	[smem:$0x3F97] =	sst lr;
	_ =	strace $0xD0000000  }
0x3: {  	_ = 	snop  }
0x4: {  	_ = 	snop  }
0x5: {  	_ = 	snop  }
0x6: {  	_ = 	snop  }
0x7: {  	_ = 	snop  }
__scs_overlays_trampoline_lowered:
0x8: {  	[smem:$0x3FA6] =	sst s0  }
0x9: {  	[smem:$0x3FA7] =	sst s1  }
0xa: {  	[smem:$0x3FA8] =	sst s2  }
0xb: {  	[smem:$0x3FA9] =	sst s3  }
0xc: {  	[smem:$0x3FAA] =	sst s4  }
0xd: {  	[smem:$0x3FAB] =	sst s5  }
0xe: {  	[smem:$0x3FAC] =	sst s6  }
0xf: {  	[smem:$0x3FAD] =	sst s7  }
0x10: {  	[smem:$0x3FAE] =	sst s8  }
0x11: {  	[smem:$0x3FAF] =	sst s9;
	s0 =	simm.s32 @!p0 $0x0  }
0x12: {  	s1 =	sld [smem:$0x3F95];
	s0 =	simm.s32 @p0 $0x1  }
0x13: {  	[smem:$0x3FB0] =	sst s0;
	s0 =	simm.s32 @!p1 $0x0  }
0x14: {  	s2 =	sld [smem:$0x3F94];
	s0 =	simm.s32 @p1 $0x1  }
0x15: {  	[smem:$0x3FB1] =	sst s0;
	s0 =	simm.s32 @!p2 $0x0  }
0x16: {  	s3 =	sld [smem:$0x3FDB];
	s0 =	simm.s32 @p2 $0x1  }
0x17: {  	s4 =	simm.s32 $0x1BF5;
	[smem:$0x3FB3] =	sst s0  }
0x18: {  	s0 =	sld [smem:$0x3F96];
	_ =	swait.ge [sflag:s4], $0x0  }
0x19: {  	s7 =	sld [smem:$0x3F97]  }
0x1a: {  	s8 =	sadd.s32 $0xFFFFE003, lr  }
0x1b: {  	s9 =	sadd.s32 $0xFFFFFEF7, lr;
	s5 =	simm.s32 $0xFFFFFFFF;
	p2 =	slt.u32 s8, $0xFFFFF086  }
0x1c: {  	p1 =	slt.u32 s9, $0xF7A;
	s5 =	simm.s32 @!p2 $0x0  }
0x1d: {  	s5 =	simm.s32 @p1 $0x1;
	p0 =	seq.s32 s7, s2  }
0x1e: {  	s7 =	smul.u32 @!p0 $0xF7A, s2;
	p2 =	seq.s32 @!p0 s5, $0x0  }
0x1f: {  	s9 =	smul.u32 $0xF7A, s1;
	s8 =	simm.s32 @!p0 $0x1BF5;
	p2 =	por !p2, p0  }
0x20: {  	[sflag:s8] =	ssyncset.s32 @!p0 $0xFFFFF086;
	s6 =	sadd.s32 @!p0 s3, s7;
	s7 =	simm.s32 @!p0 $0x108  }
0x21: {  	s3 =	sadd.s32 s3, s9;
	s6 =	sadd.s32 @!p0 $0x88, s6;
	s7 =	simm.s32 @p2 $0x1082  }
0x22: {  	[simem:s7], [sflag:s8] =	dma.local @!p0 [hbm:s6], $0xF7A  }
0x23: {  	s9 =	sor.u32 $0xD0000000, s2;
	s6 =	simm.s32 $0x108;
	_ =	swait.ge @!p0 [sflag:s8], $0x0  }
0x24: {  	s3 =	sadd.s32 $0x88, s3;
	s6 =	simm.s32 @!p1 $0x1082;
	[sflag:s4] =	ssyncset.s32 $0xFFFFF086  }
0x25: {  	[simem:s6], [sflag:s4] =	dma.local [hbm:s3], $0xF7A  }
0x26: {  	[smem:$0x3F97] =	sst s1;
	(tag) =	ssettag s2;
	_ =	strace s9  }
0x27: {  	s1 =	sld [smem:$0x3FA7]  }
0x28: {  	s2 =	sld [smem:$0x3FA8]  }
0x29: {  	s4 =	sld [smem:$0x3FAA]  }
0x2a: {  	p0 =	seq.s32 s5, $0x0;
	s5 =	sld [smem:$0x3FAB]  }
0x2b: {  	s6 =	sld [smem:$0x3FAC]  }
0x2c: {  	s7 =	sld [smem:$0x3FAD]  }
0x2d: {  	s3 =	simm.s32 $0x108;
	s8 =	sld [smem:$0x3FAE]  }
0x2e: {  	s3 =	simm.s32 @!p0 $0x1082;
	s9 =	sld [smem:$0x3FAF]  }
0x2f: {  	lr =	sadd.s32 s0, s3;
	s0 =	sld [smem:$0x3FA6]  }
0x30: {  	s3 =	sld [smem:$0x3FA9]  }
0x31: {  	[smem:$0x3FB2] =	sst s10  }
0x32: {  	s10 =	sld [smem:$0x3FB0];
	_ =	sdelay $0x3  }
0x33: {  	p0 =	seq.s32 s10, $0x1;
	s10 =	sld [smem:$0x3FB2];
	_ =	sdelay $0x3  }
0x34: {  	[smem:$0x3FB2] =	sst s10  }
0x35: {  	s10 =	sld [smem:$0x3FB1];
	_ =	sdelay $0x3  }
0x36: {  	p1 =	seq.s32 s10, $0x1;
	s10 =	sld [smem:$0x3FB2];
	_ =	sdelay $0x3  }
0x37: {  	[smem:$0x3FB2] =	sst s10  }
0x38: {  	s10 =	sld [smem:$0x3FB3]  }
0x39: {  	_ = 	snop;
	(pc) =	sbr.ind lr, $3  }
0x3a: {  	_ = 	snop  }
0x3b: {  	_ = 	snop  }
0x3c: {  	p2 =	seq.s32 s10, $0x1;
	s10 =	sld [smem:$0x3FB2]  }
0x3d: {  	_ =	shalt  }
0x3e: {  	_ =	shalt  }
0x3f: {  	_ =	shalt  }
0x40: {  	_ =	shalt  }
0x41: {  	_ =	shalt  }
0x42: {  	_ =	shalt  }
0x43: {  	_ =	shalt  }
0x44: {  	_ =	shalt  }
0x45: {  	_ =	shalt  }
0x46: {  	_ =	shalt  }
0x47: {  	_ =	shalt  }
0x48: {  	_ =	shalt  }
0x49: {  	_ =	shalt  }
0x4a: {  	_ =	shalt  }
0x4b: {  	_ =	shalt  }
0x4c: {  	_ =	shalt  }
0x4d: {  	_ =	shalt  }
0x4e: {  	_ =	shalt  }
0x4f: {  	_ =	shalt  }
0x50: {  	_ =	shalt  }
0x51: {  	_ =	shalt  }
0x52: {  	_ =	shalt  }
0x53: {  	_ =	shalt  }
0x54: {  	_ =	shalt  }
0x55: {  	_ =	shalt  }
0x56: {  	_ =	shalt  }
0x57: {  	_ =	shalt  }
0x58: {  	_ =	shalt  }
0x59: {  	_ =	shalt  }
0x5a: {  	_ =	shalt  }
0x5b: {  	_ =	shalt  }
0x5c: {  	_ =	shalt  }
0x5d: {  	_ =	shalt  }
0x5e: {  	_ =	shalt  }
0x5f: {  	_ =	shalt  }
0x60: {  	_ =	shalt  }
0x61: {  	_ =	shalt  }
0x62: {  	_ =	shalt  }
0x63: {  	_ =	shalt  }
0x64: {  	_ =	shalt  }
0x65: {  	_ =	shalt  }
0x66: {  	_ =	shalt  }
0x67: {  	_ =	shalt  }
0x68: {  	_ =	shalt  }
0x69: {  	_ =	shalt  }
0x6a: {  	_ =	shalt  }
0x6b: {  	_ =	shalt  }
0x6c: {  	_ =	shalt  }
0x6d: {  	_ =	shalt  }
0x6e: {  	_ =	shalt  }
0x6f: {  	_ =	shalt  }
0x70: {  	_ =	shalt  }
0x71: {  	_ =	shalt  }
0x72: {  	_ =	shalt  }
0x73: {  	_ =	shalt  }
0x74: {  	_ =	shalt  }
0x75: {  	_ =	shalt  }
0x76: {  	_ =	shalt  }
0x77: {  	_ =	shalt  }
0x78: {  	_ =	shalt  }
0x79: {  	_ =	shalt  }
0x7a: {  	_ =	shalt  }
0x7b: {  	_ =	shalt  }
0x7c: {  	_ =	shalt  }
0x7d: {  	_ =	shalt  }
0x7e: {  	_ =	shalt  }
0x7f: {  	_ =	shalt  }
0x80: {  	_ =	shalt  }
0x81: {  	_ =	shalt  }
0x82: {  	_ =	shalt  }
0x83: {  	_ =	shalt  }
0x84: {  	_ =	shalt  }
0x85: {  	_ =	shalt  }
0x86: {  	_ =	shalt  }
0x87: {  	_ =	shalt  }
.Lfunc_end0:
.L_simem_size_0:
called_computation.1_lowered:
.L_overlay_start_0:
0x88: {  	s2 =	sld [smem:$0x3FD9]  }
0x89: {  	s3 =	sld [smem:$0x3FFE];
	_ =	sdelay $0x1  }
0x8a: {  	s1 =	srdreg.scid  }
0x8b: {  	s0 =	sand.u32 $0x1, s1  }
0x8c: {  	s14 =	sshll.u32 s0, $0xA;
	s2 =	sadd.s32 s3, s2  }
0x8d: {  	s2 =	sadd.s32 s2, s14  }
0x8e: {  	[smem:$0x3FBE] =	sst s2  }
0x8f: {  	_ = 	snop  }
0x90: {  	s2 =	sld [smem:$0x3FD0];
	_ =	sdelay $0x2  }
0x91: {  	s15 =	simm.s32 $0xD;
	s4 =	simm.s32 $0x10  }
0x92: {  	[smem:s4], [sflag:s15] =	dma.local [hbm:s2], $0x1  }
0x93: {  	_ =	swait.eq [sflag:s15], $0x1  }
0x94: {  	[sflag:s15] =	ssyncset.done $0x0  }
0x95: {  	s16 =	sld [smem:$0x10];
	[sflag:s15] =	ssyncadd.s32 $0xFFFFFFFF  }
0x96: {  	s17 =	sld [smem:$0x11];
	(tm) =	ssettm $0x1  }
0x97: {  	s18 =	sld [smem:$0x3FFB];
	_ =	sdelay $0x3  }
0x98: {  	_ =	strace s18  }
0x99: {  	s4 =	sld [smem:$0x3FFC];
	_ =	sdelay $0x3  }
0x9a: {  	_ =	strace s4  }
0x9b: {  	s4 =	sld [smem:$0x3FFD];
	_ =	sdelay $0x3  }
0x9c: {  	_ =	strace s4  }
0x9d: {  	_ =	strace $0x8FFFFFFF  }
0x9e: {  	s19 =	sld [smem:$0x3FDB];
	_ =	sdelay $0x1  }
0x9f: {  	s5 =	simm.s32 $_scs_section_size  }
0xa0: {  	s6 =	simm.s32 $_size__tile_overlayer_lowered;
	s7 =	simm.s32 $_tile_overlayer_lowered  }
0xa1: {  	s22 =	simm.s32 $0x1BFF;
	s21 =	sshll.u32 s7, $0x1;
	s4 =	sadd.s32 s5, s19  }
0xa2: {  	s8 =	simm.s32 $0x0;
	s20 =	sshll.u32 s6, $0x1;
	s6 =	sadd.s32 s21, s4  }
0xa3: {  	[timem:s8], [sflag:s22] =	dma.local [hbm:s6], s20  }
0xa4: {  	_ =	swait.ge [sflag:s22], s20  }
0xa5: {  	s5 =	ssub.s32 $0x0, s20;
	[sflag:s22] =	ssyncset.done $0x0  }
0xa6: {  	[sflag:s22] =	ssyncadd.s32 s5;
	_ =	sdelay $0x1  }
0xa7: {  	s23 =	simm.s32 $0x1B8B  }
0xa8: {  	_ =	swait.ge [sflag:s23], $0x1  }
0xa9: {  	[sflag:s23] =	ssyncset.done $0x0  }
0xaa: {  	s25 =	simm.s32 $0x1B8E;
	s24 =	sld [smem:$0x3FFE];
	[sflag:s23] =	ssyncadd.s32 $0xFFFFFFFF  }
0xab: {  	s26 =	simm.s32 $execute0_lowered;
	[smem:$0x3FD2] =	sst s25  }
0xac: {  	s6 =	sshll.u32 s26, $0x1;
	_ =	strace $0x80000049;
	[dreg:$0x1] =	wrdreg $0xFFFFFFFF  }
0xad: {  	s28 =	simm.s32 $_size_execute0_lowered;
	s4 =	sadd.s32 s4, s6;
	[dreg:$0x0] =	wrdreg $0x0  }
0xae: {  	s6 =	sshll.u32 s28, $0x1;
	[dreg:$0x2] =	wrdreg s4  }
0xaf: {  	[dreg:$0x3] =	wrdreg s6  }
0xb0: {  	[dreg:$0x4] =	wrdreg $0xC0  }
0xb1: {  	_ =	task [dreg:s8], $0x5FFFF  }
0xb2: {  	[dreg:$0x1] =	wrdreg $0xFFFFFFFF  }
0xb3: {  	[dreg:$0x0] =	wrdreg $0x60  }
0xb4: {  	[dreg:$0x2] =	wrdreg s24  }
0xb5: {  	[dreg:$0x3] =	wrdreg s17  }
0xb6: {  	[dreg:$0x4] =	wrdreg s16  }
0xb7: {  	[dreg:$0x5] =	wrdreg $0x8A800  }
0xb8: {  	[dreg:$0x6] =	wrdreg $0x9  }
0xb9: {  	_ =	task.clear_ibuf [dreg:s8], $0x7FFFF;
	_ =	strace $0x90000049  }
0xba: {  	s29 =	simm.s32 $0x9;
	_ =	strace $0x8000004B  }
0xbb: {  	_ =	swait.ge [sflag:s29], $0x1  }
0xbc: {  	[sflag:s29] =	ssyncadd.s32 $0xFFFFFFFF  }
0xbd: {  	_ =	strace $0x9000004B  }
0xbe: {  	_ =	sfence  }
0xbf: {  	s30 =	sld [smem:$0x0];
	_ =	sdelay $0x2  }
0xc0: {  	s31 =	sshll.u32 s1, $0xD;
	s1 =	sshrl.u32 s1, $0x2  }
0xc1: {  	s3 =	sand.u32 $0x4000, s31;
	s1 =	sadd.s32 s1, s30  }
0xc2: {  	s0 =	sor.u32 s3, s0;
	s1 =	sshll.u32 s1, $0x11  }
0xc3: {  	s0 =	sor.u32 s1, s0  }
0xc4: {  	s0 =	sadd.s32 $0x8F2B, s0  }
0xc5: {  	[sflag:s0] =	ssyncadd.remote.s32 $0x1  }
0xc6: {  	_ =	sfence.sel $0xFFFF  }
0xc7: {  	[dreg:$0x0] =	wrdreg $0xFFFFFFFF;
	(pc) =	sbr.abs _section_cstart, $3  }
0xc8: {  	[dreg:$0x1] =	wrdreg $0xFFFFFFFF  }
0xc9: {  	_ =	task.clear_ibuf [dreg:s8], $0x2FFFF;
	_ =	strace $0x9FFFFFFF  }
0xca: {  	(tm) =	ssettm $0x7FFFFFFF  }
0xcb: {  	_ =	shalt  }
tec
execute0_lowered:
.L_overlay_start_1:
0x0: {  	(tag) =	ssettag $0x1  }
0x1: {  	s10 =	rddreg [dreg:$0x0]  }
0x2: {  	s1 =	rddreg [dreg:$0x1]  }
0x3: {  	s2 =	rddreg [dreg:$0x2]  }
0x4: {  	s3 =	rddreg [dreg:$0x3]  }
0x5: {  	s0 =	rddreg [dreg:$0x4];
	s4 =	simm.s32 $0x0  }
0x6: {  	s9 =	srdreg.scid;
	s8 =	stileid.u32;
	s16 =	simm.s32 $0x100  }
0x7: {  	s17 =	simm.s32 $0x80;
	s18 =	simm.s32 $0x200;
	s19 =	simm.s32 $0x8200  }
0x8: {  	s20 =	simm.s32 $0x180;
	s21 =	simm.s32 $0x4200;
	s22 =	simm.s32 $0x8610  }
0x9: {  	s23 =	simm.s32 $0x1;
	s29 =	simm.s32 $0x0;
	[smem:$0x7FF] =	sst s4  }
0xa: {  	s5 =	sadd.s32 $0x11000, s10;
	s6 =	sadd.s32 $0x7000, s10;
	s7 =	sadd.s32 $0xE0600, s10  }
0xb: {  	s13 =	sand.u32 $0x1, s9;
	s9 =	sadd.s32 $0x90600, s10;
	s11 =	sshll.u32 s8, $0x1  }
0xc: {  	s10 =	sadd.s32 $0x1B000, s10;
	p0 =	seq.s32 s8, $0x0;
	_ =	strace $0x8000004A  }
0xd: {  	s12 =	ssub.s32 $0x2, s13;
	s15 =	sor.u32 s13, s11;
	p1 =	seq.s32 s13, $0x1  }
0xe: {  	s24 =	sor.u32 s13, s8;
	s14 =	sshrl.u32 s12, $0x1;
	s11 =	smul.u32 $0x2800, s15  }
0xf: {  	p0 =	por !p0, !p1;
	p2 =	sne.s32 s24, $0x0;
	s14 =	ssub.s32 s12, s14  }
0x10: {  	s12 =	smul.u32 $0x14000, s15;
	p1 =	por !p0, !p0;
	p0 =	sne.s32 s8, $0x0  }
0x11: {  	vm0 =	vmmov $0xff;
	s15 =	simm.s32 $0x2;
	s13 =	smax.u32 s14, $0x1;
	s14 =	sshrl.u32 @!p0 s3, $0x3  }
.LBB2_1:
0x12: {  	s24 =	simm.s32 @!p0 $0x1C02  }
0x13: {  	[spmem:s14], [sflag:s24] =	dma.local @!p0 [hbm:s10], $0x27200  }
0x14: {  	s24 =	simm.s32 @!p0 $0x2  }
0x15: {  	_ =	swait.ge @!p0 [sflag:s24], $0x27200  }
0x16: {  	[sflag:s24] =	ssyncset.done @!p0 $0x0  }
0x17: {  	[sflag:s24] =	ssyncadd.s32 @!p0 $0xFFFD8E00  }
0x18: {  	s24 =	simm.s32 $0x0;
	[bflag:$0x0] =	sbarrier.arrive $0xFFFF  }
.LBB2_2:
0x19: {  	s25 =	sshll.u32 s24, $0x8  }
0x1a: {  	s26 =	sand.u32 $0x3C00, s25  }
0x1b: {  	s25 =	sand.u32 $0x300, s25;
	s26 =	sadd.s32 s11, s26  }
0x1c: {  	s25 =	sor.u32 s25, s26  }
0x1d: {  	s25 =	sshrl.u32 s25, $0x3  }
0x1e: {  	s28 =	sadd.s32 s5, s25  }
0x1f: {  	[tilespmem:s29], [sflag:$0x2] =	stream.linear.gather [hbm4b:s28+s29], $0x80, $0x38;
	[tilespmem:$0x1C380] =	vst v63  }
0x20: {  	_ =	swait.ge [sflag:s15], $0x80  }
0x21: {  	[sflag:s15] =	ssyncset.done $0x0  }
0x22: {  	s25 =	sadd.s32 s6, s25;
	[sflag:s15] =	ssyncadd.s32 $0xFFFFFF80  }
0x23: {  	[tilespmem:s16], [sflag:$0x2] =	stream.linear.gather [hbm4b:s25+s29], $0x80, $0x38;
	[tilespmem:$0x1C380] =	vst v63  }
0x24: {  	s31 =	sshll.u32 s24, $0xB;
	_ =	swait.ge [sflag:s15], $0x80  }
0x25: {  	s30 =	sshllo.u32 s24, $0x1;
	s25 =	sadd.s32 s12, s31;
	[sflag:s15] =	ssyncset.done $0x0  }
0x26: {  	s28 =	sshll.u32 s30, $0x7;
	s25 =	sshrl.u32 s25, $0x3;
	[sflag:s15] =	ssyncadd.s32 $0xFFFFFF80  }
0x27: {  	[tilespmem:s18], [sflag:$0x1] =	stream.indirect.gather [hbm4b:s7+s17], $0x80, s29, s17, $0xb8;
	[tilespmem:$0x1C380] =	vst v63  }
0x28: {  	s28 =	sand.u32 $0x380, s28;
	s25 =	sadd.s32 s9, s25  }
0x29: {  	[tilespmem:s19], [sflag:$0x2] =	stream.linear.gather [hbm4b:s25+s29], $0x400, $0x38;
	[tilespmem:$0x1C380] =	vst v63  }
0x2a: {  	s26 =	sor.u32 s26, s28;
	_ =	swait.ge [sflag:s15], $0x400  }
0x2b: {  	s26 =	sshrl.u32 s26, $0x3;
	[sflag:s15] =	ssyncset.done $0x0  }
0x2c: {  	s28 =	sadd.s32 s5, s26;
	[sflag:s15] =	ssyncadd.s32 $0xFFFFFC00  }
0x2d: {  	[tilespmem:s17], [sflag:$0x2] =	stream.linear.gather [hbm4b:s28+s29], $0x80, $0x38;
	[tilespmem:$0x1C380] =	vst v63  }
0x2e: {  	_ =	swait.ge [sflag:s15], $0x80  }
0x2f: {  	[sflag:s15] =	ssyncset.done $0x0  }
0x30: {  	s26 =	sadd.s32 s6, s26;
	[sflag:s15] =	ssyncadd.s32 $0xFFFFFF80  }
0x31: {  	[tilespmem:s20], [sflag:$0x2] =	stream.linear.gather [hbm4b:s26+s29], $0x80, $0x38;
	[tilespmem:$0x1C380] =	vst v63  }
0x32: {  	s25 =	sshll.u32 s30, $0xA;
	_ =	swait.ge [sflag:s15], $0x80  }
0x33: {  	s25 =	sadd.s32 s12, s25;
	[sflag:s15] =	ssyncset.done $0x0  }
0x34: {  	s25 =	sshrl.u32 s25, $0x3;
	[sflag:s15] =	ssyncadd.s32 $0xFFFFFF80  }
0x35: {  	[tilespmem:s21], [sflag:$0x1] =	stream.indirect.gather [hbm4b:s7+s17], $0x80, s17, s17, $0xb8;
	[tilespmem:$0x1C380] =	vst v63  }
0x36: {  	s25 =	sadd.s32 s9, s25  }
0x37: {  	[tilespmem:s22], [sflag:$0x2] =	stream.linear.gather [hbm4b:s25+s29], $0x400, $0x38;
	[tilespmem:$0x1C380] =	vst v63  }
0x38: {  	_ =	swait.ge [sflag:s15], $0x400  }
0x39: {  	[sflag:s15] =	ssyncset.done $0x0  }
0x3a: {  	[sflag:s15] =	ssyncadd.s32 $0xFFFFFC00  }
0x3b: {  	_ =	swait.ge [sflag:s23], $0x4000  }
0x3c: {  	[sflag:s23] =	ssyncset.done $0x0  }
0x3d: {  	s31 =	simm.s32 $0x0;
	[sflag:s23] =	ssyncadd.s32 $0xFFFFC000  }
0x3e: {  	v0 =	vld [tilespmem:s31+$0x8200];
	_ =	sdelay $0x2  }
0x3f: {  	s25 =	simm.s32 $0x220  }
0x40: {  	v1 =	vld [tilespmem:s25+$0xFFFFFFE0]  }
0x41: {  	v2 =	vld [tilespmem:s25+$0xFFFFFFF0];
	v3 =	vbroadcast v0, $0x0  }
0x42: {  	v5 =	vld [tilespmem:s25+$0x0];
	v4 =	vbroadcast v0, $0x1;
	v6 =	vbroadcast v0, $0x2  }
0x43: {  	v8 =	vld [tilespmem:s25+$0x10];
	v7 =	vbroadcast v0, $0x3;
	v59 =	vbroadcast v0, $0x4  }
0x44: {  	v9 =	vbroadcast v0, $0x5;
	v61 =	vbroadcast v0, $0x6;
	v3 =	vsel vm0, v3, v4  }
0x45: {  	v0 =	vbroadcast v0, $0x7;
	v60 =	vsel vm0, v6, v7;
	v1 =	vmul.f32 v3, v1  }
0x46: {  	v62 =	vsel vm0, v59, v9;
	v2 =	vmul.f32 v2, v60  }
0x47: {  	v0 =	vsel vm0, v61, v0;
	v63 =	vmul.f32 v5, v62;
	[tilespmem:s25+$0xFFFFFFE0] =	vst v1  }
0x48: {  	v0 =	vmul.f32 v8, v0;
	[tilespmem:s25+$0xFFFFFFF0] =	vst v2  }
0x49: {  	[tilespmem:s25+$0x0] =	vst v63  }
0x4a: {  	s28 =	simm.s32 $0x8;
	s26 =	simm.s32 $0x40;
	[tilespmem:s25+$0x10] =	vst v0  }
.LBB2_3:
0x4b: {  	p3 =	sne.s32 s26, $0xFE0;
	v0 =	vld [tilespmem:s28+$0x8200];
	_ =	sdelay $0x1  }
0x4c: {  	s25 =	sadd.s32 $0x80, s25  }
0x4d: {  	v1 =	vld [tilespmem:s25+$0xFFFFFFE0]  }
0x4e: {  	v2 =	vld [tilespmem:s25+$0xFFFFFFF0]  }
0x4f: {  	v3 =	vbroadcast v0, $0x0;
	v4 =	vbroadcast v0, $0x1;
	v5 =	vld [tilespmem:s25+$0x0]  }
0x50: {  	v6 =	vbroadcast v0, $0x2;
	v7 =	vbroadcast v0, $0x3  }
0x51: {  	v8 =	vbroadcast v0, $0x5;
	v3 =	vsel vm0, v3, v4;
	v4 =	vbroadcast v0, $0x4;
	v9 =	vld [tilespmem:s25+$0x10]  }
0x52: {  	v1 =	vmul.f32 v3, v1;
	v3 =	vsel vm0, v6, v7;
	v6 =	vbroadcast v0, $0x6  }
0x53: {  	v0 =	vbroadcast v0, $0x7;
	v2 =	vmul.f32 v2, v3;
	v3 =	vsel vm0, v4, v8  }
.Ltmp0:
0x54: {  	[tilespmem:s25+$0xFFFFFFE0] =	vst v1;
	v1 =	vmul.f32 v5, v3;
	(pc) =	sbr.rel @p3 .LBB2_3-.Ltmp0, $3  }
0x55: {  	v0 =	vsel vm0, v6, v0;
	[tilespmem:s25+$0xFFFFFFF0] =	vst v2  }
0x56: {  	[tilespmem:s25+$0x0] =	vst v1;
	v0 =	vmul.f32 v9, v0;
	_ =	sdelay $0x1  }
0x57: {  	s28 =	sshra.s32 s26, $0x2;
	s26 =	sadd.s32 $0x20, s26;
	[tilespmem:s25+$0x10] =	vst v0  }
0x58: {  	v0 =	vld [tilespmem:s28+$0x8200];
	_ =	sdelay $0x2  }
0x59: {  	s25 =	sadd.s32 $0x80, s25  }
0x5a: {  	v1 =	vld [tilespmem:s25+$0xFFFFFFE0]  }
0x5b: {  	v2 =	vld [tilespmem:s25+$0xFFFFFFF0];
	v3 =	vbroadcast v0, $0x0  }
0x5c: {  	v5 =	vld [tilespmem:s25+$0x0];
	v4 =	vbroadcast v0, $0x1;
	v6 =	vbroadcast v0, $0x2  }
0x5d: {  	v8 =	vld [tilespmem:s25+$0x10];
	v7 =	vbroadcast v0, $0x3;
	v44 =	vbroadcast v0, $0x4  }
0x5e: {  	v9 =	vbroadcast v0, $0x5;
	v46 =	vbroadcast v0, $0x6;
	v3 =	vsel vm0, v3, v4  }
0x5f: {  	v0 =	vbroadcast v0, $0x7;
	v45 =	vsel vm0, v6, v7;
	v1 =	vmul.f32 v3, v1  }
0x60: {  	v47 =	vsel vm0, v44, v9;
	v2 =	vmul.f32 v2, v45  }
0x61: {  	v0 =	vsel vm0, v46, v0;
	v48 =	vmul.f32 v5, v47;
	[tilespmem:s25+$0xFFFFFFE0] =	vst v1  }
0x62: {  	v0 =	vmul.f32 v8, v0;
	[tilespmem:s25+$0xFFFFFFF0] =	vst v2  }
0x63: {  	[tilespmem:s25+$0x0] =	vst v48  }
0x64: {  	[tilespmem:s25+$0x10] =	vst v0  }
0x65: {  	[spmem:s3] =	stream.indirect.scatter.add.f32 [tilespmem:s18], [sflag:$0x2], $0x80, s16, s17, $0xb8;
	[tilespmem:$0x1C380] =	vst v63  }
0x66: {  	_ =	swait.ge [sflag:s15], $0x4000  }
0x67: {  	[sflag:s15] =	ssyncset.done $0x0  }
0x68: {  	[sflag:s15] =	ssyncadd.s32 $0xFFFFC000  }
0x69: {  	_ =	swait.ge [sflag:s23], $0x4000  }
0x6a: {  	[sflag:s23] =	ssyncset.done $0x0  }
0x6b: {  	s31 =	simm.s32 $0x0;
	[sflag:s23] =	ssyncadd.s32 $0xFFFFC000  }
0x6c: {  	v49 =	vld [tilespmem:s31+$0x8610];
	_ =	sdelay $0x2  }
0x6d: {  	s25 =	simm.s32 $0x4200  }
0x6e: {  	v50 =	vld [tilespmem:s25+$0x0]  }
0x6f: {  	v51 =	vld [tilespmem:s25+$0x10];
	v52 =	vbroadcast v49, $0x0  }
0x70: {  	v54 =	vld [tilespmem:s25+$0x20];
	v53 =	vbroadcast v49, $0x1;
	v55 =	vbroadcast v49, $0x2  }
0x71: {  	v58 =	vld [tilespmem:s25+$0x30];
	v56 =	vbroadcast v49, $0x3;
	v57 =	vbroadcast v49, $0x4  }
0x72: {  	v59 =	vbroadcast v49, $0x5;
	v61 =	vbroadcast v49, $0x6;
	v3 =	vsel vm0, v52, v53  }
0x73: {  	v0 =	vbroadcast v49, $0x7;
	v60 =	vsel vm0, v55, v56;
	v1 =	vmul.f32 v3, v50  }
0x74: {  	v62 =	vsel vm0, v57, v59;
	v2 =	vmul.f32 v51, v60  }
0x75: {  	v0 =	vsel vm0, v61, v0;
	v63 =	vmul.f32 v54, v62;
	[tilespmem:s25+$0x0] =	vst v1  }
0x76: {  	v0 =	vmul.f32 v58, v0;
	[tilespmem:s25+$0x10] =	vst v2  }
0x77: {  	[tilespmem:s25+$0x20] =	vst v63  }
0x78: {  	s28 =	simm.s32 $0x8;
	s26 =	simm.s32 $0x40;
	[tilespmem:s25+$0x30] =	vst v0  }
.LBB2_5:
0x79: {  	p3 =	sne.s32 s26, $0xFE0;
	v0 =	vld [tilespmem:s28+$0x8610];
	_ =	sdelay $0x1  }
0x7a: {  	s25 =	sadd.s32 $0x80, s25  }
0x7b: {  	v1 =	vld [tilespmem:s25+$0x0]  }
0x7c: {  	v2 =	vld [tilespmem:s25+$0x10]  }
0x7d: {  	v3 =	vbroadcast v0, $0x0;
	v4 =	vbroadcast v0, $0x1;
	v5 =	vld [tilespmem:s25+$0x20]  }
0x7e: {  	v6 =	vbroadcast v0, $0x2;
	v7 =	vbroadcast v0, $0x3  }
0x7f: {  	v8 =	vbroadcast v0, $0x5;
	v3 =	vsel vm0, v3, v4;
	v4 =	vbroadcast v0, $0x4;
	v9 =	vld [tilespmem:s25+$0x30]  }
0x80: {  	v1 =	vmul.f32 v3, v1;
	v3 =	vsel vm0, v6, v7;
	v6 =	vbroadcast v0, $0x6  }
0x81: {  	v0 =	vbroadcast v0, $0x7;
	v2 =	vmul.f32 v2, v3;
	v3 =	vsel vm0, v4, v8  }
.Ltmp1:
0x82: {  	[tilespmem:s25+$0x0] =	vst v1;
	v1 =	vmul.f32 v5, v3;
	(pc) =	sbr.rel @p3 .LBB2_5-.Ltmp1, $3  }
0x83: {  	v0 =	vsel vm0, v6, v0;
	[tilespmem:s25+$0x10] =	vst v2  }
0x84: {  	[tilespmem:s25+$0x20] =	vst v1;
	v0 =	vmul.f32 v9, v0;
	_ =	sdelay $0x1  }
0x85: {  	s28 =	sshra.s32 s26, $0x2;
	s26 =	sadd.s32 $0x20, s26;
	[tilespmem:s25+$0x30] =	vst v0  }
0x86: {  	v0 =	vld [tilespmem:s28+$0x8610];
	_ =	sdelay $0x2  }
0x87: {  	s25 =	sadd.s32 $0x80, s25  }
0x88: {  	v1 =	vld [tilespmem:s25+$0x0]  }
0x89: {  	v2 =	vld [tilespmem:s25+$0x10];
	v3 =	vbroadcast v0, $0x0  }
0x8a: {  	v5 =	vld [tilespmem:s25+$0x20];
	v4 =	vbroadcast v0, $0x1;
	v6 =	vbroadcast v0, $0x2  }
0x8b: {  	v8 =	vld [tilespmem:s25+$0x30];
	v7 =	vbroadcast v0, $0x3;
	v59 =	vbroadcast v0, $0x4  }
0x8c: {  	v9 =	vbroadcast v0, $0x5;
	v61 =	vbroadcast v0, $0x6;
	v3 =	vsel vm0, v3, v4  }
0x8d: {  	v0 =	vbroadcast v0, $0x7;
	v60 =	vsel vm0, v6, v7;
	v1 =	vmul.f32 v3, v1  }
0x8e: {  	v62 =	vsel vm0, v59, v9;
	v2 =	vmul.f32 v2, v60  }
0x8f: {  	v0 =	vsel vm0, v61, v0;
	v63 =	vmul.f32 v5, v62;
	[tilespmem:s25+$0x0] =	vst v1  }
0x90: {  	s24 =	sadd.s32 $0x1, s24;
	v0 =	vmul.f32 v8, v0;
	[tilespmem:s25+$0x10] =	vst v2  }
0x91: {  	p3 =	sne.s32 s24, $0x28;
	[tilespmem:s25+$0x20] =	vst v63  }
.Ltmp2:
0x92: {  	[tilespmem:s25+$0x30] =	vst v0;
	(pc) =	sbr.rel @p3 .LBB2_2-.Ltmp2, $4  }
0x93: {  	[spmem:s3] =	stream.indirect.scatter.add.f32 [tilespmem:s21], [sflag:$0x2], $0x80, s20, s17, $0xb8;
	[tilespmem:$0x1C380] =	vst v63  }
0x94: {  	_ =	swait.ge [sflag:s15], $0x4000  }
0x95: {  	[sflag:s15] =	ssyncset.done $0x0  }
0x96: {  	[sflag:s15] =	ssyncadd.s32 $0xFFFFC000  }
0x97: {  	s24 =	sshll.u32 @!p2 s8, $0x6  }
0x98: {  	[bflag:$0x0] =	sbarrier.arrive $0xFFFF;
	s25 =	sshrl.u32 @!p2 s3, $0x3;
	s24 =	sor.u32 @!p2 $0x1C02, s24  }
0x99: {  	[hbm:s1], [sflag:s24] =	dma.local @!p2 [spmem:s25], $0x27200  }
0x9a: {  	s24 =	simm.s32 @!p2 $0x2  }
0x9b: {  	s4 =	sadd.s32 $0x1, s4;
	_ =	swait.ge @!p2 [sflag:s24], $0x27200  }
0x9c: {  	p3 =	sne.s32 s4, s13;
	[sflag:s24] =	ssyncset.done @!p2 $0x0  }
0x9d: {  	s25 =	simm.s32 @p1 $0x1C02;
	[sflag:s24] =	ssyncadd.s32 @!p2 $0xFFFD8E00;
	s24 =	sshrl.u32 @p1 s3, $0x3  }
0x9e: {  	[hbm:s2], [sflag:s25] =	dma.local @p1 [spmem:s24], $0x27200  }
.Ltmp3:
0x9f: {  	_ = 	snop;
	(pc) =	sbr.rel @p3 .LBB2_1-.Ltmp3, $4  }
0xa0: {  	s24 =	simm.s32 @p1 $0x2  }
0xa1: {  	_ =	swait.ge @p1 [sflag:s24], $0x27200  }
0xa2: {  	[sflag:s24] =	ssyncset.done @p1 $0x0  }
0xa3: {  	[sflag:s24] =	ssyncadd.s32 @p1 $0xFFFD8E00  }
0xa4: {  	_ =	sfence.sel $0x180000  }
0xa5: {  	[bflag:$0x0] =	sbarrier.arrive $0xFFFF  }
0xa6: {  	_ =	strace $0x9000004A  }
0xa7: {  	s0 =	sadd.s32 @!p0 $0x100000, s0;
	[bflag:$0x2] =	sbarrier.arrive $0xFFFF  }
0xa8: {  	[sflag:s0] =	ssyncadd.tile.s32 @!p0 $0x1;
	_ =	shalt  }
.Lfunc_end2:
_tile_overlayer_lowered:
.L_overlay_start_2:
0xa9: {  	(tag) =	ssettag $0x2  }
0xaa: {  	s0 =	rddreg [dreg:$0x0];
	s2 =	stileid.u32  }
0xab: {  	s1 =	rddreg [dreg:$0x1];
	p0 =	sne.s32 s2, $0x0  }
0xac: {  	s3 =	rddreg [dreg:$0x2];
	[bflag:$0x3] =	sbarrier.arrive $0xFFFF;
	s2 =	simm.s32 @!p0 $0x1C02  }
0xad: {  	[timem:s3], [sflag:s2] =	dma.local @!p0 [hbm:s0], s1  }
0xae: {  	s0 =	simm.s32 @!p0 $0x2  }
0xaf: {  	_ =	swait.ge @!p0 [sflag:s0], s1  }
0xb0: {  	s1 =	ssub.s32 @!p0 $0x0, s1;
	[sflag:s0] =	ssyncset.done @!p0 $0x0  }
0xb1: {  	[sflag:s0] =	ssyncadd.s32 @!p0 s1  }
0xb2: {  	[bflag:$0x3] =	sbarrier.arrive $0xFFFF  }
0xb3: {  	_ =	shalt  }

// kernel: kernel.18.cloned.1.call-start
scs
__scs_entry_jumppad:
0x0: {  	(pc) =	sbr.rel $0x88, $3  }
0x1: {  	(tag) =	ssettag $0x0;
	lr =	simm.s32 $0x1  }
0x2: {  	[smem:$0x3F97] =	sst lr;
	_ =	strace $0xD0000000  }
0x3: {  	_ = 	snop  }
0x4: {  	_ = 	snop  }
0x5: {  	_ = 	snop  }
0x6: {  	_ = 	snop  }
0x7: {  	_ = 	snop  }
__scs_overlays_trampoline_lowered:
0x8: {  	[smem:$0x3FA6] =	sst s0  }
0x9: {  	[smem:$0x3FA7] =	sst s1  }
0xa: {  	[smem:$0x3FA8] =	sst s2  }
0xb: {  	[smem:$0x3FA9] =	sst s3  }
0xc: {  	[smem:$0x3FAA] =	sst s4  }
0xd: {  	[smem:$0x3FAB] =	sst s5  }
0xe: {  	[smem:$0x3FAC] =	sst s6  }
0xf: {  	[smem:$0x3FAD] =	sst s7  }
0x10: {  	[smem:$0x3FAE] =	sst s8  }
0x11: {  	[smem:$0x3FAF] =	sst s9;
	s0 =	simm.s32 @!p0 $0x0  }
0x12: {  	s1 =	sld [smem:$0x3F95];
	s0 =	simm.s32 @p0 $0x1  }
0x13: {  	[smem:$0x3FB0] =	sst s0;
	s0 =	simm.s32 @!p1 $0x0  }
0x14: {  	s2 =	sld [smem:$0x3F94];
	s0 =	simm.s32 @p1 $0x1  }
0x15: {  	[smem:$0x3FB1] =	sst s0;
	s0 =	simm.s32 @!p2 $0x0  }
0x16: {  	s3 =	sld [smem:$0x3FDB];
	s0 =	simm.s32 @p2 $0x1  }
0x17: {  	s4 =	simm.s32 $0x1BF5;
	[smem:$0x3FB3] =	sst s0  }
0x18: {  	s0 =	sld [smem:$0x3F96];
	_ =	swait.ge [sflag:s4], $0x0  }
0x19: {  	s7 =	sld [smem:$0x3F97]  }
0x1a: {  	s8 =	sadd.s32 $0xFFFFE003, lr  }
0x1b: {  	s9 =	sadd.s32 $0xFFFFFEF7, lr;
	s5 =	simm.s32 $0xFFFFFFFF;
	p2 =	slt.u32 s8, $0xFFFFF086  }
0x1c: {  	p1 =	slt.u32 s9, $0xF7A;
	s5 =	simm.s32 @!p2 $0x0  }
0x1d: {  	s5 =	simm.s32 @p1 $0x1;
	p0 =	seq.s32 s7, s2  }
0x1e: {  	s7 =	smul.u32 @!p0 $0xF7A, s2;
	p2 =	seq.s32 @!p0 s5, $0x0  }
0x1f: {  	s9 =	smul.u32 $0xF7A, s1;
	s8 =	simm.s32 @!p0 $0x1BF5;
	p2 =	por !p2, p0  }
0x20: {  	[sflag:s8] =	ssyncset.s32 @!p0 $0xFFFFF086;
	s6 =	sadd.s32 @!p0 s3, s7;
	s7 =	simm.s32 @!p0 $0x108  }
0x21: {  	s3 =	sadd.s32 s3, s9;
	s6 =	sadd.s32 @!p0 $0x88, s6;
	s7 =	simm.s32 @p2 $0x1082  }
0x22: {  	[simem:s7], [sflag:s8] =	dma.local @!p0 [hbm:s6], $0xF7A  }
0x23: {  	s9 =	sor.u32 $0xD0000000, s2;
	s6 =	simm.s32 $0x108;
	_ =	swait.ge @!p0 [sflag:s8], $0x0  }
0x24: {  	s3 =	sadd.s32 $0x88, s3;
	s6 =	simm.s32 @!p1 $0x1082;
	[sflag:s4] =	ssyncset.s32 $0xFFFFF086  }
0x25: {  	[simem:s6], [sflag:s4] =	dma.local [hbm:s3], $0xF7A  }
0x26: {  	[smem:$0x3F97] =	sst s1;
	(tag) =	ssettag s2;
	_ =	strace s9  }
0x27: {  	s1 =	sld [smem:$0x3FA7]  }
0x28: {  	s2 =	sld [smem:$0x3FA8]  }
0x29: {  	s4 =	sld [smem:$0x3FAA]  }
0x2a: {  	p0 =	seq.s32 s5, $0x0;
	s5 =	sld [smem:$0x3FAB]  }
0x2b: {  	s6 =	sld [smem:$0x3FAC]  }
0x2c: {  	s7 =	sld [smem:$0x3FAD]  }
0x2d: {  	s3 =	simm.s32 $0x108;
	s8 =	sld [smem:$0x3FAE]  }
0x2e: {  	s3 =	simm.s32 @!p0 $0x1082;
	s9 =	sld [smem:$0x3FAF]  }
0x2f: {  	lr =	sadd.s32 s0, s3;
	s0 =	sld [smem:$0x3FA6]  }
0x30: {  	s3 =	sld [smem:$0x3FA9]  }
0x31: {  	[smem:$0x3FB2] =	sst s10  }
0x32: {  	s10 =	sld [smem:$0x3FB0];
	_ =	sdelay $0x3  }
0x33: {  	p0 =	seq.s32 s10, $0x1;
	s10 =	sld [smem:$0x3FB2];
	_ =	sdelay $0x3  }
0x34: {  	[smem:$0x3FB2] =	sst s10  }
0x35: {  	s10 =	sld [smem:$0x3FB1];
	_ =	sdelay $0x3  }
0x36: {  	p1 =	seq.s32 s10, $0x1;
	s10 =	sld [smem:$0x3FB2];
	_ =	sdelay $0x3  }
0x37: {  	[smem:$0x3FB2] =	sst s10  }
0x38: {  	s10 =	sld [smem:$0x3FB3]  }
0x39: {  	_ = 	snop;
	(pc) =	sbr.ind lr, $3  }
0x3a: {  	_ = 	snop  }
0x3b: {  	_ = 	snop  }
0x3c: {  	p2 =	seq.s32 s10, $0x1;
	s10 =	sld [smem:$0x3FB2]  }
0x3d: {  	_ =	shalt  }
0x3e: {  	_ =	shalt  }
0x3f: {  	_ =	shalt  }
0x40: {  	_ =	shalt  }
0x41: {  	_ =	shalt  }
0x42: {  	_ =	shalt  }
0x43: {  	_ =	shalt  }
0x44: {  	_ =	shalt  }
0x45: {  	_ =	shalt  }
0x46: {  	_ =	shalt  }
0x47: {  	_ =	shalt  }
0x48: {  	_ =	shalt  }
0x49: {  	_ =	shalt  }
0x4a: {  	_ =	shalt  }
0x4b: {  	_ =	shalt  }
0x4c: {  	_ =	shalt  }
0x4d: {  	_ =	shalt  }
0x4e: {  	_ =	shalt  }
0x4f: {  	_ =	shalt  }
0x50: {  	_ =	shalt  }
0x51: {  	_ =	shalt  }
0x52: {  	_ =	shalt  }
0x53: {  	_ =	shalt  }
0x54: {  	_ =	shalt  }
0x55: {  	_ =	shalt  }
0x56: {  	_ =	shalt  }
0x57: {  	_ =	shalt  }
0x58: {  	_ =	shalt  }
0x59: {  	_ =	shalt  }
0x5a: {  	_ =	shalt  }
0x5b: {  	_ =	shalt  }
0x5c: {  	_ =	shalt  }
0x5d: {  	_ =	shalt  }
0x5e: {  	_ =	shalt  }
0x5f: {  	_ =	shalt  }
0x60: {  	_ =	shalt  }
0x61: {  	_ =	shalt  }
0x62: {  	_ =	shalt  }
0x63: {  	_ =	shalt  }
0x64: {  	_ =	shalt  }
0x65: {  	_ =	shalt  }
0x66: {  	_ =	shalt  }
0x67: {  	_ =	shalt  }
0x68: {  	_ =	shalt  }
0x69: {  	_ =	shalt  }
0x6a: {  	_ =	shalt  }
0x6b: {  	_ =	shalt  }
0x6c: {  	_ =	shalt  }
0x6d: {  	_ =	shalt  }
0x6e: {  	_ =	shalt  }
0x6f: {  	_ =	shalt  }
0x70: {  	_ =	shalt  }
0x71: {  	_ =	shalt  }
0x72: {  	_ =	shalt  }
0x73: {  	_ =	shalt  }
0x74: {  	_ =	shalt  }
0x75: {  	_ =	shalt  }
0x76: {  	_ =	shalt  }
0x77: {  	_ =	shalt  }
0x78: {  	_ =	shalt  }
0x79: {  	_ =	shalt  }
0x7a: {  	_ =	shalt  }
0x7b: {  	_ =	shalt  }
0x7c: {  	_ =	shalt  }
0x7d: {  	_ =	shalt  }
0x7e: {  	_ =	shalt  }
0x7f: {  	_ =	shalt  }
0x80: {  	_ =	shalt  }
0x81: {  	_ =	shalt  }
0x82: {  	_ =	shalt  }
0x83: {  	_ =	shalt  }
0x84: {  	_ =	shalt  }
0x85: {  	_ =	shalt  }
0x86: {  	_ =	shalt  }
0x87: {  	_ =	shalt  }
.Lfunc_end0:
.L_simem_size_0:
called_computation.2_lowered:
.L_overlay_start_0:
0x88: {  	s2 =	sld [smem:$0x3FD9]  }
0x89: {  	s3 =	sld [smem:$0x3FFE];
	_ =	sdelay $0x1  }
0x8a: {  	s1 =	srdreg.scid  }
0x8b: {  	s0 =	sand.u32 $0x1, s1  }
0x8c: {  	s14 =	sshll.u32 s0, $0xA;
	s2 =	sadd.s32 s3, s2  }
0x8d: {  	s2 =	sadd.s32 s2, s14  }
0x8e: {  	[smem:$0x3FBE] =	sst s2  }
0x8f: {  	_ = 	snop  }
0x90: {  	s2 =	sld [smem:$0x3FD0];
	_ =	sdelay $0x2  }
0x91: {  	s15 =	simm.s32 $0xD;
	s4 =	simm.s32 $0x10  }
0x92: {  	[smem:s4], [sflag:s15] =	dma.local [hbm:s2], $0x1  }
0x93: {  	_ =	swait.eq [sflag:s15], $0x1  }
0x94: {  	[sflag:s15] =	ssyncset.done $0x0  }
0x95: {  	[sflag:s15] =	ssyncadd.s32 $0xFFFFFFFF  }
0x96: {  	s16 =	sld [smem:$0x11];
	(tm) =	ssettm $0x1  }
0x97: {  	s17 =	sld [smem:$0x3FFB];
	_ =	sdelay $0x3  }
0x98: {  	_ =	strace s17  }
0x99: {  	s3 =	sld [smem:$0x3FFC];
	_ =	sdelay $0x3  }
0x9a: {  	_ =	strace s3  }
0x9b: {  	s3 =	sld [smem:$0x3FFD];
	_ =	sdelay $0x3  }
0x9c: {  	_ =	strace s3  }
0x9d: {  	_ =	strace $0x8FFFFFFF  }
0x9e: {  	s18 =	sld [smem:$0x3FDB];
	_ =	sdelay $0x1  }
0x9f: {  	s19 =	simm.s32 $_scs_section_size  }
0xa0: {  	s5 =	simm.s32 $_size__tile_overlayer_lowered;
	s6 =	simm.s32 $_tile_overlayer_lowered  }
0xa1: {  	s22 =	simm.s32 $0x1BFF;
	s21 =	sshll.u32 s6, $0x1;
	s3 =	sadd.s32 s19, s18  }
0xa2: {  	s7 =	simm.s32 $0x0;
	s20 =	sshll.u32 s5, $0x1;
	s5 =	sadd.s32 s21, s3  }
0xa3: {  	[timem:s7], [sflag:s22] =	dma.local [hbm:s5], s20  }
0xa4: {  	_ =	swait.ge [sflag:s22], s20  }
0xa5: {  	s4 =	ssub.s32 $0x0, s20;
	[sflag:s22] =	ssyncset.done $0x0  }
0xa6: {  	[sflag:s22] =	ssyncadd.s32 s4;
	_ =	sdelay $0x1  }
0xa7: {  	s23 =	simm.s32 $0x1B8B  }
0xa8: {  	_ =	swait.ge [sflag:s23], $0x1  }
0xa9: {  	[sflag:s23] =	ssyncset.done $0x0  }
0xaa: {  	s25 =	simm.s32 $0x1B8E;
	s24 =	sld [smem:$0x3FFE];
	[sflag:s23] =	ssyncadd.s32 $0xFFFFFFFF  }
0xab: {  	s26 =	simm.s32 $execute0_lowered;
	[smem:$0x3FD2] =	sst s25  }
0xac: {  	s5 =	sshll.u32 s26, $0x1;
	_ =	strace $0x8000004C;
	[dreg:$0x1] =	wrdreg $0xFFFFFFFF  }
0xad: {  	s28 =	simm.s32 $_size_execute0_lowered;
	s3 =	sadd.s32 s3, s5;
	[dreg:$0x0] =	wrdreg $0x0  }
0xae: {  	s5 =	sshll.u32 s28, $0x1;
	[dreg:$0x2] =	wrdreg s3  }
0xaf: {  	[dreg:$0x3] =	wrdreg s5  }
0xb0: {  	[dreg:$0x4] =	wrdreg $0xC0  }
0xb1: {  	_ =	task [dreg:s7], $0x5FFFF  }
0xb2: {  	[dreg:$0x1] =	wrdreg $0xFFFFFFFF  }
0xb3: {  	[dreg:$0x0] =	wrdreg $0x60  }
0xb4: {  	[dreg:$0x2] =	wrdreg s24  }
0xb5: {  	[dreg:$0x3] =	wrdreg s16  }
0xb6: {  	[dreg:$0x4] =	wrdreg $0xC5800  }
0xb7: {  	[dreg:$0x5] =	wrdreg $0xA  }
0xb8: {  	_ =	task.clear_ibuf [dreg:s7], $0x6FFFF;
	_ =	strace $0x9000004C  }
0xb9: {  	s29 =	simm.s32 $0xA;
	_ =	strace $0x8000004E  }
0xba: {  	_ =	swait.ge [sflag:s29], $0x1  }
0xbb: {  	[sflag:s29] =	ssyncadd.s32 $0xFFFFFFFF  }
0xbc: {  	_ =	strace $0x9000004E  }
0xbd: {  	_ =	sfence  }
0xbe: {  	s30 =	sld [smem:$0x0];
	_ =	sdelay $0x2  }
0xbf: {  	s31 =	sshll.u32 s1, $0xD;
	s1 =	sshrl.u32 s1, $0x2  }
0xc0: {  	s3 =	sand.u32 $0x4000, s31;
	s1 =	sadd.s32 s1, s30  }
0xc1: {  	s0 =	sor.u32 s3, s0;
	s1 =	sshll.u32 s1, $0x11  }
0xc2: {  	s0 =	sor.u32 s1, s0  }
0xc3: {  	s0 =	sadd.s32 $0x8F2B, s0  }
0xc4: {  	[sflag:s0] =	ssyncadd.remote.s32 $0x1  }
0xc5: {  	_ =	sfence.sel $0xFFFF  }
0xc6: {  	[dreg:$0x0] =	wrdreg $0xFFFFFFFF;
	(pc) =	sbr.abs _section_cstart, $3  }
0xc7: {  	[dreg:$0x1] =	wrdreg $0xFFFFFFFF  }
0xc8: {  	_ =	task.clear_ibuf [dreg:s7], $0x2FFFF;
	_ =	strace $0x9FFFFFFF  }
0xc9: {  	(tm) =	ssettm $0x7FFFFFFF  }
tec
execute0_lowered:
.L_overlay_start_1:
0x0: {  	(tag) =	ssettag $0x1  }
0x1: {  	s11 =	rddreg [dreg:$0x0]  }
0x2: {  	s1 =	rddreg [dreg:$0x1]  }
0x3: {  	s2 =	rddreg [dreg:$0x2]  }
0x4: {  	s0 =	rddreg [dreg:$0x3];
	s3 =	simm.s32 $0x0  }
0x5: {  	s9 =	srdreg.scid;
	s8 =	stileid.u32;
	s16 =	simm.s32 $0x8100  }
0x6: {  	s17 =	simm.s32 $0x2;
	s18 =	simm.s32 $0x80;
	s19 =	simm.s32 $0x100  }
0x7: {  	s20 =	simm.s32 $0x4100;
	s21 =	simm.s32 $0x1;
	s22 =	simm.s32 $0xC100  }
0x8: {  	[smem:$0x7FF] =	sst s3;
	s4 =	sadd.s32 $0x11000, s11;
	s5 =	sadd.s32 $0x7000, s11  }
0x9: {  	s6 =	sadd.s32 $0x42200, s11;
	s7 =	sadd.s32 $0x1B000, s11;
	s14 =	sand.u32 $0x1, s9  }
0xa: {  	s9 =	sadd.s32 $0x17CC00, s11;
	s13 =	sshll.u32 s8, $0x1;
	s10 =	sadd.s32 $0x69400, s11  }
0xb: {  	s11 =	sadd.s32 $0x155A00, s11;
	p0 =	seq.s32 s8, $0x0;
	_ =	strace $0x8000004D  }
0xc: {  	s12 =	ssub.s32 $0x2, s14;
	s13 =	sor.u32 s14, s13;
	p1 =	seq.s32 s14, $0x1  }
0xd: {  	s23 =	sor.u32 s14, s8;
	s15 =	sshrl.u32 s12, $0x1;
	p1 =	por !p0, !p1  }
0xe: {  	p0 =	sne.s32 s8, $0x0;
	s15 =	ssub.s32 s12, s15;
	s12 =	smul.u32 $0x2800, s13  }
0xf: {  	p2 =	sne.s32 s23, $0x0;
	s23 =	simm.s32 $0x0;
	s13 =	smul.u32 $0x14000, s13  }
0x10: {  	p1 =	por !p1, !p1;
	s14 =	smax.u32 s15, $0x1;
	s15 =	sshrl.u32 @!p0 s2, $0x3  }
.LBB2_1:
0x11: {  	s24 =	simm.s32 @!p0 $0x1C02  }
0x12: {  	[spmem:s15], [sflag:s24] =	dma.local @!p0 [hbm:s7], $0x27200  }
0x13: {  	s24 =	simm.s32 @!p0 $0x2  }
0x14: {  	_ =	swait.ge @!p0 [sflag:s24], $0x27200  }
0x15: {  	[sflag:s24] =	ssyncset.done @!p0 $0x0  }
0x16: {  	[sflag:s24] =	ssyncadd.s32 @!p0 $0xFFFD8E00  }
0x17: {  	[bflag:$0x0] =	sbarrier.arrive $0xFFFF  }
0x18: {  	[tilespmem:s16], [sflag:$0x2] =	stream.linear.gather [hbm4b:s7+s3], $0x4000, $0x38;
	[tilespmem:$0x1FE80] =	vst v63  }
0x19: {  	_ =	swait.ge [sflag:s17], $0x4000  }
0x1a: {  	[sflag:s17] =	ssyncset.done $0x0  }
0x1b: {  	s24 =	simm.s32 $0x0;
	[sflag:s17] =	ssyncadd.s32 $0xFFFFC000  }
.LBB2_2:
0x1c: {  	s25 =	sshll.u32 s24, $0x7  }
0x1d: {  	s26 =	sand.u32 $0x3C00, s25  }
0x1e: {  	s25 =	sand.u32 $0x380, s25;
	s26 =	sadd.s32 s12, s26  }
0x1f: {  	s25 =	sor.u32 s25, s26  }
0x20: {  	s25 =	sshrl.u32 s25, $0x3  }
0x21: {  	s28 =	simm.s32 $0x0;
	s30 =	sadd.s32 s4, s25  }
0x22: {  	[tilespmem:s28], [sflag:$0x2] =	stream.linear.gather [hbm4b:s30+s28], $0x80, $0x38;
	[tilespmem:$0x1FE80] =	vst v63  }
0x23: {  	_ =	swait.ge [sflag:s17], $0x80  }
0x24: {  	[sflag:s17] =	ssyncset.done $0x0  }
0x25: {  	s25 =	sadd.s32 s5, s25;
	[sflag:s17] =	ssyncadd.s32 $0xFFFFFF80  }
0x26: {  	[tilespmem:s18], [sflag:$0x2] =	stream.linear.gather [hbm4b:s25+s28], $0x80, $0x38;
	[tilespmem:$0x1FE80] =	vst v63  }
0x27: {  	_ =	swait.ge [sflag:s17], $0x80  }
0x28: {  	[sflag:s17] =	ssyncset.done $0x0  }
0x29: {  	[sflag:s17] =	ssyncadd.s32 $0xFFFFFF80  }
0x2a: {  	[tilespmem:s19], [sflag:$0x1] =	stream.indirect.gather [hbm4b:s1+s18], $0x80, s28, s18, $0xb8;
	[tilespmem:$0x1FE80] =	vst v63  }
0x2b: {  	_ = 	snop  }
0x2c: {  	[tilespmem:s20], [sflag:$0x1] =	stream.indirect.gather [hbm4b:s6+s18], $0x80, s18, s18, $0xb8;
	[tilespmem:$0x1FE80] =	vst v63  }
0x2d: {  	_ =	swait.ge [sflag:s21], $0x4000  }
0x2e: {  	[sflag:s21] =	ssyncset.done $0x0  }
0x2f: {  	[sflag:s21] =	ssyncadd.s32 $0xFFFFC000  }
0x30: {  	_ =	swait.ge [sflag:s21], $0x4000  }
0x31: {  	[sflag:s21] =	ssyncset.done $0x0  }
0x32: {  	s31 =	simm.s32 $0x0;
	[sflag:s21] =	ssyncadd.s32 $0xFFFFC000  }
0x33: {  	v0 =	vld [tilespmem:s31+$0x4100]  }
0x34: {  	v1 =	vld [tilespmem:s31+$0x100];
	_ =	sdelay $0x4  }
0x35: {  	v0 =	vadd.f32 v0, v1;
	_ =	sdelay $0x1  }
0x36: {  	v1 =	vmul.f32 $2.000000030e-01, v0  }
0x37: {  	vm0 =	vge.f32 v0, $0.0e+00  }
0x38: {  	v0 =	vsel vm0, v0, v1  }
0x39: {  	v0 =	vmul.f32 $1.442695020e+00, v0;
	_ =	sdelay $0x1  }
0x3a: {  	(erf) = vpow2.f32 v0;
	_ =	sdelay $0x8  }
0x3b: {  	v0 =	vpop (erf)  }
0x3c: {  	s25 =	simm.s32 $0xC100;
	[tilespmem:s31+$0x8100] =	vst v0  }
0x3d: {  	s26 =	simm.s32 $0x80;
	[tilespmem:s25+$0x0] =	vst v0  }
0x3e: {  	v0 =	vld [tilespmem:s26+$0x4100]  }
0x3f: {  	s28 =	simm.s32 $0x400;
	v1 =	vld [tilespmem:s26+$0x100]  }
.LBB2_3:
0x40: {  	p3 =	sne.s32 s28, $0xFE00;
	_ =	sdelay $0x3  }
0x41: {  	v0 =	vadd.f32 v0, v1;
	_ =	sdelay $0x1  }
0x42: {  	v1 =	vmul.f32 $2.000000030e-01, v0  }
0x43: {  	vm0 =	vge.f32 v0, $0.0e+00  }
0x44: {  	v0 =	vsel vm0, v0, v1  }
0x45: {  	v0 =	vmul.f32 $1.442695020e+00, v0;
	_ =	sdelay $0x1  }
0x46: {  	(erf) = vpow2.f32 v0;
	_ =	sdelay $0x8  }
.Ltmp0:
0x47: {  	v0 =	vpop (erf);
	(pc) =	sbr.rel @p3 .LBB2_3-.Ltmp0, $4  }
0x48: {  	s25 =	sadd.s32 $0x8, s25;
	[tilespmem:s26+$0x8100] =	vst v0  }
0x49: {  	s26 =	sshra.s32 s28, $0x2;
	[tilespmem:s25+$0x0] =	vst v0  }
0x4a: {  	v0 =	vld [tilespmem:s26+$0x4100]  }
0x4b: {  	s28 =	sadd.s32 $0x200, s28;
	v1 =	vld [tilespmem:s26+$0x100]  }
0x4c: {  	_ =	sdelay $0x3  }
0x4d: {  	v0 =	vadd.f32 v0, v1;
	_ =	sdelay $0x1  }
0x4e: {  	v1 =	vmul.f32 $2.000000030e-01, v0  }
0x4f: {  	vm0 =	vge.f32 v0, $0.0e+00  }
0x50: {  	v0 =	vsel vm0, v0, v1  }
0x51: {  	v0 =	vmul.f32 $1.442695020e+00, v0;
	_ =	sdelay $0x1  }
0x52: {  	(erf) = vpow2.f32 v0;
	_ =	sdelay $0x8  }
0x53: {  	v0 =	vpop (erf)  }
0x54: {  	s25 =	sadd.s32 $0x8, s25;
	[tilespmem:s26+$0x8100] =	vst v0  }
0x55: {  	s31 =	sshll.u32 s24, $0xA;
	[tilespmem:s25+$0x0] =	vst v0  }
0x56: {  	[spmem:s2] =	stream.indirect.scatter.add.f32 [tilespmem:s16], [sflag:$0x2], $0x80, s18, s18, $0xb8;
	[tilespmem:$0x1FE80] =	vst v63  }
0x57: {  	s24 =	sadd.s32 $0x1, s24;
	s25 =	sadd.s32 s13, s31;
	_ =	swait.ge [sflag:s17], $0x4000  }
0x58: {  	p3 =	sne.s32 s24, $0x50;
	s25 =	sshrl.u32 s25, $0x3;
	[sflag:s17] =	ssyncset.done $0x0  }
.Ltmp1:
0x59: {  	s25 =	sadd.s32 s9, s25;
	[sflag:s17] =	ssyncadd.s32 $0xFFFFC000;
	(pc) =	sbr.rel @p3 .LBB2_2-.Ltmp1, $4  }
0x5a: {  	[hbm4b:s25+s3] =	stream.linear.scatter [tilespmem:s22], [sflag:$0x2], $0x400, $0x38;
	[tilespmem:$0x1FE80] =	vst v63  }
0x5b: {  	_ =	swait.ge [sflag:s17], $0x400  }
0x5c: {  	[sflag:s17] =	ssyncset.done $0x0  }
0x5d: {  	[sflag:s17] =	ssyncadd.s32 $0xFFFFFC00  }
0x5e: {  	s24 =	sshll.u32 @!p2 s8, $0x6  }
0x5f: {  	[bflag:$0x0] =	sbarrier.arrive $0xFFFF;
	s25 =	sshrl.u32 @!p2 s2, $0x3;
	s24 =	sor.u32 @!p2 $0x1C02, s24  }
0x60: {  	[hbm:s10], [sflag:s24] =	dma.local @!p2 [spmem:s25], $0x27200  }
0x61: {  	s24 =	simm.s32 @!p2 $0x2  }
0x62: {  	s23 =	sadd.s32 $0x1, s23;
	_ =	swait.ge @!p2 [sflag:s24], $0x27200  }
0x63: {  	p3 =	sne.s32 s23, s14;
	[sflag:s24] =	ssyncset.done @!p2 $0x0  }
0x64: {  	s25 =	simm.s32 @p1 $0x1C02;
	[sflag:s24] =	ssyncadd.s32 @!p2 $0xFFFD8E00;
	s24 =	sshrl.u32 @p1 s2, $0x3  }
0x65: {  	[hbm:s11], [sflag:s25] =	dma.local @p1 [spmem:s24], $0x27200  }
.Ltmp2:
0x66: {  	_ = 	snop;
	(pc) =	sbr.rel @p3 .LBB2_1-.Ltmp2, $4  }
0x67: {  	s24 =	simm.s32 @p1 $0x2  }
0x68: {  	_ =	swait.ge @p1 [sflag:s24], $0x27200  }
0x69: {  	[sflag:s24] =	ssyncset.done @p1 $0x0  }
0x6a: {  	[sflag:s24] =	ssyncadd.s32 @p1 $0xFFFD8E00  }
0x6b: {  	_ =	sfence.sel $0x180000  }
0x6c: {  	[bflag:$0x0] =	sbarrier.arrive $0xFFFF  }
0x6d: {  	_ =	strace $0x9000004D  }
0x6e: {  	s0 =	sadd.s32 @!p0 $0x100000, s0;
	[bflag:$0x2] =	sbarrier.arrive $0xFFFF  }
0x6f: {  	[sflag:s0] =	ssyncadd.tile.s32 @!p0 $0x1;
	_ =	shalt  }
.Lfunc_end2:
_tile_overlayer_lowered:
.L_overlay_start_2:
0x70: {  	(tag) =	ssettag $0x2  }
0x71: {  	s0 =	rddreg [dreg:$0x0];
	s2 =	stileid.u32  }
0x72: {  	s1 =	rddreg [dreg:$0x1];
	p0 =	sne.s32 s2, $0x0  }
0x73: {  	s3 =	rddreg [dreg:$0x2];
	[bflag:$0x3] =	sbarrier.arrive $0xFFFF;
	s2 =	simm.s32 @!p0 $0x1C02  }
0x74: {  	[timem:s3], [sflag:s2] =	dma.local @!p0 [hbm:s0], s1  }
0x75: {  	s0 =	simm.s32 @!p0 $0x2  }
0x76: {  	_ =	swait.ge @!p0 [sflag:s0], s1  }
0x77: {  	s1 =	ssub.s32 @!p0 $0x0, s1;
	[sflag:s0] =	ssyncset.done @!p0 $0x0  }
0x78: {  	[sflag:s0] =	ssyncadd.s32 @!p0 s1  }
0x79: {  	[bflag:$0x3] =	sbarrier.arrive $0xFFFF  }
0x7a: {  	_ =	shalt  }

// kernel: kernel.21.cloned.1.call-start
scs
__scs_entry_jumppad:
0x0: {  	(pc) =	sbr.rel $0x88, $3  }
0x1: {  	(tag) =	ssettag $0x0;
	lr =	simm.s32 $0x1  }
0x2: {  	[smem:$0x3F97] =	sst lr;
	_ =	strace $0xD0000000  }
0x3: {  	_ = 	snop  }
0x4: {  	_ = 	snop  }
0x5: {  	_ = 	snop  }
0x6: {  	_ = 	snop  }
0x7: {  	_ = 	snop  }
__scs_overlays_trampoline_lowered:
0x8: {  	[smem:$0x3FA6] =	sst s0  }
0x9: {  	[smem:$0x3FA7] =	sst s1  }
0xa: {  	[smem:$0x3FA8] =	sst s2  }
0xb: {  	[smem:$0x3FA9] =	sst s3  }
0xc: {  	[smem:$0x3FAA] =	sst s4  }
0xd: {  	[smem:$0x3FAB] =	sst s5  }
0xe: {  	[smem:$0x3FAC] =	sst s6  }
0xf: {  	[smem:$0x3FAD] =	sst s7  }
0x10: {  	[smem:$0x3FAE] =	sst s8  }
0x11: {  	[smem:$0x3FAF] =	sst s9;
	s0 =	simm.s32 @!p0 $0x0  }
0x12: {  	s1 =	sld [smem:$0x3F95];
	s0 =	simm.s32 @p0 $0x1  }
0x13: {  	[smem:$0x3FB0] =	sst s0;
	s0 =	simm.s32 @!p1 $0x0  }
0x14: {  	s2 =	sld [smem:$0x3F94];
	s0 =	simm.s32 @p1 $0x1  }
0x15: {  	[smem:$0x3FB1] =	sst s0;
	s0 =	simm.s32 @!p2 $0x0  }
0x16: {  	s3 =	sld [smem:$0x3FDB];
	s0 =	simm.s32 @p2 $0x1  }
0x17: {  	s4 =	simm.s32 $0x1BF5;
	[smem:$0x3FB3] =	sst s0  }
0x18: {  	s0 =	sld [smem:$0x3F96];
	_ =	swait.ge [sflag:s4], $0x0  }
0x19: {  	s7 =	sld [smem:$0x3F97]  }
0x1a: {  	s8 =	sadd.s32 $0xFFFFE003, lr  }
0x1b: {  	s9 =	sadd.s32 $0xFFFFFEF7, lr;
	s5 =	simm.s32 $0xFFFFFFFF;
	p2 =	slt.u32 s8, $0xFFFFF086  }
0x1c: {  	p1 =	slt.u32 s9, $0xF7A;
	s5 =	simm.s32 @!p2 $0x0  }
0x1d: {  	s5 =	simm.s32 @p1 $0x1;
	p0 =	seq.s32 s7, s2  }
0x1e: {  	s7 =	smul.u32 @!p0 $0xF7A, s2;
	p2 =	seq.s32 @!p0 s5, $0x0  }
0x1f: {  	s9 =	smul.u32 $0xF7A, s1;
	s8 =	simm.s32 @!p0 $0x1BF5;
	p2 =	por !p2, p0  }
0x20: {  	[sflag:s8] =	ssyncset.s32 @!p0 $0xFFFFF086;
	s6 =	sadd.s32 @!p0 s3, s7;
	s7 =	simm.s32 @!p0 $0x108  }
0x21: {  	s3 =	sadd.s32 s3, s9;
	s6 =	sadd.s32 @!p0 $0x88, s6;
	s7 =	simm.s32 @p2 $0x1082  }
0x22: {  	[simem:s7], [sflag:s8] =	dma.local @!p0 [hbm:s6], $0xF7A  }
0x23: {  	s9 =	sor.u32 $0xD0000000, s2;
	s6 =	simm.s32 $0x108;
	_ =	swait.ge @!p0 [sflag:s8], $0x0  }
0x24: {  	s3 =	sadd.s32 $0x88, s3;
	s6 =	simm.s32 @!p1 $0x1082;
	[sflag:s4] =	ssyncset.s32 $0xFFFFF086  }
0x25: {  	[simem:s6], [sflag:s4] =	dma.local [hbm:s3], $0xF7A  }
0x26: {  	[smem:$0x3F97] =	sst s1;
	(tag) =	ssettag s2;
	_ =	strace s9  }
0x27: {  	s1 =	sld [smem:$0x3FA7]  }
0x28: {  	s2 =	sld [smem:$0x3FA8]  }
0x29: {  	s4 =	sld [smem:$0x3FAA]  }
0x2a: {  	p0 =	seq.s32 s5, $0x0;
	s5 =	sld [smem:$0x3FAB]  }
0x2b: {  	s6 =	sld [smem:$0x3FAC]  }
0x2c: {  	s7 =	sld [smem:$0x3FAD]  }
0x2d: {  	s3 =	simm.s32 $0x108;
	s8 =	sld [smem:$0x3FAE]  }
0x2e: {  	s3 =	simm.s32 @!p0 $0x1082;
	s9 =	sld [smem:$0x3FAF]  }
0x2f: {  	lr =	sadd.s32 s0, s3;
	s0 =	sld [smem:$0x3FA6]  }
0x30: {  	s3 =	sld [smem:$0x3FA9]  }
0x31: {  	[smem:$0x3FB2] =	sst s10  }
0x32: {  	s10 =	sld [smem:$0x3FB0];
	_ =	sdelay $0x3  }
0x33: {  	p0 =	seq.s32 s10, $0x1;
	s10 =	sld [smem:$0x3FB2];
	_ =	sdelay $0x3  }
0x34: {  	[smem:$0x3FB2] =	sst s10  }
0x35: {  	s10 =	sld [smem:$0x3FB1];
	_ =	sdelay $0x3  }
0x36: {  	p1 =	seq.s32 s10, $0x1;
	s10 =	sld [smem:$0x3FB2];
	_ =	sdelay $0x3  }
0x37: {  	[smem:$0x3FB2] =	sst s10  }
0x38: {  	s10 =	sld [smem:$0x3FB3]  }
0x39: {  	_ = 	snop;
	(pc) =	sbr.ind lr, $3  }
0x3a: {  	_ = 	snop  }
0x3b: {  	_ = 	snop  }
0x3c: {  	p2 =	seq.s32 s10, $0x1;
	s10 =	sld [smem:$0x3FB2]  }
0x3d: {  	_ =	shalt  }
0x3e: {  	_ =	shalt  }
0x3f: {  	_ =	shalt  }
0x40: {  	_ =	shalt  }
0x41: {  	_ =	shalt  }
0x42: {  	_ =	shalt  }
0x43: {  	_ =	shalt  }
0x44: {  	_ =	shalt  }
0x45: {  	_ =	shalt  }
0x46: {  	_ =	shalt  }
0x47: {  	_ =	shalt  }
0x48: {  	_ =	shalt  }
0x49: {  	_ =	shalt  }
0x4a: {  	_ =	shalt  }
0x4b: {  	_ =	shalt  }
0x4c: {  	_ =	shalt  }
0x4d: {  	_ =	shalt  }
0x4e: {  	_ =	shalt  }
0x4f: {  	_ =	shalt  }
0x50: {  	_ =	shalt  }
0x51: {  	_ =	shalt  }
0x52: {  	_ =	shalt  }
0x53: {  	_ =	shalt  }
0x54: {  	_ =	shalt  }
0x55: {  	_ =	shalt  }
0x56: {  	_ =	shalt  }
0x57: {  	_ =	shalt  }
0x58: {  	_ =	shalt  }
0x59: {  	_ =	shalt  }
0x5a: {  	_ =	shalt  }
0x5b: {  	_ =	shalt  }
0x5c: {  	_ =	shalt  }
0x5d: {  	_ =	shalt  }
0x5e: {  	_ =	shalt  }
0x5f: {  	_ =	shalt  }
0x60: {  	_ =	shalt  }
0x61: {  	_ =	shalt  }
0x62: {  	_ =	shalt  }
0x63: {  	_ =	shalt  }
0x64: {  	_ =	shalt  }
0x65: {  	_ =	shalt  }
0x66: {  	_ =	shalt  }
0x67: {  	_ =	shalt  }
0x68: {  	_ =	shalt  }
0x69: {  	_ =	shalt  }
0x6a: {  	_ =	shalt  }
0x6b: {  	_ =	shalt  }
0x6c: {  	_ =	shalt  }
0x6d: {  	_ =	shalt  }
0x6e: {  	_ =	shalt  }
0x6f: {  	_ =	shalt  }
0x70: {  	_ =	shalt  }
0x71: {  	_ =	shalt  }
0x72: {  	_ =	shalt  }
0x73: {  	_ =	shalt  }
0x74: {  	_ =	shalt  }
0x75: {  	_ =	shalt  }
0x76: {  	_ =	shalt  }
0x77: {  	_ =	shalt  }
0x78: {  	_ =	shalt  }
0x79: {  	_ =	shalt  }
0x7a: {  	_ =	shalt  }
0x7b: {  	_ =	shalt  }
0x7c: {  	_ =	shalt  }
0x7d: {  	_ =	shalt  }
0x7e: {  	_ =	shalt  }
0x7f: {  	_ =	shalt  }
0x80: {  	_ =	shalt  }
0x81: {  	_ =	shalt  }
0x82: {  	_ =	shalt  }
0x83: {  	_ =	shalt  }
0x84: {  	_ =	shalt  }
0x85: {  	_ =	shalt  }
0x86: {  	_ =	shalt  }
0x87: {  	_ =	shalt  }
.Lfunc_end0:
.L_simem_size_0:
called_computation.3_lowered:
.L_overlay_start_0:
0x88: {  	s2 =	sld [smem:$0x3FD9]  }
0x89: {  	s3 =	sld [smem:$0x3FFE];
	_ =	sdelay $0x1  }
0x8a: {  	s1 =	srdreg.scid  }
0x8b: {  	s0 =	sand.u32 $0x1, s1  }
0x8c: {  	s15 =	sshll.u32 s0, $0xA;
	s2 =	sadd.s32 s3, s2  }
0x8d: {  	s2 =	sadd.s32 s2, s15  }
0x8e: {  	[smem:$0x3FBE] =	sst s2  }
0x8f: {  	_ = 	snop  }
0x90: {  	s2 =	sld [smem:$0x3FD0];
	_ =	sdelay $0x2  }
0x91: {  	s16 =	simm.s32 $0xD;
	s4 =	simm.s32 $0x10  }
0x92: {  	[smem:s4], [sflag:s16] =	dma.local [hbm:s2], $0x1  }
0x93: {  	_ =	swait.eq [sflag:s16], $0x1  }
0x94: {  	[sflag:s16] =	ssyncset.done $0x0  }
0x95: {  	[sflag:s16] =	ssyncadd.s32 $0xFFFFFFFF  }
0x96: {  	s17 =	sld [smem:$0x10];
	(tm) =	ssettm $0x1  }
0x97: {  	s18 =	sld [smem:$0x3FFB];
	_ =	sdelay $0x3  }
0x98: {  	_ =	strace s18  }
0x99: {  	s2 =	sld [smem:$0x3FFC];
	_ =	sdelay $0x3  }
0x9a: {  	_ =	strace s2  }
0x9b: {  	s2 =	sld [smem:$0x3FFD];
	_ =	sdelay $0x3  }
0x9c: {  	_ =	strace s2  }
0x9d: {  	_ =	strace $0x8FFFFFFF  }
0x9e: {  	s19 =	sld [smem:$0x3FDB];
	_ =	sdelay $0x1  }
0x9f: {  	s20 =	simm.s32 $_scs_section_size  }
0xa0: {  	s5 =	simm.s32 $_size__tile_overlayer_lowered;
	s6 =	simm.s32 $_tile_overlayer_lowered  }
0xa1: {  	s7 =	simm.s32 $0x1BFF;
	s21 =	sshll.u32 s6, $0x1;
	s4 =	sadd.s32 s20, s19  }
0xa2: {  	s22 =	simm.s32 $0x0;
	s5 =	sshll.u32 s5, $0x1;
	s6 =	sadd.s32 s21, s4  }
0xa3: {  	[timem:s22], [sflag:s7] =	dma.local [hbm:s6], s5  }
0xa4: {  	_ =	swait.ge [sflag:s7], s5  }
0xa5: {  	s5 =	ssub.s32 $0x0, s5;
	[sflag:s7] =	ssyncset.done $0x0  }
0xa6: {  	[sflag:s7] =	ssyncadd.s32 s5;
	_ =	sdelay $0x1  }
0xa7: {  	s23 =	simm.s32 $0x1B8B  }
0xa8: {  	_ =	swait.ge [sflag:s23], $0x1  }
0xa9: {  	[sflag:s23] =	ssyncset.done $0x0  }
0xaa: {  	[sflag:s23] =	ssyncadd.s32 $0xFFFFFFFF  }
0xab: {  	s5 =	sld [smem:$0x0]  }
0xac: {  	s6 =	sand.u32 $0xFFFFFFFE, s1  }
0xad: {  	p0 =	sne.s32 s1, s6  }
0xae: {  	s6 =	sshll.u32 @p0 s6, $0xE  }
0xaf: {  	s6 =	sadd.s32 @p0 $0x11B8D, s6;
	s7 =	sshll.u32 @p0 s5, $0x11  }
0xb0: {  	s6 =	sor.u32 @p0 s7, s6  }
0xb1: {  	[sflag:s6] =	ssyncadd.remote.s32 @p0 $0x1;
	_ =	sdelay $0x1  }
0xb2: {  	s6 =	simm.s32 @p0 $0x1B8D  }
0xb3: {  	_ =	swait.eq @p0 [sflag:s6], $0x1  }
0xb4: {  	[sflag:s6] =	ssyncadd.s32 @p0 $0xFFFFFFFF  }
0xb5: {  	s7 =	sshll.u32 @!p0 s1, $0xE  }
0xb6: {  	s7 =	sor.u32 @!p0 $0x4000, s7;
	s6 =	simm.s32 @!p0 $0x1B8D  }
0xb7: {  	s5 =	sshll.u32 @!p0 s5, $0x11;
	s7 =	sadd.s32 @!p0 $0x11B8D, s7;
	_ =	swait.eq @!p0 [sflag:s6], $0x1  }
0xb8: {  	s5 =	sor.u32 @!p0 s5, s7;
	[sflag:s6] =	ssyncadd.s32 @!p0 $0xFFFFFFFF  }
0xb9: {  	s25 =	simm.s32 $0x1B8E;
	s24 =	sld [smem:$0x3FFE];
	[sflag:s5] =	ssyncadd.remote.s32 @!p0 $0x1  }
0xba: {  	s26 =	simm.s32 $execute0_lowered;
	[smem:$0x3FD2] =	sst s25  }
0xbb: {  	s6 =	sshll.u32 s26, $0x1;
	_ =	strace $0x8000004F;
	[dreg:$0x1] =	wrdreg $0xFFFFFFFF  }
0xbc: {  	s28 =	simm.s32 $_size_execute0_lowered;
	s4 =	sadd.s32 s4, s6;
	[dreg:$0x0] =	wrdreg $0x0  }
0xbd: {  	s6 =	sshll.u32 s28, $0x1;
	[dreg:$0x2] =	wrdreg s4  }
0xbe: {  	[dreg:$0x3] =	wrdreg s6  }
0xbf: {  	[dreg:$0x4] =	wrdreg $0xC0  }
0xc0: {  	_ =	task [dreg:s22], $0x5FFFF  }
0xc1: {  	[dreg:$0x1] =	wrdreg $0xFFFFFFFF  }
0xc2: {  	[dreg:$0x0] =	wrdreg $0x60  }
0xc3: {  	[dreg:$0x2] =	wrdreg s24  }
0xc4: {  	[dreg:$0x3] =	wrdreg s17  }
0xc5: {  	[dreg:$0x4] =	wrdreg $0x9  }
0xc6: {  	_ =	task.clear_ibuf [dreg:s22], $0x5FFFF;
	_ =	strace $0x9000004F  }
0xc7: {  	s29 =	simm.s32 $0x9;
	_ =	strace $0x80000051  }
0xc8: {  	_ =	swait.ge [sflag:s29], $0x1  }
0xc9: {  	[sflag:s29] =	ssyncadd.s32 $0xFFFFFFFF  }
0xca: {  	_ =	strace $0x90000051  }
0xcb: {  	_ =	sfence  }
0xcc: {  	s30 =	sld [smem:$0x0];
	_ =	sdelay $0x2  }
0xcd: {  	s31 =	sshll.u32 s1, $0xD;
	s1 =	sshrl.u32 s1, $0x2  }
0xce: {  	s4 =	sand.u32 $0x4000, s31;
	s1 =	sadd.s32 s1, s30  }
0xcf: {  	s0 =	sor.u32 s4, s0;
	s1 =	sshll.u32 s1, $0x11  }
0xd0: {  	s0 =	sor.u32 s1, s0  }
0xd1: {  	s0 =	sadd.s32 $0x8F2B, s0  }
0xd2: {  	[sflag:s0] =	ssyncadd.remote.s32 $0x1  }
0xd3: {  	_ =	sfence.sel $0xFFFF  }
0xd4: {  	[dreg:$0x0] =	wrdreg $0xFFFFFFFF;
	(pc) =	sbr.abs _section_cstart, $3  }
0xd5: {  	[dreg:$0x1] =	wrdreg $0xFFFFFFFF  }
0xd6: {  	_ =	task.clear_ibuf [dreg:s22], $0x2FFFF;
	_ =	strace $0x9FFFFFFF  }
0xd7: {  	(tm) =	ssettm $0x7FFFFFFF  }
tec
execute0_lowered:
.L_overlay_start_1:
0x0: {  	(tag) =	ssettag $0x1  }
0x1: {  	s7 =	rddreg [dreg:$0x0]  }
0x2: {  	s1 =	rddreg [dreg:$0x1]  }
0x3: {  	s0 =	rddreg [dreg:$0x2];
	s3 =	simm.s32 $0x0;
	s4 =	srdreg.scid  }
0x4: {  	s2 =	stileid.u32;
	s10 =	simm.s32 $0x2;
	s11 =	simm.s32 $0x80  }
0x5: {  	s12 =	simm.s32 $0x4080;
	s13 =	simm.s32 $0x1;
	s14 =	simm.s32 $0x4500  }
0x6: {  	s15 =	simm.s32 $0x0;
	[smem:$0x7FF] =	sst s3;
	s5 =	sand.u32 $0x1, s4  }
0x7: {  	s8 =	sshll.u32 s2, $0x1;
	s4 =	sadd.s32 $0x7000, s7;
	s6 =	ssub.s32 $0x2, s5  }
0x8: {  	_ =	strace $0x80000050;
	s8 =	sor.u32 s5, s8;
	s9 =	sshrl.u32 s6, $0x1  }
0x9: {  	s5 =	sadd.s32 $0x42200, s7;
	s9 =	ssub.s32 s6, s9;
	s6 =	smul.u32 $0x2800, s8  }
0xa: {  	s7 =	sadd.s32 $0x90600, s7;
	s8 =	smul.u32 $0x14000, s8;
	s9 =	smax.u32 s9, $0x1  }
.LBB2_1:
0xb: {  	s16 =	simm.s32 $0x0  }
.LBB2_2:
0xc: {  	s17 =	sshll.u32 s16, $0x7  }
0xd: {  	s18 =	sand.u32 $0x3C00, s17  }
0xe: {  	s17 =	sand.u32 $0x380, s17;
	s18 =	sadd.s32 s6, s18  }
0xf: {  	s17 =	sor.u32 s17, s18  }
0x10: {  	s17 =	sshrl.u32 s17, $0x3  }
0x11: {  	s30 =	simm.s32 $0x0;
	s17 =	sadd.s32 s4, s17  }
0x12: {  	[tilespmem:s30], [sflag:$0x2] =	stream.linear.gather [hbm4b:s17+s30], $0x80, $0x38;
	[tilespmem:$0x4980] =	vst v63  }
0x13: {  	s31 =	sshll.u32 s16, $0xA;
	_ =	swait.ge [sflag:s10], $0x80  }
0x14: {  	s17 =	sadd.s32 s8, s31;
	[sflag:s10] =	ssyncset.done $0x0  }
0x15: {  	s17 =	sshrl.u32 s17, $0x3;
	[sflag:s10] =	ssyncadd.s32 $0xFFFFFF80  }
0x16: {  	[tilespmem:s11], [sflag:$0x1] =	stream.indirect.gather [hbm4b:s5+s11], $0x80, s30, s11, $0xb8;
	[tilespmem:$0x4980] =	vst v63  }
0x17: {  	s19 =	sadd.s32 s7, s17  }
0x18: {  	[tilespmem:s12], [sflag:$0x2] =	stream.linear.gather [hbm4b:s19+s30], $0x400, $0x38;
	[tilespmem:$0x4980] =	vst v63  }
0x19: {  	_ =	swait.ge [sflag:s10], $0x400  }
0x1a: {  	[sflag:s10] =	ssyncset.done $0x0  }
0x1b: {  	[sflag:s10] =	ssyncadd.s32 $0xFFFFFC00  }
0x1c: {  	_ =	swait.ge [sflag:s13], $0x4000  }
0x1d: {  	[sflag:s13] =	ssyncset.done $0x0  }
0x1e: {  	s18 =	simm.s32 $0x0;
	[sflag:s13] =	ssyncadd.s32 $0xFFFFC000  }
0x1f: {  	s20 =	simm.s32 $0x20;
	s19 =	simm.s32 $0x88;
	v0 =	vld [tilespmem:s18+$0x4080]  }
.LBB2_3:
0x20: {  	p0 =	sne.s32 s20, $0xFE0;
	v1 =	vld [tilespmem:s19+$0x0];
	_ =	sdelay $0x2  }
.Ltmp0:
0x21: {  	(pc) =	sbr.rel @p0 .LBB2_3-.Ltmp0, $4  }
0x22: {  	_ = 	snop  }
0x23: {  	v1 =	vmul.f32 v0, v1  }
0x24: {  	s21 =	sshra.s32 s20, $0x2  }
0x25: {  	s20 =	sadd.s32 $0x20, s20;
	s19 =	sadd.s32 $0x80, s19;
	v0 =	vld [tilespmem:s21+$0x4080];
	[tilespmem:s18+$0x4500] =	vst v1;
	s18 =	smov.u32 s21  }
0x26: {  	v1 =	vld [tilespmem:s19+$0x0];
	_ =	sdelay $0x4  }
0x27: {  	s16 =	sadd.s32 $0x1, s16;
	v0 =	vmul.f32 v0, v1  }
0x28: {  	p0 =	sne.s32 s16, $0x50  }
.Ltmp1:
0x29: {  	s17 =	sadd.s32 s1, s17;
	[tilespmem:s18+$0x4500] =	vst v0;
	(pc) =	sbr.rel @p0 .LBB2_2-.Ltmp1, $4  }
0x2a: {  	[hbm4b:s17+s3] =	stream.linear.scatter [tilespmem:s14], [sflag:$0x2], $0x400, $0x38;
	[tilespmem:$0x4980] =	vst v63  }
0x2b: {  	_ =	swait.ge [sflag:s10], $0x400  }
0x2c: {  	[sflag:s10] =	ssyncset.done $0x0  }
0x2d: {  	[sflag:s10] =	ssyncadd.s32 $0xFFFFFC00  }
0x2e: {  	s15 =	sadd.s32 $0x1, s15  }
0x2f: {  	p0 =	sne.s32 s15, s9  }
.Ltmp2:
0x30: {  	_ = 	snop;
	(pc) =	sbr.rel @p0 .LBB2_1-.Ltmp2, $1  }
0x31: {  	_ =	sdelay $0x3  }
0x32: {  	_ =	sfence.sel $0x180000  }
0x33: {  	[bflag:$0x0] =	sbarrier.arrive $0xFFFF  }
0x34: {  	p0 =	sne.s32 s2, $0x0;
	_ =	strace $0x90000050  }
0x35: {  	s0 =	sadd.s32 @!p0 $0x100000, s0;
	[bflag:$0x2] =	sbarrier.arrive $0xFFFF  }
0x36: {  	[sflag:s0] =	ssyncadd.tile.s32 @!p0 $0x1;
	_ =	shalt  }
.Lfunc_end2:
_tile_overlayer_lowered:
.L_overlay_start_2:
0x37: {  	(tag) =	ssettag $0x2  }
0x38: {  	s0 =	rddreg [dreg:$0x0];
	s2 =	stileid.u32  }
0x39: {  	s1 =	rddreg [dreg:$0x1];
	p0 =	sne.s32 s2, $0x0  }
0x3a: {  	s3 =	rddreg [dreg:$0x2];
	[bflag:$0x3] =	sbarrier.arrive $0xFFFF;
	s2 =	simm.s32 @!p0 $0x1C02  }
0x3b: {  	[timem:s3], [sflag:s2] =	dma.local @!p0 [hbm:s0], s1  }
0x3c: {  	s0 =	simm.s32 @!p0 $0x2  }
0x3d: {  	_ =	swait.ge @!p0 [sflag:s0], s1  }
0x3e: {  	s1 =	ssub.s32 @!p0 $0x0, s1;
	[sflag:s0] =	ssyncset.done @!p0 $0x0  }
0x3f: {  	[sflag:s0] =	ssyncadd.s32 @!p0 s1  }
0x40: {  	[bflag:$0x3] =	sbarrier.arrive $0xFFFF  }
0x41: {  	_ =	shalt  }

// kernel: kernel.24.cloned.1.call-start
scs
__scs_entry_jumppad:
0x0: {  	(pc) =	sbr.rel $0x88, $3  }
0x1: {  	(tag) =	ssettag $0x0;
	lr =	simm.s32 $0x1  }
0x2: {  	[smem:$0x3F97] =	sst lr;
	_ =	strace $0xD0000000  }
0x3: {  	_ = 	snop  }
0x4: {  	_ = 	snop  }
0x5: {  	_ = 	snop  }
0x6: {  	_ = 	snop  }
0x7: {  	_ = 	snop  }
__scs_overlays_trampoline_lowered:
0x8: {  	[smem:$0x3FA6] =	sst s0  }
0x9: {  	[smem:$0x3FA7] =	sst s1  }
0xa: {  	[smem:$0x3FA8] =	sst s2  }
0xb: {  	[smem:$0x3FA9] =	sst s3  }
0xc: {  	[smem:$0x3FAA] =	sst s4  }
0xd: {  	[smem:$0x3FAB] =	sst s5  }
0xe: {  	[smem:$0x3FAC] =	sst s6  }
0xf: {  	[smem:$0x3FAD] =	sst s7  }
0x10: {  	[smem:$0x3FAE] =	sst s8  }
0x11: {  	[smem:$0x3FAF] =	sst s9;
	s0 =	simm.s32 @!p0 $0x0  }
0x12: {  	s1 =	sld [smem:$0x3F95];
	s0 =	simm.s32 @p0 $0x1  }
0x13: {  	[smem:$0x3FB0] =	sst s0;
	s0 =	simm.s32 @!p1 $0x0  }
0x14: {  	s2 =	sld [smem:$0x3F94];
	s0 =	simm.s32 @p1 $0x1  }
0x15: {  	[smem:$0x3FB1] =	sst s0;
	s0 =	simm.s32 @!p2 $0x0  }
0x16: {  	s3 =	sld [smem:$0x3FDB];
	s0 =	simm.s32 @p2 $0x1  }
0x17: {  	s4 =	simm.s32 $0x1BF5;
	[smem:$0x3FB3] =	sst s0  }
0x18: {  	s0 =	sld [smem:$0x3F96];
	_ =	swait.ge [sflag:s4], $0x0  }
0x19: {  	s7 =	sld [smem:$0x3F97]  }
0x1a: {  	s8 =	sadd.s32 $0xFFFFE003, lr  }
0x1b: {  	s9 =	sadd.s32 $0xFFFFFEF7, lr;
	s5 =	simm.s32 $0xFFFFFFFF;
	p2 =	slt.u32 s8, $0xFFFFF086  }
0x1c: {  	p1 =	slt.u32 s9, $0xF7A;
	s5 =	simm.s32 @!p2 $0x0  }
0x1d: {  	s5 =	simm.s32 @p1 $0x1;
	p0 =	seq.s32 s7, s2  }
0x1e: {  	s7 =	smul.u32 @!p0 $0xF7A, s2;
	p2 =	seq.s32 @!p0 s5, $0x0  }
0x1f: {  	s9 =	smul.u32 $0xF7A, s1;
	s8 =	simm.s32 @!p0 $0x1BF5;
	p2 =	por !p2, p0  }
0x20: {  	[sflag:s8] =	ssyncset.s32 @!p0 $0xFFFFF086;
	s6 =	sadd.s32 @!p0 s3, s7;
	s7 =	simm.s32 @!p0 $0x108  }
0x21: {  	s3 =	sadd.s32 s3, s9;
	s6 =	sadd.s32 @!p0 $0x88, s6;
	s7 =	simm.s32 @p2 $0x1082  }
0x22: {  	[simem:s7], [sflag:s8] =	dma.local @!p0 [hbm:s6], $0xF7A  }
0x23: {  	s9 =	sor.u32 $0xD0000000, s2;
	s6 =	simm.s32 $0x108;
	_ =	swait.ge @!p0 [sflag:s8], $0x0  }
0x24: {  	s3 =	sadd.s32 $0x88, s3;
	s6 =	simm.s32 @!p1 $0x1082;
	[sflag:s4] =	ssyncset.s32 $0xFFFFF086  }
0x25: {  	[simem:s6], [sflag:s4] =	dma.local [hbm:s3], $0xF7A  }
0x26: {  	[smem:$0x3F97] =	sst s1;
	(tag) =	ssettag s2;
	_ =	strace s9  }
0x27: {  	s1 =	sld [smem:$0x3FA7]  }
0x28: {  	s2 =	sld [smem:$0x3FA8]  }
0x29: {  	s4 =	sld [smem:$0x3FAA]  }
0x2a: {  	p0 =	seq.s32 s5, $0x0;
	s5 =	sld [smem:$0x3FAB]  }
0x2b: {  	s6 =	sld [smem:$0x3FAC]  }
0x2c: {  	s7 =	sld [smem:$0x3FAD]  }
0x2d: {  	s3 =	simm.s32 $0x108;
	s8 =	sld [smem:$0x3FAE]  }
0x2e: {  	s3 =	simm.s32 @!p0 $0x1082;
	s9 =	sld [smem:$0x3FAF]  }
0x2f: {  	lr =	sadd.s32 s0, s3;
	s0 =	sld [smem:$0x3FA6]  }
0x30: {  	s3 =	sld [smem:$0x3FA9]  }
0x31: {  	[smem:$0x3FB2] =	sst s10  }
0x32: {  	s10 =	sld [smem:$0x3FB0];
	_ =	sdelay $0x3  }
0x33: {  	p0 =	seq.s32 s10, $0x1;
	s10 =	sld [smem:$0x3FB2];
	_ =	sdelay $0x3  }
0x34: {  	[smem:$0x3FB2] =	sst s10  }
0x35: {  	s10 =	sld [smem:$0x3FB1];
	_ =	sdelay $0x3  }
0x36: {  	p1 =	seq.s32 s10, $0x1;
	s10 =	sld [smem:$0x3FB2];
	_ =	sdelay $0x3  }
0x37: {  	[smem:$0x3FB2] =	sst s10  }
0x38: {  	s10 =	sld [smem:$0x3FB3]  }
0x39: {  	_ = 	snop;
	(pc) =	sbr.ind lr, $3  }
0x3a: {  	_ = 	snop  }
0x3b: {  	_ = 	snop  }
0x3c: {  	p2 =	seq.s32 s10, $0x1;
	s10 =	sld [smem:$0x3FB2]  }
0x3d: {  	_ =	shalt  }
0x3e: {  	_ =	shalt  }
0x3f: {  	_ =	shalt  }
0x40: {  	_ =	shalt  }
0x41: {  	_ =	shalt  }
0x42: {  	_ =	shalt  }
0x43: {  	_ =	shalt  }
0x44: {  	_ =	shalt  }
0x45: {  	_ =	shalt  }
0x46: {  	_ =	shalt  }
0x47: {  	_ =	shalt  }
0x48: {  	_ =	shalt  }
0x49: {  	_ =	shalt  }
0x4a: {  	_ =	shalt  }
0x4b: {  	_ =	shalt  }
0x4c: {  	_ =	shalt  }
0x4d: {  	_ =	shalt  }
0x4e: {  	_ =	shalt  }
0x4f: {  	_ =	shalt  }
0x50: {  	_ =	shalt  }
0x51: {  	_ =	shalt  }
0x52: {  	_ =	shalt  }
0x53: {  	_ =	shalt  }
0x54: {  	_ =	shalt  }
0x55: {  	_ =	shalt  }
0x56: {  	_ =	shalt  }
0x57: {  	_ =	shalt  }
0x58: {  	_ =	shalt  }
0x59: {  	_ =	shalt  }
0x5a: {  	_ =	shalt  }
0x5b: {  	_ =	shalt  }
0x5c: {  	_ =	shalt  }
0x5d: {  	_ =	shalt  }
0x5e: {  	_ =	shalt  }
0x5f: {  	_ =	shalt  }
0x60: {  	_ =	shalt  }
0x61: {  	_ =	shalt  }
0x62: {  	_ =	shalt  }
0x63: {  	_ =	shalt  }
0x64: {  	_ =	shalt  }
0x65: {  	_ =	shalt  }
0x66: {  	_ =	shalt  }
0x67: {  	_ =	shalt  }
0x68: {  	_ =	shalt  }
0x69: {  	_ =	shalt  }
0x6a: {  	_ =	shalt  }
0x6b: {  	_ =	shalt  }
0x6c: {  	_ =	shalt  }
0x6d: {  	_ =	shalt  }
0x6e: {  	_ =	shalt  }
0x6f: {  	_ =	shalt  }
0x70: {  	_ =	shalt  }
0x71: {  	_ =	shalt  }
0x72: {  	_ =	shalt  }
0x73: {  	_ =	shalt  }
0x74: {  	_ =	shalt  }
0x75: {  	_ =	shalt  }
0x76: {  	_ =	shalt  }
0x77: {  	_ =	shalt  }
0x78: {  	_ =	shalt  }
0x79: {  	_ =	shalt  }
0x7a: {  	_ =	shalt  }
0x7b: {  	_ =	shalt  }
0x7c: {  	_ =	shalt  }
0x7d: {  	_ =	shalt  }
0x7e: {  	_ =	shalt  }
0x7f: {  	_ =	shalt  }
0x80: {  	_ =	shalt  }
0x81: {  	_ =	shalt  }
0x82: {  	_ =	shalt  }
0x83: {  	_ =	shalt  }
0x84: {  	_ =	shalt  }
0x85: {  	_ =	shalt  }
0x86: {  	_ =	shalt  }
0x87: {  	_ =	shalt  }
.Lfunc_end0:
.L_simem_size_0:
called_computation.4_lowered:
.L_overlay_start_0:
0x88: {  	s2 =	sld [smem:$0x3FD9]  }
0x89: {  	s3 =	sld [smem:$0x3FFE];
	_ =	sdelay $0x1  }
0x8a: {  	s1 =	srdreg.scid  }
0x8b: {  	s0 =	sand.u32 $0x1, s1  }
0x8c: {  	s17 =	sshll.u32 s0, $0xA;
	s2 =	sadd.s32 s3, s2  }
0x8d: {  	s2 =	sadd.s32 s2, s17  }
0x8e: {  	[smem:$0x3FBE] =	sst s2  }
0x8f: {  	_ = 	snop  }
0x90: {  	(tm) =	ssettm $0x1  }
0x91: {  	s18 =	sld [smem:$0x3FFB];
	_ =	sdelay $0x3  }
0x92: {  	_ =	strace s18  }
0x93: {  	s2 =	sld [smem:$0x3FFC];
	_ =	sdelay $0x3  }
0x94: {  	_ =	strace s2  }
0x95: {  	s2 =	sld [smem:$0x3FFD];
	_ =	sdelay $0x3  }
0x96: {  	_ =	strace s2  }
0x97: {  	_ =	strace $0x8FFFFFFF  }
0x98: {  	s19 =	sld [smem:$0x3FDB];
	_ =	sdelay $0x1  }
0x99: {  	s20 =	simm.s32 $_scs_section_size  }
0x9a: {  	s4 =	simm.s32 $_size__tile_overlayer_lowered;
	s5 =	simm.s32 $_tile_overlayer_lowered  }
0x9b: {  	s6 =	simm.s32 $0x1BFF;
	s21 =	sshll.u32 s5, $0x1;
	s3 =	sadd.s32 s20, s19  }
0x9c: {  	s22 =	simm.s32 $0x0;
	s4 =	sshll.u32 s4, $0x1;
	s5 =	sadd.s32 s21, s3  }
0x9d: {  	[timem:s22], [sflag:s6] =	dma.local [hbm:s5], s4  }
0x9e: {  	_ =	swait.ge [sflag:s6], s4  }
0x9f: {  	s4 =	ssub.s32 $0x0, s4;
	[sflag:s6] =	ssyncset.done $0x0  }
0xa0: {  	[sflag:s6] =	ssyncadd.s32 s4;
	_ =	sdelay $0x1  }
0xa1: {  	s23 =	simm.s32 $0x1B8B  }
0xa2: {  	_ =	swait.ge [sflag:s23], $0x1  }
0xa3: {  	[sflag:s23] =	ssyncset.done $0x0  }
0xa4: {  	[sflag:s23] =	ssyncadd.s32 $0xFFFFFFFF  }
0xa5: {  	s4 =	sld [smem:$0x0]  }
0xa6: {  	s5 =	sand.u32 $0xFFFFFFFE, s1  }
0xa7: {  	p0 =	sne.s32 s1, s5  }
0xa8: {  	s5 =	sshll.u32 @p0 s5, $0xE  }
0xa9: {  	s5 =	sadd.s32 @p0 $0x11B8D, s5;
	s6 =	sshll.u32 @p0 s4, $0x11  }
0xaa: {  	s5 =	sor.u32 @p0 s6, s5  }
0xab: {  	[sflag:s5] =	ssyncadd.remote.s32 @p0 $0x1;
	_ =	sdelay $0x1  }
0xac: {  	s5 =	simm.s32 @p0 $0x1B8D  }
0xad: {  	_ =	swait.eq @p0 [sflag:s5], $0x1  }
0xae: {  	[sflag:s5] =	ssyncadd.s32 @p0 $0xFFFFFFFF  }
0xaf: {  	s6 =	sshll.u32 @!p0 s1, $0xE  }
0xb0: {  	s6 =	sor.u32 @!p0 $0x4000, s6;
	s5 =	simm.s32 @!p0 $0x1B8D  }
0xb1: {  	s4 =	sshll.u32 @!p0 s4, $0x11;
	s6 =	sadd.s32 @!p0 $0x11B8D, s6;
	_ =	swait.eq @!p0 [sflag:s5], $0x1  }
0xb2: {  	s4 =	sor.u32 @!p0 s4, s6;
	[sflag:s5] =	ssyncadd.s32 @!p0 $0xFFFFFFFF  }
0xb3: {  	s25 =	simm.s32 $0x1B8E;
	s24 =	sld [smem:$0x3FFE];
	[sflag:s4] =	ssyncadd.remote.s32 @!p0 $0x1  }
0xb4: {  	s26 =	simm.s32 $execute0_lowered;
	[smem:$0x3FD2] =	sst s25  }
0xb5: {  	s5 =	sshll.u32 s26, $0x1;
	_ =	strace $0x80000058;
	[dreg:$0x1] =	wrdreg $0xFFFFFFFF  }
0xb6: {  	s28 =	simm.s32 $_size_execute0_lowered;
	s3 =	sadd.s32 s3, s5;
	[dreg:$0x0] =	wrdreg $0x0  }
0xb7: {  	s5 =	sshll.u32 s28, $0x1;
	[dreg:$0x2] =	wrdreg s3  }
0xb8: {  	[dreg:$0x3] =	wrdreg s5  }
0xb9: {  	[dreg:$0x4] =	wrdreg $0xC0  }
0xba: {  	_ =	task [dreg:s22], $0x5FFFF  }
0xbb: {  	[dreg:$0x1] =	wrdreg $0xFFFFFFFF  }
0xbc: {  	[dreg:$0x0] =	wrdreg $0x60  }
0xbd: {  	[dreg:$0x2] =	wrdreg s24  }
0xbe: {  	[dreg:$0x3] =	wrdreg $0x8A800  }
0xbf: {  	[dreg:$0x4] =	wrdreg $0xA  }
0xc0: {  	_ =	task.clear_ibuf [dreg:s22], $0x5FFFF;
	_ =	strace $0x90000058  }
0xc1: {  	s29 =	simm.s32 $0xA;
	_ =	strace $0x8000005A  }
0xc2: {  	_ =	swait.ge [sflag:s29], $0x1  }
0xc3: {  	[sflag:s29] =	ssyncadd.s32 $0xFFFFFFFF  }
0xc4: {  	_ =	strace $0x9000005A  }
0xc5: {  	_ =	sfence  }
0xc6: {  	s30 =	sld [smem:$0x0];
	_ =	sdelay $0x2  }
0xc7: {  	s31 =	sshll.u32 s1, $0xD;
	s1 =	sshrl.u32 s1, $0x2  }
0xc8: {  	s4 =	sand.u32 $0x4000, s31;
	s1 =	sadd.s32 s1, s30  }
0xc9: {  	s0 =	sor.u32 s4, s0;
	s1 =	sshll.u32 s1, $0x11  }
0xca: {  	s0 =	sor.u32 s1, s0  }
0xcb: {  	s0 =	sadd.s32 $0x8F2B, s0  }
0xcc: {  	[sflag:s0] =	ssyncadd.remote.s32 $0x1  }
0xcd: {  	_ =	sfence.sel $0xFFFF  }
0xce: {  	[dreg:$0x0] =	wrdreg $0xFFFFFFFF;
	(pc) =	sbr.abs _section_cstart, $3  }
0xcf: {  	[dreg:$0x1] =	wrdreg $0xFFFFFFFF  }
0xd0: {  	_ =	task.clear_ibuf [dreg:s22], $0x2FFFF;
	_ =	strace $0x9FFFFFFF  }
0xd1: {  	(tm) =	ssettm $0x7FFFFFFF  }
tec
execute0_lowered:
.L_overlay_start_1:
0x0: {  	(tag) =	ssettag $0x1  }
0x1: {  	s10 =	rddreg [dreg:$0x0]  }
0x2: {  	s1 =	rddreg [dreg:$0x1]  }
0x3: {  	s0 =	rddreg [dreg:$0x2];
	s2 =	simm.s32 $0x0;
	s9 =	srdreg.scid  }
0x4: {  	s8 =	stileid.u32;
	s16 =	simm.s32 $0x100;
	s17 =	simm.s32 $0x80  }
0x5: {  	s18 =	simm.s32 $0x200;
	s19 =	simm.s32 $0x8200;
	s20 =	simm.s32 $0x180  }
0x6: {  	s21 =	simm.s32 $0x4200;
	s22 =	simm.s32 $0x8610;
	s23 =	simm.s32 $0x1  }
0x7: {  	[smem:$0x7FF] =	sst s2;
	s3 =	sadd.s32 $0x11000, s10;
	s4 =	sadd.s32 $0x7000, s10  }
0x8: {  	s5 =	sadd.s32 $0x21B000, s10;
	s6 =	sadd.s32 $0x17CC00, s10;
	s7 =	sadd.s32 $0x1B000, s10  }
0x9: {  	s13 =	sand.u32 $0x1, s9;
	s9 =	sadd.s32 $0x290600, s10;
	s11 =	sshll.u32 s8, $0x1  }
0xa: {  	s10 =	sadd.s32 $0x2B7800, s10;
	p0 =	seq.s32 s8, $0x0;
	_ =	strace $0x80000059  }
0xb: {  	s12 =	ssub.s32 $0x2, s13;
	s15 =	sor.u32 s13, s11;
	p1 =	seq.s32 s13, $0x1  }
0xc: {  	s24 =	sor.u32 s13, s8;
	s14 =	sshrl.u32 s12, $0x1;
	s11 =	smul.u32 $0x2800, s15  }
0xd: {  	p0 =	por !p0, !p1;
	p2 =	sne.s32 s24, $0x0;
	s14 =	ssub.s32 s12, s14  }
0xe: {  	s12 =	smul.u32 $0x14000, s15;
	p1 =	por !p0, !p0;
	p0 =	sne.s32 s8, $0x0  }
0xf: {  	vm0 =	vmmov $0xff;
	s15 =	simm.s32 $0x2;
	s13 =	smax.u32 s14, $0x1;
	s14 =	sshrl.u32 @!p0 s1, $0x3  }
.LBB2_1:
0x10: {  	s24 =	simm.s32 @!p0 $0x1C02  }
0x11: {  	[spmem:s14], [sflag:s24] =	dma.local @!p0 [hbm:s7], $0x27200  }
0x12: {  	s24 =	simm.s32 @!p0 $0x2  }
0x13: {  	_ =	swait.ge @!p0 [sflag:s24], $0x27200  }
0x14: {  	[sflag:s24] =	ssyncset.done @!p0 $0x0  }
0x15: {  	[sflag:s24] =	ssyncadd.s32 @!p0 $0xFFFD8E00  }
0x16: {  	s24 =	simm.s32 $0x0;
	[bflag:$0x0] =	sbarrier.arrive $0xFFFF  }
.LBB2_2:
0x17: {  	s25 =	sshll.u32 s24, $0x8  }
0x18: {  	s26 =	sand.u32 $0x3C00, s25  }
0x19: {  	s25 =	sand.u32 $0x300, s25;
	s26 =	sadd.s32 s11, s26  }
0x1a: {  	s25 =	sor.u32 s25, s26  }
0x1b: {  	s25 =	sshrl.u32 s25, $0x3  }
0x1c: {  	s29 =	simm.s32 $0x0;
	s28 =	sadd.s32 s3, s25  }
0x1d: {  	[tilespmem:s29], [sflag:$0x2] =	stream.linear.gather [hbm4b:s28+s29], $0x80, $0x38;
	[tilespmem:$0x1C380] =	vst v63  }
0x1e: {  	_ =	swait.ge [sflag:s15], $0x80  }
0x1f: {  	[sflag:s15] =	ssyncset.done $0x0  }
0x20: {  	s25 =	sadd.s32 s4, s25;
	[sflag:s15] =	ssyncadd.s32 $0xFFFFFF80  }
0x21: {  	[tilespmem:s16], [sflag:$0x2] =	stream.linear.gather [hbm4b:s25+s29], $0x80, $0x38;
	[tilespmem:$0x1C380] =	vst v63  }
0x22: {  	s31 =	sshll.u32 s24, $0xB;
	_ =	swait.ge [sflag:s15], $0x80  }
0x23: {  	s30 =	sshllo.u32 s24, $0x1;
	s25 =	sadd.s32 s12, s31;
	[sflag:s15] =	ssyncset.done $0x0  }
0x24: {  	s28 =	sshll.u32 s30, $0x7;
	s25 =	sshrl.u32 s25, $0x3;
	[sflag:s15] =	ssyncadd.s32 $0xFFFFFF80  }
0x25: {  	[tilespmem:s18], [sflag:$0x1] =	stream.indirect.gather [hbm4b:s5+s17], $0x80, s29, s17, $0xb8;
	[tilespmem:$0x1C380] =	vst v63  }
0x26: {  	s28 =	sand.u32 $0x380, s28;
	s25 =	sadd.s32 s6, s25  }
0x27: {  	[tilespmem:s19], [sflag:$0x2] =	stream.linear.gather [hbm4b:s25+s29], $0x400, $0x38;
	[tilespmem:$0x1C380] =	vst v63  }
0x28: {  	s26 =	sor.u32 s26, s28;
	_ =	swait.ge [sflag:s15], $0x400  }
0x29: {  	s26 =	sshrl.u32 s26, $0x3;
	[sflag:s15] =	ssyncset.done $0x0  }
0x2a: {  	s28 =	sadd.s32 s3, s26;
	[sflag:s15] =	ssyncadd.s32 $0xFFFFFC00  }
0x2b: {  	[tilespmem:s17], [sflag:$0x2] =	stream.linear.gather [hbm4b:s28+s29], $0x80, $0x38;
	[tilespmem:$0x1C380] =	vst v63  }
0x2c: {  	_ =	swait.ge [sflag:s15], $0x80  }
0x2d: {  	[sflag:s15] =	ssyncset.done $0x0  }
0x2e: {  	s26 =	sadd.s32 s4, s26;
	[sflag:s15] =	ssyncadd.s32 $0xFFFFFF80  }
0x2f: {  	[tilespmem:s20], [sflag:$0x2] =	stream.linear.gather [hbm4b:s26+s29], $0x80, $0x38;
	[tilespmem:$0x1C380] =	vst v63  }
0x30: {  	s25 =	sshll.u32 s30, $0xA;
	_ =	swait.ge [sflag:s15], $0x80  }
0x31: {  	s25 =	sadd.s32 s12, s25;
	[sflag:s15] =	ssyncset.done $0x0  }
0x32: {  	s25 =	sshrl.u32 s25, $0x3;
	[sflag:s15] =	ssyncadd.s32 $0xFFFFFF80  }
0x33: {  	[tilespmem:s21], [sflag:$0x1] =	stream.indirect.gather [hbm4b:s5+s17], $0x80, s17, s17, $0xb8;
	[tilespmem:$0x1C380] =	vst v63  }
0x34: {  	s25 =	sadd.s32 s6, s25  }
0x35: {  	[tilespmem:s22], [sflag:$0x2] =	stream.linear.gather [hbm4b:s25+s29], $0x400, $0x38;
	[tilespmem:$0x1C380] =	vst v63  }
0x36: {  	_ =	swait.ge [sflag:s15], $0x400  }
0x37: {  	[sflag:s15] =	ssyncset.done $0x0  }
0x38: {  	[sflag:s15] =	ssyncadd.s32 $0xFFFFFC00  }
0x39: {  	_ =	swait.ge [sflag:s23], $0x4000  }
0x3a: {  	[sflag:s23] =	ssyncset.done $0x0  }
0x3b: {  	s25 =	simm.s32 $0x240;
	[sflag:s23] =	ssyncadd.s32 $0xFFFFC000  }
0x3c: {  	s31 =	simm.s32 $0x0;
	v7 =	vld [tilespmem:s25+$0xFFFFFFF0]  }
0x3d: {  	v2 =	vld [tilespmem:s31+$0x8200]  }
0x3e: {  	v0 =	vld [tilespmem:s25+$0xFFFFFFC0]  }
0x3f: {  	v3 =	vld [tilespmem:s25+$0x10]  }
0x40: {  	v4 =	vld [tilespmem:s25+$0xFFFFFFD0]  }
0x41: {  	v8 =	vld [tilespmem:s25+$0x20]  }
0x42: {  	v9 =	vld [tilespmem:s25+$0xFFFFFFE0];
	v5 =	vbroadcast v2, $0x0;
	v10 =	vbroadcast v2, $0x3  }
0x43: {  	v1 =	vbroadcast v2, $0x1;
	v11 =	vbroadcast v2, $0x2;
	v2 =	vld [tilespmem:s25+$0x30]  }
0x44: {  	v12 =	vmul.f32 v5, v0;
	v0 =	vld [tilespmem:s25+$0x0]  }
0x45: {  	v6 =	vmul.f32 v4, v5  }
0x46: {  	v13 =	vsel vm0, v5, v1;
	v5 =	vmul.f32 v3, v11;
	v4 =	vmul.f32 v8, v11  }
0x47: {  	s28 =	simm.s32 $0x240;
	s26 =	simm.s32 $0x20;
	v7 =	vmul.f32 v7, v1;
	v8 =	vsel vm0, v11, v10;
	v3 =	vmul.f32 v9, v13;
	[tilespmem:s25+$0xFFFFFFC0] =	vst v12  }
.LBB2_3:
0x48: {  	p3 =	sne.s32 s26, $0xFE0  }
0x49: {  	[tilespmem:s25+$0xFFFFFFD0] =	vst v6;
	v0 =	vmul.f32 v0, v1;
	v1 =	vmul.f32 v2, v8;
	s28 =	sadd.s32 $0x80, s28;
	s29 =	smov.u32 s26;
	s26 =	sadd.s32 $0x20, s26  }
0x4a: {  	[tilespmem:s25+$0x10] =	vst v5  }
0x4b: {  	[tilespmem:s25+$0x20] =	vst v4  }
0x4c: {  	[tilespmem:s25+$0xFFFFFFF0] =	vst v7  }
0x4d: {  	v7 =	vld [tilespmem:s28+$0xFFFFFFF0];
	[tilespmem:s25+$0xFFFFFFE0] =	vst v3  }
0x4e: {  	v3 =	vld [tilespmem:s28+$0xFFFFFFC0];
	[tilespmem:s25+$0x0] =	vst v0  }
0x4f: {  	s29 =	sshra.s32 s29, $0x2;
	v4 =	vld [tilespmem:s28+$0x10];
	[tilespmem:s25+$0x30] =	vst v1;
	s25 =	smov.u32 s28  }
0x50: {  	v5 =	vld [tilespmem:s29+$0x8200]  }
0x51: {  	v6 =	vld [tilespmem:s28+$0xFFFFFFD0]  }
0x52: {  	v8 =	vld [tilespmem:s28+$0x20]  }
0x53: {  	v0 =	vld [tilespmem:s28+$0x0]  }
0x54: {  	v9 =	vld [tilespmem:s28+$0xFFFFFFE0]  }
.Ltmp0:
0x55: {  	v10 =	vbroadcast v5, $0x0;
	v2 =	vld [tilespmem:s28+$0x30];
	v11 =	vbroadcast v5, $0x3;
	(pc) =	sbr.rel @p3 .LBB2_3-.Ltmp0, $4  }
0x56: {  	v1 =	vbroadcast v5, $0x1;
	v12 =	vbroadcast v5, $0x2  }
0x57: {  	v3 =	vmul.f32 v10, v3;
	v6 =	vmul.f32 v6, v10  }
0x58: {  	v10 =	vsel vm0, v10, v1;
	v5 =	vmul.f32 v4, v12;
	v4 =	vmul.f32 v8, v12  }
0x59: {  	v7 =	vmul.f32 v7, v1;
	v8 =	vsel vm0, v12, v11;
	[tilespmem:s28+$0xFFFFFFC0] =	vst v3;
	v3 =	vmul.f32 v9, v10  }
0x5a: {  	[tilespmem:s25+$0xFFFFFFD0] =	vst v6  }
0x5b: {  	[tilespmem:s25+$0x10] =	vst v5  }
0x5c: {  	[tilespmem:s25+$0x20] =	vst v4  }
0x5d: {  	v0 =	vmul.f32 v0, v1;
	[tilespmem:s25+$0xFFFFFFF0] =	vst v7  }
0x5e: {  	v1 =	vmul.f32 v2, v8;
	[tilespmem:s25+$0xFFFFFFE0] =	vst v3  }
0x5f: {  	[tilespmem:s25+$0x0] =	vst v0  }
0x60: {  	[tilespmem:s25+$0x30] =	vst v1  }
0x61: {  	[spmem:s1] =	stream.indirect.scatter.add.f32 [tilespmem:s18], [sflag:$0x2], $0x80, s16, s17, $0xb8;
	[tilespmem:$0x1C380] =	vst v63  }
0x62: {  	_ =	swait.ge [sflag:s15], $0x4000  }
0x63: {  	[sflag:s15] =	ssyncset.done $0x0  }
0x64: {  	[sflag:s15] =	ssyncadd.s32 $0xFFFFC000  }
0x65: {  	_ =	swait.ge [sflag:s23], $0x4000  }
0x66: {  	[sflag:s23] =	ssyncset.done $0x0  }
0x67: {  	s25 =	simm.s32 $0x0;
	[sflag:s23] =	ssyncadd.s32 $0xFFFFC000  }
0x68: {  	s26 =	simm.s32 $0x8610;
	v5 =	vld [tilespmem:s25+$0x4230]  }
0x69: {  	v0 =	vld [tilespmem:s26+$0x0]  }
0x6a: {  	v1 =	vld [tilespmem:s25+$0x4260]  }
0x6b: {  	v8 =	vld [tilespmem:s25+$0x4200]  }
0x6c: {  	v7 =	vld [tilespmem:s25+$0x4240]  }
0x6d: {  	v2 =	vld [tilespmem:s25+$0x4210]  }
0x6e: {  	s28 =	simm.s32 $0x200;
	v6 =	vld [tilespmem:s25+$0x4250];
	v3 =	vbroadcast v0, $0x0;
	v4 =	vbroadcast v0, $0x1  }
.LBB2_5:
0x6f: {  	p3 =	sne.s32 s28, $0xFE00  }
0x70: {  	v9 =	vld [tilespmem:s25+$0x4220];
	s26 =	sadd.s32 $0x8, s26;
	s29 =	smov.u32 s28;
	s28 =	sadd.s32 $0x200, s28  }
0x71: {  	v8 =	vmul.f32 v3, v8;
	v5 =	vmul.f32 v5, v4;
	v10 =	vld [tilespmem:s25+$0x4270]  }
0x72: {  	v11 =	vbroadcast v0, $0x2;
	v7 =	vmul.f32 v7, v4  }
0x73: {  	v0 =	vbroadcast v0, $0x3;
	[tilespmem:s25+$0x4200] =	vst v8  }
0x74: {  	v1 =	vmul.f32 v1, v11;
	[tilespmem:s25+$0x4230] =	vst v5;
	v5 =	vmul.f32 v6, v11  }
0x75: {  	v0 =	vsel vm0, v11, v0;
	v2 =	vmul.f32 v2, v3;
	v3 =	vsel vm0, v3, v4;
	[tilespmem:s25+$0x4240] =	vst v7  }
0x76: {  	v3 =	vmul.f32 v9, v3;
	[tilespmem:s25+$0x4260] =	vst v1;
	v0 =	vmul.f32 v10, v0  }
0x77: {  	s29 =	sshra.s32 s29, $0x2;
	[tilespmem:s25+$0x4250] =	vst v5  }
0x78: {  	[tilespmem:s25+$0x4220] =	vst v3  }
0x79: {  	[tilespmem:s25+$0x4210] =	vst v2  }
0x7a: {  	v5 =	vld [tilespmem:s29+$0x4230];
	[tilespmem:s25+$0x4270] =	vst v0;
	s25 =	smov.u32 s29  }
0x7b: {  	v0 =	vld [tilespmem:s26+$0x0]  }
.Ltmp1:
0x7c: {  	v1 =	vld [tilespmem:s25+$0x4260];
	(pc) =	sbr.rel @p3 .LBB2_5-.Ltmp1, $4  }
0x7d: {  	v8 =	vld [tilespmem:s25+$0x4200]  }
0x7e: {  	v7 =	vld [tilespmem:s25+$0x4240]  }
0x7f: {  	v2 =	vld [tilespmem:s25+$0x4210]  }
0x80: {  	v3 =	vbroadcast v0, $0x0;
	v4 =	vbroadcast v0, $0x1;
	v6 =	vld [tilespmem:s25+$0x4250]  }
0x81: {  	_ = 	snop  }
0x82: {  	v8 =	vmul.f32 v3, v8  }
0x83: {  	v9 =	vld [tilespmem:s25+$0x4220];
	v11 =	vbroadcast v0, $0x2;
	v5 =	vmul.f32 v5, v4  }
0x84: {  	v10 =	vld [tilespmem:s25+$0x4270];
	v7 =	vmul.f32 v7, v4;
	[tilespmem:s25+$0x4200] =	vst v8  }
0x85: {  	v1 =	vmul.f32 v1, v11;
	[tilespmem:s25+$0x4230] =	vst v5  }
0x86: {  	v60 =	vbroadcast v0, $0x3;
	v63 =	vmul.f32 v2, v3;
	[tilespmem:s25+$0x4240] =	vst v7  }
0x87: {  	v62 =	vsel vm0, v3, v4;
	v61 =	vmul.f32 v6, v11;
	[tilespmem:s25+$0x4260] =	vst v1  }
0x88: {  	v0 =	vsel vm0, v11, v60;
	v4 =	vmul.f32 v9, v62;
	[tilespmem:s25+$0x4210] =	vst v63  }
0x89: {  	s24 =	sadd.s32 $0x1, s24;
	v0 =	vmul.f32 v10, v0;
	[tilespmem:s25+$0x4250] =	vst v61  }
0x8a: {  	p3 =	sne.s32 s24, $0x28;
	[tilespmem:s25+$0x4220] =	vst v4  }
.Ltmp2:
0x8b: {  	[tilespmem:s25+$0x4270] =	vst v0;
	(pc) =	sbr.rel @p3 .LBB2_2-.Ltmp2, $4  }
0x8c: {  	[spmem:s1] =	stream.indirect.scatter.add.f32 [tilespmem:s21], [sflag:$0x2], $0x80, s20, s17, $0xb8;
	[tilespmem:$0x1C380] =	vst v63  }
0x8d: {  	_ =	swait.ge [sflag:s15], $0x4000  }
0x8e: {  	[sflag:s15] =	ssyncset.done $0x0  }
0x8f: {  	[sflag:s15] =	ssyncadd.s32 $0xFFFFC000  }
0x90: {  	s24 =	sshll.u32 @!p2 s8, $0x6  }
0x91: {  	[bflag:$0x0] =	sbarrier.arrive $0xFFFF;
	s25 =	sshrl.u32 @!p2 s1, $0x3;
	s24 =	sor.u32 @!p2 $0x1C02, s24  }
0x92: {  	[hbm:s9], [sflag:s24] =	dma.local @!p2 [spmem:s25], $0x27200  }
0x93: {  	s24 =	simm.s32 @!p2 $0x2  }
0x94: {  	s2 =	sadd.s32 $0x1, s2;
	_ =	swait.ge @!p2 [sflag:s24], $0x27200  }
0x95: {  	p3 =	sne.s32 s2, s13;
	[sflag:s24] =	ssyncset.done @!p2 $0x0  }
0x96: {  	s25 =	simm.s32 @p1 $0x1C02;
	[sflag:s24] =	ssyncadd.s32 @!p2 $0xFFFD8E00;
	s24 =	sshrl.u32 @p1 s1, $0x3  }
0x97: {  	[hbm:s10], [sflag:s25] =	dma.local @p1 [spmem:s24], $0x27200  }
.Ltmp3:
0x98: {  	_ = 	snop;
	(pc) =	sbr.rel @p3 .LBB2_1-.Ltmp3, $4  }
0x99: {  	s24 =	simm.s32 @p1 $0x2  }
0x9a: {  	_ =	swait.ge @p1 [sflag:s24], $0x27200  }
0x9b: {  	[sflag:s24] =	ssyncset.done @p1 $0x0  }
0x9c: {  	[sflag:s24] =	ssyncadd.s32 @p1 $0xFFFD8E00  }
0x9d: {  	_ =	sfence.sel $0x180000  }
0x9e: {  	[bflag:$0x0] =	sbarrier.arrive $0xFFFF  }
0x9f: {  	_ =	strace $0x90000059  }
0xa0: {  	s0 =	sadd.s32 @!p0 $0x100000, s0;
	[bflag:$0x2] =	sbarrier.arrive $0xFFFF  }
0xa1: {  	[sflag:s0] =	ssyncadd.tile.s32 @!p0 $0x1;
	_ =	shalt  }
.Lfunc_end2:
_tile_overlayer_lowered:
.L_overlay_start_2:
0xa2: {  	(tag) =	ssettag $0x2  }
0xa3: {  	s0 =	rddreg [dreg:$0x0];
	s2 =	stileid.u32  }
0xa4: {  	s1 =	rddreg [dreg:$0x1];
	p0 =	sne.s32 s2, $0x0  }
0xa5: {  	s3 =	rddreg [dreg:$0x2];
	[bflag:$0x3] =	sbarrier.arrive $0xFFFF;
	s2 =	simm.s32 @!p0 $0x1C02  }
0xa6: {  	[timem:s3], [sflag:s2] =	dma.local @!p0 [hbm:s0], s1  }
0xa7: {  	s0 =	simm.s32 @!p0 $0x2  }
0xa8: {  	_ =	swait.ge @!p0 [sflag:s0], s1  }
0xa9: {  	s1 =	ssub.s32 @!p0 $0x0, s1;
	[sflag:s0] =	ssyncset.done @!p0 $0x0  }
0xaa: {  	[sflag:s0] =	ssyncadd.s32 @!p0 s1  }
0xab: {  	[bflag:$0x3] =	sbarrier.arrive $0xFFFF  }
0xac: {  	_ =	shalt  }

// kernel: kernel.27.cloned.1.call-start
scs
__scs_entry_jumppad:
0x0: {  	(pc) =	sbr.rel $0x88, $3  }
0x1: {  	(tag) =	ssettag $0x0;
	lr =	simm.s32 $0x1  }
0x2: {  	[smem:$0x3F97] =	sst lr;
	_ =	strace $0xD0000000  }
0x3: {  	_ = 	snop  }
0x4: {  	_ = 	snop  }
0x5: {  	_ = 	snop  }
0x6: {  	_ = 	snop  }
0x7: {  	_ = 	snop  }
__scs_overlays_trampoline_lowered:
0x8: {  	[smem:$0x3FA6] =	sst s0  }
0x9: {  	[smem:$0x3FA7] =	sst s1  }
0xa: {  	[smem:$0x3FA8] =	sst s2  }
0xb: {  	[smem:$0x3FA9] =	sst s3  }
0xc: {  	[smem:$0x3FAA] =	sst s4  }
0xd: {  	[smem:$0x3FAB] =	sst s5  }
0xe: {  	[smem:$0x3FAC] =	sst s6  }
0xf: {  	[smem:$0x3FAD] =	sst s7  }
0x10: {  	[smem:$0x3FAE] =	sst s8  }
0x11: {  	[smem:$0x3FAF] =	sst s9;
	s0 =	simm.s32 @!p0 $0x0  }
0x12: {  	s1 =	sld [smem:$0x3F95];
	s0 =	simm.s32 @p0 $0x1  }
0x13: {  	[smem:$0x3FB0] =	sst s0;
	s0 =	simm.s32 @!p1 $0x0  }
0x14: {  	s2 =	sld [smem:$0x3F94];
	s0 =	simm.s32 @p1 $0x1  }
0x15: {  	[smem:$0x3FB1] =	sst s0;
	s0 =	simm.s32 @!p2 $0x0  }
0x16: {  	s3 =	sld [smem:$0x3FDB];
	s0 =	simm.s32 @p2 $0x1  }
0x17: {  	s4 =	simm.s32 $0x1BF5;
	[smem:$0x3FB3] =	sst s0  }
0x18: {  	s0 =	sld [smem:$0x3F96];
	_ =	swait.ge [sflag:s4], $0x0  }
0x19: {  	s7 =	sld [smem:$0x3F97]  }
0x1a: {  	s8 =	sadd.s32 $0xFFFFE003, lr  }
0x1b: {  	s9 =	sadd.s32 $0xFFFFFEF7, lr;
	s5 =	simm.s32 $0xFFFFFFFF;
	p2 =	slt.u32 s8, $0xFFFFF086  }
0x1c: {  	p1 =	slt.u32 s9, $0xF7A;
	s5 =	simm.s32 @!p2 $0x0  }
0x1d: {  	s5 =	simm.s32 @p1 $0x1;
	p0 =	seq.s32 s7, s2  }
0x1e: {  	s7 =	smul.u32 @!p0 $0xF7A, s2;
	p2 =	seq.s32 @!p0 s5, $0x0  }
0x1f: {  	s9 =	smul.u32 $0xF7A, s1;
	s8 =	simm.s32 @!p0 $0x1BF5;
	p2 =	por !p2, p0  }
0x20: {  	[sflag:s8] =	ssyncset.s32 @!p0 $0xFFFFF086;
	s6 =	sadd.s32 @!p0 s3, s7;
	s7 =	simm.s32 @!p0 $0x108  }
0x21: {  	s3 =	sadd.s32 s3, s9;
	s6 =	sadd.s32 @!p0 $0x88, s6;
	s7 =	simm.s32 @p2 $0x1082  }
0x22: {  	[simem:s7], [sflag:s8] =	dma.local @!p0 [hbm:s6], $0xF7A  }
0x23: {  	s9 =	sor.u32 $0xD0000000, s2;
	s6 =	simm.s32 $0x108;
	_ =	swait.ge @!p0 [sflag:s8], $0x0  }
0x24: {  	s3 =	sadd.s32 $0x88, s3;
	s6 =	simm.s32 @!p1 $0x1082;
	[sflag:s4] =	ssyncset.s32 $0xFFFFF086  }
0x25: {  	[simem:s6], [sflag:s4] =	dma.local [hbm:s3], $0xF7A  }
0x26: {  	[smem:$0x3F97] =	sst s1;
	(tag) =	ssettag s2;
	_ =	strace s9  }
0x27: {  	s1 =	sld [smem:$0x3FA7]  }
0x28: {  	s2 =	sld [smem:$0x3FA8]  }
0x29: {  	s4 =	sld [smem:$0x3FAA]  }
0x2a: {  	p0 =	seq.s32 s5, $0x0;
	s5 =	sld [smem:$0x3FAB]  }
0x2b: {  	s6 =	sld [smem:$0x3FAC]  }
0x2c: {  	s7 =	sld [smem:$0x3FAD]  }
0x2d: {  	s3 =	simm.s32 $0x108;
	s8 =	sld [smem:$0x3FAE]  }
0x2e: {  	s3 =	simm.s32 @!p0 $0x1082;
	s9 =	sld [smem:$0x3FAF]  }
0x2f: {  	lr =	sadd.s32 s0, s3;
	s0 =	sld [smem:$0x3FA6]  }
0x30: {  	s3 =	sld [smem:$0x3FA9]  }
0x31: {  	[smem:$0x3FB2] =	sst s10  }
0x32: {  	s10 =	sld [smem:$0x3FB0];
	_ =	sdelay $0x3  }
0x33: {  	p0 =	seq.s32 s10, $0x1;
	s10 =	sld [smem:$0x3FB2];
	_ =	sdelay $0x3  }
0x34: {  	[smem:$0x3FB2] =	sst s10  }
0x35: {  	s10 =	sld [smem:$0x3FB1];
	_ =	sdelay $0x3  }
0x36: {  	p1 =	seq.s32 s10, $0x1;
	s10 =	sld [smem:$0x3FB2];
	_ =	sdelay $0x3  }
0x37: {  	[smem:$0x3FB2] =	sst s10  }
0x38: {  	s10 =	sld [smem:$0x3FB3]  }
0x39: {  	_ = 	snop;
	(pc) =	sbr.ind lr, $3  }
0x3a: {  	_ = 	snop  }
0x3b: {  	_ = 	snop  }
0x3c: {  	p2 =	seq.s32 s10, $0x1;
	s10 =	sld [smem:$0x3FB2]  }
0x3d: {  	_ =	shalt  }
0x3e: {  	_ =	shalt  }
0x3f: {  	_ =	shalt  }
0x40: {  	_ =	shalt  }
0x41: {  	_ =	shalt  }
0x42: {  	_ =	shalt  }
0x43: {  	_ =	shalt  }
0x44: {  	_ =	shalt  }
0x45: {  	_ =	shalt  }
0x46: {  	_ =	shalt  }
0x47: {  	_ =	shalt  }
0x48: {  	_ =	shalt  }
0x49: {  	_ =	shalt  }
0x4a: {  	_ =	shalt  }
0x4b: {  	_ =	shalt  }
0x4c: {  	_ =	shalt  }
0x4d: {  	_ =	shalt  }
0x4e: {  	_ =	shalt  }
0x4f: {  	_ =	shalt  }
0x50: {  	_ =	shalt  }
0x51: {  	_ =	shalt  }
0x52: {  	_ =	shalt  }
0x53: {  	_ =	shalt  }
0x54: {  	_ =	shalt  }
0x55: {  	_ =	shalt  }
0x56: {  	_ =	shalt  }
0x57: {  	_ =	shalt  }
0x58: {  	_ =	shalt  }
0x59: {  	_ =	shalt  }
0x5a: {  	_ =	shalt  }
0x5b: {  	_ =	shalt  }
0x5c: {  	_ =	shalt  }
0x5d: {  	_ =	shalt  }
0x5e: {  	_ =	shalt  }
0x5f: {  	_ =	shalt  }
0x60: {  	_ =	shalt  }
0x61: {  	_ =	shalt  }
0x62: {  	_ =	shalt  }
0x63: {  	_ =	shalt  }
0x64: {  	_ =	shalt  }
0x65: {  	_ =	shalt  }
0x66: {  	_ =	shalt  }
0x67: {  	_ =	shalt  }
0x68: {  	_ =	shalt  }
0x69: {  	_ =	shalt  }
0x6a: {  	_ =	shalt  }
0x6b: {  	_ =	shalt  }
0x6c: {  	_ =	shalt  }
0x6d: {  	_ =	shalt  }
0x6e: {  	_ =	shalt  }
0x6f: {  	_ =	shalt  }
0x70: {  	_ =	shalt  }
0x71: {  	_ =	shalt  }
0x72: {  	_ =	shalt  }
0x73: {  	_ =	shalt  }
0x74: {  	_ =	shalt  }
0x75: {  	_ =	shalt  }
0x76: {  	_ =	shalt  }
0x77: {  	_ =	shalt  }
0x78: {  	_ =	shalt  }
0x79: {  	_ =	shalt  }
0x7a: {  	_ =	shalt  }
0x7b: {  	_ =	shalt  }
0x7c: {  	_ =	shalt  }
0x7d: {  	_ =	shalt  }
0x7e: {  	_ =	shalt  }
0x7f: {  	_ =	shalt  }
0x80: {  	_ =	shalt  }
0x81: {  	_ =	shalt  }
0x82: {  	_ =	shalt  }
0x83: {  	_ =	shalt  }
0x84: {  	_ =	shalt  }
0x85: {  	_ =	shalt  }
0x86: {  	_ =	shalt  }
0x87: {  	_ =	shalt  }
.Lfunc_end0:
.L_simem_size_0:
called_computation.5_lowered:
.L_overlay_start_0:
0x88: {  	s2 =	sld [smem:$0x3FD9]  }
0x89: {  	s3 =	sld [smem:$0x3FFE];
	_ =	sdelay $0x1  }
0x8a: {  	s1 =	srdreg.scid  }
0x8b: {  	s0 =	sand.u32 $0x1, s1  }
0x8c: {  	s17 =	sshll.u32 s0, $0xA;
	s2 =	sadd.s32 s3, s2  }
0x8d: {  	s2 =	sadd.s32 s2, s17  }
0x8e: {  	[smem:$0x3FBE] =	sst s2  }
0x8f: {  	_ = 	snop  }
0x90: {  	(tm) =	ssettm $0x1  }
0x91: {  	s18 =	sld [smem:$0x3FFB];
	_ =	sdelay $0x3  }
0x92: {  	_ =	strace s18  }
0x93: {  	s2 =	sld [smem:$0x3FFC];
	_ =	sdelay $0x3  }
0x94: {  	_ =	strace s2  }
0x95: {  	s2 =	sld [smem:$0x3FFD];
	_ =	sdelay $0x3  }
0x96: {  	_ =	strace s2  }
0x97: {  	_ =	strace $0x8FFFFFFF  }
0x98: {  	s19 =	sld [smem:$0x3FDB];
	_ =	sdelay $0x1  }
0x99: {  	s20 =	simm.s32 $_scs_section_size  }
0x9a: {  	s4 =	simm.s32 $_size__tile_overlayer_lowered;
	s5 =	simm.s32 $_tile_overlayer_lowered  }
0x9b: {  	s6 =	simm.s32 $0x1BFF;
	s21 =	sshll.u32 s5, $0x1;
	s3 =	sadd.s32 s20, s19  }
0x9c: {  	s22 =	simm.s32 $0x0;
	s4 =	sshll.u32 s4, $0x1;
	s5 =	sadd.s32 s21, s3  }
0x9d: {  	[timem:s22], [sflag:s6] =	dma.local [hbm:s5], s4  }
0x9e: {  	_ =	swait.ge [sflag:s6], s4  }
0x9f: {  	s4 =	ssub.s32 $0x0, s4;
	[sflag:s6] =	ssyncset.done $0x0  }
0xa0: {  	[sflag:s6] =	ssyncadd.s32 s4;
	_ =	sdelay $0x1  }
0xa1: {  	s23 =	simm.s32 $0x1B8B  }
0xa2: {  	_ =	swait.ge [sflag:s23], $0x1  }
0xa3: {  	[sflag:s23] =	ssyncset.done $0x0  }
0xa4: {  	[sflag:s23] =	ssyncadd.s32 $0xFFFFFFFF  }
0xa5: {  	s4 =	sld [smem:$0x0]  }
0xa6: {  	s5 =	sand.u32 $0xFFFFFFFE, s1  }
0xa7: {  	p0 =	sne.s32 s1, s5  }
0xa8: {  	s5 =	sshll.u32 @p0 s5, $0xE  }
0xa9: {  	s5 =	sadd.s32 @p0 $0x11B8D, s5;
	s6 =	sshll.u32 @p0 s4, $0x11  }
0xaa: {  	s5 =	sor.u32 @p0 s6, s5  }
0xab: {  	[sflag:s5] =	ssyncadd.remote.s32 @p0 $0x1;
	_ =	sdelay $0x1  }
0xac: {  	s5 =	simm.s32 @p0 $0x1B8D  }
0xad: {  	_ =	swait.eq @p0 [sflag:s5], $0x1  }
0xae: {  	[sflag:s5] =	ssyncadd.s32 @p0 $0xFFFFFFFF  }
0xaf: {  	s6 =	sshll.u32 @!p0 s1, $0xE  }
0xb0: {  	s6 =	sor.u32 @!p0 $0x4000, s6;
	s5 =	simm.s32 @!p0 $0x1B8D  }
0xb1: {  	s4 =	sshll.u32 @!p0 s4, $0x11;
	s6 =	sadd.s32 @!p0 $0x11B8D, s6;
	_ =	swait.eq @!p0 [sflag:s5], $0x1  }
0xb2: {  	s4 =	sor.u32 @!p0 s4, s6;
	[sflag:s5] =	ssyncadd.s32 @!p0 $0xFFFFFFFF  }
0xb3: {  	s25 =	simm.s32 $0x1B8E;
	s24 =	sld [smem:$0x3FFE];
	[sflag:s4] =	ssyncadd.remote.s32 @!p0 $0x1  }
0xb4: {  	s26 =	simm.s32 $execute0_lowered;
	[smem:$0x3FD2] =	sst s25  }
0xb5: {  	s5 =	sshll.u32 s26, $0x1;
	_ =	strace $0x80000055;
	[dreg:$0x1] =	wrdreg $0xFFFFFFFF  }
0xb6: {  	s28 =	simm.s32 $_size_execute0_lowered;
	s3 =	sadd.s32 s3, s5;
	[dreg:$0x0] =	wrdreg $0x0  }
0xb7: {  	s5 =	sshll.u32 s28, $0x1;
	[dreg:$0x2] =	wrdreg s3  }
0xb8: {  	[dreg:$0x3] =	wrdreg s5  }
0xb9: {  	[dreg:$0x4] =	wrdreg $0xC0  }
0xba: {  	_ =	task [dreg:s22], $0x5FFFF  }
0xbb: {  	[dreg:$0x1] =	wrdreg $0xFFFFFFFF  }
0xbc: {  	[dreg:$0x0] =	wrdreg $0x60  }
0xbd: {  	[dreg:$0x2] =	wrdreg s24  }
0xbe: {  	[dreg:$0x3] =	wrdreg $0x8A800  }
0xbf: {  	[dreg:$0x4] =	wrdreg $0xB  }
0xc0: {  	_ =	task.clear_ibuf [dreg:s22], $0x5FFFF;
	_ =	strace $0x90000055  }
0xc1: {  	s29 =	simm.s32 $0xB;
	_ =	strace $0x80000057  }
0xc2: {  	_ =	swait.ge [sflag:s29], $0x1  }
0xc3: {  	[sflag:s29] =	ssyncadd.s32 $0xFFFFFFFF  }
0xc4: {  	_ =	strace $0x90000057  }
0xc5: {  	_ =	sfence  }
0xc6: {  	s30 =	sld [smem:$0x0];
	_ =	sdelay $0x2  }
0xc7: {  	s31 =	sshll.u32 s1, $0xD;
	s1 =	sshrl.u32 s1, $0x2  }
0xc8: {  	s4 =	sand.u32 $0x4000, s31;
	s1 =	sadd.s32 s1, s30  }
0xc9: {  	s0 =	sor.u32 s4, s0;
	s1 =	sshll.u32 s1, $0x11  }
0xca: {  	s0 =	sor.u32 s1, s0  }
0xcb: {  	s0 =	sadd.s32 $0x8F2B, s0  }
0xcc: {  	[sflag:s0] =	ssyncadd.remote.s32 $0x1  }
0xcd: {  	_ =	sfence.sel $0xFFFF  }
0xce: {  	[dreg:$0x0] =	wrdreg $0xFFFFFFFF;
	(pc) =	sbr.abs _section_cstart, $3  }
0xcf: {  	[dreg:$0x1] =	wrdreg $0xFFFFFFFF  }
0xd0: {  	_ =	task.clear_ibuf [dreg:s22], $0x2FFFF;
	_ =	strace $0x9FFFFFFF  }
0xd1: {  	(tm) =	ssettm $0x7FFFFFFF  }
tec
execute0_lowered:
.L_overlay_start_1:
0x0: {  	(tag) =	ssettag $0x1  }
0x1: {  	s10 =	rddreg [dreg:$0x0]  }
0x2: {  	s1 =	rddreg [dreg:$0x1]  }
0x3: {  	s0 =	rddreg [dreg:$0x2];
	s2 =	simm.s32 $0x0;
	s9 =	srdreg.scid  }
0x4: {  	s8 =	stileid.u32;
	s16 =	simm.s32 $0x100;
	s17 =	simm.s32 $0x80  }
0x5: {  	s18 =	simm.s32 $0x200;
	s19 =	simm.s32 $0x8200;
	s20 =	simm.s32 $0x180  }
0x6: {  	s21 =	simm.s32 $0x4200;
	s22 =	simm.s32 $0x8610;
	s23 =	simm.s32 $0x1  }
0x7: {  	[smem:$0x7FF] =	sst s2;
	s3 =	sadd.s32 $0x11000, s10;
	s5 =	sadd.s32 $0x1F3E00, s10  }
0x8: {  	s4 =	sadd.s32 $0x7000, s10;
	s6 =	sadd.s32 $0x17CC00, s10;
	s7 =	sadd.s32 $0x1B000, s10  }
0x9: {  	s13 =	sand.u32 $0x1, s9;
	s9 =	sadd.s32 $0x242200, s10;
	s11 =	sshll.u32 s8, $0x1  }
0xa: {  	s10 =	sadd.s32 $0x269400, s10;
	p0 =	seq.s32 s8, $0x0;
	_ =	strace $0x80000056  }
0xb: {  	s12 =	ssub.s32 $0x2, s13;
	s15 =	sor.u32 s13, s11;
	p1 =	seq.s32 s13, $0x1  }
0xc: {  	s24 =	sor.u32 s13, s8;
	s14 =	sshrl.u32 s12, $0x1;
	s11 =	smul.u32 $0x2800, s15  }
0xd: {  	p0 =	por !p0, !p1;
	p2 =	sne.s32 s24, $0x0;
	s14 =	ssub.s32 s12, s14  }
0xe: {  	s12 =	smul.u32 $0x14000, s15;
	p1 =	por !p0, !p0;
	p0 =	sne.s32 s8, $0x0  }
0xf: {  	vm0 =	vmmov $0xff;
	s15 =	simm.s32 $0x2;
	s13 =	smax.u32 s14, $0x1;
	s14 =	sshrl.u32 @!p0 s1, $0x3  }
.LBB2_1:
0x10: {  	s24 =	simm.s32 @!p0 $0x1C02  }
0x11: {  	[spmem:s14], [sflag:s24] =	dma.local @!p0 [hbm:s7], $0x27200  }
0x12: {  	s24 =	simm.s32 @!p0 $0x2  }
0x13: {  	_ =	swait.ge @!p0 [sflag:s24], $0x27200  }
0x14: {  	[sflag:s24] =	ssyncset.done @!p0 $0x0  }
0x15: {  	[sflag:s24] =	ssyncadd.s32 @!p0 $0xFFFD8E00  }
0x16: {  	s24 =	simm.s32 $0x0;
	[bflag:$0x0] =	sbarrier.arrive $0xFFFF  }
.LBB2_2:
0x17: {  	s25 =	sshll.u32 s24, $0x8  }
0x18: {  	s26 =	sand.u32 $0x3C00, s25  }
0x19: {  	s25 =	sand.u32 $0x300, s25;
	s26 =	sadd.s32 s11, s26  }
0x1a: {  	s25 =	sor.u32 s25, s26  }
0x1b: {  	s25 =	sshrl.u32 s25, $0x3  }
0x1c: {  	s29 =	simm.s32 $0x0;
	s28 =	sadd.s32 s3, s25  }
0x1d: {  	[tilespmem:s29], [sflag:$0x2] =	stream.linear.gather [hbm4b:s28+s29], $0x80, $0x38;
	[tilespmem:$0x1C380] =	vst v63  }
0x1e: {  	_ =	swait.ge [sflag:s15], $0x80  }
0x1f: {  	[sflag:s15] =	ssyncset.done $0x0  }
0x20: {  	s25 =	sadd.s32 s4, s25;
	[sflag:s15] =	ssyncadd.s32 $0xFFFFFF80  }
0x21: {  	[tilespmem:s16], [sflag:$0x2] =	stream.linear.gather [hbm4b:s25+s29], $0x80, $0x38;
	[tilespmem:$0x1C380] =	vst v63  }
0x22: {  	s31 =	sshll.u32 s24, $0xB;
	_ =	swait.ge [sflag:s15], $0x80  }
0x23: {  	s30 =	sshllo.u32 s24, $0x1;
	s25 =	sadd.s32 s12, s31;
	[sflag:s15] =	ssyncset.done $0x0  }
0x24: {  	s28 =	sshll.u32 s30, $0x7;
	s25 =	sshrl.u32 s25, $0x3;
	[sflag:s15] =	ssyncadd.s32 $0xFFFFFF80  }
0x25: {  	[tilespmem:s18], [sflag:$0x1] =	stream.indirect.gather [hbm4b:s5+s17], $0x80, s29, s17, $0xb8;
	[tilespmem:$0x1C380] =	vst v63  }
0x26: {  	s28 =	sand.u32 $0x380, s28;
	s25 =	sadd.s32 s6, s25  }
0x27: {  	[tilespmem:s19], [sflag:$0x2] =	stream.linear.gather [hbm4b:s25+s29], $0x400, $0x38;
	[tilespmem:$0x1C380] =	vst v63  }
0x28: {  	s26 =	sor.u32 s26, s28;
	_ =	swait.ge [sflag:s15], $0x400  }
0x29: {  	s26 =	sshrl.u32 s26, $0x3;
	[sflag:s15] =	ssyncset.done $0x0  }
0x2a: {  	s28 =	sadd.s32 s3, s26;
	[sflag:s15] =	ssyncadd.s32 $0xFFFFFC00  }
0x2b: {  	[tilespmem:s17], [sflag:$0x2] =	stream.linear.gather [hbm4b:s28+s29], $0x80, $0x38;
	[tilespmem:$0x1C380] =	vst v63  }
0x2c: {  	_ =	swait.ge [sflag:s15], $0x80  }
0x2d: {  	[sflag:s15] =	ssyncset.done $0x0  }
0x2e: {  	s26 =	sadd.s32 s4, s26;
	[sflag:s15] =	ssyncadd.s32 $0xFFFFFF80  }
0x2f: {  	[tilespmem:s20], [sflag:$0x2] =	stream.linear.gather [hbm4b:s26+s29], $0x80, $0x38;
	[tilespmem:$0x1C380] =	vst v63  }
0x30: {  	s25 =	sshll.u32 s30, $0xA;
	_ =	swait.ge [sflag:s15], $0x80  }
0x31: {  	s25 =	sadd.s32 s12, s25;
	[sflag:s15] =	ssyncset.done $0x0  }
0x32: {  	s25 =	sshrl.u32 s25, $0x3;
	[sflag:s15] =	ssyncadd.s32 $0xFFFFFF80  }
0x33: {  	[tilespmem:s21], [sflag:$0x1] =	stream.indirect.gather [hbm4b:s5+s17], $0x80, s17, s17, $0xb8;
	[tilespmem:$0x1C380] =	vst v63  }
0x34: {  	s25 =	sadd.s32 s6, s25  }
0x35: {  	[tilespmem:s22], [sflag:$0x2] =	stream.linear.gather [hbm4b:s25+s29], $0x400, $0x38;
	[tilespmem:$0x1C380] =	vst v63  }
0x36: {  	_ =	swait.ge [sflag:s15], $0x400  }
0x37: {  	[sflag:s15] =	ssyncset.done $0x0  }
0x38: {  	[sflag:s15] =	ssyncadd.s32 $0xFFFFFC00  }
0x39: {  	_ =	swait.ge [sflag:s23], $0x4000  }
0x3a: {  	[sflag:s23] =	ssyncset.done $0x0  }
0x3b: {  	s25 =	simm.s32 $0x240;
	[sflag:s23] =	ssyncadd.s32 $0xFFFFC000  }
0x3c: {  	s31 =	simm.s32 $0x0;
	v3 =	vld [tilespmem:s25+$0x0]  }
0x3d: {  	v0 =	vld [tilespmem:s31+$0x8200]  }
0x3e: {  	v4 =	vld [tilespmem:s25+$0xFFFFFFF0]  }
0x3f: {  	v5 =	vld [tilespmem:s25+$0xFFFFFFE0]  }
0x40: {  	v7 =	vld [tilespmem:s25+$0x30]  }
0x41: {  	v6 =	vld [tilespmem:s25+$0x20]  }
0x42: {  	v9 =	vld [tilespmem:s25+$0xFFFFFFD0];
	v8 =	vbroadcast v0, $0x4;
	v1 =	vbroadcast v0, $0x5  }
0x43: {  	v2 =	vbroadcast v0, $0x3;
	v10 =	vbroadcast v0, $0x6;
	v0 =	vld [tilespmem:s25+$0x10]  }
0x44: {  	v11 =	vmul.f32 v5, v8;
	v5 =	vmul.f32 v4, v8;
	v4 =	vld [tilespmem:s25+$0xFFFFFFC0];
	_ =	sdelay $0x1  }
0x45: {  	v8 =	vsel vm0, v8, v1;
	v6 =	vmul.f32 v6, v1;
	v7 =	vmul.f32 v7, v10  }
0x46: {  	s28 =	simm.s32 $0x240;
	s26 =	simm.s32 $0x20;
	v8 =	vmul.f32 v3, v8;
	v3 =	vmul.f32 v9, v2;
	[tilespmem:s25+$0xFFFFFFE0] =	vst v11  }
.LBB2_3:
0x47: {  	p3 =	sne.s32 s26, $0xFE0  }
0x48: {  	v2 =	vmul.f32 v2, v4;
	[tilespmem:s25+$0x0] =	vst v8;
	v0 =	vmul.f32 v0, v1;
	s28 =	sadd.s32 $0x80, s28;
	s29 =	smov.u32 s26;
	s26 =	sadd.s32 $0x20, s26  }
0x49: {  	[tilespmem:s25+$0xFFFFFFF0] =	vst v5  }
0x4a: {  	[tilespmem:s25+$0x20] =	vst v6  }
0x4b: {  	[tilespmem:s25+$0x30] =	vst v7  }
0x4c: {  	v6 =	vld [tilespmem:s28+$0x0];
	[tilespmem:s25+$0x10] =	vst v0  }
0x4d: {  	v5 =	vld [tilespmem:s28+$0xFFFFFFF0];
	[tilespmem:s25+$0xFFFFFFD0] =	vst v3  }
0x4e: {  	s29 =	sshra.s32 s29, $0x2;
	v3 =	vld [tilespmem:s28+$0xFFFFFFE0];
	[tilespmem:s25+$0xFFFFFFC0] =	vst v2;
	s25 =	smov.u32 s28  }
0x4f: {  	v7 =	vld [tilespmem:s29+$0x8200]  }
0x50: {  	v0 =	vld [tilespmem:s28+$0x10]  }
0x51: {  	v9 =	vld [tilespmem:s28+$0x30]  }
0x52: {  	v10 =	vld [tilespmem:s28+$0x20]  }
0x53: {  	v11 =	vld [tilespmem:s28+$0xFFFFFFD0]  }
.Ltmp0:
0x54: {  	v4 =	vld [tilespmem:s28+$0xFFFFFFC0];
	v8 =	vbroadcast v7, $0x4;
	v1 =	vbroadcast v7, $0x5;
	(pc) =	sbr.rel @p3 .LBB2_3-.Ltmp0, $4  }
0x55: {  	v2 =	vbroadcast v7, $0x3;
	v7 =	vbroadcast v7, $0x6  }
0x56: {  	v12 =	vmul.f32 v3, v8;
	v5 =	vmul.f32 v5, v8;
	v3 =	vsel vm0, v8, v1  }
0x57: {  	v8 =	vmul.f32 v6, v3;
	v6 =	vmul.f32 v10, v1  }
0x58: {  	v7 =	vmul.f32 v9, v7;
	v3 =	vmul.f32 v11, v2;
	[tilespmem:s28+$0xFFFFFFE0] =	vst v12  }
0x59: {  	[tilespmem:s25+$0x0] =	vst v8  }
0x5a: {  	[tilespmem:s25+$0xFFFFFFF0] =	vst v5  }
0x5b: {  	[tilespmem:s25+$0x20] =	vst v6  }
0x5c: {  	v0 =	vmul.f32 v0, v1;
	[tilespmem:s25+$0x30] =	vst v7  }
0x5d: {  	v1 =	vmul.f32 v2, v4;
	[tilespmem:s25+$0xFFFFFFD0] =	vst v3  }
0x5e: {  	[tilespmem:s25+$0x10] =	vst v0  }
0x5f: {  	[tilespmem:s25+$0xFFFFFFC0] =	vst v1  }
0x60: {  	[spmem:s1] =	stream.indirect.scatter.add.f32 [tilespmem:s18], [sflag:$0x2], $0x80, s16, s17, $0xb8;
	[tilespmem:$0x1C380] =	vst v63  }
0x61: {  	_ =	swait.ge [sflag:s15], $0x4000  }
0x62: {  	[sflag:s15] =	ssyncset.done $0x0  }
0x63: {  	[sflag:s15] =	ssyncadd.s32 $0xFFFFC000  }
0x64: {  	_ =	swait.ge [sflag:s23], $0x4000  }
0x65: {  	[sflag:s23] =	ssyncset.done $0x0  }
0x66: {  	s25 =	simm.s32 $0x0;
	[sflag:s23] =	ssyncadd.s32 $0xFFFFC000  }
0x67: {  	s26 =	simm.s32 $0x8610;
	v3 =	vld [tilespmem:s25+$0x4200]  }
0x68: {  	v1 =	vld [tilespmem:s26+$0x0]  }
0x69: {  	v5 =	vld [tilespmem:s25+$0x4250]  }
0x6a: {  	v6 =	vld [tilespmem:s25+$0x4210]  }
0x6b: {  	v0 =	vld [tilespmem:s25+$0x4270]  }
0x6c: {  	v7 =	vld [tilespmem:s25+$0x4260]  }
0x6d: {  	v2 =	vld [tilespmem:s25+$0x4230];
	v9 =	vbroadcast v1, $0x3  }
0x6e: {  	v8 =	vld [tilespmem:s25+$0x4220]  }
0x6f: {  	s28 =	simm.s32 $0x200;
	v4 =	vbroadcast v1, $0x5;
	v10 =	vmul.f32 v6, v9;
	v6 =	vld [tilespmem:s25+$0x4240]  }
.LBB2_5:
0x70: {  	p3 =	sne.s32 s28, $0xFE00  }
0x71: {  	v3 =	vmul.f32 v9, v3;
	v5 =	vmul.f32 v5, v4;
	s26 =	sadd.s32 $0x8, s26;
	s29 =	smov.u32 s28;
	s28 =	sadd.s32 $0x200, s28  }
0x72: {  	v9 =	vbroadcast v1, $0x4;
	[tilespmem:s25+$0x4210] =	vst v10;
	v7 =	vmul.f32 v7, v4  }
0x73: {  	v1 =	vbroadcast v1, $0x6;
	[tilespmem:s25+$0x4200] =	vst v3  }
0x74: {  	v2 =	vmul.f32 v2, v9;
	v4 =	vsel vm0, v9, v4;
	v3 =	vmul.f32 v8, v9;
	[tilespmem:s25+$0x4260] =	vst v7  }
0x75: {  	v0 =	vmul.f32 v0, v1;
	v4 =	vmul.f32 v6, v4;
	[tilespmem:s25+$0x4250] =	vst v5  }
0x76: {  	[tilespmem:s25+$0x4220] =	vst v3  }
0x77: {  	[tilespmem:s25+$0x4230] =	vst v2  }
0x78: {  	s29 =	sshra.s32 s29, $0x2;
	[tilespmem:s25+$0x4240] =	vst v4  }
0x79: {  	v3 =	vld [tilespmem:s29+$0x4200];
	[tilespmem:s25+$0x4270] =	vst v0;
	s25 =	smov.u32 s29  }
0x7a: {  	v1 =	vld [tilespmem:s26+$0x0]  }
0x7b: {  	v5 =	vld [tilespmem:s25+$0x4250]  }
0x7c: {  	v6 =	vld [tilespmem:s25+$0x4210]  }
.Ltmp1:
0x7d: {  	v0 =	vld [tilespmem:s25+$0x4270];
	(pc) =	sbr.rel @p3 .LBB2_5-.Ltmp1, $4  }
0x7e: {  	v7 =	vld [tilespmem:s25+$0x4260]  }
0x7f: {  	v9 =	vbroadcast v1, $0x3;
	v2 =	vld [tilespmem:s25+$0x4230]  }
0x80: {  	v4 =	vbroadcast v1, $0x5;
	v8 =	vld [tilespmem:s25+$0x4220]  }
0x81: {  	v10 =	vmul.f32 v6, v9;
	v6 =	vld [tilespmem:s25+$0x4240]  }
0x82: {  	v3 =	vmul.f32 v9, v3  }
0x83: {  	v60 =	vbroadcast v1, $0x4;
	v5 =	vmul.f32 v5, v4;
	[tilespmem:s25+$0x4210] =	vst v10  }
0x84: {  	v62 =	vbroadcast v1, $0x6;
	v7 =	vmul.f32 v7, v4;
	[tilespmem:s25+$0x4200] =	vst v3  }
0x85: {  	v2 =	vmul.f32 v2, v60;
	[tilespmem:s25+$0x4250] =	vst v5  }
0x86: {  	v0 =	vmul.f32 v0, v62;
	[tilespmem:s25+$0x4260] =	vst v7  }
0x87: {  	v63 =	vsel vm0, v60, v4;
	v61 =	vmul.f32 v8, v60;
	[tilespmem:s25+$0x4230] =	vst v2  }
0x88: {  	s24 =	sadd.s32 $0x1, s24;
	v4 =	vmul.f32 v6, v63;
	[tilespmem:s25+$0x4270] =	vst v0  }
0x89: {  	p3 =	sne.s32 s24, $0x28;
	[tilespmem:s25+$0x4220] =	vst v61  }
.Ltmp2:
0x8a: {  	[tilespmem:s25+$0x4240] =	vst v4;
	(pc) =	sbr.rel @p3 .LBB2_2-.Ltmp2, $4  }
0x8b: {  	[spmem:s1] =	stream.indirect.scatter.add.f32 [tilespmem:s21], [sflag:$0x2], $0x80, s20, s17, $0xb8;
	[tilespmem:$0x1C380] =	vst v63  }
0x8c: {  	_ =	swait.ge [sflag:s15], $0x4000  }
0x8d: {  	[sflag:s15] =	ssyncset.done $0x0  }
0x8e: {  	[sflag:s15] =	ssyncadd.s32 $0xFFFFC000  }
0x8f: {  	s24 =	sshll.u32 @!p2 s8, $0x6  }
0x90: {  	[bflag:$0x0] =	sbarrier.arrive $0xFFFF;
	s25 =	sshrl.u32 @!p2 s1, $0x3;
	s24 =	sor.u32 @!p2 $0x1C02, s24  }
0x91: {  	[hbm:s9], [sflag:s24] =	dma.local @!p2 [spmem:s25], $0x27200  }
0x92: {  	s24 =	simm.s32 @!p2 $0x2  }
0x93: {  	s2 =	sadd.s32 $0x1, s2;
	_ =	swait.ge @!p2 [sflag:s24], $0x27200  }
0x94: {  	p3 =	sne.s32 s2, s13;
	[sflag:s24] =	ssyncset.done @!p2 $0x0  }
0x95: {  	s25 =	simm.s32 @p1 $0x1C02;
	[sflag:s24] =	ssyncadd.s32 @!p2 $0xFFFD8E00;
	s24 =	sshrl.u32 @p1 s1, $0x3  }
0x96: {  	[hbm:s10], [sflag:s25] =	dma.local @p1 [spmem:s24], $0x27200  }
.Ltmp3:
0x97: {  	_ = 	snop;
	(pc) =	sbr.rel @p3 .LBB2_1-.Ltmp3, $4  }
0x98: {  	s24 =	simm.s32 @p1 $0x2  }
0x99: {  	_ =	swait.ge @p1 [sflag:s24], $0x27200  }
0x9a: {  	[sflag:s24] =	ssyncset.done @p1 $0x0  }
0x9b: {  	[sflag:s24] =	ssyncadd.s32 @p1 $0xFFFD8E00  }
0x9c: {  	_ =	sfence.sel $0x180000  }
0x9d: {  	[bflag:$0x0] =	sbarrier.arrive $0xFFFF  }
0x9e: {  	_ =	strace $0x90000056  }
0x9f: {  	s0 =	sadd.s32 @!p0 $0x100000, s0;
	[bflag:$0x2] =	sbarrier.arrive $0xFFFF  }
0xa0: {  	[sflag:s0] =	ssyncadd.tile.s32 @!p0 $0x1;
	_ =	shalt  }
.Lfunc_end2:
_tile_overlayer_lowered:
.L_overlay_start_2:
0xa1: {  	(tag) =	ssettag $0x2  }
0xa2: {  	s0 =	rddreg [dreg:$0x0];
	s2 =	stileid.u32  }
0xa3: {  	s1 =	rddreg [dreg:$0x1];
	p0 =	sne.s32 s2, $0x0  }
0xa4: {  	s3 =	rddreg [dreg:$0x2];
	[bflag:$0x3] =	sbarrier.arrive $0xFFFF;
	s2 =	simm.s32 @!p0 $0x1C02  }
0xa5: {  	[timem:s3], [sflag:s2] =	dma.local @!p0 [hbm:s0], s1  }
0xa6: {  	s0 =	simm.s32 @!p0 $0x2  }
0xa7: {  	_ =	swait.ge @!p0 [sflag:s0], s1  }
0xa8: {  	s1 =	ssub.s32 @!p0 $0x0, s1;
	[sflag:s0] =	ssyncset.done @!p0 $0x0  }
0xa9: {  	[sflag:s0] =	ssyncadd.s32 @!p0 s1  }
0xaa: {  	[bflag:$0x3] =	sbarrier.arrive $0xFFFF  }
0xab: {  	_ =	shalt  }

// kernel: kernel.30.cloned.1.call-start
scs
__scs_entry_jumppad:
0x0: {  	(pc) =	sbr.rel $0x88, $3  }
0x1: {  	(tag) =	ssettag $0x0;
	lr =	simm.s32 $0x1  }
0x2: {  	[smem:$0x3F97] =	sst lr;
	_ =	strace $0xD0000000  }
0x3: {  	_ = 	snop  }
0x4: {  	_ = 	snop  }
0x5: {  	_ = 	snop  }
0x6: {  	_ = 	snop  }
0x7: {  	_ = 	snop  }
__scs_overlays_trampoline_lowered:
0x8: {  	[smem:$0x3FA6] =	sst s0  }
0x9: {  	[smem:$0x3FA7] =	sst s1  }
0xa: {  	[smem:$0x3FA8] =	sst s2  }
0xb: {  	[smem:$0x3FA9] =	sst s3  }
0xc: {  	[smem:$0x3FAA] =	sst s4  }
0xd: {  	[smem:$0x3FAB] =	sst s5  }
0xe: {  	[smem:$0x3FAC] =	sst s6  }
0xf: {  	[smem:$0x3FAD] =	sst s7  }
0x10: {  	[smem:$0x3FAE] =	sst s8  }
0x11: {  	[smem:$0x3FAF] =	sst s9;
	s0 =	simm.s32 @!p0 $0x0  }
0x12: {  	s1 =	sld [smem:$0x3F95];
	s0 =	simm.s32 @p0 $0x1  }
0x13: {  	[smem:$0x3FB0] =	sst s0;
	s0 =	simm.s32 @!p1 $0x0  }
0x14: {  	s2 =	sld [smem:$0x3F94];
	s0 =	simm.s32 @p1 $0x1  }
0x15: {  	[smem:$0x3FB1] =	sst s0;
	s0 =	simm.s32 @!p2 $0x0  }
0x16: {  	s3 =	sld [smem:$0x3FDB];
	s0 =	simm.s32 @p2 $0x1  }
0x17: {  	s4 =	simm.s32 $0x1BF5;
	[smem:$0x3FB3] =	sst s0  }
0x18: {  	s0 =	sld [smem:$0x3F96];
	_ =	swait.ge [sflag:s4], $0x0  }
0x19: {  	s7 =	sld [smem:$0x3F97]  }
0x1a: {  	s8 =	sadd.s32 $0xFFFFE003, lr  }
0x1b: {  	s9 =	sadd.s32 $0xFFFFFEF7, lr;
	s5 =	simm.s32 $0xFFFFFFFF;
	p2 =	slt.u32 s8, $0xFFFFF086  }
0x1c: {  	p1 =	slt.u32 s9, $0xF7A;
	s5 =	simm.s32 @!p2 $0x0  }
0x1d: {  	s5 =	simm.s32 @p1 $0x1;
	p0 =	seq.s32 s7, s2  }
0x1e: {  	s7 =	smul.u32 @!p0 $0xF7A, s2;
	p2 =	seq.s32 @!p0 s5, $0x0  }
0x1f: {  	s9 =	smul.u32 $0xF7A, s1;
	s8 =	simm.s32 @!p0 $0x1BF5;
	p2 =	por !p2, p0  }
0x20: {  	[sflag:s8] =	ssyncset.s32 @!p0 $0xFFFFF086;
	s6 =	sadd.s32 @!p0 s3, s7;
	s7 =	simm.s32 @!p0 $0x108  }
0x21: {  	s3 =	sadd.s32 s3, s9;
	s6 =	sadd.s32 @!p0 $0x88, s6;
	s7 =	simm.s32 @p2 $0x1082  }
0x22: {  	[simem:s7], [sflag:s8] =	dma.local @!p0 [hbm:s6], $0xF7A  }
0x23: {  	s9 =	sor.u32 $0xD0000000, s2;
	s6 =	simm.s32 $0x108;
	_ =	swait.ge @!p0 [sflag:s8], $0x0  }
0x24: {  	s3 =	sadd.s32 $0x88, s3;
	s6 =	simm.s32 @!p1 $0x1082;
	[sflag:s4] =	ssyncset.s32 $0xFFFFF086  }
0x25: {  	[simem:s6], [sflag:s4] =	dma.local [hbm:s3], $0xF7A  }
0x26: {  	[smem:$0x3F97] =	sst s1;
	(tag) =	ssettag s2;
	_ =	strace s9  }
0x27: {  	s1 =	sld [smem:$0x3FA7]  }
0x28: {  	s2 =	sld [smem:$0x3FA8]  }
0x29: {  	s4 =	sld [smem:$0x3FAA]  }
0x2a: {  	p0 =	seq.s32 s5, $0x0;
	s5 =	sld [smem:$0x3FAB]  }
0x2b: {  	s6 =	sld [smem:$0x3FAC]  }
0x2c: {  	s7 =	sld [smem:$0x3FAD]  }
0x2d: {  	s3 =	simm.s32 $0x108;
	s8 =	sld [smem:$0x3FAE]  }
0x2e: {  	s3 =	simm.s32 @!p0 $0x1082;
	s9 =	sld [smem:$0x3FAF]  }
0x2f: {  	lr =	sadd.s32 s0, s3;
	s0 =	sld [smem:$0x3FA6]  }
0x30: {  	s3 =	sld [smem:$0x3FA9]  }
0x31: {  	[smem:$0x3FB2] =	sst s10  }
0x32: {  	s10 =	sld [smem:$0x3FB0];
	_ =	sdelay $0x3  }
0x33: {  	p0 =	seq.s32 s10, $0x1;
	s10 =	sld [smem:$0x3FB2];
	_ =	sdelay $0x3  }
0x34: {  	[smem:$0x3FB2] =	sst s10  }
0x35: {  	s10 =	sld [smem:$0x3FB1];
	_ =	sdelay $0x3  }
0x36: {  	p1 =	seq.s32 s10, $0x1;
	s10 =	sld [smem:$0x3FB2];
	_ =	sdelay $0x3  }
0x37: {  	[smem:$0x3FB2] =	sst s10  }
0x38: {  	s10 =	sld [smem:$0x3FB3]  }
0x39: {  	_ = 	snop;
	(pc) =	sbr.ind lr, $3  }
0x3a: {  	_ = 	snop  }
0x3b: {  	_ = 	snop  }
0x3c: {  	p2 =	seq.s32 s10, $0x1;
	s10 =	sld [smem:$0x3FB2]  }
0x3d: {  	_ =	shalt  }
0x3e: {  	_ =	shalt  }
0x3f: {  	_ =	shalt  }
0x40: {  	_ =	shalt  }
0x41: {  	_ =	shalt  }
0x42: {  	_ =	shalt  }
0x43: {  	_ =	shalt  }
0x44: {  	_ =	shalt  }
0x45: {  	_ =	shalt  }
0x46: {  	_ =	shalt  }
0x47: {  	_ =	shalt  }
0x48: {  	_ =	shalt  }
0x49: {  	_ =	shalt  }
0x4a: {  	_ =	shalt  }
0x4b: {  	_ =	shalt  }
0x4c: {  	_ =	shalt  }
0x4d: {  	_ =	shalt  }
0x4e: {  	_ =	shalt  }
0x4f: {  	_ =	shalt  }
0x50: {  	_ =	shalt  }
0x51: {  	_ =	shalt  }
0x52: {  	_ =	shalt  }
0x53: {  	_ =	shalt  }
0x54: {  	_ =	shalt  }
0x55: {  	_ =	shalt  }
0x56: {  	_ =	shalt  }
0x57: {  	_ =	shalt  }
0x58: {  	_ =	shalt  }
0x59: {  	_ =	shalt  }
0x5a: {  	_ =	shalt  }
0x5b: {  	_ =	shalt  }
0x5c: {  	_ =	shalt  }
0x5d: {  	_ =	shalt  }
0x5e: {  	_ =	shalt  }
0x5f: {  	_ =	shalt  }
0x60: {  	_ =	shalt  }
0x61: {  	_ =	shalt  }
0x62: {  	_ =	shalt  }
0x63: {  	_ =	shalt  }
0x64: {  	_ =	shalt  }
0x65: {  	_ =	shalt  }
0x66: {  	_ =	shalt  }
0x67: {  	_ =	shalt  }
0x68: {  	_ =	shalt  }
0x69: {  	_ =	shalt  }
0x6a: {  	_ =	shalt  }
0x6b: {  	_ =	shalt  }
0x6c: {  	_ =	shalt  }
0x6d: {  	_ =	shalt  }
0x6e: {  	_ =	shalt  }
0x6f: {  	_ =	shalt  }
0x70: {  	_ =	shalt  }
0x71: {  	_ =	shalt  }
0x72: {  	_ =	shalt  }
0x73: {  	_ =	shalt  }
0x74: {  	_ =	shalt  }
0x75: {  	_ =	shalt  }
0x76: {  	_ =	shalt  }
0x77: {  	_ =	shalt  }
0x78: {  	_ =	shalt  }
0x79: {  	_ =	shalt  }
0x7a: {  	_ =	shalt  }
0x7b: {  	_ =	shalt  }
0x7c: {  	_ =	shalt  }
0x7d: {  	_ =	shalt  }
0x7e: {  	_ =	shalt  }
0x7f: {  	_ =	shalt  }
0x80: {  	_ =	shalt  }
0x81: {  	_ =	shalt  }
0x82: {  	_ =	shalt  }
0x83: {  	_ =	shalt  }
0x84: {  	_ =	shalt  }
0x85: {  	_ =	shalt  }
0x86: {  	_ =	shalt  }
0x87: {  	_ =	shalt  }
.Lfunc_end0:
.L_simem_size_0:
called_computation.6_lowered:
.L_overlay_start_0:
0x88: {  	s2 =	sld [smem:$0x3FD9]  }
0x89: {  	s3 =	sld [smem:$0x3FFE];
	_ =	sdelay $0x1  }
0x8a: {  	s1 =	srdreg.scid  }
0x8b: {  	s0 =	sand.u32 $0x1, s1  }
0x8c: {  	s17 =	sshll.u32 s0, $0xA;
	s2 =	sadd.s32 s3, s2  }
0x8d: {  	s2 =	sadd.s32 s2, s17  }
0x8e: {  	[smem:$0x3FBE] =	sst s2  }
0x8f: {  	_ = 	snop  }
0x90: {  	(tm) =	ssettm $0x1  }
0x91: {  	s18 =	sld [smem:$0x3FFB];
	_ =	sdelay $0x3  }
0x92: {  	_ =	strace s18  }
0x93: {  	s2 =	sld [smem:$0x3FFC];
	_ =	sdelay $0x3  }
0x94: {  	_ =	strace s2  }
0x95: {  	s2 =	sld [smem:$0x3FFD];
	_ =	sdelay $0x3  }
0x96: {  	_ =	strace s2  }
0x97: {  	_ =	strace $0x8FFFFFFF  }
0x98: {  	s19 =	sld [smem:$0x3FDB];
	_ =	sdelay $0x1  }
0x99: {  	s20 =	simm.s32 $_scs_section_size  }
0x9a: {  	s4 =	simm.s32 $_size__tile_overlayer_lowered;
	s5 =	simm.s32 $_tile_overlayer_lowered  }
0x9b: {  	s6 =	simm.s32 $0x1BFF;
	s21 =	sshll.u32 s5, $0x1;
	s3 =	sadd.s32 s20, s19  }
0x9c: {  	s22 =	simm.s32 $0x0;
	s4 =	sshll.u32 s4, $0x1;
	s5 =	sadd.s32 s21, s3  }
0x9d: {  	[timem:s22], [sflag:s6] =	dma.local [hbm:s5], s4  }
0x9e: {  	_ =	swait.ge [sflag:s6], s4  }
0x9f: {  	s4 =	ssub.s32 $0x0, s4;
	[sflag:s6] =	ssyncset.done $0x0  }
0xa0: {  	[sflag:s6] =	ssyncadd.s32 s4;
	_ =	sdelay $0x1  }
0xa1: {  	s23 =	simm.s32 $0x1B8B  }
0xa2: {  	_ =	swait.ge [sflag:s23], $0x1  }
0xa3: {  	[sflag:s23] =	ssyncset.done $0x0  }
0xa4: {  	[sflag:s23] =	ssyncadd.s32 $0xFFFFFFFF  }
0xa5: {  	s4 =	sld [smem:$0x0]  }
0xa6: {  	s5 =	sand.u32 $0xFFFFFFFE, s1  }
0xa7: {  	p0 =	sne.s32 s1, s5  }
0xa8: {  	s5 =	sshll.u32 @p0 s5, $0xE  }
0xa9: {  	s5 =	sadd.s32 @p0 $0x11B8D, s5;
	s6 =	sshll.u32 @p0 s4, $0x11  }
0xaa: {  	s5 =	sor.u32 @p0 s6, s5  }
0xab: {  	[sflag:s5] =	ssyncadd.remote.s32 @p0 $0x1;
	_ =	sdelay $0x1  }
0xac: {  	s5 =	simm.s32 @p0 $0x1B8D  }
0xad: {  	_ =	swait.eq @p0 [sflag:s5], $0x1  }
0xae: {  	[sflag:s5] =	ssyncadd.s32 @p0 $0xFFFFFFFF  }
0xaf: {  	s6 =	sshll.u32 @!p0 s1, $0xE  }
0xb0: {  	s6 =	sor.u32 @!p0 $0x4000, s6;
	s5 =	simm.s32 @!p0 $0x1B8D  }
0xb1: {  	s4 =	sshll.u32 @!p0 s4, $0x11;
	s6 =	sadd.s32 @!p0 $0x11B8D, s6;
	_ =	swait.eq @!p0 [sflag:s5], $0x1  }
0xb2: {  	s4 =	sor.u32 @!p0 s4, s6;
	[sflag:s5] =	ssyncadd.s32 @!p0 $0xFFFFFFFF  }
0xb3: {  	s25 =	simm.s32 $0x1B8E;
	s24 =	sld [smem:$0x3FFE];
	[sflag:s4] =	ssyncadd.remote.s32 @!p0 $0x1  }
0xb4: {  	s26 =	simm.s32 $execute0_lowered;
	[smem:$0x3FD2] =	sst s25  }
0xb5: {  	s5 =	sshll.u32 s26, $0x1;
	_ =	strace $0x80000052;
	[dreg:$0x1] =	wrdreg $0xFFFFFFFF  }
0xb6: {  	s28 =	simm.s32 $_size_execute0_lowered;
	s3 =	sadd.s32 s3, s5;
	[dreg:$0x0] =	wrdreg $0x0  }
0xb7: {  	s5 =	sshll.u32 s28, $0x1;
	[dreg:$0x2] =	wrdreg s3  }
0xb8: {  	[dreg:$0x3] =	wrdreg s5  }
0xb9: {  	[dreg:$0x4] =	wrdreg $0xC0  }
0xba: {  	_ =	task [dreg:s22], $0x5FFFF  }
0xbb: {  	[dreg:$0x1] =	wrdreg $0xFFFFFFFF  }
0xbc: {  	[dreg:$0x0] =	wrdreg $0x60  }
0xbd: {  	[dreg:$0x2] =	wrdreg s24  }
0xbe: {  	[dreg:$0x3] =	wrdreg $0x8A800  }
0xbf: {  	[dreg:$0x4] =	wrdreg $0xC  }
0xc0: {  	_ =	task.clear_ibuf [dreg:s22], $0x5FFFF;
	_ =	strace $0x90000052  }
0xc1: {  	s29 =	simm.s32 $0xC;
	_ =	strace $0x80000054  }
0xc2: {  	_ =	swait.ge [sflag:s29], $0x1  }
0xc3: {  	[sflag:s29] =	ssyncadd.s32 $0xFFFFFFFF  }
0xc4: {  	_ =	strace $0x90000054  }
0xc5: {  	_ =	sfence  }
0xc6: {  	s30 =	sld [smem:$0x0];
	_ =	sdelay $0x2  }
0xc7: {  	s31 =	sshll.u32 s1, $0xD;
	s1 =	sshrl.u32 s1, $0x2  }
0xc8: {  	s4 =	sand.u32 $0x4000, s31;
	s1 =	sadd.s32 s1, s30  }
0xc9: {  	s0 =	sor.u32 s4, s0;
	s1 =	sshll.u32 s1, $0x11  }
0xca: {  	s0 =	sor.u32 s1, s0  }
0xcb: {  	s0 =	sadd.s32 $0x8F2B, s0  }
0xcc: {  	[sflag:s0] =	ssyncadd.remote.s32 $0x1  }
0xcd: {  	_ =	sfence.sel $0xFFFF  }
0xce: {  	[dreg:$0x0] =	wrdreg $0xFFFFFFFF;
	(pc) =	sbr.abs _section_cstart, $3  }
0xcf: {  	[dreg:$0x1] =	wrdreg $0xFFFFFFFF  }
0xd0: {  	_ =	task.clear_ibuf [dreg:s22], $0x2FFFF;
	_ =	strace $0x9FFFFFFF  }
0xd1: {  	(tm) =	ssettm $0x7FFFFFFF  }
tec
execute0_lowered:
.L_overlay_start_1:
0x0: {  	(tag) =	ssettag $0x1  }
0x1: {  	s10 =	rddreg [dreg:$0x0]  }
0x2: {  	s1 =	rddreg [dreg:$0x1]  }
0x3: {  	s0 =	rddreg [dreg:$0x2];
	s2 =	simm.s32 $0x0;
	s9 =	srdreg.scid  }
0x4: {  	s8 =	stileid.u32;
	s16 =	simm.s32 $0x100;
	s17 =	simm.s32 $0x80  }
0x5: {  	s18 =	simm.s32 $0x200;
	s19 =	simm.s32 $0x8200;
	s20 =	simm.s32 $0x180  }
0x6: {  	s21 =	simm.s32 $0x4200;
	s22 =	simm.s32 $0x8610;
	s23 =	simm.s32 $0x1  }
0x7: {  	[smem:$0x7FF] =	sst s2;
	s3 =	sadd.s32 $0x11000, s10;
	s4 =	sadd.s32 $0x7000, s10  }
0x8: {  	s5 =	sadd.s32 $0xE0600, s10;
	s6 =	sadd.s32 $0x17CC00, s10;
	s7 =	sadd.s32 $0x1B000, s10  }
0x9: {  	s13 =	sand.u32 $0x1, s9;
	s9 =	sadd.s32 $0x107800, s10;
	s11 =	sshll.u32 s8, $0x1  }
0xa: {  	s10 =	sadd.s32 $0x1CCC00, s10;
	p0 =	seq.s32 s8, $0x0;
	_ =	strace $0x80000053  }
0xb: {  	s12 =	ssub.s32 $0x2, s13;
	s15 =	sor.u32 s13, s11;
	p1 =	seq.s32 s13, $0x1  }
0xc: {  	s24 =	sor.u32 s13, s8;
	s14 =	sshrl.u32 s12, $0x1;
	s11 =	smul.u32 $0x2800, s15  }
0xd: {  	p0 =	por !p0, !p1;
	p2 =	sne.s32 s24, $0x0;
	s14 =	ssub.s32 s12, s14  }
0xe: {  	s12 =	smul.u32 $0x14000, s15;
	p1 =	por !p0, !p0;
	p0 =	sne.s32 s8, $0x0  }
0xf: {  	vm0 =	vmmov $0xff;
	s15 =	simm.s32 $0x2;
	s13 =	smax.u32 s14, $0x1;
	s14 =	sshrl.u32 @!p0 s1, $0x3  }
.LBB2_1:
0x10: {  	s24 =	simm.s32 @!p0 $0x1C02  }
0x11: {  	[spmem:s14], [sflag:s24] =	dma.local @!p0 [hbm:s7], $0x27200  }
0x12: {  	s24 =	simm.s32 @!p0 $0x2  }
0x13: {  	_ =	swait.ge @!p0 [sflag:s24], $0x27200  }
0x14: {  	[sflag:s24] =	ssyncset.done @!p0 $0x0  }
0x15: {  	[sflag:s24] =	ssyncadd.s32 @!p0 $0xFFFD8E00  }
0x16: {  	s24 =	simm.s32 $0x0;
	[bflag:$0x0] =	sbarrier.arrive $0xFFFF  }
.LBB2_2:
0x17: {  	s25 =	sshll.u32 s24, $0x8  }
0x18: {  	s26 =	sand.u32 $0x3C00, s25  }
0x19: {  	s25 =	sand.u32 $0x300, s25;
	s26 =	sadd.s32 s11, s26  }
0x1a: {  	s25 =	sor.u32 s25, s26  }
0x1b: {  	s25 =	sshrl.u32 s25, $0x3  }
0x1c: {  	s29 =	simm.s32 $0x0;
	s28 =	sadd.s32 s3, s25  }
0x1d: {  	[tilespmem:s29], [sflag:$0x2] =	stream.linear.gather [hbm4b:s28+s29], $0x80, $0x38;
	[tilespmem:$0x1C380] =	vst v63  }
0x1e: {  	_ =	swait.ge [sflag:s15], $0x80  }
0x1f: {  	[sflag:s15] =	ssyncset.done $0x0  }
0x20: {  	s25 =	sadd.s32 s4, s25;
	[sflag:s15] =	ssyncadd.s32 $0xFFFFFF80  }
0x21: {  	[tilespmem:s16], [sflag:$0x2] =	stream.linear.gather [hbm4b:s25+s29], $0x80, $0x38;
	[tilespmem:$0x1C380] =	vst v63  }
0x22: {  	s30 =	sshll.u32 s24, $0xB;
	_ =	swait.ge [sflag:s15], $0x80  }
0x23: {  	s31 =	sshllo.u32 s24, $0x1;
	s25 =	sadd.s32 s12, s30;
	[sflag:s15] =	ssyncset.done $0x0  }
0x24: {  	s28 =	sshll.u32 s31, $0x7;
	s25 =	sshrl.u32 s25, $0x3;
	[sflag:s15] =	ssyncadd.s32 $0xFFFFFF80  }
0x25: {  	[tilespmem:s18], [sflag:$0x1] =	stream.indirect.gather [hbm4b:s5+s17], $0x80, s29, s17, $0xb8;
	[tilespmem:$0x1C380] =	vst v63  }
0x26: {  	s28 =	sand.u32 $0x380, s28;
	s25 =	sadd.s32 s6, s25  }
0x27: {  	[tilespmem:s19], [sflag:$0x2] =	stream.linear.gather [hbm4b:s25+s29], $0x400, $0x38;
	[tilespmem:$0x1C380] =	vst v63  }
0x28: {  	s26 =	sor.u32 s26, s28;
	_ =	swait.ge [sflag:s15], $0x400  }
0x29: {  	s26 =	sshrl.u32 s26, $0x3;
	[sflag:s15] =	ssyncset.done $0x0  }
0x2a: {  	s28 =	sadd.s32 s3, s26;
	[sflag:s15] =	ssyncadd.s32 $0xFFFFFC00  }
0x2b: {  	[tilespmem:s17], [sflag:$0x2] =	stream.linear.gather [hbm4b:s28+s29], $0x80, $0x38;
	[tilespmem:$0x1C380] =	vst v63  }
0x2c: {  	_ =	swait.ge [sflag:s15], $0x80  }
0x2d: {  	[sflag:s15] =	ssyncset.done $0x0  }
0x2e: {  	s26 =	sadd.s32 s4, s26;
	[sflag:s15] =	ssyncadd.s32 $0xFFFFFF80  }
0x2f: {  	[tilespmem:s20], [sflag:$0x2] =	stream.linear.gather [hbm4b:s26+s29], $0x80, $0x38;
	[tilespmem:$0x1C380] =	vst v63  }
0x30: {  	s25 =	sshll.u32 s31, $0xA;
	_ =	swait.ge [sflag:s15], $0x80  }
0x31: {  	s25 =	sadd.s32 s12, s25;
	[sflag:s15] =	ssyncset.done $0x0  }
0x32: {  	s25 =	sshrl.u32 s25, $0x3;
	[sflag:s15] =	ssyncadd.s32 $0xFFFFFF80  }
0x33: {  	[tilespmem:s21], [sflag:$0x1] =	stream.indirect.gather [hbm4b:s5+s17], $0x80, s17, s17, $0xb8;
	[tilespmem:$0x1C380] =	vst v63  }
0x34: {  	s25 =	sadd.s32 s6, s25  }
0x35: {  	[tilespmem:s22], [sflag:$0x2] =	stream.linear.gather [hbm4b:s25+s29], $0x400, $0x38;
	[tilespmem:$0x1C380] =	vst v63  }
0x36: {  	_ =	swait.ge [sflag:s15], $0x400  }
0x37: {  	[sflag:s15] =	ssyncset.done $0x0  }
0x38: {  	[sflag:s15] =	ssyncadd.s32 $0xFFFFFC00  }
0x39: {  	_ =	swait.ge [sflag:s23], $0x4000  }
0x3a: {  	[sflag:s23] =	ssyncset.done $0x0  }
0x3b: {  	s25 =	simm.s32 $0x220;
	[sflag:s23] =	ssyncadd.s32 $0xFFFFC000  }
0x3c: {  	s28 =	simm.s32 $0x20;
	s26 =	simm.s32 $0x220;
	s29 =	simm.s32 $0x0;
	v0 =	vld [tilespmem:s25+$0xFFFFFFF0]  }
.LBB2_3:
0x3d: {  	p3 =	sne.s32 s28, $0xFE0;
	v1 =	vld [tilespmem:s29+$0x8200]  }
0x3e: {  	v2 =	vld [tilespmem:s25+$0x0]  }
0x3f: {  	v3 =	vld [tilespmem:s25+$0xFFFFFFE0]  }
0x40: {  	v4 =	vld [tilespmem:s25+$0x10];
	_ =	sdelay $0x1  }
0x41: {  	v5 =	vbroadcast v1, $0x6;
	v1 =	vbroadcast v1, $0x7;
	_ =	sdelay $0x1  }
0x42: {  	v3 =	vmul.f32 v5, v3;
	v5 =	vsel vm0, v5, v1;
	v2 =	vmul.f32 v2, v1  }
.Ltmp0:
0x43: {  	v0 =	vmul.f32 v0, v5;
	v1 =	vmul.f32 v4, v1;
	(pc) =	sbr.rel @p3 .LBB2_3-.Ltmp0, $4  }
0x44: {  	[tilespmem:s25+$0xFFFFFFE0] =	vst v3  }
0x45: {  	[tilespmem:s25+$0xFFFFFFF0] =	vst v0  }
0x46: {  	s25 =	sadd.s32 $0x80, s25;
	[tilespmem:s26+$0x0] =	vst v2  }
0x47: {  	s29 =	sshra.s32 s28, $0x2;
	s28 =	sadd.s32 $0x20, s28;
	v0 =	vld [tilespmem:s25+$0xFFFFFFF0];
	[tilespmem:s26+$0x10] =	vst v1;
	s26 =	smov.u32 s25  }
0x48: {  	v1 =	vld [tilespmem:s29+$0x8200];
	_ =	sdelay $0x1  }
0x49: {  	v2 =	vld [tilespmem:s25+$0xFFFFFFE0];
	_ =	sdelay $0x1  }
0x4a: {  	v3 =	vld [tilespmem:s25+$0x0]  }
0x4b: {  	v4 =	vld [tilespmem:s25+$0x10];
	v5 =	vbroadcast v1, $0x6;
	v1 =	vbroadcast v1, $0x7;
	_ =	sdelay $0x1  }
0x4c: {  	v2 =	vmul.f32 v5, v2;
	v5 =	vsel vm0, v5, v1  }
0x4d: {  	v0 =	vmul.f32 v0, v5  }
0x4e: {  	v3 =	vmul.f32 v3, v1;
	[tilespmem:s25+$0xFFFFFFE0] =	vst v2  }
0x4f: {  	v1 =	vmul.f32 v4, v1;
	[tilespmem:s25+$0xFFFFFFF0] =	vst v0  }
0x50: {  	[tilespmem:s26+$0x0] =	vst v3  }
0x51: {  	[tilespmem:s26+$0x10] =	vst v1  }
0x52: {  	[spmem:s1] =	stream.indirect.scatter.add.f32 [tilespmem:s18], [sflag:$0x2], $0x80, s16, s17, $0xb8;
	[tilespmem:$0x1C380] =	vst v63  }
0x53: {  	_ =	swait.ge [sflag:s15], $0x4000  }
0x54: {  	[sflag:s15] =	ssyncset.done $0x0  }
0x55: {  	[sflag:s15] =	ssyncadd.s32 $0xFFFFC000  }
0x56: {  	_ =	swait.ge [sflag:s23], $0x4000  }
0x57: {  	[sflag:s23] =	ssyncset.done $0x0  }
0x58: {  	s31 =	simm.s32 $0x0;
	[sflag:s23] =	ssyncadd.s32 $0xFFFFC000  }
0x59: {  	s25 =	simm.s32 $0x4200;
	v0 =	vld [tilespmem:s31+$0x8610]  }
0x5a: {  	v1 =	vld [tilespmem:s25+$0x0]  }
0x5b: {  	v3 =	vld [tilespmem:s25+$0x10]  }
0x5c: {  	v2 =	vld [tilespmem:s25+$0x20]  }
0x5d: {  	v62 =	vld [tilespmem:s25+$0x30]  }
0x5e: {  	v63 =	vbroadcast v0, $0x6  }
0x5f: {  	v0 =	vbroadcast v0, $0x7  }
0x60: {  	v6 =	vmul.f32 v63, v1  }
0x61: {  	v1 =	vsel vm0, v63, v0;
	v2 =	vmul.f32 v2, v0  }
0x62: {  	s28 =	simm.s32 $0x4200;
	s26 =	simm.s32 $0x20;
	v0 =	vmul.f32 v62, v0;
	v1 =	vmul.f32 v3, v1;
	[tilespmem:s25+$0x0] =	vst v6  }
.LBB2_5:
0x63: {  	p3 =	sne.s32 s26, $0xFE0  }
0x64: {  	[tilespmem:s25+$0x20] =	vst v2;
	s28 =	sadd.s32 $0x80, s28;
	s29 =	smov.u32 s26;
	s26 =	sadd.s32 $0x20, s26  }
0x65: {  	[tilespmem:s25+$0x10] =	vst v1  }
0x66: {  	s29 =	sshra.s32 s29, $0x2;
	v1 =	vld [tilespmem:s28+$0x0];
	[tilespmem:s25+$0x30] =	vst v0;
	s25 =	smov.u32 s28  }
0x67: {  	v0 =	vld [tilespmem:s29+$0x8610]  }
0x68: {  	v3 =	vld [tilespmem:s28+$0x10]  }
0x69: {  	v2 =	vld [tilespmem:s28+$0x20]  }
0x6a: {  	v4 =	vld [tilespmem:s28+$0x30];
	_ =	sdelay $0x1  }
.Ltmp1:
0x6b: {  	v5 =	vbroadcast v0, $0x6;
	v0 =	vbroadcast v0, $0x7;
	(pc) =	sbr.rel @p3 .LBB2_5-.Ltmp1, $4  }
0x6c: {  	_ = 	snop  }
0x6d: {  	v6 =	vmul.f32 v5, v1;
	v1 =	vsel vm0, v5, v0;
	v2 =	vmul.f32 v2, v0  }
0x6e: {  	v1 =	vmul.f32 v3, v1;
	v0 =	vmul.f32 v4, v0  }
0x6f: {  	[tilespmem:s28+$0x0] =	vst v6  }
0x70: {  	[tilespmem:s25+$0x20] =	vst v2;
	s24 =	sadd.s32 $0x1, s24  }
0x71: {  	[tilespmem:s25+$0x10] =	vst v1;
	p3 =	sne.s32 s24, $0x28  }
.Ltmp2:
0x72: {  	[tilespmem:s25+$0x30] =	vst v0;
	(pc) =	sbr.rel @p3 .LBB2_2-.Ltmp2, $4  }
0x73: {  	[spmem:s1] =	stream.indirect.scatter.add.f32 [tilespmem:s21], [sflag:$0x2], $0x80, s20, s17, $0xb8;
	[tilespmem:$0x1C380] =	vst v63  }
0x74: {  	_ =	swait.ge [sflag:s15], $0x4000  }
0x75: {  	[sflag:s15] =	ssyncset.done $0x0  }
0x76: {  	[sflag:s15] =	ssyncadd.s32 $0xFFFFC000  }
0x77: {  	s24 =	sshll.u32 @!p2 s8, $0x6  }
0x78: {  	[bflag:$0x0] =	sbarrier.arrive $0xFFFF;
	s25 =	sshrl.u32 @!p2 s1, $0x3;
	s24 =	sor.u32 @!p2 $0x1C02, s24  }
0x79: {  	[hbm:s9], [sflag:s24] =	dma.local @!p2 [spmem:s25], $0x27200  }
0x7a: {  	s24 =	simm.s32 @!p2 $0x2  }
0x7b: {  	s2 =	sadd.s32 $0x1, s2;
	_ =	swait.ge @!p2 [sflag:s24], $0x27200  }
0x7c: {  	p3 =	sne.s32 s2, s13;
	[sflag:s24] =	ssyncset.done @!p2 $0x0  }
0x7d: {  	s25 =	simm.s32 @p1 $0x1C02;
	[sflag:s24] =	ssyncadd.s32 @!p2 $0xFFFD8E00;
	s24 =	sshrl.u32 @p1 s1, $0x3  }
0x7e: {  	[hbm:s10], [sflag:s25] =	dma.local @p1 [spmem:s24], $0x27200  }
.Ltmp3:
0x7f: {  	_ = 	snop;
	(pc) =	sbr.rel @p3 .LBB2_1-.Ltmp3, $4  }
0x80: {  	s24 =	simm.s32 @p1 $0x2  }
0x81: {  	_ =	swait.ge @p1 [sflag:s24], $0x27200  }
0x82: {  	[sflag:s24] =	ssyncset.done @p1 $0x0  }
0x83: {  	[sflag:s24] =	ssyncadd.s32 @p1 $0xFFFD8E00  }
0x84: {  	_ =	sfence.sel $0x180000  }
0x85: {  	[bflag:$0x0] =	sbarrier.arrive $0xFFFF  }
0x86: {  	_ =	strace $0x90000053  }
0x87: {  	s0 =	sadd.s32 @!p0 $0x100000, s0;
	[bflag:$0x2] =	sbarrier.arrive $0xFFFF  }
0x88: {  	[sflag:s0] =	ssyncadd.tile.s32 @!p0 $0x1;
	_ =	shalt  }
.Lfunc_end2:
_tile_overlayer_lowered:
.L_overlay_start_2:
0x89: {  	(tag) =	ssettag $0x2  }
0x8a: {  	s0 =	rddreg [dreg:$0x0];
	s2 =	stileid.u32  }
0x8b: {  	s1 =	rddreg [dreg:$0x1];
	p0 =	sne.s32 s2, $0x0  }
0x8c: {  	s3 =	rddreg [dreg:$0x2];
	[bflag:$0x3] =	sbarrier.arrive $0xFFFF;
	s2 =	simm.s32 @!p0 $0x1C02  }
0x8d: {  	[timem:s3], [sflag:s2] =	dma.local @!p0 [hbm:s0], s1  }
0x8e: {  	s0 =	simm.s32 @!p0 $0x2  }
0x8f: {  	_ =	swait.ge @!p0 [sflag:s0], s1  }
0x90: {  	s1 =	ssub.s32 @!p0 $0x0, s1;
	[sflag:s0] =	ssyncset.done @!p0 $0x0  }
0x91: {  	[sflag:s0] =	ssyncadd.s32 @!p0 s1  }
0x92: {  	[bflag:$0x3] =	sbarrier.arrive $0xFFFF  }
0x93: {  	_ =	shalt  }

</sc_bundles>
